<compile_context>
chip_gen: v7x
topology: tpu7x:2x2x1
jax: 0.10.2.dev20260603
libtpu: 0.0.44.dev20260713+nightly
codegen_flags: <defaults>
</compile_context>

<pallas_src>
import functools

import jax
import jax.numpy as jnp
from jax import lax
from jax.experimental import pallas as pl
from jax.experimental.pallas import tpu as pltpu
from jax.experimental.pallas import tpu_sc as plsc

_NUM_CORES = 2
_NUM_SUBCORES = 16
_NW = _NUM_CORES * _NUM_SUBCORES
_LANES = 16
_NBUF = 4
_BLK = 32768


def _project_table(tbl_t, w_pad, V):
    grid = (V + _BLK - 1) // _BLK

    def body(w_ref, t_ref, p0_ref, p1_ref):
        m = jnp.dot(w_ref[...], t_ref[...], preferred_element_type=jnp.float32)
        p0_ref[...] = m[0]
        p1_ref[...] = m[1]

    return pl.pallas_call(
        body,
        grid=(grid,),
        in_specs=[
            pl.BlockSpec((8, 64), lambda g: (0, 0)),
            pl.BlockSpec((64, _BLK), lambda g: (0, g)),
        ],
        out_specs=[
            pl.BlockSpec((_BLK,), lambda g: (g,)),
            pl.BlockSpec((_BLK,), lambda g: (g,)),
        ],
        out_shape=[
            jax.ShapeDtypeStruct((V,), jnp.float32),
            jax.ShapeDtypeStruct((V,), jnp.float32),
        ],
    )(w_pad, tbl_t)


def _sc_prep(seq, lengths, L, B):
    BPW = B // _NW

    mesh = plsc.VectorSubcoreMesh(core_axis_name="c", subcore_axis_name="s")

    @functools.partial(
        pl.kernel,
        mesh=mesh,
        out_type=[
            jax.ShapeDtypeStruct((B * L,), jnp.int32),
            jax.ShapeDtypeStruct((B,), jnp.float32),
        ],
        compiler_params=pltpu.CompilerParams(
            needs_layout_passes=False, use_tc_tiling_on_sc=False),
        scratch_types=(
            [pltpu.VMEM((L, BPW), jnp.int32)]
            + [pltpu.VMEM((BPW * L,), jnp.int32)]
            + [pltpu.VMEM((BPW,), jnp.int32)]
            + [pltpu.VMEM((BPW,), jnp.float32)]
        ),
    )
    def prep(seq_hbm, len_hbm, idx_out, inv_out, tmp_v, idx_v, len_v, invlen_v):
        wid = lax.axis_index("s") * _NUM_CORES + lax.axis_index("c")
        base = wid * BPW

        pltpu.sync_copy(seq_hbm.at[:, pl.ds(base, BPW)], tmp_v)
        pltpu.sync_copy(len_hbm.at[pl.ds(base, BPW)], len_v)

        lane = jnp.arange(_LANES, dtype=jnp.int32)
        scatter_bases = [(lane + c * _LANES) * L for c in range(BPW // _LANES)]

        def transpose_t(t, carry):
            tvec = jnp.full((_LANES,), t, jnp.int32)
            for c in range(BPW // _LANES):
                v = tmp_v[t, pl.ds(c * _LANES, _LANES)]
                plsc.store_scatter(idx_v, [scatter_bases[c] + tvec], v)
            return carry

        lax.fori_loop(0, L, transpose_t, 0)

        for k in range(BPW // _LANES):
            lv = len_v[pl.ds(k * _LANES, _LANES)].astype(jnp.float32)
            invlen_v[pl.ds(k * _LANES, _LANES)] = 1.0 / lv

        pltpu.sync_copy(idx_v, idx_out.at[pl.ds(base * L, BPW * L)])
        pltpu.sync_copy(invlen_v, inv_out.at[pl.ds(base, BPW)])

    return prep(seq, lengths)


def _sc_pool(idx_all, inv_all, p0, p1, fc_b_pad, L, B):
    BPW = B // _NW

    mesh = plsc.VectorSubcoreMesh(core_axis_name="c", subcore_axis_name="s")

    @functools.partial(
        pl.kernel,
        mesh=mesh,
        out_type=jax.ShapeDtypeStruct((B * 2,), jnp.float32),
        compiler_params=pltpu.CompilerParams(
            needs_layout_passes=False, use_tc_tiling_on_sc=False),
        scratch_types=(
            [pltpu.VMEM((BPW * L,), jnp.int32)]
            + [pltpu.VMEM((L,), jnp.float32) for _ in range(2 * _NBUF)]
            + [pltpu.VMEM((BPW,), jnp.float32)]
            + [pltpu.VMEM((_LANES,), jnp.float32)]
            + [pltpu.VMEM((BPW * 2,), jnp.float32)]
            + [pltpu.SemaphoreType.DMA for _ in range(2 * _NBUF)]
        ),
    )
    def body(idx_hbm, inv_hbm, p0_hbm, p1_hbm, b_hbm, out_hbm,
             idx_v, d00, d01, d02, d03, d10, d11, d12, d13,
             invlen_v, b_v, out_v,
             s00, s01, s02, s03, s10, s11, s12, s13):
        d0 = (d00, d01, d02, d03)
        d1 = (d10, d11, d12, d13)
        sm0 = (s00, s01, s02, s03)
        sm1 = (s10, s11, s12, s13)
        wid = lax.axis_index("s") * _NUM_CORES + lax.axis_index("c")
        base = wid * BPW

        pltpu.sync_copy(idx_hbm.at[pl.ds(base * L, BPW * L)], idx_v)
        pltpu.sync_copy(inv_hbm.at[pl.ds(base, BPW)], invlen_v)
        pltpu.sync_copy(b_hbm, b_v)
        lane = jnp.arange(_LANES, dtype=jnp.int32)

        def start_gather(g, slot):
            idx = idx_v.at[pl.ds(g * L, L)]
            pltpu.make_async_copy(p0_hbm.at[idx], d0[slot], sm0[slot]).start()
            pltpu.make_async_copy(p1_hbm.at[idx], d1[slot], sm1[slot]).start()

        def wait_gather(g, slot):
            idx = idx_v.at[pl.ds(g * L, L)]
            pltpu.make_async_copy(p0_hbm.at[idx], d0[slot], sm0[slot]).wait()
            pltpu.make_async_copy(p1_hbm.at[idx], d1[slot], sm1[slot]).wait()

        bias_vec = b_v[:]
        zero = jnp.zeros((_LANES,), jnp.float32)
        n_full = L // _LANES
        tail = L - n_full * _LANES
        tail_start = L - _LANES

        for s in range(_NBUF):
            start_gather(s, s)

        def reduce_ch(buf):
            acc = buf[pl.ds(0, _LANES)]
            for c in range(1, n_full):
                acc = acc + buf[pl.ds(c * _LANES, _LANES)]
            if tail:
                tv = buf[pl.ds(tail_start, _LANES)]
                acc = acc + jnp.where(lane >= _LANES - tail, tv, 0.0)
            return plsc.cumsum(acc)[_LANES - 1]

        def outer(j, carry):
            iv = invlen_v[pl.ds(j * _LANES, _LANES)]
            packed = zero
            for b in range(_LANES):
                g = j * _LANES + b
                slot = b % _NBUF
                wait_gather(g, slot)
                sum0 = reduce_ch(d0[slot])
                sum1 = reduce_ch(d1[slot])
                nxt = g + _NBUF

                @pl.when(nxt < BPW)
                def _():
                    start_gather(nxt, slot)

                inv = jnp.full((_LANES,), iv[b])
                sel = jnp.where(lane == 0, sum0, jnp.where(lane == 1, sum1, 0.0))
                sig = 1.0 / (1.0 + jnp.exp(-(sel * inv + bias_vec)))
                k = b % 8
                packed = jnp.where(lane == 2 * k, sig[0],
                                   jnp.where(lane == 2 * k + 1, sig[1], packed))
                if k == 7:
                    out_v[pl.ds(j * 2 * _LANES + (b // 8) * _LANES, _LANES)] = packed
                    packed = zero
            return carry

        lax.fori_loop(0, BPW // _LANES, outer, 0)
        pltpu.sync_copy(out_v, out_hbm.at[pl.ds(base * 2, BPW * 2)])

    return body(idx_all, inv_all, p0, p1, fc_b_pad)


def kernel(seq, lengths, emb_table, fc_w, fc_b):
    L, B = seq.shape
    V, D = emb_table.shape
    w_pad = jnp.zeros((8, D), jnp.float32).at[:2].set(fc_w)
    fc_b_pad = jnp.zeros((_LANES,), jnp.float32).at[:2].set(fc_b)
    idx_all, inv_all = _sc_prep(seq, lengths, L, B)
    p0, p1 = _project_table(emb_table.T, w_pad, V)
    out_flat = _sc_pool(idx_all, inv_all, p0, p1, fc_b_pad, L, B)
    return out_flat.reshape(B, 2)

# --- scband reference (transcript-rebuilt; emitter-appended) ---
"""Pipeline reference for scband-model-2-90967407329365 (READ-ONLY COPY).

The authoritative reference and input builder live on the scoring server;
editing this copy changes nothing except your own understanding.
"""

import jax, jax.numpy as jnp
import numpy as np

VOCAB = 1000000
EMB_DIM = 64
SEQ_LEN = 200
BATCH = 4096


def setup_inputs(seed: int = 0) -> dict:
    key = jax.random.key(seed)
    k_seq, k_len, k_emb, k_w, k_b = jax.random.split(key, 5)
    seq = jax.random.randint(k_seq, (SEQ_LEN, BATCH), 0, VOCAB, dtype=jnp.int64 if jax.config.read('jax_enable_x64') else jnp.int32)
    # lengths in [1, SEQ_LEN] to avoid division by zero
    lengths = jax.random.randint(k_len, (BATCH,), 1, SEQ_LEN + 1, dtype=jnp.int32)
    emb_table = jax.random.normal(k_emb, (VOCAB, EMB_DIM), dtype=jnp.float32)
    # padding_idx=1: embedding row 1 is zeros
    emb_table = emb_table.at[1].set(0.0)
    fc_w = jax.random.normal(k_w, (2, EMB_DIM), dtype=jnp.float32) * (1.0 / np.sqrt(EMB_DIM))
    fc_b = jnp.zeros((2,), dtype=jnp.float32)
    return {"seq": seq, "lengths": lengths, "emb_table": emb_table, "fc_w": fc_w, "fc_b": fc_b}


def reference(seq, lengths, emb_table, fc_w, fc_b):
    # seq: [L, B] -> transpose to [B, L]
    seq_bf = seq.T
    # embedding lookup: [B, L, D]
    embs = jnp.take(emb_table, seq_bf, axis=0)
    # torch code: embs.transpose(1,2) -> [B, D, L]; sum over dim=2 (length)
    summed = jnp.sum(embs, axis=1)  # [B, D]
    avg_pool = summed / lengths.astype(jnp.float32)[:, None]
    # fc: Linear(D, 2) + Sigmoid
    logits = avg_pool @ fc_w.T + fc_b
    out = jax.nn.sigmoid(logits)
    return out

if __name__ == "__main__":
    import jax
    _d = setup_inputs()
    print(jax.jit(kernel)(*tuple(_d.values())))

</pallas_src>

<mosaic_0001>
#map = affine_map<(d0, d1) -> (0, 0)>
#map1 = affine_map<(d0, d1) -> (0)>
module attributes {stable_mosaic.version = 14 : i64} {
  func.func @prep(%arg0: i32, %arg1: i32, %arg2: memref<200x4096xi32, #tpu.memory_space<hbm>>, %arg3: memref<4096xi32, #tpu.memory_space<hbm>>, %arg4: memref<819200xi32, #tpu.memory_space<hbm>>, %arg5: memref<4096xf32, #tpu.memory_space<hbm>>, %arg6: memref<200x128xi32, #tpu.memory_space<vmem>>, %arg7: memref<25600xi32, #tpu.memory_space<vmem>>, %arg8: memref<128xi32, #tpu.memory_space<vmem>>, %arg9: memref<128xf32, #tpu.memory_space<vmem>>) attributes {dimension_semantics = [#tpu.dimension_semantics<core_parallel>, #tpu.dimension_semantics<subcore_parallel>], iteration_bounds = array<i64: 2, 16>, scalar_prefetch = 0 : i64, scratch_operands = 4 : i64, tpu.core_type = #tpu.core_type<sc_vector_subcore>, window_params = [{transform_indices = #map}, {transform_indices = #map1}, {transform_indices = #map1}, {transform_indices = #map1}]} {
    %mul3A = arith.constant 2 : i32
    %mul3A_0 = arith.muli %arg1, %mul3A : i32
    %add3A = arith.addi %mul3A_0, %arg0 : i32
    %mul3A_1 = arith.constant 128 : i32
    %mul3A_2 = arith.muli %add3A, %mul3A_1 : i32
    "tpu.region"() ({
      %run_scoped3A = tpu.sem_alloc : memref<!tpu.dma_semaphore, #tpu.memory_space<semaphore_mem>>
      %dma_start3A = arith.constant 0 : i32
      %dma_start3A_118 = tpu.memref_slice %arg2[%dma_start3A, %mul3A_2] : memref<200x4096xi32, #tpu.memory_space<hbm>> -> memref<200x128xi32, #tpu.memory_space<hbm>>
      %dma_start3A_119 = arith.constant 0 : i32
      %dma_start3A_120 = tpu.memref_slice %arg2[%dma_start3A_119, %mul3A_2] : memref<200x4096xi32, #tpu.memory_space<hbm>> -> memref<200x128xi32, #tpu.memory_space<hbm>>
      tpu.enqueue_dma source(%dma_start3A_120 : memref<200x128xi32, #tpu.memory_space<hbm>>) target(%arg6 : memref<200x128xi32, #tpu.memory_space<vmem>>) target_semaphore(%run_scoped3A : memref<!tpu.dma_semaphore, #tpu.memory_space<semaphore_mem>>)
      %dma_wait3A = arith.constant 0 : i32
      %dma_wait3A_121 = tpu.memref_slice %arg2[%dma_wait3A, %mul3A_2] : memref<200x4096xi32, #tpu.memory_space<hbm>> -> memref<200x128xi32, #tpu.memory_space<hbm>>
      %dma_wait3A_122 = arith.constant 0 : i32
      %dma_wait3A_123 = tpu.memref_slice %arg2[%dma_wait3A_122, %mul3A_2] : memref<200x4096xi32, #tpu.memory_space<hbm>> -> memref<200x128xi32, #tpu.memory_space<hbm>>
      tpu.wait_dma2 semaphore(%run_scoped3A : memref<!tpu.dma_semaphore, #tpu.memory_space<semaphore_mem>>) src(%dma_wait3A_123 : memref<200x128xi32, #tpu.memory_space<hbm>>) dst(%arg6 : memref<200x128xi32, #tpu.memory_space<vmem>>)
      tpu.yield
    }) : () -> ()
    "tpu.region"() ({
      %run_scoped3A = tpu.sem_alloc : memref<!tpu.dma_semaphore, #tpu.memory_space<semaphore_mem>>
      %dma_start3A = tpu.memref_slice %arg3[%mul3A_2] : memref<4096xi32, #tpu.memory_space<hbm>> -> memref<128xi32, #tpu.memory_space<hbm>>
      %dma_start3A_118 = tpu.memref_slice %arg3[%mul3A_2] : memref<4096xi32, #tpu.memory_space<hbm>> -> memref<128xi32, #tpu.memory_space<hbm>>
      tpu.enqueue_dma source(%dma_start3A_118 : memref<128xi32, #tpu.memory_space<hbm>>) target(%arg8 : memref<128xi32, #tpu.memory_space<vmem>>) target_semaphore(%run_scoped3A : memref<!tpu.dma_semaphore, #tpu.memory_space<semaphore_mem>>)
      %dma_wait3A = tpu.memref_slice %arg3[%mul3A_2] : memref<4096xi32, #tpu.memory_space<hbm>> -> memref<128xi32, #tpu.memory_space<hbm>>
      %dma_wait3A_119 = tpu.memref_slice %arg3[%mul3A_2] : memref<4096xi32, #tpu.memory_space<hbm>> -> memref<128xi32, #tpu.memory_space<hbm>>
      tpu.wait_dma2 semaphore(%run_scoped3A : memref<!tpu.dma_semaphore, #tpu.memory_space<semaphore_mem>>) src(%dma_wait3A_119 : memref<128xi32, #tpu.memory_space<hbm>>) dst(%arg8 : memref<128xi32, #tpu.memory_space<vmem>>)
      tpu.yield
    }) : () -> ()
    %iota3A = tpu.iota {dimensions = array<i32: 0>} : vector<16xi32>
    %add3A_3 = arith.constant 0 : i32
    %add3A_4 = vector.broadcast %add3A_3 : i32 to vector<16xi32>
    %add3A_5 = arith.addi %iota3A, %add3A_4 : vector<16xi32>
    %mul3A_6 = arith.constant 200 : i32
    %mul3A_7 = vector.broadcast %mul3A_6 : i32 to vector<16xi32>
    %mul3A_8 = arith.muli %add3A_5, %mul3A_7 : vector<16xi32>
    %add3A_9 = arith.constant 16 : i32
    %add3A_10 = vector.broadcast %add3A_9 : i32 to vector<16xi32>
    %add3A_11 = arith.addi %iota3A, %add3A_10 : vector<16xi32>
    %mul3A_12 = arith.constant 200 : i32
    %mul3A_13 = vector.broadcast %mul3A_12 : i32 to vector<16xi32>
    %mul3A_14 = arith.muli %add3A_11, %mul3A_13 : vector<16xi32>
    %add3A_15 = arith.constant 32 : i32
    %add3A_16 = vector.broadcast %add3A_15 : i32 to vector<16xi32>
    %add3A_17 = arith.addi %iota3A, %add3A_16 : vector<16xi32>
    %mul3A_18 = arith.constant 200 : i32
    %mul3A_19 = vector.broadcast %mul3A_18 : i32 to vector<16xi32>
    %mul3A_20 = arith.muli %add3A_17, %mul3A_19 : vector<16xi32>
    %add3A_21 = arith.constant 48 : i32
    %add3A_22 = vector.broadcast %add3A_21 : i32 to vector<16xi32>
    %add3A_23 = arith.addi %iota3A, %add3A_22 : vector<16xi32>
    %mul3A_24 = arith.constant 200 : i32
    %mul3A_25 = vector.broadcast %mul3A_24 : i32 to vector<16xi32>
    %mul3A_26 = arith.muli %add3A_23, %mul3A_25 : vector<16xi32>
    %add3A_27 = arith.constant 64 : i32
    %add3A_28 = vector.broadcast %add3A_27 : i32 to vector<16xi32>
    %add3A_29 = arith.addi %iota3A, %add3A_28 : vector<16xi32>
    %mul3A_30 = arith.constant 200 : i32
    %mul3A_31 = vector.broadcast %mul3A_30 : i32 to vector<16xi32>
    %mul3A_32 = arith.muli %add3A_29, %mul3A_31 : vector<16xi32>
    %add3A_33 = arith.constant 80 : i32
    %add3A_34 = vector.broadcast %add3A_33 : i32 to vector<16xi32>
    %add3A_35 = arith.addi %iota3A, %add3A_34 : vector<16xi32>
    %mul3A_36 = arith.constant 200 : i32
    %mul3A_37 = vector.broadcast %mul3A_36 : i32 to vector<16xi32>
    %mul3A_38 = arith.muli %add3A_35, %mul3A_37 : vector<16xi32>
    %add3A_39 = arith.constant 96 : i32
    %add3A_40 = vector.broadcast %add3A_39 : i32 to vector<16xi32>
    %add3A_41 = arith.addi %iota3A, %add3A_40 : vector<16xi32>
    %mul3A_42 = arith.constant 200 : i32
    %mul3A_43 = vector.broadcast %mul3A_42 : i32 to vector<16xi32>
    %mul3A_44 = arith.muli %add3A_41, %mul3A_43 : vector<16xi32>
    %add3A_45 = arith.constant 112 : i32
    %add3A_46 = vector.broadcast %add3A_45 : i32 to vector<16xi32>
    %add3A_47 = arith.addi %iota3A, %add3A_46 : vector<16xi32>
    %mul3A_48 = arith.constant 200 : i32
    %mul3A_49 = vector.broadcast %mul3A_48 : i32 to vector<16xi32>
    %mul3A_50 = arith.muli %add3A_47, %mul3A_49 : vector<16xi32>
    %scan3A = arith.constant 0 : i32
    %scan3A_51 = arith.constant 0 : i32
    %scan3A_52 = arith.constant 200 : i32
    %scan3A_53 = arith.addi %scan3A_51, %scan3A_52 : i32
    %scan3A_54 = arith.constant 1 : i32
    scf.for %scan3A_118 = %scan3A_51 to %scan3A_53 step %scan3A_54  : i32 {
      %broadcast_in_dim3A = vector.broadcast %scan3A_118 : i32 to vector<16xi32>
      %get3A_119 = arith.index_cast %scan3A_118 : i32 to index
      %get3A_120 = arith.constant 0 : index
      %get3A_121 = tpu.vector_load %arg6[%get3A_119, %get3A_120] {strides = array<i32>} : memref<200x128xi32, #tpu.memory_space<vmem>>, vector<16xi32>,
      %add3A_122 = arith.addi %mul3A_8, %broadcast_in_dim3A : vector<16xi32>
      tpu.vector_store_idx %arg7[%add3A_122], %get3A_121 : memref<25600xi32, #tpu.memory_space<vmem>>[vector<16xi32>], vector<16xi32>,
      %get3A_123 = arith.index_cast %scan3A_118 : i32 to index
      %get3A_124 = arith.constant 16 : index
      %get3A_125 = tpu.vector_load %arg6[%get3A_123, %get3A_124] {strides = array<i32>} : memref<200x128xi32, #tpu.memory_space<vmem>>, vector<16xi32>,
      %add3A_126 = arith.addi %mul3A_14, %broadcast_in_dim3A : vector<16xi32>
      tpu.vector_store_idx %arg7[%add3A_126], %get3A_125 : memref<25600xi32, #tpu.memory_space<vmem>>[vector<16xi32>], vector<16xi32>,
      %get3A_127 = arith.index_cast %scan3A_118 : i32 to index
      %get3A_128 = arith.constant 32 : index
      %get3A_129 = tpu.vector_load %arg6[%get3A_127, %get3A_128] {strides = array<i32>} : memref<200x128xi32, #tpu.memory_space<vmem>>, vector<16xi32>,
      %add3A_130 = arith.addi %mul3A_20, %broadcast_in_dim3A : vector<16xi32>
      tpu.vector_store_idx %arg7[%add3A_130], %get3A_129 : memref<25600xi32, #tpu.memory_space<vmem>>[vector<16xi32>], vector<16xi32>,
      %get3A_131 = arith.index_cast %scan3A_118 : i32 to index
      %get3A_132 = arith.constant 48 : index
      %get3A_133 = tpu.vector_load %arg6[%get3A_131, %get3A_132] {strides = array<i32>} : memref<200x128xi32, #tpu.memory_space<vmem>>, vector<16xi32>,
      %add3A_134 = arith.addi %mul3A_26, %broadcast_in_dim3A : vector<16xi32>
      tpu.vector_store_idx %arg7[%add3A_134], %get3A_133 : memref<25600xi32, #tpu.memory_space<vmem>>[vector<16xi32>], vector<16xi32>,
      %get3A_135 = arith.index_cast %scan3A_118 : i32 to index
      %get3A_136 = arith.constant 64 : index
      %get3A_137 = tpu.vector_load %arg6[%get3A_135, %get3A_136] {strides = array<i32>} : memref<200x128xi32, #tpu.memory_space<vmem>>, vector<16xi32>,
      %add3A_138 = arith.addi %mul3A_32, %broadcast_in_dim3A : vector<16xi32>
      tpu.vector_store_idx %arg7[%add3A_138], %get3A_137 : memref<25600xi32, #tpu.memory_space<vmem>>[vector<16xi32>], vector<16xi32>,
      %get3A_139 = arith.index_cast %scan3A_118 : i32 to index
      %get3A_140 = arith.constant 80 : index
      %get3A_141 = tpu.vector_load %arg6[%get3A_139, %get3A_140] {strides = array<i32>} : memref<200x128xi32, #tpu.memory_space<vmem>>, vector<16xi32>,
      %add3A_142 = arith.addi %mul3A_38, %broadcast_in_dim3A : vector<16xi32>
      tpu.vector_store_idx %arg7[%add3A_142], %get3A_141 : memref<25600xi32, #tpu.memory_space<vmem>>[vector<16xi32>], vector<16xi32>,
      %get3A_143 = arith.index_cast %scan3A_118 : i32 to index
      %get3A_144 = arith.constant 96 : index
      %get3A_145 = tpu.vector_load %arg6[%get3A_143, %get3A_144] {strides = array<i32>} : memref<200x128xi32, #tpu.memory_space<vmem>>, vector<16xi32>,
      %add3A_146 = arith.addi %mul3A_44, %broadcast_in_dim3A : vector<16xi32>
      tpu.vector_store_idx %arg7[%add3A_146], %get3A_145 : memref<25600xi32, #tpu.memory_space<vmem>>[vector<16xi32>], vector<16xi32>,
      %get3A_147 = arith.index_cast %scan3A_118 : i32 to index
      %get3A_148 = arith.constant 112 : index
      %get3A_149 = tpu.vector_load %arg6[%get3A_147, %get3A_148] {strides = array<i32>} : memref<200x128xi32, #tpu.memory_space<vmem>>, vector<16xi32>,
      %add3A_150 = arith.addi %mul3A_50, %broadcast_in_dim3A : vector<16xi32>
      tpu.vector_store_idx %arg7[%add3A_150], %get3A_149 : memref<25600xi32, #tpu.memory_space<vmem>>[vector<16xi32>], vector<16xi32>,
    }
    %scan3A_55 = arith.constant 200 : i32
    %get3A = arith.constant 0 : index
    %get3A_56 = tpu.vector_load %arg8[%get3A] {strides = array<i32>} : memref<128xi32, #tpu.memory_space<vmem>>, vector<16xi32>,
    %convert_element_type3A = arith.sitofp %get3A_56 : vector<16xi32> to vector<16xf32>
    %div3A = arith.constant 1.000000e+00 : f32
    %div3A_57 = vector.broadcast %div3A : f32 to vector<16xf32>
    %div3A_58 = arith.divf %div3A_57, %convert_element_type3A : vector<16xf32>
    %swap3A = arith.constant 0 : index
    %swap3A_59 = tpu.vector_load %arg9[%swap3A] {strides = array<i32>} : memref<128xf32, #tpu.memory_space<vmem>>, vector<16xf32>,
    tpu.vector_store %arg9[%swap3A], %div3A_58 {strides = array<i32>} : memref<128xf32, #tpu.memory_space<vmem>>, vector<16xf32>,
    %get3A_60 = arith.constant 16 : index
    %get3A_61 = tpu.vector_load %arg8[%get3A_60] {strides = array<i32>} : memref<128xi32, #tpu.memory_space<vmem>>, vector<16xi32>,
    %convert_element_type3A_62 = arith.sitofp %get3A_61 : vector<16xi32> to vector<16xf32>
    %div3A_63 = arith.constant 1.000000e+00 : f32
    %div3A_64 = vector.broadcast %div3A_63 : f32 to vector<16xf32>
    %div3A_65 = arith.divf %div3A_64, %convert_element_type3A_62 : vector<16xf32>
    %swap3A_66 = arith.constant 16 : index
    %swap3A_67 = tpu.vector_load %arg9[%swap3A_66] {strides = array<i32>} : memref<128xf32, #tpu.memory_space<vmem>>, vector<16xf32>,
    tpu.vector_store %arg9[%swap3A_66], %div3A_65 {strides = array<i32>} : memref<128xf32, #tpu.memory_space<vmem>>, vector<16xf32>,
    %get3A_68 = arith.constant 32 : index
    %get3A_69 = tpu.vector_load %arg8[%get3A_68] {strides = array<i32>} : memref<128xi32, #tpu.memory_space<vmem>>, vector<16xi32>,
    %convert_element_type3A_70 = arith.sitofp %get3A_69 : vector<16xi32> to vector<16xf32>
    %div3A_71 = arith.constant 1.000000e+00 : f32
    %div3A_72 = vector.broadcast %div3A_71 : f32 to vector<16xf32>
    %div3A_73 = arith.divf %div3A_72, %convert_element_type3A_70 : vector<16xf32>
    %swap3A_74 = arith.constant 32 : index
    %swap3A_75 = tpu.vector_load %arg9[%swap3A_74] {strides = array<i32>} : memref<128xf32, #tpu.memory_space<vmem>>, vector<16xf32>,
    tpu.vector_store %arg9[%swap3A_74], %div3A_73 {strides = array<i32>} : memref<128xf32, #tpu.memory_space<vmem>>, vector<16xf32>,
    %get3A_76 = arith.constant 48 : index
    %get3A_77 = tpu.vector_load %arg8[%get3A_76] {strides = array<i32>} : memref<128xi32, #tpu.memory_space<vmem>>, vector<16xi32>,
    %convert_element_type3A_78 = arith.sitofp %get3A_77 : vector<16xi32> to vector<16xf32>
    %div3A_79 = arith.constant 1.000000e+00 : f32
    %div3A_80 = vector.broadcast %div3A_79 : f32 to vector<16xf32>
    %div3A_81 = arith.divf %div3A_80, %convert_element_type3A_78 : vector<16xf32>
    %swap3A_82 = arith.constant 48 : index
    %swap3A_83 = tpu.vector_load %arg9[%swap3A_82] {strides = array<i32>} : memref<128xf32, #tpu.memory_space<vmem>>, vector<16xf32>,
    tpu.vector_store %arg9[%swap3A_82], %div3A_81 {strides = array<i32>} : memref<128xf32, #tpu.memory_space<vmem>>, vector<16xf32>,
    %get3A_84 = arith.constant 64 : index
    %get3A_85 = tpu.vector_load %arg8[%get3A_84] {strides = array<i32>} : memref<128xi32, #tpu.memory_space<vmem>>, vector<16xi32>,
    %convert_element_type3A_86 = arith.sitofp %get3A_85 : vector<16xi32> to vector<16xf32>
    %div3A_87 = arith.constant 1.000000e+00 : f32
    %div3A_88 = vector.broadcast %div3A_87 : f32 to vector<16xf32>
    %div3A_89 = arith.divf %div3A_88, %convert_element_type3A_86 : vector<16xf32>
    %swap3A_90 = arith.constant 64 : index
    %swap3A_91 = tpu.vector_load %arg9[%swap3A_90] {strides = array<i32>} : memref<128xf32, #tpu.memory_space<vmem>>, vector<16xf32>,
    tpu.vector_store %arg9[%swap3A_90], %div3A_89 {strides = array<i32>} : memref<128xf32, #tpu.memory_space<vmem>>, vector<16xf32>,
    %get3A_92 = arith.constant 80 : index
    %get3A_93 = tpu.vector_load %arg8[%get3A_92] {strides = array<i32>} : memref<128xi32, #tpu.memory_space<vmem>>, vector<16xi32>,
    %convert_element_type3A_94 = arith.sitofp %get3A_93 : vector<16xi32> to vector<16xf32>
    %div3A_95 = arith.constant 1.000000e+00 : f32
    %div3A_96 = vector.broadcast %div3A_95 : f32 to vector<16xf32>
    %div3A_97 = arith.divf %div3A_96, %convert_element_type3A_94 : vector<16xf32>
    %swap3A_98 = arith.constant 80 : index
    %swap3A_99 = tpu.vector_load %arg9[%swap3A_98] {strides = array<i32>} : memref<128xf32, #tpu.memory_space<vmem>>, vector<16xf32>,
    tpu.vector_store %arg9[%swap3A_98], %div3A_97 {strides = array<i32>} : memref<128xf32, #tpu.memory_space<vmem>>, vector<16xf32>,
    %get3A_100 = arith.constant 96 : index
    %get3A_101 = tpu.vector_load %arg8[%get3A_100] {strides = array<i32>} : memref<128xi32, #tpu.memory_space<vmem>>, vector<16xi32>,
    %convert_element_type3A_102 = arith.sitofp %get3A_101 : vector<16xi32> to vector<16xf32>
    %div3A_103 = arith.constant 1.000000e+00 : f32
    %div3A_104 = vector.broadcast %div3A_103 : f32 to vector<16xf32>
    %div3A_105 = arith.divf %div3A_104, %convert_element_type3A_102 : vector<16xf32>
    %swap3A_106 = arith.constant 96 : index
    %swap3A_107 = tpu.vector_load %arg9[%swap3A_106] {strides = array<i32>} : memref<128xf32, #tpu.memory_space<vmem>>, vector<16xf32>,
    tpu.vector_store %arg9[%swap3A_106], %div3A_105 {strides = array<i32>} : memref<128xf32, #tpu.memory_space<vmem>>, vector<16xf32>,
    %get3A_108 = arith.constant 112 : index
    %get3A_109 = tpu.vector_load %arg8[%get3A_108] {strides = array<i32>} : memref<128xi32, #tpu.memory_space<vmem>>, vector<16xi32>,
    %convert_element_type3A_110 = arith.sitofp %get3A_109 : vector<16xi32> to vector<16xf32>
    %div3A_111 = arith.constant 1.000000e+00 : f32
    %div3A_112 = vector.broadcast %div3A_111 : f32 to vector<16xf32>
    %div3A_113 = arith.divf %div3A_112, %convert_element_type3A_110 : vector<16xf32>
    %swap3A_114 = arith.constant 112 : index
    %swap3A_115 = tpu.vector_load %arg9[%swap3A_114] {strides = array<i32>} : memref<128xf32, #tpu.memory_space<vmem>>, vector<16xf32>,
    tpu.vector_store %arg9[%swap3A_114], %div3A_113 {strides = array<i32>} : memref<128xf32, #tpu.memory_space<vmem>>, vector<16xf32>,
    %mul3A_116 = arith.constant 200 : i32
    %mul3A_117 = arith.muli %mul3A_2, %mul3A_116 : i32
    "tpu.region"() ({
      %run_scoped3A = tpu.sem_alloc : memref<!tpu.dma_semaphore, #tpu.memory_space<semaphore_mem>>
      %dma_start3A = tpu.memref_slice %arg4[%mul3A_117] : memref<819200xi32, #tpu.memory_space<hbm>> -> memref<25600xi32, #tpu.memory_space<hbm>>
      %dma_start3A_118 = tpu.memref_slice %arg4[%mul3A_117] : memref<819200xi32, #tpu.memory_space<hbm>> -> memref<25600xi32, #tpu.memory_space<hbm>>
      tpu.enqueue_dma source(%arg7 : memref<25600xi32, #tpu.memory_space<vmem>>) target(%dma_start3A_118 : memref<25600xi32, #tpu.memory_space<hbm>>) target_semaphore(%run_scoped3A : memref<!tpu.dma_semaphore, #tpu.memory_space<semaphore_mem>>)
      %dma_wait3A = tpu.memref_slice %arg4[%mul3A_117] : memref<819200xi32, #tpu.memory_space<hbm>> -> memref<25600xi32, #tpu.memory_space<hbm>>
      %dma_wait3A_119 = tpu.memref_slice %arg4[%mul3A_117] : memref<819200xi32, #tpu.memory_space<hbm>> -> memref<25600xi32, #tpu.memory_space<hbm>>
      tpu.wait_dma2 semaphore(%run_scoped3A : memref<!tpu.dma_semaphore, #tpu.memory_space<semaphore_mem>>) src(%arg7 : memref<25600xi32, #tpu.memory_space<vmem>>) dst(%dma_wait3A_119 : memref<25600xi32, #tpu.memory_space<hbm>>)
      tpu.yield
    }) : () -> ()
    "tpu.region"() ({
      %run_scoped3A = tpu.sem_alloc : memref<!tpu.dma_semaphore, #tpu.memory_space<semaphore_mem>>
      %dma_start3A = tpu.memref_slice %arg5[%mul3A_2] : memref<4096xf32, #tpu.memory_space<hbm>> -> memref<128xf32, #tpu.memory_space<hbm>>
      %dma_start3A_118 = tpu.memref_slice %arg5[%mul3A_2] : memref<4096xf32, #tpu.memory_space<hbm>> -> memref<128xf32, #tpu.memory_space<hbm>>
      tpu.enqueue_dma source(%arg9 : memref<128xf32, #tpu.memory_space<vmem>>) target(%dma_start3A_118 : memref<128xf32, #tpu.memory_space<hbm>>) target_semaphore(%run_scoped3A : memref<!tpu.dma_semaphore, #tpu.memory_space<semaphore_mem>>)
      %dma_wait3A = tpu.memref_slice %arg5[%mul3A_2] : memref<4096xf32, #tpu.memory_space<hbm>> -> memref<128xf32, #tpu.memory_space<hbm>>
      %dma_wait3A_119 = tpu.memref_slice %arg5[%mul3A_2] : memref<4096xf32, #tpu.memory_space<hbm>> -> memref<128xf32, #tpu.memory_space<hbm>>
      tpu.wait_dma2 semaphore(%run_scoped3A : memref<!tpu.dma_semaphore, #tpu.memory_space<semaphore_mem>>) src(%arg9 : memref<128xf32, #tpu.memory_space<vmem>>) dst(%dma_wait3A_119 : memref<128xf32, #tpu.memory_space<hbm>>)
      tpu.yield
    }) : () -> ()
    return
  }
}

#map = affine_map<(d0, d1) -> (0)>
module attributes {stable_mosaic.version = 14 : i64} {
  func.func @body(%arg0: i32, %arg1: i32, %arg2: memref<819200xi32, #tpu.memory_space<hbm>>, %arg3: memref<4096xf32, #tpu.memory_space<hbm>>, %arg4: memref<1000000xf32, #tpu.memory_space<hbm>>, %arg5: memref<1000000xf32, #tpu.memory_space<hbm>>, %arg6: memref<16xf32, #tpu.memory_space<hbm>>, %arg7: memref<8192xf32, #tpu.memory_space<hbm>>, %arg8: memref<25600xi32, #tpu.memory_space<vmem>>, %arg9: memref<200xf32, #tpu.memory_space<vmem>>, %arg10: memref<200xf32, #tpu.memory_space<vmem>>, %arg11: memref<200xf32, #tpu.memory_space<vmem>>, %arg12: memref<200xf32, #tpu.memory_space<vmem>>, %arg13: memref<200xf32, #tpu.memory_space<vmem>>, %arg14: memref<200xf32, #tpu.memory_space<vmem>>, %arg15: memref<200xf32, #tpu.memory_space<vmem>>, %arg16: memref<200xf32, #tpu.memory_space<vmem>>, %arg17: memref<128xf32, #tpu.memory_space<vmem>>, %arg18: memref<16xf32, #tpu.memory_space<vmem>>, %arg19: memref<256xf32, #tpu.memory_space<vmem>>, %arg20: memref<!tpu.dma_semaphore, #tpu.memory_space<semaphore_mem>>, %arg21: memref<!tpu.dma_semaphore, #tpu.memory_space<semaphore_mem>>, %arg22: memref<!tpu.dma_semaphore, #tpu.memory_space<semaphore_mem>>, %arg23: memref<!tpu.dma_semaphore, #tpu.memory_space<semaphore_mem>>, %arg24: memref<!tpu.dma_semaphore, #tpu.memory_space<semaphore_mem>>, %arg25: memref<!tpu.dma_semaphore, #tpu.memory_space<semaphore_mem>>, %arg26: memref<!tpu.dma_semaphore, #tpu.memory_space<semaphore_mem>>, %arg27: memref<!tpu.dma_semaphore, #tpu.memory_space<semaphore_mem>>) attributes {dimension_semantics = [#tpu.dimension_semantics<core_parallel>, #tpu.dimension_semantics<subcore_parallel>], iteration_bounds = array<i64: 2, 16>, scalar_prefetch = 0 : i64, scratch_operands = 20 : i64, tpu.core_type = #tpu.core_type<sc_vector_subcore>, window_params = [{transform_indices = #map}, {transform_indices = #map}, {transform_indices = #map}, {transform_indices = #map}, {transform_indices = #map}, {transform_indices = #map}]} {
    %mul3A = arith.constant 2 : i32
    %mul3A_0 = arith.muli %arg1, %mul3A : i32
    %add3A = arith.addi %mul3A_0, %arg0 : i32
    %mul3A_1 = arith.constant 128 : i32
    %mul3A_2 = arith.muli %add3A, %mul3A_1 : i32
    %mul3A_3 = arith.constant 200 : i32
    %mul3A_4 = arith.muli %mul3A_2, %mul3A_3 : i32
    "tpu.region"() ({
      %run_scoped3A = tpu.sem_alloc : memref<!tpu.dma_semaphore, #tpu.memory_space<semaphore_mem>>
      %dma_start3A_45 = tpu.memref_slice %arg2[%mul3A_4] : memref<819200xi32, #tpu.memory_space<hbm>> -> memref<25600xi32, #tpu.memory_space<hbm>>
      %dma_start3A_46 = tpu.memref_slice %arg2[%mul3A_4] : memref<819200xi32, #tpu.memory_space<hbm>> -> memref<25600xi32, #tpu.memory_space<hbm>>
      tpu.enqueue_dma source(%dma_start3A_46 : memref<25600xi32, #tpu.memory_space<hbm>>) target(%arg8 : memref<25600xi32, #tpu.memory_space<vmem>>) target_semaphore(%run_scoped3A : memref<!tpu.dma_semaphore, #tpu.memory_space<semaphore_mem>>)
      %dma_wait3A = tpu.memref_slice %arg2[%mul3A_4] : memref<819200xi32, #tpu.memory_space<hbm>> -> memref<25600xi32, #tpu.memory_space<hbm>>
      %dma_wait3A_47 = tpu.memref_slice %arg2[%mul3A_4] : memref<819200xi32, #tpu.memory_space<hbm>> -> memref<25600xi32, #tpu.memory_space<hbm>>
      tpu.wait_dma2 semaphore(%run_scoped3A : memref<!tpu.dma_semaphore, #tpu.memory_space<semaphore_mem>>) src(%dma_wait3A_47 : memref<25600xi32, #tpu.memory_space<hbm>>) dst(%arg8 : memref<25600xi32, #tpu.memory_space<vmem>>)
      tpu.yield
    }) : () -> ()
    "tpu.region"() ({
      %run_scoped3A = tpu.sem_alloc : memref<!tpu.dma_semaphore, #tpu.memory_space<semaphore_mem>>
      %dma_start3A_45 = tpu.memref_slice %arg3[%mul3A_2] : memref<4096xf32, #tpu.memory_space<hbm>> -> memref<128xf32, #tpu.memory_space<hbm>>
      %dma_start3A_46 = tpu.memref_slice %arg3[%mul3A_2] : memref<4096xf32, #tpu.memory_space<hbm>> -> memref<128xf32, #tpu.memory_space<hbm>>
      tpu.enqueue_dma source(%dma_start3A_46 : memref<128xf32, #tpu.memory_space<hbm>>) target(%arg17 : memref<128xf32, #tpu.memory_space<vmem>>) target_semaphore(%run_scoped3A : memref<!tpu.dma_semaphore, #tpu.memory_space<semaphore_mem>>)
      %dma_wait3A = tpu.memref_slice %arg3[%mul3A_2] : memref<4096xf32, #tpu.memory_space<hbm>> -> memref<128xf32, #tpu.memory_space<hbm>>
      %dma_wait3A_47 = tpu.memref_slice %arg3[%mul3A_2] : memref<4096xf32, #tpu.memory_space<hbm>> -> memref<128xf32, #tpu.memory_space<hbm>>
      tpu.wait_dma2 semaphore(%run_scoped3A : memref<!tpu.dma_semaphore, #tpu.memory_space<semaphore_mem>>) src(%dma_wait3A_47 : memref<128xf32, #tpu.memory_space<hbm>>) dst(%arg17 : memref<128xf32, #tpu.memory_space<vmem>>)
      tpu.yield
    }) : () -> ()
    "tpu.region"() ({
      %run_scoped3A = tpu.sem_alloc : memref<!tpu.dma_semaphore, #tpu.memory_space<semaphore_mem>>
      tpu.enqueue_dma source(%arg6 : memref<16xf32, #tpu.memory_space<hbm>>) target(%arg18 : memref<16xf32, #tpu.memory_space<vmem>>) target_semaphore(%run_scoped3A : memref<!tpu.dma_semaphore, #tpu.memory_space<semaphore_mem>>)
      tpu.wait_dma2 semaphore(%run_scoped3A : memref<!tpu.dma_semaphore, #tpu.memory_space<semaphore_mem>>) src(%arg6 : memref<16xf32, #tpu.memory_space<hbm>>) dst(%arg18 : memref<16xf32, #tpu.memory_space<vmem>>)
      tpu.yield
    }) : () -> ()
    %iota3A = tpu.iota {dimensions = array<i32: 0>} : vector<16xi32>
    %get3A = arith.constant 0 : index
    %get3A_5 = tpu.vector_load %arg18[%get3A] {strides = array<i32>} : memref<16xf32, #tpu.memory_space<vmem>>, vector<16xf32>,
    %broadcast_in_dim3A = arith.constant 0.000000e+00 : f32
    %broadcast_in_dim3A_6 = vector.broadcast %broadcast_in_dim3A : f32 to vector<16xf32>
    %dma_start3A = arith.constant 0 : i32
    %dma_start3A_7 = tpu.memref_slice %arg8[%dma_start3A] : memref<25600xi32, #tpu.memory_space<vmem>> -> memref<200xi32, #tpu.memory_space<vmem>>
    %dma_start3A_8 = arith.constant 0 : i32
    %dma_start3A_9 = tpu.memref_slice %arg4[%dma_start3A_8] : memref<1000000xf32, #tpu.memory_space<hbm>> -> memref<1000000xf32, #tpu.memory_space<hbm>>
    tpu.enqueue_indirect_dma source(%dma_start3A_9 : memref<1000000xf32, #tpu.memory_space<hbm>>) target(%arg9 : memref<200xf32, #tpu.memory_space<vmem>>) offsets(%dma_start3A_7 : memref<200xi32, #tpu.memory_space<vmem>>) semaphore(%arg20 : memref<!tpu.dma_semaphore, #tpu.memory_space<semaphore_mem>>)
    %dma_start3A_10 = arith.constant 0 : i32
    %dma_start3A_11 = tpu.memref_slice %arg8[%dma_start3A_10] : memref<25600xi32, #tpu.memory_space<vmem>> -> memref<200xi32, #tpu.memory_space<vmem>>
    %dma_start3A_12 = arith.constant 0 : i32
    %dma_start3A_13 = tpu.memref_slice %arg5[%dma_start3A_12] : memref<1000000xf32, #tpu.memory_space<hbm>> -> memref<1000000xf32, #tpu.memory_space<hbm>>
    tpu.enqueue_indirect_dma source(%dma_start3A_13 : memref<1000000xf32, #tpu.memory_space<hbm>>) target(%arg13 : memref<200xf32, #tpu.memory_space<vmem>>) offsets(%dma_start3A_11 : memref<200xi32, #tpu.memory_space<vmem>>) semaphore(%arg24 : memref<!tpu.dma_semaphore, #tpu.memory_space<semaphore_mem>>)
    %dma_start3A_14 = arith.constant 200 : i32
    %dma_start3A_15 = tpu.memref_slice %arg8[%dma_start3A_14] : memref<25600xi32, #tpu.memory_space<vmem>> -> memref<200xi32, #tpu.memory_space<vmem>>
    %dma_start3A_16 = arith.constant 0 : i32
    %dma_start3A_17 = tpu.memref_slice %arg4[%dma_start3A_16] : memref<1000000xf32, #tpu.memory_space<hbm>> -> memref<1000000xf32, #tpu.memory_space<hbm>>
    tpu.enqueue_indirect_dma source(%dma_start3A_17 : memref<1000000xf32, #tpu.memory_space<hbm>>) target(%arg10 : memref<200xf32, #tpu.memory_space<vmem>>) offsets(%dma_start3A_15 : memref<200xi32, #tpu.memory_space<vmem>>) semaphore(%arg21 : memref<!tpu.dma_semaphore, #tpu.memory_space<semaphore_mem>>)
    %dma_start3A_18 = arith.constant 200 : i32
    %dma_start3A_19 = tpu.memref_slice %arg8[%dma_start3A_18] : memref<25600xi32, #tpu.memory_space<vmem>> -> memref<200xi32, #tpu.memory_space<vmem>>
    %dma_start3A_20 = arith.constant 0 : i32
    %dma_start3A_21 = tpu.memref_slice %arg5[%dma_start3A_20] : memref<1000000xf32, #tpu.memory_space<hbm>> -> memref<1000000xf32, #tpu.memory_space<hbm>>
    tpu.enqueue_indirect_dma source(%dma_start3A_21 : memref<1000000xf32, #tpu.memory_space<hbm>>) target(%arg14 : memref<200xf32, #tpu.memory_space<vmem>>) offsets(%dma_start3A_19 : memref<200xi32, #tpu.memory_space<vmem>>) semaphore(%arg25 : memref<!tpu.dma_semaphore, #tpu.memory_space<semaphore_mem>>)
    %dma_start3A_22 = arith.constant 400 : i32
    %dma_start3A_23 = tpu.memref_slice %arg8[%dma_start3A_22] : memref<25600xi32, #tpu.memory_space<vmem>> -> memref<200xi32, #tpu.memory_space<vmem>>
    %dma_start3A_24 = arith.constant 0 : i32
    %dma_start3A_25 = tpu.memref_slice %arg4[%dma_start3A_24] : memref<1000000xf32, #tpu.memory_space<hbm>> -> memref<1000000xf32, #tpu.memory_space<hbm>>
    tpu.enqueue_indirect_dma source(%dma_start3A_25 : memref<1000000xf32, #tpu.memory_space<hbm>>) target(%arg11 : memref<200xf32, #tpu.memory_space<vmem>>) offsets(%dma_start3A_23 : memref<200xi32, #tpu.memory_space<vmem>>) semaphore(%arg22 : memref<!tpu.dma_semaphore, #tpu.memory_space<semaphore_mem>>)
    %dma_start3A_26 = arith.constant 400 : i32
    %dma_start3A_27 = tpu.memref_slice %arg8[%dma_start3A_26] : memref<25600xi32, #tpu.memory_space<vmem>> -> memref<200xi32, #tpu.memory_space<vmem>>
    %dma_start3A_28 = arith.constant 0 : i32
    %dma_start3A_29 = tpu.memref_slice %arg5[%dma_start3A_28] : memref<1000000xf32, #tpu.memory_space<hbm>> -> memref<1000000xf32, #tpu.memory_space<hbm>>
    tpu.enqueue_indirect_dma source(%dma_start3A_29 : memref<1000000xf32, #tpu.memory_space<hbm>>) target(%arg15 : memref<200xf32, #tpu.memory_space<vmem>>) offsets(%dma_start3A_27 : memref<200xi32, #tpu.memory_space<vmem>>) semaphore(%arg26 : memref<!tpu.dma_semaphore, #tpu.memory_space<semaphore_mem>>)
    %dma_start3A_30 = arith.constant 600 : i32
    %dma_start3A_31 = tpu.memref_slice %arg8[%dma_start3A_30] : memref<25600xi32, #tpu.memory_space<vmem>> -> memref<200xi32, #tpu.memory_space<vmem>>
    %dma_start3A_32 = arith.constant 0 : i32
    %dma_start3A_33 = tpu.memref_slice %arg4[%dma_start3A_32] : memref<1000000xf32, #tpu.memory_space<hbm>> -> memref<1000000xf32, #tpu.memory_space<hbm>>
    tpu.enqueue_indirect_dma source(%dma_start3A_33 : memref<1000000xf32, #tpu.memory_space<hbm>>) target(%arg12 : memref<200xf32, #tpu.memory_space<vmem>>) offsets(%dma_start3A_31 : memref<200xi32, #tpu.memory_space<vmem>>) semaphore(%arg23 : memref<!tpu.dma_semaphore, #tpu.memory_space<semaphore_mem>>)
    %dma_start3A_34 = arith.constant 600 : i32
    %dma_start3A_35 = tpu.memref_slice %arg8[%dma_start3A_34] : memref<25600xi32, #tpu.memory_space<vmem>> -> memref<200xi32, #tpu.memory_space<vmem>>
    %dma_start3A_36 = arith.constant 0 : i32
    %dma_start3A_37 = tpu.memref_slice %arg5[%dma_start3A_36] : memref<1000000xf32, #tpu.memory_space<hbm>> -> memref<1000000xf32, #tpu.memory_space<hbm>>
    tpu.enqueue_indirect_dma source(%dma_start3A_37 : memref<1000000xf32, #tpu.memory_space<hbm>>) target(%arg16 : memref<200xf32, #tpu.memory_space<vmem>>) offsets(%dma_start3A_35 : memref<200xi32, #tpu.memory_space<vmem>>) semaphore(%arg27 : memref<!tpu.dma_semaphore, #tpu.memory_space<semaphore_mem>>)
    %scan3A = arith.constant 0 : i32
    %scan3A_38 = arith.constant 0 : i32
    %scan3A_39 = arith.constant 8 : i32
    %scan3A_40 = arith.addi %scan3A_38, %scan3A_39 : i32
    %scan3A_41 = arith.constant 1 : i32
    scf.for %scan3A_45 = %scan3A_38 to %scan3A_40 step %scan3A_41  : i32 {
      %mul3A_46 = arith.constant 16 : i32
      %mul3A_47 = arith.muli %scan3A_45, %mul3A_46 : i32
      %get3A_48 = arith.index_cast %mul3A_47 : i32 to index
      %get3A_49 = tpu.vector_load %arg17[%get3A_48] {strides = array<i32>} : memref<128xf32, #tpu.memory_space<vmem>>, vector<16xf32>,
      %mul3A_50 = arith.constant 16 : i32
      %mul3A_51 = arith.muli %scan3A_45, %mul3A_50 : i32
      %add3A_52 = arith.constant 0 : i32
      %add3A_53 = arith.addi %mul3A_51, %add3A_52 : i32
      %mul3A_54 = arith.constant 200 : i32
      %mul3A_55 = arith.muli %add3A_53, %mul3A_54 : i32
      %dma_wait3A = tpu.memref_slice %arg8[%mul3A_55] : memref<25600xi32, #tpu.memory_space<vmem>> -> memref<200xi32, #tpu.memory_space<vmem>>
      %dma_wait3A_56 = arith.constant 0 : i32
      %dma_wait3A_57 = tpu.memref_slice %arg4[%dma_wait3A_56] : memref<1000000xf32, #tpu.memory_space<hbm>> -> memref<1000000xf32, #tpu.memory_space<hbm>>
      tpu.wait_indirect_dma semaphore(%arg20 : memref<!tpu.dma_semaphore, #tpu.memory_space<semaphore_mem>>) src(%dma_wait3A_57 : memref<1000000xf32, #tpu.memory_space<hbm>>) dst(%arg9 : memref<200xf32, #tpu.memory_space<vmem>>)
      %dma_wait3A_58 = tpu.memref_slice %arg8[%mul3A_55] : memref<25600xi32, #tpu.memory_space<vmem>> -> memref<200xi32, #tpu.memory_space<vmem>>
      %dma_wait3A_59 = arith.constant 0 : i32
      %dma_wait3A_60 = tpu.memref_slice %arg5[%dma_wait3A_59] : memref<1000000xf32, #tpu.memory_space<hbm>> -> memref<1000000xf32, #tpu.memory_space<hbm>>
      tpu.wait_indirect_dma semaphore(%arg24 : memref<!tpu.dma_semaphore, #tpu.memory_space<semaphore_mem>>) src(%dma_wait3A_60 : memref<1000000xf32, #tpu.memory_space<hbm>>) dst(%arg13 : memref<200xf32, #tpu.memory_space<vmem>>)
      %get3A_61 = arith.constant 0 : index
      %get3A_62 = tpu.vector_load %arg9[%get3A_61] {strides = array<i32>} : memref<200xf32, #tpu.memory_space<vmem>>, vector<16xf32>,
      %get3A_63 = arith.constant 16 : index
      %get3A_64 = tpu.vector_load %arg9[%get3A_63] {strides = array<i32>} : memref<200xf32, #tpu.memory_space<vmem>>, vector<16xf32>,
      %add3A_65 = arith.addf %get3A_62, %get3A_64 : vector<16xf32>
      %get3A_66 = arith.constant 32 : index
      %get3A_67 = tpu.vector_load %arg9[%get3A_66] {strides = array<i32>} : memref<200xf32, #tpu.memory_space<vmem>>, vector<16xf32>,
      %add3A_68 = arith.addf %add3A_65, %get3A_67 : vector<16xf32>
      %get3A_69 = arith.constant 48 : index
      %get3A_70 = tpu.vector_load %arg9[%get3A_69] {strides = array<i32>} : memref<200xf32, #tpu.memory_space<vmem>>, vector<16xf32>,
      %add3A_71 = arith.addf %add3A_68, %get3A_70 : vector<16xf32>
      %get3A_72 = arith.constant 64 : index
      %get3A_73 = tpu.vector_load %arg9[%get3A_72] {strides = array<i32>} : memref<200xf32, #tpu.memory_space<vmem>>, vector<16xf32>,
      %add3A_74 = arith.addf %add3A_71, %get3A_73 : vector<16xf32>
      %get3A_75 = arith.constant 80 : index
      %get3A_76 = tpu.vector_load %arg9[%get3A_75] {strides = array<i32>} : memref<200xf32, #tpu.memory_space<vmem>>, vector<16xf32>,
      %add3A_77 = arith.addf %add3A_74, %get3A_76 : vector<16xf32>
      %get3A_78 = arith.constant 96 : index
      %get3A_79 = tpu.vector_load %arg9[%get3A_78] {strides = array<i32>} : memref<200xf32, #tpu.memory_space<vmem>>, vector<16xf32>,
      %add3A_80 = arith.addf %add3A_77, %get3A_79 : vector<16xf32>
      %get3A_81 = arith.constant 112 : index
      %get3A_82 = tpu.vector_load %arg9[%get3A_81] {strides = array<i32>} : memref<200xf32, #tpu.memory_space<vmem>>, vector<16xf32>,
      %add3A_83 = arith.addf %add3A_80, %get3A_82 : vector<16xf32>
      %get3A_84 = arith.constant 128 : index
      %get3A_85 = tpu.vector_load %arg9[%get3A_84] {strides = array<i32>} : memref<200xf32, #tpu.memory_space<vmem>>, vector<16xf32>,
      %add3A_86 = arith.addf %add3A_83, %get3A_85 : vector<16xf32>
      %get3A_87 = arith.constant 144 : index
      %get3A_88 = tpu.vector_load %arg9[%get3A_87] {strides = array<i32>} : memref<200xf32, #tpu.memory_space<vmem>>, vector<16xf32>,
      %add3A_89 = arith.addf %add3A_86, %get3A_88 : vector<16xf32>
      %get3A_90 = arith.constant 160 : index
      %get3A_91 = tpu.vector_load %arg9[%get3A_90] {strides = array<i32>} : memref<200xf32, #tpu.memory_space<vmem>>, vector<16xf32>,
      %add3A_92 = arith.addf %add3A_89, %get3A_91 : vector<16xf32>
      %get3A_93 = arith.constant 176 : index
      %get3A_94 = tpu.vector_load %arg9[%get3A_93] {strides = array<i32>} : memref<200xf32, #tpu.memory_space<vmem>>, vector<16xf32>,
      %add3A_95 = arith.addf %add3A_92, %get3A_94 : vector<16xf32>
      %get3A_96 = arith.constant 184 : index
      %get3A_97 = tpu.vector_load %arg9[%get3A_96] {strides = array<i32>} : memref<200xf32, #tpu.memory_space<vmem>>, vector<16xf32>,
      %ge3A = arith.constant 8 : i32
      %ge3A_98 = vector.broadcast %ge3A : i32 to vector<16xi32>
      %ge3A_99 = arith.cmpi sge, %iota3A, %ge3A_98 : vector<16xi32>
      %jit3A = arith.constant 0.000000e+00 : f32
      %broadcast_in_dim3A_100 = vector.broadcast %jit3A : f32 to vector<16xf32>
      %select_n3A = arith.select %ge3A_99, %get3A_97, %broadcast_in_dim3A_100 : vector<16xi1>, vector<16xf32>
      %add3A_101 = arith.addf %add3A_95, %select_n3A : vector<16xf32>
      %broadcast_in_dim3A_102 = arith.constant true
      %broadcast_in_dim3A_103 = vector.broadcast %broadcast_in_dim3A_102 : i1 to vector<16xi1>
      %masked_cumsum3A = tpu.scan <sum>, %add3A_101 masked %broadcast_in_dim3A_103 : vector<16xf32>, vector<16xi1> -> vector<16xf32>
      %slice3A = vector.extract_strided_slice %masked_cumsum3A {offsets = [15], sizes = [1], strides = [1]} : vector<16xf32> to vector<1xf32>
      %squeeze3A = vector.extract %slice3A[0] : f32 from vector<1xf32>
      %get3A_104 = arith.constant 0 : index
      %get3A_105 = tpu.vector_load %arg13[%get3A_104] {strides = array<i32>} : memref<200xf32, #tpu.memory_space<vmem>>, vector<16xf32>,
      %get3A_106 = arith.constant 16 : index
      %get3A_107 = tpu.vector_load %arg13[%get3A_106] {strides = array<i32>} : memref<200xf32, #tpu.memory_space<vmem>>, vector<16xf32>,
      %add3A_108 = arith.addf %get3A_105, %get3A_107 : vector<16xf32>
      %get3A_109 = arith.constant 32 : index
      %get3A_110 = tpu.vector_load %arg13[%get3A_109] {strides = array<i32>} : memref<200xf32, #tpu.memory_space<vmem>>, vector<16xf32>,
      %add3A_111 = arith.addf %add3A_108, %get3A_110 : vector<16xf32>
      %get3A_112 = arith.constant 48 : index
      %get3A_113 = tpu.vector_load %arg13[%get3A_112] {strides = array<i32>} : memref<200xf32, #tpu.memory_space<vmem>>, vector<16xf32>,
      %add3A_114 = arith.addf %add3A_111, %get3A_113 : vector<16xf32>
      %get3A_115 = arith.constant 64 : index
      %get3A_116 = tpu.vector_load %arg13[%get3A_115] {strides = array<i32>} : memref<200xf32, #tpu.memory_space<vmem>>, vector<16xf32>,
      %add3A_117 = arith.addf %add3A_114, %get3A_116 : vector<16xf32>
      %get3A_118 = arith.constant 80 : index
      %get3A_119 = tpu.vector_load %arg13[%get3A_118] {strides = array<i32>} : memref<200xf32, #tpu.memory_space<vmem>>, vector<16xf32>,
      %add3A_120 = arith.addf %add3A_117, %get3A_119 : vector<16xf32>
      %get3A_121 = arith.constant 96 : index
      %get3A_122 = tpu.vector_load %arg13[%get3A_121] {strides = array<i32>} : memref<200xf32, #tpu.memory_space<vmem>>, vector<16xf32>,
      %add3A_123 = arith.addf %add3A_120, %get3A_122 : vector<16xf32>
      %get3A_124 = arith.constant 112 : index
      %get3A_125 = tpu.vector_load %arg13[%get3A_124] {strides = array<i32>} : memref<200xf32, #tpu.memory_space<vmem>>, vector<16xf32>,
      %add3A_126 = arith.addf %add3A_123, %get3A_125 : vector<16xf32>
      %get3A_127 = arith.constant 128 : index
      %get3A_128 = tpu.vector_load %arg13[%get3A_127] {strides = array<i32>} : memref<200xf32, #tpu.memory_space<vmem>>, vector<16xf32>,
      %add3A_129 = arith.addf %add3A_126, %get3A_128 : vector<16xf32>
      %get3A_130 = arith.constant 144 : index
      %get3A_131 = tpu.vector_load %arg13[%get3A_130] {strides = array<i32>} : memref<200xf32, #tpu.memory_space<vmem>>, vector<16xf32>,
      %add3A_132 = arith.addf %add3A_129, %get3A_131 : vector<16xf32>
      %get3A_133 = arith.constant 160 : index
      %get3A_134 = tpu.vector_load %arg13[%get3A_133] {strides = array<i32>} : memref<200xf32, #tpu.memory_space<vmem>>, vector<16xf32>,
      %add3A_135 = arith.addf %add3A_132, %get3A_134 : vector<16xf32>
      %get3A_136 = arith.constant 176 : index
      %get3A_137 = tpu.vector_load %arg13[%get3A_136] {strides = array<i32>} : memref<200xf32, #tpu.memory_space<vmem>>, vector<16xf32>,
      %add3A_138 = arith.addf %add3A_135, %get3A_137 : vector<16xf32>
      %get3A_139 = arith.constant 184 : index
      %get3A_140 = tpu.vector_load %arg13[%get3A_139] {strides = array<i32>} : memref<200xf32, #tpu.memory_space<vmem>>, vector<16xf32>,
      %ge3A_141 = arith.constant 8 : i32
      %ge3A_142 = vector.broadcast %ge3A_141 : i32 to vector<16xi32>
      %ge3A_143 = arith.cmpi sge, %iota3A, %ge3A_142 : vector<16xi32>
      %jit3A_144 = arith.constant 0.000000e+00 : f32
      %broadcast_in_dim3A_145 = vector.broadcast %jit3A_144 : f32 to vector<16xf32>
      %select_n3A_146 = arith.select %ge3A_143, %get3A_140, %broadcast_in_dim3A_145 : vector<16xi1>, vector<16xf32>
      %add3A_147 = arith.addf %add3A_138, %select_n3A_146 : vector<16xf32>
      %broadcast_in_dim3A_148 = arith.constant true
      %broadcast_in_dim3A_149 = vector.broadcast %broadcast_in_dim3A_148 : i1 to vector<16xi1>
      %masked_cumsum3A_150 = tpu.scan <sum>, %add3A_147 masked %broadcast_in_dim3A_149 : vector<16xf32>, vector<16xi1> -> vector<16xf32>
      %slice3A_151 = vector.extract_strided_slice %masked_cumsum3A_150 {offsets = [15], sizes = [1], strides = [1]} : vector<16xf32> to vector<1xf32>
      %squeeze3A_152 = vector.extract %slice3A_151[0] : f32 from vector<1xf32>
      %add3A_153 = arith.constant 4 : i32
      %add3A_154 = arith.addi %add3A_53, %add3A_153 : i32
      %lt3A = arith.constant 128 : i32
      %lt3A_155 = arith.cmpi slt, %add3A_154, %lt3A : i32
      %convert_element_type3A = arith.extui %lt3A_155 : i1 to i32
      %cond3A = arith.constant 0 : i32
      %cond3A_156 = arith.cmpi ne, %convert_element_type3A, %cond3A : i32
      scf.if %cond3A_156 {
        %mul3A_2579 = arith.constant 200 : i32
        %mul3A_2580 = arith.muli %add3A_154, %mul3A_2579 : i32
        %dma_start3A_2581 = tpu.memref_slice %arg8[%mul3A_2580] : memref<25600xi32, #tpu.memory_space<vmem>> -> memref<200xi32, #tpu.memory_space<vmem>>
        %dma_start3A_2582 = arith.constant 0 : i32
        %dma_start3A_2583 = tpu.memref_slice %arg4[%dma_start3A_2582] : memref<1000000xf32, #tpu.memory_space<hbm>> -> memref<1000000xf32, #tpu.memory_space<hbm>>
        tpu.enqueue_indirect_dma source(%dma_start3A_2583 : memref<1000000xf32, #tpu.memory_space<hbm>>) target(%arg9 : memref<200xf32, #tpu.memory_space<vmem>>) offsets(%dma_start3A_2581 : memref<200xi32, #tpu.memory_space<vmem>>) semaphore(%arg20 : memref<!tpu.dma_semaphore, #tpu.memory_space<semaphore_mem>>)
        %dma_start3A_2584 = tpu.memref_slice %arg8[%mul3A_2580] : memref<25600xi32, #tpu.memory_space<vmem>> -> memref<200xi32, #tpu.memory_space<vmem>>
        %dma_start3A_2585 = arith.constant 0 : i32
        %dma_start3A_2586 = tpu.memref_slice %arg5[%dma_start3A_2585] : memref<1000000xf32, #tpu.memory_space<hbm>> -> memref<1000000xf32, #tpu.memory_space<hbm>>
        tpu.enqueue_indirect_dma source(%dma_start3A_2586 : memref<1000000xf32, #tpu.memory_space<hbm>>) target(%arg13 : memref<200xf32, #tpu.memory_space<vmem>>) offsets(%dma_start3A_2584 : memref<200xi32, #tpu.memory_space<vmem>>) semaphore(%arg24 : memref<!tpu.dma_semaphore, #tpu.memory_space<semaphore_mem>>)
      } else {
      }
      %slice3A_157 = vector.extract_strided_slice %get3A_49 {offsets = [0], sizes = [1], strides = [1]} : vector<16xf32> to vector<1xf32>
      %squeeze3A_158 = vector.extract %slice3A_157[0] : f32 from vector<1xf32>
      %broadcast_in_dim3A_159 = vector.broadcast %squeeze3A_158 : f32 to vector<16xf32>
      %eq3A = arith.constant 0 : i32
      %eq3A_160 = vector.broadcast %eq3A : i32 to vector<16xi32>
      %eq3A_161 = arith.cmpi eq, %iota3A, %eq3A_160 : vector<16xi32>
      %eq3A_162 = arith.constant 1 : i32
      %eq3A_163 = vector.broadcast %eq3A_162 : i32 to vector<16xi32>
      %eq3A_164 = arith.cmpi eq, %iota3A, %eq3A_163 : vector<16xi32>
      %jit3A_165 = arith.constant 0.000000e+00 : f32
      %broadcast_in_dim3A_166 = vector.broadcast %squeeze3A_152 : f32 to vector<16xf32>
      %broadcast_in_dim3A_167 = vector.broadcast %jit3A_165 : f32 to vector<16xf32>
      %select_n3A_168 = arith.select %eq3A_164, %broadcast_in_dim3A_166, %broadcast_in_dim3A_167 : vector<16xi1>, vector<16xf32>
      %broadcast_in_dim3A_169 = vector.broadcast %squeeze3A : f32 to vector<16xf32>
      %select_n3A_170 = arith.select %eq3A_161, %broadcast_in_dim3A_169, %select_n3A_168 : vector<16xi1>, vector<16xf32>
      %mul3A_171 = arith.mulf %select_n3A_170, %broadcast_in_dim3A_159 : vector<16xf32>
      %add3A_172 = arith.addf %mul3A_171, %get3A_5 : vector<16xf32>
      %neg3A = arith.constant 0.000000e+00 : f32
      %neg3A_173 = vector.broadcast %neg3A : f32 to vector<16xf32>
      %neg3A_174 = arith.subf %neg3A_173, %add3A_172 : vector<16xf32>
      %exp3A = math.exp %neg3A_174 : vector<16xf32>
      %add3A_175 = arith.constant 1.000000e+00 : f32
      %add3A_176 = vector.broadcast %add3A_175 : f32 to vector<16xf32>
      %add3A_177 = arith.addf %add3A_176, %exp3A : vector<16xf32>
      %div3A = arith.constant 1.000000e+00 : f32
      %div3A_178 = vector.broadcast %div3A : f32 to vector<16xf32>
      %div3A_179 = arith.divf %div3A_178, %add3A_177 : vector<16xf32>
      %eq3A_180 = arith.constant 0 : i32
      %eq3A_181 = vector.broadcast %eq3A_180 : i32 to vector<16xi32>
      %eq3A_182 = arith.cmpi eq, %iota3A, %eq3A_181 : vector<16xi32>
      %slice3A_183 = vector.extract_strided_slice %div3A_179 {offsets = [0], sizes = [1], strides = [1]} : vector<16xf32> to vector<1xf32>
      %squeeze3A_184 = vector.extract %slice3A_183[0] : f32 from vector<1xf32>
      %eq3A_185 = arith.constant 1 : i32
      %eq3A_186 = vector.broadcast %eq3A_185 : i32 to vector<16xi32>
      %eq3A_187 = arith.cmpi eq, %iota3A, %eq3A_186 : vector<16xi32>
      %slice3A_188 = vector.extract_strided_slice %div3A_179 {offsets = [1], sizes = [1], strides = [1]} : vector<16xf32> to vector<1xf32>
      %squeeze3A_189 = vector.extract %slice3A_188[0] : f32 from vector<1xf32>
      %broadcast_in_dim3A_190 = vector.broadcast %squeeze3A_189 : f32 to vector<16xf32>
      %select_n3A_191 = arith.select %eq3A_187, %broadcast_in_dim3A_190, %broadcast_in_dim3A_6 : vector<16xi1>, vector<16xf32>
      %broadcast_in_dim3A_192 = vector.broadcast %squeeze3A_184 : f32 to vector<16xf32>
      %select_n3A_193 = arith.select %eq3A_182, %broadcast_in_dim3A_192, %select_n3A_191 : vector<16xi1>, vector<16xf32>
      %mul3A_194 = arith.constant 16 : i32
      %mul3A_195 = arith.muli %scan3A_45, %mul3A_194 : i32
      %add3A_196 = arith.constant 1 : i32
      %add3A_197 = arith.addi %mul3A_195, %add3A_196 : i32
      %mul3A_198 = arith.constant 200 : i32
      %mul3A_199 = arith.muli %add3A_197, %mul3A_198 : i32
      %dma_wait3A_200 = tpu.memref_slice %arg8[%mul3A_199] : memref<25600xi32, #tpu.memory_space<vmem>> -> memref<200xi32, #tpu.memory_space<vmem>>
      %dma_wait3A_201 = arith.constant 0 : i32
      %dma_wait3A_202 = tpu.memref_slice %arg4[%dma_wait3A_201] : memref<1000000xf32, #tpu.memory_space<hbm>> -> memref<1000000xf32, #tpu.memory_space<hbm>>
      tpu.wait_indirect_dma semaphore(%arg21 : memref<!tpu.dma_semaphore, #tpu.memory_space<semaphore_mem>>) src(%dma_wait3A_202 : memref<1000000xf32, #tpu.memory_space<hbm>>) dst(%arg10 : memref<200xf32, #tpu.memory_space<vmem>>)
      %dma_wait3A_203 = tpu.memref_slice %arg8[%mul3A_199] : memref<25600xi32, #tpu.memory_space<vmem>> -> memref<200xi32, #tpu.memory_space<vmem>>
      %dma_wait3A_204 = arith.constant 0 : i32
      %dma_wait3A_205 = tpu.memref_slice %arg5[%dma_wait3A_204] : memref<1000000xf32, #tpu.memory_space<hbm>> -> memref<1000000xf32, #tpu.memory_space<hbm>>
      tpu.wait_indirect_dma semaphore(%arg25 : memref<!tpu.dma_semaphore, #tpu.memory_space<semaphore_mem>>) src(%dma_wait3A_205 : memref<1000000xf32, #tpu.memory_space<hbm>>) dst(%arg14 : memref<200xf32, #tpu.memory_space<vmem>>)
      %get3A_206 = arith.constant 0 : index
      %get3A_207 = tpu.vector_load %arg10[%get3A_206] {strides = array<i32>} : memref<200xf32, #tpu.memory_space<vmem>>, vector<16xf32>,
      %get3A_208 = arith.constant 16 : index
      %get3A_209 = tpu.vector_load %arg10[%get3A_208] {strides = array<i32>} : memref<200xf32, #tpu.memory_space<vmem>>, vector<16xf32>,
      %add3A_210 = arith.addf %get3A_207, %get3A_209 : vector<16xf32>
      %get3A_211 = arith.constant 32 : index
      %get3A_212 = tpu.vector_load %arg10[%get3A_211] {strides = array<i32>} : memref<200xf32, #tpu.memory_space<vmem>>, vector<16xf32>,
      %add3A_213 = arith.addf %add3A_210, %get3A_212 : vector<16xf32>
      %get3A_214 = arith.constant 48 : index
      %get3A_215 = tpu.vector_load %arg10[%get3A_214] {strides = array<i32>} : memref<200xf32, #tpu.memory_space<vmem>>, vector<16xf32>,
      %add3A_216 = arith.addf %add3A_213, %get3A_215 : vector<16xf32>
      %get3A_217 = arith.constant 64 : index
      %get3A_218 = tpu.vector_load %arg10[%get3A_217] {strides = array<i32>} : memref<200xf32, #tpu.memory_space<vmem>>, vector<16xf32>,
      %add3A_219 = arith.addf %add3A_216, %get3A_218 : vector<16xf32>
      %get3A_220 = arith.constant 80 : index
      %get3A_221 = tpu.vector_load %arg10[%get3A_220] {strides = array<i32>} : memref<200xf32, #tpu.memory_space<vmem>>, vector<16xf32>,
      %add3A_222 = arith.addf %add3A_219, %get3A_221 : vector<16xf32>
      %get3A_223 = arith.constant 96 : index
      %get3A_224 = tpu.vector_load %arg10[%get3A_223] {strides = array<i32>} : memref<200xf32, #tpu.memory_space<vmem>>, vector<16xf32>,
      %add3A_225 = arith.addf %add3A_222, %get3A_224 : vector<16xf32>
      %get3A_226 = arith.constant 112 : index
      %get3A_227 = tpu.vector_load %arg10[%get3A_226] {strides = array<i32>} : memref<200xf32, #tpu.memory_space<vmem>>, vector<16xf32>,
      %add3A_228 = arith.addf %add3A_225, %get3A_227 : vector<16xf32>
      %get3A_229 = arith.constant 128 : index
      %get3A_230 = tpu.vector_load %arg10[%get3A_229] {strides = array<i32>} : memref<200xf32, #tpu.memory_space<vmem>>, vector<16xf32>,
      %add3A_231 = arith.addf %add3A_228, %get3A_230 : vector<16xf32>
      %get3A_232 = arith.constant 144 : index
      %get3A_233 = tpu.vector_load %arg10[%get3A_232] {strides = array<i32>} : memref<200xf32, #tpu.memory_space<vmem>>, vector<16xf32>,
      %add3A_234 = arith.addf %add3A_231, %get3A_233 : vector<16xf32>
      %get3A_235 = arith.constant 160 : index
      %get3A_236 = tpu.vector_load %arg10[%get3A_235] {strides = array<i32>} : memref<200xf32, #tpu.memory_space<vmem>>, vector<16xf32>,
      %add3A_237 = arith.addf %add3A_234, %get3A_236 : vector<16xf32>
      %get3A_238 = arith.constant 176 : index
      %get3A_239 = tpu.vector_load %arg10[%get3A_238] {strides = array<i32>} : memref<200xf32, #tpu.memory_space<vmem>>, vector<16xf32>,
      %add3A_240 = arith.addf %add3A_237, %get3A_239 : vector<16xf32>
      %get3A_241 = arith.constant 184 : index
      %get3A_242 = tpu.vector_load %arg10[%get3A_241] {strides = array<i32>} : memref<200xf32, #tpu.memory_space<vmem>>, vector<16xf32>,
      %ge3A_243 = arith.constant 8 : i32
      %ge3A_244 = vector.broadcast %ge3A_243 : i32 to vector<16xi32>
      %ge3A_245 = arith.cmpi sge, %iota3A, %ge3A_244 : vector<16xi32>
      %jit3A_246 = arith.constant 0.000000e+00 : f32
      %broadcast_in_dim3A_247 = vector.broadcast %jit3A_246 : f32 to vector<16xf32>
      %select_n3A_248 = arith.select %ge3A_245, %get3A_242, %broadcast_in_dim3A_247 : vector<16xi1>, vector<16xf32>
      %add3A_249 = arith.addf %add3A_240, %select_n3A_248 : vector<16xf32>
      %broadcast_in_dim3A_250 = arith.constant true
      %broadcast_in_dim3A_251 = vector.broadcast %broadcast_in_dim3A_250 : i1 to vector<16xi1>
      %masked_cumsum3A_252 = tpu.scan <sum>, %add3A_249 masked %broadcast_in_dim3A_251 : vector<16xf32>, vector<16xi1> -> vector<16xf32>
      %slice3A_253 = vector.extract_strided_slice %masked_cumsum3A_252 {offsets = [15], sizes = [1], strides = [1]} : vector<16xf32> to vector<1xf32>
      %squeeze3A_254 = vector.extract %slice3A_253[0] : f32 from vector<1xf32>
      %get3A_255 = arith.constant 0 : index
      %get3A_256 = tpu.vector_load %arg14[%get3A_255] {strides = array<i32>} : memref<200xf32, #tpu.memory_space<vmem>>, vector<16xf32>,
      %get3A_257 = arith.constant 16 : index
      %get3A_258 = tpu.vector_load %arg14[%get3A_257] {strides = array<i32>} : memref<200xf32, #tpu.memory_space<vmem>>, vector<16xf32>,
      %add3A_259 = arith.addf %get3A_256, %get3A_258 : vector<16xf32>
      %get3A_260 = arith.constant 32 : index
      %get3A_261 = tpu.vector_load %arg14[%get3A_260] {strides = array<i32>} : memref<200xf32, #tpu.memory_space<vmem>>, vector<16xf32>,
      %add3A_262 = arith.addf %add3A_259, %get3A_261 : vector<16xf32>
      %get3A_263 = arith.constant 48 : index
      %get3A_264 = tpu.vector_load %arg14[%get3A_263] {strides = array<i32>} : memref<200xf32, #tpu.memory_space<vmem>>, vector<16xf32>,
      %add3A_265 = arith.addf %add3A_262, %get3A_264 : vector<16xf32>
      %get3A_266 = arith.constant 64 : index
      %get3A_267 = tpu.vector_load %arg14[%get3A_266] {strides = array<i32>} : memref<200xf32, #tpu.memory_space<vmem>>, vector<16xf32>,
      %add3A_268 = arith.addf %add3A_265, %get3A_267 : vector<16xf32>
      %get3A_269 = arith.constant 80 : index
      %get3A_270 = tpu.vector_load %arg14[%get3A_269] {strides = array<i32>} : memref<200xf32, #tpu.memory_space<vmem>>, vector<16xf32>,
      %add3A_271 = arith.addf %add3A_268, %get3A_270 : vector<16xf32>
      %get3A_272 = arith.constant 96 : index
      %get3A_273 = tpu.vector_load %arg14[%get3A_272] {strides = array<i32>} : memref<200xf32, #tpu.memory_space<vmem>>, vector<16xf32>,
      %add3A_274 = arith.addf %add3A_271, %get3A_273 : vector<16xf32>
      %get3A_275 = arith.constant 112 : index
      %get3A_276 = tpu.vector_load %arg14[%get3A_275] {strides = array<i32>} : memref<200xf32, #tpu.memory_space<vmem>>, vector<16xf32>,
      %add3A_277 = arith.addf %add3A_274, %get3A_276 : vector<16xf32>
      %get3A_278 = arith.constant 128 : index
      %get3A_279 = tpu.vector_load %arg14[%get3A_278] {strides = array<i32>} : memref<200xf32, #tpu.memory_space<vmem>>, vector<16xf32>,
      %add3A_280 = arith.addf %add3A_277, %get3A_279 : vector<16xf32>
      %get3A_281 = arith.constant 144 : index
      %get3A_282 = tpu.vector_load %arg14[%get3A_281] {strides = array<i32>} : memref<200xf32, #tpu.memory_space<vmem>>, vector<16xf32>,
      %add3A_283 = arith.addf %add3A_280, %get3A_282 : vector<16xf32>
      %get3A_284 = arith.constant 160 : index
      %get3A_285 = tpu.vector_load %arg14[%get3A_284] {strides = array<i32>} : memref<200xf32, #tpu.memory_space<vmem>>, vector<16xf32>,
      %add3A_286 = arith.addf %add3A_283, %get3A_285 : vector<16xf32>
      %get3A_287 = arith.constant 176 : index
      %get3A_288 = tpu.vector_load %arg14[%get3A_287] {strides = array<i32>} : memref<200xf32, #tpu.memory_space<vmem>>, vector<16xf32>,
      %add3A_289 = arith.addf %add3A_286, %get3A_288 : vector<16xf32>
      %get3A_290 = arith.constant 184 : index
      %get3A_291 = tpu.vector_load %arg14[%get3A_290] {strides = array<i32>} : memref<200xf32, #tpu.memory_space<vmem>>, vector<16xf32>,
      %ge3A_292 = arith.constant 8 : i32
      %ge3A_293 = vector.broadcast %ge3A_292 : i32 to vector<16xi32>
      %ge3A_294 = arith.cmpi sge, %iota3A, %ge3A_293 : vector<16xi32>
      %jit3A_295 = arith.constant 0.000000e+00 : f32
      %broadcast_in_dim3A_296 = vector.broadcast %jit3A_295 : f32 to vector<16xf32>
      %select_n3A_297 = arith.select %ge3A_294, %get3A_291, %broadcast_in_dim3A_296 : vector<16xi1>, vector<16xf32>
      %add3A_298 = arith.addf %add3A_289, %select_n3A_297 : vector<16xf32>
      %broadcast_in_dim3A_299 = arith.constant true
      %broadcast_in_dim3A_300 = vector.broadcast %broadcast_in_dim3A_299 : i1 to vector<16xi1>
      %masked_cumsum3A_301 = tpu.scan <sum>, %add3A_298 masked %broadcast_in_dim3A_300 : vector<16xf32>, vector<16xi1> -> vector<16xf32>
      %slice3A_302 = vector.extract_strided_slice %masked_cumsum3A_301 {offsets = [15], sizes = [1], strides = [1]} : vector<16xf32> to vector<1xf32>
      %squeeze3A_303 = vector.extract %slice3A_302[0] : f32 from vector<1xf32>
      %add3A_304 = arith.constant 4 : i32
      %add3A_305 = arith.addi %add3A_197, %add3A_304 : i32
      %lt3A_306 = arith.constant 128 : i32
      %lt3A_307 = arith.cmpi slt, %add3A_305, %lt3A_306 : i32
      %convert_element_type3A_308 = arith.extui %lt3A_307 : i1 to i32
      %cond3A_309 = arith.constant 0 : i32
      %cond3A_310 = arith.cmpi ne, %convert_element_type3A_308, %cond3A_309 : i32
      scf.if %cond3A_310 {
        %mul3A_2579 = arith.constant 200 : i32
        %mul3A_2580 = arith.muli %add3A_305, %mul3A_2579 : i32
        %dma_start3A_2581 = tpu.memref_slice %arg8[%mul3A_2580] : memref<25600xi32, #tpu.memory_space<vmem>> -> memref<200xi32, #tpu.memory_space<vmem>>
        %dma_start3A_2582 = arith.constant 0 : i32
        %dma_start3A_2583 = tpu.memref_slice %arg4[%dma_start3A_2582] : memref<1000000xf32, #tpu.memory_space<hbm>> -> memref<1000000xf32, #tpu.memory_space<hbm>>
        tpu.enqueue_indirect_dma source(%dma_start3A_2583 : memref<1000000xf32, #tpu.memory_space<hbm>>) target(%arg10 : memref<200xf32, #tpu.memory_space<vmem>>) offsets(%dma_start3A_2581 : memref<200xi32, #tpu.memory_space<vmem>>) semaphore(%arg21 : memref<!tpu.dma_semaphore, #tpu.memory_space<semaphore_mem>>)
        %dma_start3A_2584 = tpu.memref_slice %arg8[%mul3A_2580] : memref<25600xi32, #tpu.memory_space<vmem>> -> memref<200xi32, #tpu.memory_space<vmem>>
        %dma_start3A_2585 = arith.constant 0 : i32
        %dma_start3A_2586 = tpu.memref_slice %arg5[%dma_start3A_2585] : memref<1000000xf32, #tpu.memory_space<hbm>> -> memref<1000000xf32, #tpu.memory_space<hbm>>
        tpu.enqueue_indirect_dma source(%dma_start3A_2586 : memref<1000000xf32, #tpu.memory_space<hbm>>) target(%arg14 : memref<200xf32, #tpu.memory_space<vmem>>) offsets(%dma_start3A_2584 : memref<200xi32, #tpu.memory_space<vmem>>) semaphore(%arg25 : memref<!tpu.dma_semaphore, #tpu.memory_space<semaphore_mem>>)
      } else {
      }
      %slice3A_311 = vector.extract_strided_slice %get3A_49 {offsets = [1], sizes = [1], strides = [1]} : vector<16xf32> to vector<1xf32>
      %squeeze3A_312 = vector.extract %slice3A_311[0] : f32 from vector<1xf32>
      %broadcast_in_dim3A_313 = vector.broadcast %squeeze3A_312 : f32 to vector<16xf32>
      %eq3A_314 = arith.constant 0 : i32
      %eq3A_315 = vector.broadcast %eq3A_314 : i32 to vector<16xi32>
      %eq3A_316 = arith.cmpi eq, %iota3A, %eq3A_315 : vector<16xi32>
      %eq3A_317 = arith.constant 1 : i32
      %eq3A_318 = vector.broadcast %eq3A_317 : i32 to vector<16xi32>
      %eq3A_319 = arith.cmpi eq, %iota3A, %eq3A_318 : vector<16xi32>
      %jit3A_320 = arith.constant 0.000000e+00 : f32
      %broadcast_in_dim3A_321 = vector.broadcast %squeeze3A_303 : f32 to vector<16xf32>
      %broadcast_in_dim3A_322 = vector.broadcast %jit3A_320 : f32 to vector<16xf32>
      %select_n3A_323 = arith.select %eq3A_319, %broadcast_in_dim3A_321, %broadcast_in_dim3A_322 : vector<16xi1>, vector<16xf32>
      %broadcast_in_dim3A_324 = vector.broadcast %squeeze3A_254 : f32 to vector<16xf32>
      %select_n3A_325 = arith.select %eq3A_316, %broadcast_in_dim3A_324, %select_n3A_323 : vector<16xi1>, vector<16xf32>
      %mul3A_326 = arith.mulf %select_n3A_325, %broadcast_in_dim3A_313 : vector<16xf32>
      %add3A_327 = arith.addf %mul3A_326, %get3A_5 : vector<16xf32>
      %neg3A_328 = arith.constant 0.000000e+00 : f32
      %neg3A_329 = vector.broadcast %neg3A_328 : f32 to vector<16xf32>
      %neg3A_330 = arith.subf %neg3A_329, %add3A_327 : vector<16xf32>
      %exp3A_331 = math.exp %neg3A_330 : vector<16xf32>
      %add3A_332 = arith.constant 1.000000e+00 : f32
      %add3A_333 = vector.broadcast %add3A_332 : f32 to vector<16xf32>
      %add3A_334 = arith.addf %add3A_333, %exp3A_331 : vector<16xf32>
      %div3A_335 = arith.constant 1.000000e+00 : f32
      %div3A_336 = vector.broadcast %div3A_335 : f32 to vector<16xf32>
      %div3A_337 = arith.divf %div3A_336, %add3A_334 : vector<16xf32>
      %eq3A_338 = arith.constant 2 : i32
      %eq3A_339 = vector.broadcast %eq3A_338 : i32 to vector<16xi32>
      %eq3A_340 = arith.cmpi eq, %iota3A, %eq3A_339 : vector<16xi32>
      %slice3A_341 = vector.extract_strided_slice %div3A_337 {offsets = [0], sizes = [1], strides = [1]} : vector<16xf32> to vector<1xf32>
      %squeeze3A_342 = vector.extract %slice3A_341[0] : f32 from vector<1xf32>
      %eq3A_343 = arith.constant 3 : i32
      %eq3A_344 = vector.broadcast %eq3A_343 : i32 to vector<16xi32>
      %eq3A_345 = arith.cmpi eq, %iota3A, %eq3A_344 : vector<16xi32>
      %slice3A_346 = vector.extract_strided_slice %div3A_337 {offsets = [1], sizes = [1], strides = [1]} : vector<16xf32> to vector<1xf32>
      %squeeze3A_347 = vector.extract %slice3A_346[0] : f32 from vector<1xf32>
      %broadcast_in_dim3A_348 = vector.broadcast %squeeze3A_347 : f32 to vector<16xf32>
      %select_n3A_349 = arith.select %eq3A_345, %broadcast_in_dim3A_348, %select_n3A_193 : vector<16xi1>, vector<16xf32>
      %broadcast_in_dim3A_350 = vector.broadcast %squeeze3A_342 : f32 to vector<16xf32>
      %select_n3A_351 = arith.select %eq3A_340, %broadcast_in_dim3A_350, %select_n3A_349 : vector<16xi1>, vector<16xf32>
      %mul3A_352 = arith.constant 16 : i32
      %mul3A_353 = arith.muli %scan3A_45, %mul3A_352 : i32
      %add3A_354 = arith.constant 2 : i32
      %add3A_355 = arith.addi %mul3A_353, %add3A_354 : i32
      %mul3A_356 = arith.constant 200 : i32
      %mul3A_357 = arith.muli %add3A_355, %mul3A_356 : i32
      %dma_wait3A_358 = tpu.memref_slice %arg8[%mul3A_357] : memref<25600xi32, #tpu.memory_space<vmem>> -> memref<200xi32, #tpu.memory_space<vmem>>
      %dma_wait3A_359 = arith.constant 0 : i32
      %dma_wait3A_360 = tpu.memref_slice %arg4[%dma_wait3A_359] : memref<1000000xf32, #tpu.memory_space<hbm>> -> memref<1000000xf32, #tpu.memory_space<hbm>>
      tpu.wait_indirect_dma semaphore(%arg22 : memref<!tpu.dma_semaphore, #tpu.memory_space<semaphore_mem>>) src(%dma_wait3A_360 : memref<1000000xf32, #tpu.memory_space<hbm>>) dst(%arg11 : memref<200xf32, #tpu.memory_space<vmem>>)
      %dma_wait3A_361 = tpu.memref_slice %arg8[%mul3A_357] : memref<25600xi32, #tpu.memory_space<vmem>> -> memref<200xi32, #tpu.memory_space<vmem>>
      %dma_wait3A_362 = arith.constant 0 : i32
      %dma_wait3A_363 = tpu.memref_slice %arg5[%dma_wait3A_362] : memref<1000000xf32, #tpu.memory_space<hbm>> -> memref<1000000xf32, #tpu.memory_space<hbm>>
      tpu.wait_indirect_dma semaphore(%arg26 : memref<!tpu.dma_semaphore, #tpu.memory_space<semaphore_mem>>) src(%dma_wait3A_363 : memref<1000000xf32, #tpu.memory_space<hbm>>) dst(%arg15 : memref<200xf32, #tpu.memory_space<vmem>>)
      %get3A_364 = arith.constant 0 : index
      %get3A_365 = tpu.vector_load %arg11[%get3A_364] {strides = array<i32>} : memref<200xf32, #tpu.memory_space<vmem>>, vector<16xf32>,
      %get3A_366 = arith.constant 16 : index
      %get3A_367 = tpu.vector_load %arg11[%get3A_366] {strides = array<i32>} : memref<200xf32, #tpu.memory_space<vmem>>, vector<16xf32>,
      %add3A_368 = arith.addf %get3A_365, %get3A_367 : vector<16xf32>
      %get3A_369 = arith.constant 32 : index
      %get3A_370 = tpu.vector_load %arg11[%get3A_369] {strides = array<i32>} : memref<200xf32, #tpu.memory_space<vmem>>, vector<16xf32>,
      %add3A_371 = arith.addf %add3A_368, %get3A_370 : vector<16xf32>
      %get3A_372 = arith.constant 48 : index
      %get3A_373 = tpu.vector_load %arg11[%get3A_372] {strides = array<i32>} : memref<200xf32, #tpu.memory_space<vmem>>, vector<16xf32>,
      %add3A_374 = arith.addf %add3A_371, %get3A_373 : vector<16xf32>
      %get3A_375 = arith.constant 64 : index
      %get3A_376 = tpu.vector_load %arg11[%get3A_375] {strides = array<i32>} : memref<200xf32, #tpu.memory_space<vmem>>, vector<16xf32>,
      %add3A_377 = arith.addf %add3A_374, %get3A_376 : vector<16xf32>
      %get3A_378 = arith.constant 80 : index
      %get3A_379 = tpu.vector_load %arg11[%get3A_378] {strides = array<i32>} : memref<200xf32, #tpu.memory_space<vmem>>, vector<16xf32>,
      %add3A_380 = arith.addf %add3A_377, %get3A_379 : vector<16xf32>
      %get3A_381 = arith.constant 96 : index
      %get3A_382 = tpu.vector_load %arg11[%get3A_381] {strides = array<i32>} : memref<200xf32, #tpu.memory_space<vmem>>, vector<16xf32>,
      %add3A_383 = arith.addf %add3A_380, %get3A_382 : vector<16xf32>
      %get3A_384 = arith.constant 112 : index
      %get3A_385 = tpu.vector_load %arg11[%get3A_384] {strides = array<i32>} : memref<200xf32, #tpu.memory_space<vmem>>, vector<16xf32>,
      %add3A_386 = arith.addf %add3A_383, %get3A_385 : vector<16xf32>
      %get3A_387 = arith.constant 128 : index
      %get3A_388 = tpu.vector_load %arg11[%get3A_387] {strides = array<i32>} : memref<200xf32, #tpu.memory_space<vmem>>, vector<16xf32>,
      %add3A_389 = arith.addf %add3A_386, %get3A_388 : vector<16xf32>
      %get3A_390 = arith.constant 144 : index
      %get3A_391 = tpu.vector_load %arg11[%get3A_390] {strides = array<i32>} : memref<200xf32, #tpu.memory_space<vmem>>, vector<16xf32>,
      %add3A_392 = arith.addf %add3A_389, %get3A_391 : vector<16xf32>
      %get3A_393 = arith.constant 160 : index
      %get3A_394 = tpu.vector_load %arg11[%get3A_393] {strides = array<i32>} : memref<200xf32, #tpu.memory_space<vmem>>, vector<16xf32>,
      %add3A_395 = arith.addf %add3A_392, %get3A_394 : vector<16xf32>
      %get3A_396 = arith.constant 176 : index
      %get3A_397 = tpu.vector_load %arg11[%get3A_396] {strides = array<i32>} : memref<200xf32, #tpu.memory_space<vmem>>, vector<16xf32>,
      %add3A_398 = arith.addf %add3A_395, %get3A_397 : vector<16xf32>
      %get3A_399 = arith.constant 184 : index
      %get3A_400 = tpu.vector_load %arg11[%get3A_399] {strides = array<i32>} : memref<200xf32, #tpu.memory_space<vmem>>, vector<16xf32>,
      %ge3A_401 = arith.constant 8 : i32
      %ge3A_402 = vector.broadcast %ge3A_401 : i32 to vector<16xi32>
      %ge3A_403 = arith.cmpi sge, %iota3A, %ge3A_402 : vector<16xi32>
      %jit3A_404 = arith.constant 0.000000e+00 : f32
      %broadcast_in_dim3A_405 = vector.broadcast %jit3A_404 : f32 to vector<16xf32>
      %select_n3A_406 = arith.select %ge3A_403, %get3A_400, %broadcast_in_dim3A_405 : vector<16xi1>, vector<16xf32>
      %add3A_407 = arith.addf %add3A_398, %select_n3A_406 : vector<16xf32>
      %broadcast_in_dim3A_408 = arith.constant true
      %broadcast_in_dim3A_409 = vector.broadcast %broadcast_in_dim3A_408 : i1 to vector<16xi1>
      %masked_cumsum3A_410 = tpu.scan <sum>, %add3A_407 masked %broadcast_in_dim3A_409 : vector<16xf32>, vector<16xi1> -> vector<16xf32>
      %slice3A_411 = vector.extract_strided_slice %masked_cumsum3A_410 {offsets = [15], sizes = [1], strides = [1]} : vector<16xf32> to vector<1xf32>
      %squeeze3A_412 = vector.extract %slice3A_411[0] : f32 from vector<1xf32>
      %get3A_413 = arith.constant 0 : index
      %get3A_414 = tpu.vector_load %arg15[%get3A_413] {strides = array<i32>} : memref<200xf32, #tpu.memory_space<vmem>>, vector<16xf32>,
      %get3A_415 = arith.constant 16 : index
      %get3A_416 = tpu.vector_load %arg15[%get3A_415] {strides = array<i32>} : memref<200xf32, #tpu.memory_space<vmem>>, vector<16xf32>,
      %add3A_417 = arith.addf %get3A_414, %get3A_416 : vector<16xf32>
      %get3A_418 = arith.constant 32 : index
      %get3A_419 = tpu.vector_load %arg15[%get3A_418] {strides = array<i32>} : memref<200xf32, #tpu.memory_space<vmem>>, vector<16xf32>,
      %add3A_420 = arith.addf %add3A_417, %get3A_419 : vector<16xf32>
      %get3A_421 = arith.constant 48 : index
      %get3A_422 = tpu.vector_load %arg15[%get3A_421] {strides = array<i32>} : memref<200xf32, #tpu.memory_space<vmem>>, vector<16xf32>,
      %add3A_423 = arith.addf %add3A_420, %get3A_422 : vector<16xf32>
      %get3A_424 = arith.constant 64 : index
      %get3A_425 = tpu.vector_load %arg15[%get3A_424] {strides = array<i32>} : memref<200xf32, #tpu.memory_space<vmem>>, vector<16xf32>,
      %add3A_426 = arith.addf %add3A_423, %get3A_425 : vector<16xf32>
      %get3A_427 = arith.constant 80 : index
      %get3A_428 = tpu.vector_load %arg15[%get3A_427] {strides = array<i32>} : memref<200xf32, #tpu.memory_space<vmem>>, vector<16xf32>,
      %add3A_429 = arith.addf %add3A_426, %get3A_428 : vector<16xf32>
      %get3A_430 = arith.constant 96 : index
      %get3A_431 = tpu.vector_load %arg15[%get3A_430] {strides = array<i32>} : memref<200xf32, #tpu.memory_space<vmem>>, vector<16xf32>,
      %add3A_432 = arith.addf %add3A_429, %get3A_431 : vector<16xf32>
      %get3A_433 = arith.constant 112 : index
      %get3A_434 = tpu.vector_load %arg15[%get3A_433] {strides = array<i32>} : memref<200xf32, #tpu.memory_space<vmem>>, vector<16xf32>,
      %add3A_435 = arith.addf %add3A_432, %get3A_434 : vector<16xf32>
      %get3A_436 = arith.constant 128 : index
      %get3A_437 = tpu.vector_load %arg15[%get3A_436] {strides = array<i32>} : memref<200xf32, #tpu.memory_space<vmem>>, vector<16xf32>,
      %add3A_438 = arith.addf %add3A_435, %get3A_437 : vector<16xf32>
      %get3A_439 = arith.constant 144 : index
      %get3A_440 = tpu.vector_load %arg15[%get3A_439] {strides = array<i32>} : memref<200xf32, #tpu.memory_space<vmem>>, vector<16xf32>,
      %add3A_441 = arith.addf %add3A_438, %get3A_440 : vector<16xf32>
      %get3A_442 = arith.constant 160 : index
      %get3A_443 = tpu.vector_load %arg15[%get3A_442] {strides = array<i32>} : memref<200xf32, #tpu.memory_space<vmem>>, vector<16xf32>,
      %add3A_444 = arith.addf %add3A_441, %get3A_443 : vector<16xf32>
      %get3A_445 = arith.constant 176 : index
      %get3A_446 = tpu.vector_load %arg15[%get3A_445] {strides = array<i32>} : memref<200xf32, #tpu.memory_space<vmem>>, vector<16xf32>,
      %add3A_447 = arith.addf %add3A_444, %get3A_446 : vector<16xf32>
      %get3A_448 = arith.constant 184 : index
      %get3A_449 = tpu.vector_load %arg15[%get3A_448] {strides = array<i32>} : memref<200xf32, #tpu.memory_space<vmem>>, vector<16xf32>,
      %ge3A_450 = arith.constant 8 : i32
      %ge3A_451 = vector.broadcast %ge3A_450 : i32 to vector<16xi32>
      %ge3A_452 = arith.cmpi sge, %iota3A, %ge3A_451 : vector<16xi32>
      %jit3A_453 = arith.constant 0.000000e+00 : f32
      %broadcast_in_dim3A_454 = vector.broadcast %jit3A_453 : f32 to vector<16xf32>
      %select_n3A_455 = arith.select %ge3A_452, %get3A_449, %broadcast_in_dim3A_454 : vector<16xi1>, vector<16xf32>
      %add3A_456 = arith.addf %add3A_447, %select_n3A_455 : vector<16xf32>
      %broadcast_in_dim3A_457 = arith.constant true
      %broadcast_in_dim3A_458 = vector.broadcast %broadcast_in_dim3A_457 : i1 to vector<16xi1>
      %masked_cumsum3A_459 = tpu.scan <sum>, %add3A_456 masked %broadcast_in_dim3A_458 : vector<16xf32>, vector<16xi1> -> vector<16xf32>
      %slice3A_460 = vector.extract_strided_slice %masked_cumsum3A_459 {offsets = [15], sizes = [1], strides = [1]} : vector<16xf32> to vector<1xf32>
      %squeeze3A_461 = vector.extract %slice3A_460[0] : f32 from vector<1xf32>
      %add3A_462 = arith.constant 4 : i32
      %add3A_463 = arith.addi %add3A_355, %add3A_462 : i32
      %lt3A_464 = arith.constant 128 : i32
      %lt3A_465 = arith.cmpi slt, %add3A_463, %lt3A_464 : i32
      %convert_element_type3A_466 = arith.extui %lt3A_465 : i1 to i32
      %cond3A_467 = arith.constant 0 : i32
      %cond3A_468 = arith.cmpi ne, %convert_element_type3A_466, %cond3A_467 : i32
      scf.if %cond3A_468 {
        %mul3A_2579 = arith.constant 200 : i32
        %mul3A_2580 = arith.muli %add3A_463, %mul3A_2579 : i32
        %dma_start3A_2581 = tpu.memref_slice %arg8[%mul3A_2580] : memref<25600xi32, #tpu.memory_space<vmem>> -> memref<200xi32, #tpu.memory_space<vmem>>
        %dma_start3A_2582 = arith.constant 0 : i32
        %dma_start3A_2583 = tpu.memref_slice %arg4[%dma_start3A_2582] : memref<1000000xf32, #tpu.memory_space<hbm>> -> memref<1000000xf32, #tpu.memory_space<hbm>>
        tpu.enqueue_indirect_dma source(%dma_start3A_2583 : memref<1000000xf32, #tpu.memory_space<hbm>>) target(%arg11 : memref<200xf32, #tpu.memory_space<vmem>>) offsets(%dma_start3A_2581 : memref<200xi32, #tpu.memory_space<vmem>>) semaphore(%arg22 : memref<!tpu.dma_semaphore, #tpu.memory_space<semaphore_mem>>)
        %dma_start3A_2584 = tpu.memref_slice %arg8[%mul3A_2580] : memref<25600xi32, #tpu.memory_space<vmem>> -> memref<200xi32, #tpu.memory_space<vmem>>
        %dma_start3A_2585 = arith.constant 0 : i32
        %dma_start3A_2586 = tpu.memref_slice %arg5[%dma_start3A_2585] : memref<1000000xf32, #tpu.memory_space<hbm>> -> memref<1000000xf32, #tpu.memory_space<hbm>>
        tpu.enqueue_indirect_dma source(%dma_start3A_2586 : memref<1000000xf32, #tpu.memory_space<hbm>>) target(%arg15 : memref<200xf32, #tpu.memory_space<vmem>>) offsets(%dma_start3A_2584 : memref<200xi32, #tpu.memory_space<vmem>>) semaphore(%arg26 : memref<!tpu.dma_semaphore, #tpu.memory_space<semaphore_mem>>)
      } else {
      }
      %slice3A_469 = vector.extract_strided_slice %get3A_49 {offsets = [2], sizes = [1], strides = [1]} : vector<16xf32> to vector<1xf32>
      %squeeze3A_470 = vector.extract %slice3A_469[0] : f32 from vector<1xf32>
      %broadcast_in_dim3A_471 = vector.broadcast %squeeze3A_470 : f32 to vector<16xf32>
      %eq3A_472 = arith.constant 0 : i32
      %eq3A_473 = vector.broadcast %eq3A_472 : i32 to vector<16xi32>
      %eq3A_474 = arith.cmpi eq, %iota3A, %eq3A_473 : vector<16xi32>
      %eq3A_475 = arith.constant 1 : i32
      %eq3A_476 = vector.broadcast %eq3A_475 : i32 to vector<16xi32>
      %eq3A_477 = arith.cmpi eq, %iota3A, %eq3A_476 : vector<16xi32>
      %jit3A_478 = arith.constant 0.000000e+00 : f32
      %broadcast_in_dim3A_479 = vector.broadcast %squeeze3A_461 : f32 to vector<16xf32>
      %broadcast_in_dim3A_480 = vector.broadcast %jit3A_478 : f32 to vector<16xf32>
      %select_n3A_481 = arith.select %eq3A_477, %broadcast_in_dim3A_479, %broadcast_in_dim3A_480 : vector<16xi1>, vector<16xf32>
      %broadcast_in_dim3A_482 = vector.broadcast %squeeze3A_412 : f32 to vector<16xf32>
      %select_n3A_483 = arith.select %eq3A_474, %broadcast_in_dim3A_482, %select_n3A_481 : vector<16xi1>, vector<16xf32>
      %mul3A_484 = arith.mulf %select_n3A_483, %broadcast_in_dim3A_471 : vector<16xf32>
      %add3A_485 = arith.addf %mul3A_484, %get3A_5 : vector<16xf32>
      %neg3A_486 = arith.constant 0.000000e+00 : f32
      %neg3A_487 = vector.broadcast %neg3A_486 : f32 to vector<16xf32>
      %neg3A_488 = arith.subf %neg3A_487, %add3A_485 : vector<16xf32>
      %exp3A_489 = math.exp %neg3A_488 : vector<16xf32>
      %add3A_490 = arith.constant 1.000000e+00 : f32
      %add3A_491 = vector.broadcast %add3A_490 : f32 to vector<16xf32>
      %add3A_492 = arith.addf %add3A_491, %exp3A_489 : vector<16xf32>
      %div3A_493 = arith.constant 1.000000e+00 : f32
      %div3A_494 = vector.broadcast %div3A_493 : f32 to vector<16xf32>
      %div3A_495 = arith.divf %div3A_494, %add3A_492 : vector<16xf32>
      %eq3A_496 = arith.constant 4 : i32
      %eq3A_497 = vector.broadcast %eq3A_496 : i32 to vector<16xi32>
      %eq3A_498 = arith.cmpi eq, %iota3A, %eq3A_497 : vector<16xi32>
      %slice3A_499 = vector.extract_strided_slice %div3A_495 {offsets = [0], sizes = [1], strides = [1]} : vector<16xf32> to vector<1xf32>
      %squeeze3A_500 = vector.extract %slice3A_499[0] : f32 from vector<1xf32>
      %eq3A_501 = arith.constant 5 : i32
      %eq3A_502 = vector.broadcast %eq3A_501 : i32 to vector<16xi32>
      %eq3A_503 = arith.cmpi eq, %iota3A, %eq3A_502 : vector<16xi32>
      %slice3A_504 = vector.extract_strided_slice %div3A_495 {offsets = [1], sizes = [1], strides = [1]} : vector<16xf32> to vector<1xf32>
      %squeeze3A_505 = vector.extract %slice3A_504[0] : f32 from vector<1xf32>
      %broadcast_in_dim3A_506 = vector.broadcast %squeeze3A_505 : f32 to vector<16xf32>
      %select_n3A_507 = arith.select %eq3A_503, %broadcast_in_dim3A_506, %select_n3A_351 : vector<16xi1>, vector<16xf32>
      %broadcast_in_dim3A_508 = vector.broadcast %squeeze3A_500 : f32 to vector<16xf32>
      %select_n3A_509 = arith.select %eq3A_498, %broadcast_in_dim3A_508, %select_n3A_507 : vector<16xi1>, vector<16xf32>
      %mul3A_510 = arith.constant 16 : i32
      %mul3A_511 = arith.muli %scan3A_45, %mul3A_510 : i32
      %add3A_512 = arith.constant 3 : i32
      %add3A_513 = arith.addi %mul3A_511, %add3A_512 : i32
      %mul3A_514 = arith.constant 200 : i32
      %mul3A_515 = arith.muli %add3A_513, %mul3A_514 : i32
      %dma_wait3A_516 = tpu.memref_slice %arg8[%mul3A_515] : memref<25600xi32, #tpu.memory_space<vmem>> -> memref<200xi32, #tpu.memory_space<vmem>>
      %dma_wait3A_517 = arith.constant 0 : i32
      %dma_wait3A_518 = tpu.memref_slice %arg4[%dma_wait3A_517] : memref<1000000xf32, #tpu.memory_space<hbm>> -> memref<1000000xf32, #tpu.memory_space<hbm>>
      tpu.wait_indirect_dma semaphore(%arg23 : memref<!tpu.dma_semaphore, #tpu.memory_space<semaphore_mem>>) src(%dma_wait3A_518 : memref<1000000xf32, #tpu.memory_space<hbm>>) dst(%arg12 : memref<200xf32, #tpu.memory_space<vmem>>)
      %dma_wait3A_519 = tpu.memref_slice %arg8[%mul3A_515] : memref<25600xi32, #tpu.memory_space<vmem>> -> memref<200xi32, #tpu.memory_space<vmem>>
      %dma_wait3A_520 = arith.constant 0 : i32
      %dma_wait3A_521 = tpu.memref_slice %arg5[%dma_wait3A_520] : memref<1000000xf32, #tpu.memory_space<hbm>> -> memref<1000000xf32, #tpu.memory_space<hbm>>
      tpu.wait_indirect_dma semaphore(%arg27 : memref<!tpu.dma_semaphore, #tpu.memory_space<semaphore_mem>>) src(%dma_wait3A_521 : memref<1000000xf32, #tpu.memory_space<hbm>>) dst(%arg16 : memref<200xf32, #tpu.memory_space<vmem>>)
      %get3A_522 = arith.constant 0 : index
      %get3A_523 = tpu.vector_load %arg12[%get3A_522] {strides = array<i32>} : memref<200xf32, #tpu.memory_space<vmem>>, vector<16xf32>,
      %get3A_524 = arith.constant 16 : index
      %get3A_525 = tpu.vector_load %arg12[%get3A_524] {strides = array<i32>} : memref<200xf32, #tpu.memory_space<vmem>>, vector<16xf32>,
      %add3A_526 = arith.addf %get3A_523, %get3A_525 : vector<16xf32>
      %get3A_527 = arith.constant 32 : index
      %get3A_528 = tpu.vector_load %arg12[%get3A_527] {strides = array<i32>} : memref<200xf32, #tpu.memory_space<vmem>>, vector<16xf32>,
      %add3A_529 = arith.addf %add3A_526, %get3A_528 : vector<16xf32>
      %get3A_530 = arith.constant 48 : index
      %get3A_531 = tpu.vector_load %arg12[%get3A_530] {strides = array<i32>} : memref<200xf32, #tpu.memory_space<vmem>>, vector<16xf32>,
      %add3A_532 = arith.addf %add3A_529, %get3A_531 : vector<16xf32>
      %get3A_533 = arith.constant 64 : index
      %get3A_534 = tpu.vector_load %arg12[%get3A_533] {strides = array<i32>} : memref<200xf32, #tpu.memory_space<vmem>>, vector<16xf32>,
      %add3A_535 = arith.addf %add3A_532, %get3A_534 : vector<16xf32>
      %get3A_536 = arith.constant 80 : index
      %get3A_537 = tpu.vector_load %arg12[%get3A_536] {strides = array<i32>} : memref<200xf32, #tpu.memory_space<vmem>>, vector<16xf32>,
      %add3A_538 = arith.addf %add3A_535, %get3A_537 : vector<16xf32>
      %get3A_539 = arith.constant 96 : index
      %get3A_540 = tpu.vector_load %arg12[%get3A_539] {strides = array<i32>} : memref<200xf32, #tpu.memory_space<vmem>>, vector<16xf32>,
      %add3A_541 = arith.addf %add3A_538, %get3A_540 : vector<16xf32>
      %get3A_542 = arith.constant 112 : index
      %get3A_543 = tpu.vector_load %arg12[%get3A_542] {strides = array<i32>} : memref<200xf32, #tpu.memory_space<vmem>>, vector<16xf32>,
      %add3A_544 = arith.addf %add3A_541, %get3A_543 : vector<16xf32>
      %get3A_545 = arith.constant 128 : index
      %get3A_546 = tpu.vector_load %arg12[%get3A_545] {strides = array<i32>} : memref<200xf32, #tpu.memory_space<vmem>>, vector<16xf32>,
      %add3A_547 = arith.addf %add3A_544, %get3A_546 : vector<16xf32>
      %get3A_548 = arith.constant 144 : index
      %get3A_549 = tpu.vector_load %arg12[%get3A_548] {strides = array<i32>} : memref<200xf32, #tpu.memory_space<vmem>>, vector<16xf32>,
      %add3A_550 = arith.addf %add3A_547, %get3A_549 : vector<16xf32>
      %get3A_551 = arith.constant 160 : index
      %get3A_552 = tpu.vector_load %arg12[%get3A_551] {strides = array<i32>} : memref<200xf32, #tpu.memory_space<vmem>>, vector<16xf32>,
      %add3A_553 = arith.addf %add3A_550, %get3A_552 : vector<16xf32>
      %get3A_554 = arith.constant 176 : index
      %get3A_555 = tpu.vector_load %arg12[%get3A_554] {strides = array<i32>} : memref<200xf32, #tpu.memory_space<vmem>>, vector<16xf32>,
      %add3A_556 = arith.addf %add3A_553, %get3A_555 : vector<16xf32>
      %get3A_557 = arith.constant 184 : index
      %get3A_558 = tpu.vector_load %arg12[%get3A_557] {strides = array<i32>} : memref<200xf32, #tpu.memory_space<vmem>>, vector<16xf32>,
      %ge3A_559 = arith.constant 8 : i32
      %ge3A_560 = vector.broadcast %ge3A_559 : i32 to vector<16xi32>
      %ge3A_561 = arith.cmpi sge, %iota3A, %ge3A_560 : vector<16xi32>
      %jit3A_562 = arith.constant 0.000000e+00 : f32
      %broadcast_in_dim3A_563 = vector.broadcast %jit3A_562 : f32 to vector<16xf32>
      %select_n3A_564 = arith.select %ge3A_561, %get3A_558, %broadcast_in_dim3A_563 : vector<16xi1>, vector<16xf32>
      %add3A_565 = arith.addf %add3A_556, %select_n3A_564 : vector<16xf32>
      %broadcast_in_dim3A_566 = arith.constant true
      %broadcast_in_dim3A_567 = vector.broadcast %broadcast_in_dim3A_566 : i1 to vector<16xi1>
      %masked_cumsum3A_568 = tpu.scan <sum>, %add3A_565 masked %broadcast_in_dim3A_567 : vector<16xf32>, vector<16xi1> -> vector<16xf32>
      %slice3A_569 = vector.extract_strided_slice %masked_cumsum3A_568 {offsets = [15], sizes = [1], strides = [1]} : vector<16xf32> to vector<1xf32>
      %squeeze3A_570 = vector.extract %slice3A_569[0] : f32 from vector<1xf32>
      %get3A_571 = arith.constant 0 : index
      %get3A_572 = tpu.vector_load %arg16[%get3A_571] {strides = array<i32>} : memref<200xf32, #tpu.memory_space<vmem>>, vector<16xf32>,
      %get3A_573 = arith.constant 16 : index
      %get3A_574 = tpu.vector_load %arg16[%get3A_573] {strides = array<i32>} : memref<200xf32, #tpu.memory_space<vmem>>, vector<16xf32>,
      %add3A_575 = arith.addf %get3A_572, %get3A_574 : vector<16xf32>
      %get3A_576 = arith.constant 32 : index
      %get3A_577 = tpu.vector_load %arg16[%get3A_576] {strides = array<i32>} : memref<200xf32, #tpu.memory_space<vmem>>, vector<16xf32>,
      %add3A_578 = arith.addf %add3A_575, %get3A_577 : vector<16xf32>
      %get3A_579 = arith.constant 48 : index
      %get3A_580 = tpu.vector_load %arg16[%get3A_579] {strides = array<i32>} : memref<200xf32, #tpu.memory_space<vmem>>, vector<16xf32>,
      %add3A_581 = arith.addf %add3A_578, %get3A_580 : vector<16xf32>
      %get3A_582 = arith.constant 64 : index
      %get3A_583 = tpu.vector_load %arg16[%get3A_582] {strides = array<i32>} : memref<200xf32, #tpu.memory_space<vmem>>, vector<16xf32>,
      %add3A_584 = arith.addf %add3A_581, %get3A_583 : vector<16xf32>
      %get3A_585 = arith.constant 80 : index
      %get3A_586 = tpu.vector_load %arg16[%get3A_585] {strides = array<i32>} : memref<200xf32, #tpu.memory_space<vmem>>, vector<16xf32>,
      %add3A_587 = arith.addf %add3A_584, %get3A_586 : vector<16xf32>
      %get3A_588 = arith.constant 96 : index
      %get3A_589 = tpu.vector_load %arg16[%get3A_588] {strides = array<i32>} : memref<200xf32, #tpu.memory_space<vmem>>, vector<16xf32>,
      %add3A_590 = arith.addf %add3A_587, %get3A_589 : vector<16xf32>
      %get3A_591 = arith.constant 112 : index
      %get3A_592 = tpu.vector_load %arg16[%get3A_591] {strides = array<i32>} : memref<200xf32, #tpu.memory_space<vmem>>, vector<16xf32>,
      %add3A_593 = arith.addf %add3A_590, %get3A_592 : vector<16xf32>
      %get3A_594 = arith.constant 128 : index
      %get3A_595 = tpu.vector_load %arg16[%get3A_594] {strides = array<i32>} : memref<200xf32, #tpu.memory_space<vmem>>, vector<16xf32>,
      %add3A_596 = arith.addf %add3A_593, %get3A_595 : vector<16xf32>
      %get3A_597 = arith.constant 144 : index
      %get3A_598 = tpu.vector_load %arg16[%get3A_597] {strides = array<i32>} : memref<200xf32, #tpu.memory_space<vmem>>, vector<16xf32>,
      %add3A_599 = arith.addf %add3A_596, %get3A_598 : vector<16xf32>
      %get3A_600 = arith.constant 160 : index
      %get3A_601 = tpu.vector_load %arg16[%get3A_600] {strides = array<i32>} : memref<200xf32, #tpu.memory_space<vmem>>, vector<16xf32>,
      %add3A_602 = arith.addf %add3A_599, %get3A_601 : vector<16xf32>
      %get3A_603 = arith.constant 176 : index
      %get3A_604 = tpu.vector_load %arg16[%get3A_603] {strides = array<i32>} : memref<200xf32, #tpu.memory_space<vmem>>, vector<16xf32>,
      %add3A_605 = arith.addf %add3A_602, %get3A_604 : vector<16xf32>
      %get3A_606 = arith.constant 184 : index
      %get3A_607 = tpu.vector_load %arg16[%get3A_606] {strides = array<i32>} : memref<200xf32, #tpu.memory_space<vmem>>, vector<16xf32>,
      %ge3A_608 = arith.constant 8 : i32
      %ge3A_609 = vector.broadcast %ge3A_608 : i32 to vector<16xi32>
      %ge3A_610 = arith.cmpi sge, %iota3A, %ge3A_609 : vector<16xi32>
      %jit3A_611 = arith.constant 0.000000e+00 : f32
      %broadcast_in_dim3A_612 = vector.broadcast %jit3A_611 : f32 to vector<16xf32>
      %select_n3A_613 = arith.select %ge3A_610, %get3A_607, %broadcast_in_dim3A_612 : vector<16xi1>, vector<16xf32>
      %add3A_614 = arith.addf %add3A_605, %select_n3A_613 : vector<16xf32>
      %broadcast_in_dim3A_615 = arith.constant true
      %broadcast_in_dim3A_616 = vector.broadcast %broadcast_in_dim3A_615 : i1 to vector<16xi1>
      %masked_cumsum3A_617 = tpu.scan <sum>, %add3A_614 masked %broadcast_in_dim3A_616 : vector<16xf32>, vector<16xi1> -> vector<16xf32>
      %slice3A_618 = vector.extract_strided_slice %masked_cumsum3A_617 {offsets = [15], sizes = [1], strides = [1]} : vector<16xf32> to vector<1xf32>
      %squeeze3A_619 = vector.extract %slice3A_618[0] : f32 from vector<1xf32>
      %add3A_620 = arith.constant 4 : i32
      %add3A_621 = arith.addi %add3A_513, %add3A_620 : i32
      %lt3A_622 = arith.constant 128 : i32
      %lt3A_623 = arith.cmpi slt, %add3A_621, %lt3A_622 : i32
      %convert_element_type3A_624 = arith.extui %lt3A_623 : i1 to i32
      %cond3A_625 = arith.constant 0 : i32
      %cond3A_626 = arith.cmpi ne, %convert_element_type3A_624, %cond3A_625 : i32
      scf.if %cond3A_626 {
        %mul3A_2579 = arith.constant 200 : i32
        %mul3A_2580 = arith.muli %add3A_621, %mul3A_2579 : i32
        %dma_start3A_2581 = tpu.memref_slice %arg8[%mul3A_2580] : memref<25600xi32, #tpu.memory_space<vmem>> -> memref<200xi32, #tpu.memory_space<vmem>>
        %dma_start3A_2582 = arith.constant 0 : i32
        %dma_start3A_2583 = tpu.memref_slice %arg4[%dma_start3A_2582] : memref<1000000xf32, #tpu.memory_space<hbm>> -> memref<1000000xf32, #tpu.memory_space<hbm>>
        tpu.enqueue_indirect_dma source(%dma_start3A_2583 : memref<1000000xf32, #tpu.memory_space<hbm>>) target(%arg12 : memref<200xf32, #tpu.memory_space<vmem>>) offsets(%dma_start3A_2581 : memref<200xi32, #tpu.memory_space<vmem>>) semaphore(%arg23 : memref<!tpu.dma_semaphore, #tpu.memory_space<semaphore_mem>>)
        %dma_start3A_2584 = tpu.memref_slice %arg8[%mul3A_2580] : memref<25600xi32, #tpu.memory_space<vmem>> -> memref<200xi32, #tpu.memory_space<vmem>>
        %dma_start3A_2585 = arith.constant 0 : i32
        %dma_start3A_2586 = tpu.memref_slice %arg5[%dma_start3A_2585] : memref<1000000xf32, #tpu.memory_space<hbm>> -> memref<1000000xf32, #tpu.memory_space<hbm>>
        tpu.enqueue_indirect_dma source(%dma_start3A_2586 : memref<1000000xf32, #tpu.memory_space<hbm>>) target(%arg16 : memref<200xf32, #tpu.memory_space<vmem>>) offsets(%dma_start3A_2584 : memref<200xi32, #tpu.memory_space<vmem>>) semaphore(%arg27 : memref<!tpu.dma_semaphore, #tpu.memory_space<semaphore_mem>>)
      } else {
      }
      %slice3A_627 = vector.extract_strided_slice %get3A_49 {offsets = [3], sizes = [1], strides = [1]} : vector<16xf32> to vector<1xf32>
      %squeeze3A_628 = vector.extract %slice3A_627[0] : f32 from vector<1xf32>
      %broadcast_in_dim3A_629 = vector.broadcast %squeeze3A_628 : f32 to vector<16xf32>
      %eq3A_630 = arith.constant 0 : i32
      %eq3A_631 = vector.broadcast %eq3A_630 : i32 to vector<16xi32>
      %eq3A_632 = arith.cmpi eq, %iota3A, %eq3A_631 : vector<16xi32>
      %eq3A_633 = arith.constant 1 : i32
      %eq3A_634 = vector.broadcast %eq3A_633 : i32 to vector<16xi32>
      %eq3A_635 = arith.cmpi eq, %iota3A, %eq3A_634 : vector<16xi32>
      %jit3A_636 = arith.constant 0.000000e+00 : f32
      %broadcast_in_dim3A_637 = vector.broadcast %squeeze3A_619 : f32 to vector<16xf32>
      %broadcast_in_dim3A_638 = vector.broadcast %jit3A_636 : f32 to vector<16xf32>
      %select_n3A_639 = arith.select %eq3A_635, %broadcast_in_dim3A_637, %broadcast_in_dim3A_638 : vector<16xi1>, vector<16xf32>
      %broadcast_in_dim3A_640 = vector.broadcast %squeeze3A_570 : f32 to vector<16xf32>
      %select_n3A_641 = arith.select %eq3A_632, %broadcast_in_dim3A_640, %select_n3A_639 : vector<16xi1>, vector<16xf32>
      %mul3A_642 = arith.mulf %select_n3A_641, %broadcast_in_dim3A_629 : vector<16xf32>
      %add3A_643 = arith.addf %mul3A_642, %get3A_5 : vector<16xf32>
      %neg3A_644 = arith.constant 0.000000e+00 : f32
      %neg3A_645 = vector.broadcast %neg3A_644 : f32 to vector<16xf32>
      %neg3A_646 = arith.subf %neg3A_645, %add3A_643 : vector<16xf32>
      %exp3A_647 = math.exp %neg3A_646 : vector<16xf32>
      %add3A_648 = arith.constant 1.000000e+00 : f32
      %add3A_649 = vector.broadcast %add3A_648 : f32 to vector<16xf32>
      %add3A_650 = arith.addf %add3A_649, %exp3A_647 : vector<16xf32>
      %div3A_651 = arith.constant 1.000000e+00 : f32
      %div3A_652 = vector.broadcast %div3A_651 : f32 to vector<16xf32>
      %div3A_653 = arith.divf %div3A_652, %add3A_650 : vector<16xf32>
      %eq3A_654 = arith.constant 6 : i32
      %eq3A_655 = vector.broadcast %eq3A_654 : i32 to vector<16xi32>
      %eq3A_656 = arith.cmpi eq, %iota3A, %eq3A_655 : vector<16xi32>
      %slice3A_657 = vector.extract_strided_slice %div3A_653 {offsets = [0], sizes = [1], strides = [1]} : vector<16xf32> to vector<1xf32>
      %squeeze3A_658 = vector.extract %slice3A_657[0] : f32 from vector<1xf32>
      %eq3A_659 = arith.constant 7 : i32
      %eq3A_660 = vector.broadcast %eq3A_659 : i32 to vector<16xi32>
      %eq3A_661 = arith.cmpi eq, %iota3A, %eq3A_660 : vector<16xi32>
      %slice3A_662 = vector.extract_strided_slice %div3A_653 {offsets = [1], sizes = [1], strides = [1]} : vector<16xf32> to vector<1xf32>
      %squeeze3A_663 = vector.extract %slice3A_662[0] : f32 from vector<1xf32>
      %broadcast_in_dim3A_664 = vector.broadcast %squeeze3A_663 : f32 to vector<16xf32>
      %select_n3A_665 = arith.select %eq3A_661, %broadcast_in_dim3A_664, %select_n3A_509 : vector<16xi1>, vector<16xf32>
      %broadcast_in_dim3A_666 = vector.broadcast %squeeze3A_658 : f32 to vector<16xf32>
      %select_n3A_667 = arith.select %eq3A_656, %broadcast_in_dim3A_666, %select_n3A_665 : vector<16xi1>, vector<16xf32>
      %mul3A_668 = arith.constant 16 : i32
      %mul3A_669 = arith.muli %scan3A_45, %mul3A_668 : i32
      %add3A_670 = arith.constant 4 : i32
      %add3A_671 = arith.addi %mul3A_669, %add3A_670 : i32
      %mul3A_672 = arith.constant 200 : i32
      %mul3A_673 = arith.muli %add3A_671, %mul3A_672 : i32
      %dma_wait3A_674 = tpu.memref_slice %arg8[%mul3A_673] : memref<25600xi32, #tpu.memory_space<vmem>> -> memref<200xi32, #tpu.memory_space<vmem>>
      %dma_wait3A_675 = arith.constant 0 : i32
      %dma_wait3A_676 = tpu.memref_slice %arg4[%dma_wait3A_675] : memref<1000000xf32, #tpu.memory_space<hbm>> -> memref<1000000xf32, #tpu.memory_space<hbm>>
      tpu.wait_indirect_dma semaphore(%arg20 : memref<!tpu.dma_semaphore, #tpu.memory_space<semaphore_mem>>) src(%dma_wait3A_676 : memref<1000000xf32, #tpu.memory_space<hbm>>) dst(%arg9 : memref<200xf32, #tpu.memory_space<vmem>>)
      %dma_wait3A_677 = tpu.memref_slice %arg8[%mul3A_673] : memref<25600xi32, #tpu.memory_space<vmem>> -> memref<200xi32, #tpu.memory_space<vmem>>
      %dma_wait3A_678 = arith.constant 0 : i32
      %dma_wait3A_679 = tpu.memref_slice %arg5[%dma_wait3A_678] : memref<1000000xf32, #tpu.memory_space<hbm>> -> memref<1000000xf32, #tpu.memory_space<hbm>>
      tpu.wait_indirect_dma semaphore(%arg24 : memref<!tpu.dma_semaphore, #tpu.memory_space<semaphore_mem>>) src(%dma_wait3A_679 : memref<1000000xf32, #tpu.memory_space<hbm>>) dst(%arg13 : memref<200xf32, #tpu.memory_space<vmem>>)
      %get3A_680 = arith.constant 0 : index
      %get3A_681 = tpu.vector_load %arg9[%get3A_680] {strides = array<i32>} : memref<200xf32, #tpu.memory_space<vmem>>, vector<16xf32>,
      %get3A_682 = arith.constant 16 : index
      %get3A_683 = tpu.vector_load %arg9[%get3A_682] {strides = array<i32>} : memref<200xf32, #tpu.memory_space<vmem>>, vector<16xf32>,
      %add3A_684 = arith.addf %get3A_681, %get3A_683 : vector<16xf32>
      %get3A_685 = arith.constant 32 : index
      %get3A_686 = tpu.vector_load %arg9[%get3A_685] {strides = array<i32>} : memref<200xf32, #tpu.memory_space<vmem>>, vector<16xf32>,
      %add3A_687 = arith.addf %add3A_684, %get3A_686 : vector<16xf32>
      %get3A_688 = arith.constant 48 : index
      %get3A_689 = tpu.vector_load %arg9[%get3A_688] {strides = array<i32>} : memref<200xf32, #tpu.memory_space<vmem>>, vector<16xf32>,
      %add3A_690 = arith.addf %add3A_687, %get3A_689 : vector<16xf32>
      %get3A_691 = arith.constant 64 : index
      %get3A_692 = tpu.vector_load %arg9[%get3A_691] {strides = array<i32>} : memref<200xf32, #tpu.memory_space<vmem>>, vector<16xf32>,
      %add3A_693 = arith.addf %add3A_690, %get3A_692 : vector<16xf32>
      %get3A_694 = arith.constant 80 : index
      %get3A_695 = tpu.vector_load %arg9[%get3A_694] {strides = array<i32>} : memref<200xf32, #tpu.memory_space<vmem>>, vector<16xf32>,
      %add3A_696 = arith.addf %add3A_693, %get3A_695 : vector<16xf32>
      %get3A_697 = arith.constant 96 : index
      %get3A_698 = tpu.vector_load %arg9[%get3A_697] {strides = array<i32>} : memref<200xf32, #tpu.memory_space<vmem>>, vector<16xf32>,
      %add3A_699 = arith.addf %add3A_696, %get3A_698 : vector<16xf32>
      %get3A_700 = arith.constant 112 : index
      %get3A_701 = tpu.vector_load %arg9[%get3A_700] {strides = array<i32>} : memref<200xf32, #tpu.memory_space<vmem>>, vector<16xf32>,
      %add3A_702 = arith.addf %add3A_699, %get3A_701 : vector<16xf32>
      %get3A_703 = arith.constant 128 : index
      %get3A_704 = tpu.vector_load %arg9[%get3A_703] {strides = array<i32>} : memref<200xf32, #tpu.memory_space<vmem>>, vector<16xf32>,
      %add3A_705 = arith.addf %add3A_702, %get3A_704 : vector<16xf32>
      %get3A_706 = arith.constant 144 : index
      %get3A_707 = tpu.vector_load %arg9[%get3A_706] {strides = array<i32>} : memref<200xf32, #tpu.memory_space<vmem>>, vector<16xf32>,
      %add3A_708 = arith.addf %add3A_705, %get3A_707 : vector<16xf32>
      %get3A_709 = arith.constant 160 : index
      %get3A_710 = tpu.vector_load %arg9[%get3A_709] {strides = array<i32>} : memref<200xf32, #tpu.memory_space<vmem>>, vector<16xf32>,
      %add3A_711 = arith.addf %add3A_708, %get3A_710 : vector<16xf32>
      %get3A_712 = arith.constant 176 : index
      %get3A_713 = tpu.vector_load %arg9[%get3A_712] {strides = array<i32>} : memref<200xf32, #tpu.memory_space<vmem>>, vector<16xf32>,
      %add3A_714 = arith.addf %add3A_711, %get3A_713 : vector<16xf32>
      %get3A_715 = arith.constant 184 : index
      %get3A_716 = tpu.vector_load %arg9[%get3A_715] {strides = array<i32>} : memref<200xf32, #tpu.memory_space<vmem>>, vector<16xf32>,
      %ge3A_717 = arith.constant 8 : i32
      %ge3A_718 = vector.broadcast %ge3A_717 : i32 to vector<16xi32>
      %ge3A_719 = arith.cmpi sge, %iota3A, %ge3A_718 : vector<16xi32>
      %jit3A_720 = arith.constant 0.000000e+00 : f32
      %broadcast_in_dim3A_721 = vector.broadcast %jit3A_720 : f32 to vector<16xf32>
      %select_n3A_722 = arith.select %ge3A_719, %get3A_716, %broadcast_in_dim3A_721 : vector<16xi1>, vector<16xf32>
      %add3A_723 = arith.addf %add3A_714, %select_n3A_722 : vector<16xf32>
      %broadcast_in_dim3A_724 = arith.constant true
      %broadcast_in_dim3A_725 = vector.broadcast %broadcast_in_dim3A_724 : i1 to vector<16xi1>
      %masked_cumsum3A_726 = tpu.scan <sum>, %add3A_723 masked %broadcast_in_dim3A_725 : vector<16xf32>, vector<16xi1> -> vector<16xf32>
      %slice3A_727 = vector.extract_strided_slice %masked_cumsum3A_726 {offsets = [15], sizes = [1], strides = [1]} : vector<16xf32> to vector<1xf32>
      %squeeze3A_728 = vector.extract %slice3A_727[0] : f32 from vector<1xf32>
      %get3A_729 = arith.constant 0 : index
      %get3A_730 = tpu.vector_load %arg13[%get3A_729] {strides = array<i32>} : memref<200xf32, #tpu.memory_space<vmem>>, vector<16xf32>,
      %get3A_731 = arith.constant 16 : index
      %get3A_732 = tpu.vector_load %arg13[%get3A_731] {strides = array<i32>} : memref<200xf32, #tpu.memory_space<vmem>>, vector<16xf32>,
      %add3A_733 = arith.addf %get3A_730, %get3A_732 : vector<16xf32>
      %get3A_734 = arith.constant 32 : index
      %get3A_735 = tpu.vector_load %arg13[%get3A_734] {strides = array<i32>} : memref<200xf32, #tpu.memory_space<vmem>>, vector<16xf32>,
      %add3A_736 = arith.addf %add3A_733, %get3A_735 : vector<16xf32>
      %get3A_737 = arith.constant 48 : index
      %get3A_738 = tpu.vector_load %arg13[%get3A_737] {strides = array<i32>} : memref<200xf32, #tpu.memory_space<vmem>>, vector<16xf32>,
      %add3A_739 = arith.addf %add3A_736, %get3A_738 : vector<16xf32>
      %get3A_740 = arith.constant 64 : index
      %get3A_741 = tpu.vector_load %arg13[%get3A_740] {strides = array<i32>} : memref<200xf32, #tpu.memory_space<vmem>>, vector<16xf32>,
      %add3A_742 = arith.addf %add3A_739, %get3A_741 : vector<16xf32>
      %get3A_743 = arith.constant 80 : index
      %get3A_744 = tpu.vector_load %arg13[%get3A_743] {strides = array<i32>} : memref<200xf32, #tpu.memory_space<vmem>>, vector<16xf32>,
      %add3A_745 = arith.addf %add3A_742, %get3A_744 : vector<16xf32>
      %get3A_746 = arith.constant 96 : index
      %get3A_747 = tpu.vector_load %arg13[%get3A_746] {strides = array<i32>} : memref<200xf32, #tpu.memory_space<vmem>>, vector<16xf32>,
      %add3A_748 = arith.addf %add3A_745, %get3A_747 : vector<16xf32>
      %get3A_749 = arith.constant 112 : index
      %get3A_750 = tpu.vector_load %arg13[%get3A_749] {strides = array<i32>} : memref<200xf32, #tpu.memory_space<vmem>>, vector<16xf32>,
      %add3A_751 = arith.addf %add3A_748, %get3A_750 : vector<16xf32>
      %get3A_752 = arith.constant 128 : index
      %get3A_753 = tpu.vector_load %arg13[%get3A_752] {strides = array<i32>} : memref<200xf32, #tpu.memory_space<vmem>>, vector<16xf32>,
      %add3A_754 = arith.addf %add3A_751, %get3A_753 : vector<16xf32>
      %get3A_755 = arith.constant 144 : index
      %get3A_756 = tpu.vector_load %arg13[%get3A_755] {strides = array<i32>} : memref<200xf32, #tpu.memory_space<vmem>>, vector<16xf32>,
      %add3A_757 = arith.addf %add3A_754, %get3A_756 : vector<16xf32>
      %get3A_758 = arith.constant 160 : index
      %get3A_759 = tpu.vector_load %arg13[%get3A_758] {strides = array<i32>} : memref<200xf32, #tpu.memory_space<vmem>>, vector<16xf32>,
      %add3A_760 = arith.addf %add3A_757, %get3A_759 : vector<16xf32>
      %get3A_761 = arith.constant 176 : index
      %get3A_762 = tpu.vector_load %arg13[%get3A_761] {strides = array<i32>} : memref<200xf32, #tpu.memory_space<vmem>>, vector<16xf32>,
      %add3A_763 = arith.addf %add3A_760, %get3A_762 : vector<16xf32>
      %get3A_764 = arith.constant 184 : index
      %get3A_765 = tpu.vector_load %arg13[%get3A_764] {strides = array<i32>} : memref<200xf32, #tpu.memory_space<vmem>>, vector<16xf32>,
      %ge3A_766 = arith.constant 8 : i32
      %ge3A_767 = vector.broadcast %ge3A_766 : i32 to vector<16xi32>
      %ge3A_768 = arith.cmpi sge, %iota3A, %ge3A_767 : vector<16xi32>
      %jit3A_769 = arith.constant 0.000000e+00 : f32
      %broadcast_in_dim3A_770 = vector.broadcast %jit3A_769 : f32 to vector<16xf32>
      %select_n3A_771 = arith.select %ge3A_768, %get3A_765, %broadcast_in_dim3A_770 : vector<16xi1>, vector<16xf32>
      %add3A_772 = arith.addf %add3A_763, %select_n3A_771 : vector<16xf32>
      %broadcast_in_dim3A_773 = arith.constant true
      %broadcast_in_dim3A_774 = vector.broadcast %broadcast_in_dim3A_773 : i1 to vector<16xi1>
      %masked_cumsum3A_775 = tpu.scan <sum>, %add3A_772 masked %broadcast_in_dim3A_774 : vector<16xf32>, vector<16xi1> -> vector<16xf32>
      %slice3A_776 = vector.extract_strided_slice %masked_cumsum3A_775 {offsets = [15], sizes = [1], strides = [1]} : vector<16xf32> to vector<1xf32>
      %squeeze3A_777 = vector.extract %slice3A_776[0] : f32 from vector<1xf32>
      %add3A_778 = arith.constant 4 : i32
      %add3A_779 = arith.addi %add3A_671, %add3A_778 : i32
      %lt3A_780 = arith.constant 128 : i32
      %lt3A_781 = arith.cmpi slt, %add3A_779, %lt3A_780 : i32
      %convert_element_type3A_782 = arith.extui %lt3A_781 : i1 to i32
      %cond3A_783 = arith.constant 0 : i32
      %cond3A_784 = arith.cmpi ne, %convert_element_type3A_782, %cond3A_783 : i32
      scf.if %cond3A_784 {
        %mul3A_2579 = arith.constant 200 : i32
        %mul3A_2580 = arith.muli %add3A_779, %mul3A_2579 : i32
        %dma_start3A_2581 = tpu.memref_slice %arg8[%mul3A_2580] : memref<25600xi32, #tpu.memory_space<vmem>> -> memref<200xi32, #tpu.memory_space<vmem>>
        %dma_start3A_2582 = arith.constant 0 : i32
        %dma_start3A_2583 = tpu.memref_slice %arg4[%dma_start3A_2582] : memref<1000000xf32, #tpu.memory_space<hbm>> -> memref<1000000xf32, #tpu.memory_space<hbm>>
        tpu.enqueue_indirect_dma source(%dma_start3A_2583 : memref<1000000xf32, #tpu.memory_space<hbm>>) target(%arg9 : memref<200xf32, #tpu.memory_space<vmem>>) offsets(%dma_start3A_2581 : memref<200xi32, #tpu.memory_space<vmem>>) semaphore(%arg20 : memref<!tpu.dma_semaphore, #tpu.memory_space<semaphore_mem>>)
        %dma_start3A_2584 = tpu.memref_slice %arg8[%mul3A_2580] : memref<25600xi32, #tpu.memory_space<vmem>> -> memref<200xi32, #tpu.memory_space<vmem>>
        %dma_start3A_2585 = arith.constant 0 : i32
        %dma_start3A_2586 = tpu.memref_slice %arg5[%dma_start3A_2585] : memref<1000000xf32, #tpu.memory_space<hbm>> -> memref<1000000xf32, #tpu.memory_space<hbm>>
        tpu.enqueue_indirect_dma source(%dma_start3A_2586 : memref<1000000xf32, #tpu.memory_space<hbm>>) target(%arg13 : memref<200xf32, #tpu.memory_space<vmem>>) offsets(%dma_start3A_2584 : memref<200xi32, #tpu.memory_space<vmem>>) semaphore(%arg24 : memref<!tpu.dma_semaphore, #tpu.memory_space<semaphore_mem>>)
      } else {
      }
      %slice3A_785 = vector.extract_strided_slice %get3A_49 {offsets = [4], sizes = [1], strides = [1]} : vector<16xf32> to vector<1xf32>
      %squeeze3A_786 = vector.extract %slice3A_785[0] : f32 from vector<1xf32>
      %broadcast_in_dim3A_787 = vector.broadcast %squeeze3A_786 : f32 to vector<16xf32>
      %eq3A_788 = arith.constant 0 : i32
      %eq3A_789 = vector.broadcast %eq3A_788 : i32 to vector<16xi32>
      %eq3A_790 = arith.cmpi eq, %iota3A, %eq3A_789 : vector<16xi32>
      %eq3A_791 = arith.constant 1 : i32
      %eq3A_792 = vector.broadcast %eq3A_791 : i32 to vector<16xi32>
      %eq3A_793 = arith.cmpi eq, %iota3A, %eq3A_792 : vector<16xi32>
      %jit3A_794 = arith.constant 0.000000e+00 : f32
      %broadcast_in_dim3A_795 = vector.broadcast %squeeze3A_777 : f32 to vector<16xf32>
      %broadcast_in_dim3A_796 = vector.broadcast %jit3A_794 : f32 to vector<16xf32>
      %select_n3A_797 = arith.select %eq3A_793, %broadcast_in_dim3A_795, %broadcast_in_dim3A_796 : vector<16xi1>, vector<16xf32>
      %broadcast_in_dim3A_798 = vector.broadcast %squeeze3A_728 : f32 to vector<16xf32>
      %select_n3A_799 = arith.select %eq3A_790, %broadcast_in_dim3A_798, %select_n3A_797 : vector<16xi1>, vector<16xf32>
      %mul3A_800 = arith.mulf %select_n3A_799, %broadcast_in_dim3A_787 : vector<16xf32>
      %add3A_801 = arith.addf %mul3A_800, %get3A_5 : vector<16xf32>
      %neg3A_802 = arith.constant 0.000000e+00 : f32
      %neg3A_803 = vector.broadcast %neg3A_802 : f32 to vector<16xf32>
      %neg3A_804 = arith.subf %neg3A_803, %add3A_801 : vector<16xf32>
      %exp3A_805 = math.exp %neg3A_804 : vector<16xf32>
      %add3A_806 = arith.constant 1.000000e+00 : f32
      %add3A_807 = vector.broadcast %add3A_806 : f32 to vector<16xf32>
      %add3A_808 = arith.addf %add3A_807, %exp3A_805 : vector<16xf32>
      %div3A_809 = arith.constant 1.000000e+00 : f32
      %div3A_810 = vector.broadcast %div3A_809 : f32 to vector<16xf32>
      %div3A_811 = arith.divf %div3A_810, %add3A_808 : vector<16xf32>
      %eq3A_812 = arith.constant 8 : i32
      %eq3A_813 = vector.broadcast %eq3A_812 : i32 to vector<16xi32>
      %eq3A_814 = arith.cmpi eq, %iota3A, %eq3A_813 : vector<16xi32>
      %slice3A_815 = vector.extract_strided_slice %div3A_811 {offsets = [0], sizes = [1], strides = [1]} : vector<16xf32> to vector<1xf32>
      %squeeze3A_816 = vector.extract %slice3A_815[0] : f32 from vector<1xf32>
      %eq3A_817 = arith.constant 9 : i32
      %eq3A_818 = vector.broadcast %eq3A_817 : i32 to vector<16xi32>
      %eq3A_819 = arith.cmpi eq, %iota3A, %eq3A_818 : vector<16xi32>
      %slice3A_820 = vector.extract_strided_slice %div3A_811 {offsets = [1], sizes = [1], strides = [1]} : vector<16xf32> to vector<1xf32>
      %squeeze3A_821 = vector.extract %slice3A_820[0] : f32 from vector<1xf32>
      %broadcast_in_dim3A_822 = vector.broadcast %squeeze3A_821 : f32 to vector<16xf32>
      %select_n3A_823 = arith.select %eq3A_819, %broadcast_in_dim3A_822, %select_n3A_667 : vector<16xi1>, vector<16xf32>
      %broadcast_in_dim3A_824 = vector.broadcast %squeeze3A_816 : f32 to vector<16xf32>
      %select_n3A_825 = arith.select %eq3A_814, %broadcast_in_dim3A_824, %select_n3A_823 : vector<16xi1>, vector<16xf32>
      %mul3A_826 = arith.constant 16 : i32
      %mul3A_827 = arith.muli %scan3A_45, %mul3A_826 : i32
      %add3A_828 = arith.constant 5 : i32
      %add3A_829 = arith.addi %mul3A_827, %add3A_828 : i32
      %mul3A_830 = arith.constant 200 : i32
      %mul3A_831 = arith.muli %add3A_829, %mul3A_830 : i32
      %dma_wait3A_832 = tpu.memref_slice %arg8[%mul3A_831] : memref<25600xi32, #tpu.memory_space<vmem>> -> memref<200xi32, #tpu.memory_space<vmem>>
      %dma_wait3A_833 = arith.constant 0 : i32
      %dma_wait3A_834 = tpu.memref_slice %arg4[%dma_wait3A_833] : memref<1000000xf32, #tpu.memory_space<hbm>> -> memref<1000000xf32, #tpu.memory_space<hbm>>
      tpu.wait_indirect_dma semaphore(%arg21 : memref<!tpu.dma_semaphore, #tpu.memory_space<semaphore_mem>>) src(%dma_wait3A_834 : memref<1000000xf32, #tpu.memory_space<hbm>>) dst(%arg10 : memref<200xf32, #tpu.memory_space<vmem>>)
      %dma_wait3A_835 = tpu.memref_slice %arg8[%mul3A_831] : memref<25600xi32, #tpu.memory_space<vmem>> -> memref<200xi32, #tpu.memory_space<vmem>>
      %dma_wait3A_836 = arith.constant 0 : i32
      %dma_wait3A_837 = tpu.memref_slice %arg5[%dma_wait3A_836] : memref<1000000xf32, #tpu.memory_space<hbm>> -> memref<1000000xf32, #tpu.memory_space<hbm>>
      tpu.wait_indirect_dma semaphore(%arg25 : memref<!tpu.dma_semaphore, #tpu.memory_space<semaphore_mem>>) src(%dma_wait3A_837 : memref<1000000xf32, #tpu.memory_space<hbm>>) dst(%arg14 : memref<200xf32, #tpu.memory_space<vmem>>)
      %get3A_838 = arith.constant 0 : index
      %get3A_839 = tpu.vector_load %arg10[%get3A_838] {strides = array<i32>} : memref<200xf32, #tpu.memory_space<vmem>>, vector<16xf32>,
      %get3A_840 = arith.constant 16 : index
      %get3A_841 = tpu.vector_load %arg10[%get3A_840] {strides = array<i32>} : memref<200xf32, #tpu.memory_space<vmem>>, vector<16xf32>,
      %add3A_842 = arith.addf %get3A_839, %get3A_841 : vector<16xf32>
      %get3A_843 = arith.constant 32 : index
      %get3A_844 = tpu.vector_load %arg10[%get3A_843] {strides = array<i32>} : memref<200xf32, #tpu.memory_space<vmem>>, vector<16xf32>,
      %add3A_845 = arith.addf %add3A_842, %get3A_844 : vector<16xf32>
      %get3A_846 = arith.constant 48 : index
      %get3A_847 = tpu.vector_load %arg10[%get3A_846] {strides = array<i32>} : memref<200xf32, #tpu.memory_space<vmem>>, vector<16xf32>,
      %add3A_848 = arith.addf %add3A_845, %get3A_847 : vector<16xf32>
      %get3A_849 = arith.constant 64 : index
      %get3A_850 = tpu.vector_load %arg10[%get3A_849] {strides = array<i32>} : memref<200xf32, #tpu.memory_space<vmem>>, vector<16xf32>,
      %add3A_851 = arith.addf %add3A_848, %get3A_850 : vector<16xf32>
      %get3A_852 = arith.constant 80 : index
      %get3A_853 = tpu.vector_load %arg10[%get3A_852] {strides = array<i32>} : memref<200xf32, #tpu.memory_space<vmem>>, vector<16xf32>,
      %add3A_854 = arith.addf %add3A_851, %get3A_853 : vector<16xf32>
      %get3A_855 = arith.constant 96 : index
      %get3A_856 = tpu.vector_load %arg10[%get3A_855] {strides = array<i32>} : memref<200xf32, #tpu.memory_space<vmem>>, vector<16xf32>,
      %add3A_857 = arith.addf %add3A_854, %get3A_856 : vector<16xf32>
      %get3A_858 = arith.constant 112 : index
      %get3A_859 = tpu.vector_load %arg10[%get3A_858] {strides = array<i32>} : memref<200xf32, #tpu.memory_space<vmem>>, vector<16xf32>,
      %add3A_860 = arith.addf %add3A_857, %get3A_859 : vector<16xf32>
      %get3A_861 = arith.constant 128 : index
      %get3A_862 = tpu.vector_load %arg10[%get3A_861] {strides = array<i32>} : memref<200xf32, #tpu.memory_space<vmem>>, vector<16xf32>,
      %add3A_863 = arith.addf %add3A_860, %get3A_862 : vector<16xf32>
      %get3A_864 = arith.constant 144 : index
      %get3A_865 = tpu.vector_load %arg10[%get3A_864] {strides = array<i32>} : memref<200xf32, #tpu.memory_space<vmem>>, vector<16xf32>,
      %add3A_866 = arith.addf %add3A_863, %get3A_865 : vector<16xf32>
      %get3A_867 = arith.constant 160 : index
      %get3A_868 = tpu.vector_load %arg10[%get3A_867] {strides = array<i32>} : memref<200xf32, #tpu.memory_space<vmem>>, vector<16xf32>,
      %add3A_869 = arith.addf %add3A_866, %get3A_868 : vector<16xf32>
      %get3A_870 = arith.constant 176 : index
      %get3A_871 = tpu.vector_load %arg10[%get3A_870] {strides = array<i32>} : memref<200xf32, #tpu.memory_space<vmem>>, vector<16xf32>,
      %add3A_872 = arith.addf %add3A_869, %get3A_871 : vector<16xf32>
      %get3A_873 = arith.constant 184 : index
      %get3A_874 = tpu.vector_load %arg10[%get3A_873] {strides = array<i32>} : memref<200xf32, #tpu.memory_space<vmem>>, vector<16xf32>,
      %ge3A_875 = arith.constant 8 : i32
      %ge3A_876 = vector.broadcast %ge3A_875 : i32 to vector<16xi32>
      %ge3A_877 = arith.cmpi sge, %iota3A, %ge3A_876 : vector<16xi32>
      %jit3A_878 = arith.constant 0.000000e+00 : f32
      %broadcast_in_dim3A_879 = vector.broadcast %jit3A_878 : f32 to vector<16xf32>
      %select_n3A_880 = arith.select %ge3A_877, %get3A_874, %broadcast_in_dim3A_879 : vector<16xi1>, vector<16xf32>
      %add3A_881 = arith.addf %add3A_872, %select_n3A_880 : vector<16xf32>
      %broadcast_in_dim3A_882 = arith.constant true
      %broadcast_in_dim3A_883 = vector.broadcast %broadcast_in_dim3A_882 : i1 to vector<16xi1>
      %masked_cumsum3A_884 = tpu.scan <sum>, %add3A_881 masked %broadcast_in_dim3A_883 : vector<16xf32>, vector<16xi1> -> vector<16xf32>
      %slice3A_885 = vector.extract_strided_slice %masked_cumsum3A_884 {offsets = [15], sizes = [1], strides = [1]} : vector<16xf32> to vector<1xf32>
      %squeeze3A_886 = vector.extract %slice3A_885[0] : f32 from vector<1xf32>
      %get3A_887 = arith.constant 0 : index
      %get3A_888 = tpu.vector_load %arg14[%get3A_887] {strides = array<i32>} : memref<200xf32, #tpu.memory_space<vmem>>, vector<16xf32>,
      %get3A_889 = arith.constant 16 : index
      %get3A_890 = tpu.vector_load %arg14[%get3A_889] {strides = array<i32>} : memref<200xf32, #tpu.memory_space<vmem>>, vector<16xf32>,
      %add3A_891 = arith.addf %get3A_888, %get3A_890 : vector<16xf32>
      %get3A_892 = arith.constant 32 : index
      %get3A_893 = tpu.vector_load %arg14[%get3A_892] {strides = array<i32>} : memref<200xf32, #tpu.memory_space<vmem>>, vector<16xf32>,
      %add3A_894 = arith.addf %add3A_891, %get3A_893 : vector<16xf32>
      %get3A_895 = arith.constant 48 : index
      %get3A_896 = tpu.vector_load %arg14[%get3A_895] {strides = array<i32>} : memref<200xf32, #tpu.memory_space<vmem>>, vector<16xf32>,
      %add3A_897 = arith.addf %add3A_894, %get3A_896 : vector<16xf32>
      %get3A_898 = arith.constant 64 : index
      %get3A_899 = tpu.vector_load %arg14[%get3A_898] {strides = array<i32>} : memref<200xf32, #tpu.memory_space<vmem>>, vector<16xf32>,
      %add3A_900 = arith.addf %add3A_897, %get3A_899 : vector<16xf32>
      %get3A_901 = arith.constant 80 : index
      %get3A_902 = tpu.vector_load %arg14[%get3A_901] {strides = array<i32>} : memref<200xf32, #tpu.memory_space<vmem>>, vector<16xf32>,
      %add3A_903 = arith.addf %add3A_900, %get3A_902 : vector<16xf32>
      %get3A_904 = arith.constant 96 : index
      %get3A_905 = tpu.vector_load %arg14[%get3A_904] {strides = array<i32>} : memref<200xf32, #tpu.memory_space<vmem>>, vector<16xf32>,
      %add3A_906 = arith.addf %add3A_903, %get3A_905 : vector<16xf32>
      %get3A_907 = arith.constant 112 : index
      %get3A_908 = tpu.vector_load %arg14[%get3A_907] {strides = array<i32>} : memref<200xf32, #tpu.memory_space<vmem>>, vector<16xf32>,
      %add3A_909 = arith.addf %add3A_906, %get3A_908 : vector<16xf32>
      %get3A_910 = arith.constant 128 : index
      %get3A_911 = tpu.vector_load %arg14[%get3A_910] {strides = array<i32>} : memref<200xf32, #tpu.memory_space<vmem>>, vector<16xf32>,
      %add3A_912 = arith.addf %add3A_909, %get3A_911 : vector<16xf32>
      %get3A_913 = arith.constant 144 : index
      %get3A_914 = tpu.vector_load %arg14[%get3A_913] {strides = array<i32>} : memref<200xf32, #tpu.memory_space<vmem>>, vector<16xf32>,
      %add3A_915 = arith.addf %add3A_912, %get3A_914 : vector<16xf32>
      %get3A_916 = arith.constant 160 : index
      %get3A_917 = tpu.vector_load %arg14[%get3A_916] {strides = array<i32>} : memref<200xf32, #tpu.memory_space<vmem>>, vector<16xf32>,
      %add3A_918 = arith.addf %add3A_915, %get3A_917 : vector<16xf32>
      %get3A_919 = arith.constant 176 : index
      %get3A_920 = tpu.vector_load %arg14[%get3A_919] {strides = array<i32>} : memref<200xf32, #tpu.memory_space<vmem>>, vector<16xf32>,
      %add3A_921 = arith.addf %add3A_918, %get3A_920 : vector<16xf32>
      %get3A_922 = arith.constant 184 : index
      %get3A_923 = tpu.vector_load %arg14[%get3A_922] {strides = array<i32>} : memref<200xf32, #tpu.memory_space<vmem>>, vector<16xf32>,
      %ge3A_924 = arith.constant 8 : i32
      %ge3A_925 = vector.broadcast %ge3A_924 : i32 to vector<16xi32>
      %ge3A_926 = arith.cmpi sge, %iota3A, %ge3A_925 : vector<16xi32>
      %jit3A_927 = arith.constant 0.000000e+00 : f32
      %broadcast_in_dim3A_928 = vector.broadcast %jit3A_927 : f32 to vector<16xf32>
      %select_n3A_929 = arith.select %ge3A_926, %get3A_923, %broadcast_in_dim3A_928 : vector<16xi1>, vector<16xf32>
      %add3A_930 = arith.addf %add3A_921, %select_n3A_929 : vector<16xf32>
      %broadcast_in_dim3A_931 = arith.constant true
      %broadcast_in_dim3A_932 = vector.broadcast %broadcast_in_dim3A_931 : i1 to vector<16xi1>
      %masked_cumsum3A_933 = tpu.scan <sum>, %add3A_930 masked %broadcast_in_dim3A_932 : vector<16xf32>, vector<16xi1> -> vector<16xf32>
      %slice3A_934 = vector.extract_strided_slice %masked_cumsum3A_933 {offsets = [15], sizes = [1], strides = [1]} : vector<16xf32> to vector<1xf32>
      %squeeze3A_935 = vector.extract %slice3A_934[0] : f32 from vector<1xf32>
      %add3A_936 = arith.constant 4 : i32
      %add3A_937 = arith.addi %add3A_829, %add3A_936 : i32
      %lt3A_938 = arith.constant 128 : i32
      %lt3A_939 = arith.cmpi slt, %add3A_937, %lt3A_938 : i32
      %convert_element_type3A_940 = arith.extui %lt3A_939 : i1 to i32
      %cond3A_941 = arith.constant 0 : i32
      %cond3A_942 = arith.cmpi ne, %convert_element_type3A_940, %cond3A_941 : i32
      scf.if %cond3A_942 {
        %mul3A_2579 = arith.constant 200 : i32
        %mul3A_2580 = arith.muli %add3A_937, %mul3A_2579 : i32
        %dma_start3A_2581 = tpu.memref_slice %arg8[%mul3A_2580] : memref<25600xi32, #tpu.memory_space<vmem>> -> memref<200xi32, #tpu.memory_space<vmem>>
        %dma_start3A_2582 = arith.constant 0 : i32
        %dma_start3A_2583 = tpu.memref_slice %arg4[%dma_start3A_2582] : memref<1000000xf32, #tpu.memory_space<hbm>> -> memref<1000000xf32, #tpu.memory_space<hbm>>
        tpu.enqueue_indirect_dma source(%dma_start3A_2583 : memref<1000000xf32, #tpu.memory_space<hbm>>) target(%arg10 : memref<200xf32, #tpu.memory_space<vmem>>) offsets(%dma_start3A_2581 : memref<200xi32, #tpu.memory_space<vmem>>) semaphore(%arg21 : memref<!tpu.dma_semaphore, #tpu.memory_space<semaphore_mem>>)
        %dma_start3A_2584 = tpu.memref_slice %arg8[%mul3A_2580] : memref<25600xi32, #tpu.memory_space<vmem>> -> memref<200xi32, #tpu.memory_space<vmem>>
        %dma_start3A_2585 = arith.constant 0 : i32
        %dma_start3A_2586 = tpu.memref_slice %arg5[%dma_start3A_2585] : memref<1000000xf32, #tpu.memory_space<hbm>> -> memref<1000000xf32, #tpu.memory_space<hbm>>
        tpu.enqueue_indirect_dma source(%dma_start3A_2586 : memref<1000000xf32, #tpu.memory_space<hbm>>) target(%arg14 : memref<200xf32, #tpu.memory_space<vmem>>) offsets(%dma_start3A_2584 : memref<200xi32, #tpu.memory_space<vmem>>) semaphore(%arg25 : memref<!tpu.dma_semaphore, #tpu.memory_space<semaphore_mem>>)
      } else {
      }
      %slice3A_943 = vector.extract_strided_slice %get3A_49 {offsets = [5], sizes = [1], strides = [1]} : vector<16xf32> to vector<1xf32>
      %squeeze3A_944 = vector.extract %slice3A_943[0] : f32 from vector<1xf32>
      %broadcast_in_dim3A_945 = vector.broadcast %squeeze3A_944 : f32 to vector<16xf32>
      %eq3A_946 = arith.constant 0 : i32
      %eq3A_947 = vector.broadcast %eq3A_946 : i32 to vector<16xi32>
      %eq3A_948 = arith.cmpi eq, %iota3A, %eq3A_947 : vector<16xi32>
      %eq3A_949 = arith.constant 1 : i32
      %eq3A_950 = vector.broadcast %eq3A_949 : i32 to vector<16xi32>
      %eq3A_951 = arith.cmpi eq, %iota3A, %eq3A_950 : vector<16xi32>
      %jit3A_952 = arith.constant 0.000000e+00 : f32
      %broadcast_in_dim3A_953 = vector.broadcast %squeeze3A_935 : f32 to vector<16xf32>
      %broadcast_in_dim3A_954 = vector.broadcast %jit3A_952 : f32 to vector<16xf32>
      %select_n3A_955 = arith.select %eq3A_951, %broadcast_in_dim3A_953, %broadcast_in_dim3A_954 : vector<16xi1>, vector<16xf32>
      %broadcast_in_dim3A_956 = vector.broadcast %squeeze3A_886 : f32 to vector<16xf32>
      %select_n3A_957 = arith.select %eq3A_948, %broadcast_in_dim3A_956, %select_n3A_955 : vector<16xi1>, vector<16xf32>
      %mul3A_958 = arith.mulf %select_n3A_957, %broadcast_in_dim3A_945 : vector<16xf32>
      %add3A_959 = arith.addf %mul3A_958, %get3A_5 : vector<16xf32>
      %neg3A_960 = arith.constant 0.000000e+00 : f32
      %neg3A_961 = vector.broadcast %neg3A_960 : f32 to vector<16xf32>
      %neg3A_962 = arith.subf %neg3A_961, %add3A_959 : vector<16xf32>
      %exp3A_963 = math.exp %neg3A_962 : vector<16xf32>
      %add3A_964 = arith.constant 1.000000e+00 : f32
      %add3A_965 = vector.broadcast %add3A_964 : f32 to vector<16xf32>
      %add3A_966 = arith.addf %add3A_965, %exp3A_963 : vector<16xf32>
      %div3A_967 = arith.constant 1.000000e+00 : f32
      %div3A_968 = vector.broadcast %div3A_967 : f32 to vector<16xf32>
      %div3A_969 = arith.divf %div3A_968, %add3A_966 : vector<16xf32>
      %eq3A_970 = arith.constant 10 : i32
      %eq3A_971 = vector.broadcast %eq3A_970 : i32 to vector<16xi32>
      %eq3A_972 = arith.cmpi eq, %iota3A, %eq3A_971 : vector<16xi32>
      %slice3A_973 = vector.extract_strided_slice %div3A_969 {offsets = [0], sizes = [1], strides = [1]} : vector<16xf32> to vector<1xf32>
      %squeeze3A_974 = vector.extract %slice3A_973[0] : f32 from vector<1xf32>
      %eq3A_975 = arith.constant 11 : i32
      %eq3A_976 = vector.broadcast %eq3A_975 : i32 to vector<16xi32>
      %eq3A_977 = arith.cmpi eq, %iota3A, %eq3A_976 : vector<16xi32>
      %slice3A_978 = vector.extract_strided_slice %div3A_969 {offsets = [1], sizes = [1], strides = [1]} : vector<16xf32> to vector<1xf32>
      %squeeze3A_979 = vector.extract %slice3A_978[0] : f32 from vector<1xf32>
      %broadcast_in_dim3A_980 = vector.broadcast %squeeze3A_979 : f32 to vector<16xf32>
      %select_n3A_981 = arith.select %eq3A_977, %broadcast_in_dim3A_980, %select_n3A_825 : vector<16xi1>, vector<16xf32>
      %broadcast_in_dim3A_982 = vector.broadcast %squeeze3A_974 : f32 to vector<16xf32>
      %select_n3A_983 = arith.select %eq3A_972, %broadcast_in_dim3A_982, %select_n3A_981 : vector<16xi1>, vector<16xf32>
      %mul3A_984 = arith.constant 16 : i32
      %mul3A_985 = arith.muli %scan3A_45, %mul3A_984 : i32
      %add3A_986 = arith.constant 6 : i32
      %add3A_987 = arith.addi %mul3A_985, %add3A_986 : i32
      %mul3A_988 = arith.constant 200 : i32
      %mul3A_989 = arith.muli %add3A_987, %mul3A_988 : i32
      %dma_wait3A_990 = tpu.memref_slice %arg8[%mul3A_989] : memref<25600xi32, #tpu.memory_space<vmem>> -> memref<200xi32, #tpu.memory_space<vmem>>
      %dma_wait3A_991 = arith.constant 0 : i32
      %dma_wait3A_992 = tpu.memref_slice %arg4[%dma_wait3A_991] : memref<1000000xf32, #tpu.memory_space<hbm>> -> memref<1000000xf32, #tpu.memory_space<hbm>>
      tpu.wait_indirect_dma semaphore(%arg22 : memref<!tpu.dma_semaphore, #tpu.memory_space<semaphore_mem>>) src(%dma_wait3A_992 : memref<1000000xf32, #tpu.memory_space<hbm>>) dst(%arg11 : memref<200xf32, #tpu.memory_space<vmem>>)
      %dma_wait3A_993 = tpu.memref_slice %arg8[%mul3A_989] : memref<25600xi32, #tpu.memory_space<vmem>> -> memref<200xi32, #tpu.memory_space<vmem>>
      %dma_wait3A_994 = arith.constant 0 : i32
      %dma_wait3A_995 = tpu.memref_slice %arg5[%dma_wait3A_994] : memref<1000000xf32, #tpu.memory_space<hbm>> -> memref<1000000xf32, #tpu.memory_space<hbm>>
      tpu.wait_indirect_dma semaphore(%arg26 : memref<!tpu.dma_semaphore, #tpu.memory_space<semaphore_mem>>) src(%dma_wait3A_995 : memref<1000000xf32, #tpu.memory_space<hbm>>) dst(%arg15 : memref<200xf32, #tpu.memory_space<vmem>>)
      %get3A_996 = arith.constant 0 : index
      %get3A_997 = tpu.vector_load %arg11[%get3A_996] {strides = array<i32>} : memref<200xf32, #tpu.memory_space<vmem>>, vector<16xf32>,
      %get3A_998 = arith.constant 16 : index
      %get3A_999 = tpu.vector_load %arg11[%get3A_998] {strides = array<i32>} : memref<200xf32, #tpu.memory_space<vmem>>, vector<16xf32>,
      %add3A_1000 = arith.addf %get3A_997, %get3A_999 : vector<16xf32>
      %get3A_1001 = arith.constant 32 : index
      %get3A_1002 = tpu.vector_load %arg11[%get3A_1001] {strides = array<i32>} : memref<200xf32, #tpu.memory_space<vmem>>, vector<16xf32>,
      %add3A_1003 = arith.addf %add3A_1000, %get3A_1002 : vector<16xf32>
      %get3A_1004 = arith.constant 48 : index
      %get3A_1005 = tpu.vector_load %arg11[%get3A_1004] {strides = array<i32>} : memref<200xf32, #tpu.memory_space<vmem>>, vector<16xf32>,
      %add3A_1006 = arith.addf %add3A_1003, %get3A_1005 : vector<16xf32>
      %get3A_1007 = arith.constant 64 : index
      %get3A_1008 = tpu.vector_load %arg11[%get3A_1007] {strides = array<i32>} : memref<200xf32, #tpu.memory_space<vmem>>, vector<16xf32>,
      %add3A_1009 = arith.addf %add3A_1006, %get3A_1008 : vector<16xf32>
      %get3A_1010 = arith.constant 80 : index
      %get3A_1011 = tpu.vector_load %arg11[%get3A_1010] {strides = array<i32>} : memref<200xf32, #tpu.memory_space<vmem>>, vector<16xf32>,
      %add3A_1012 = arith.addf %add3A_1009, %get3A_1011 : vector<16xf32>
      %get3A_1013 = arith.constant 96 : index
      %get3A_1014 = tpu.vector_load %arg11[%get3A_1013] {strides = array<i32>} : memref<200xf32, #tpu.memory_space<vmem>>, vector<16xf32>,
      %add3A_1015 = arith.addf %add3A_1012, %get3A_1014 : vector<16xf32>
      %get3A_1016 = arith.constant 112 : index
      %get3A_1017 = tpu.vector_load %arg11[%get3A_1016] {strides = array<i32>} : memref<200xf32, #tpu.memory_space<vmem>>, vector<16xf32>,
      %add3A_1018 = arith.addf %add3A_1015, %get3A_1017 : vector<16xf32>
      %get3A_1019 = arith.constant 128 : index
      %get3A_1020 = tpu.vector_load %arg11[%get3A_1019] {strides = array<i32>} : memref<200xf32, #tpu.memory_space<vmem>>, vector<16xf32>,
      %add3A_1021 = arith.addf %add3A_1018, %get3A_1020 : vector<16xf32>
      %get3A_1022 = arith.constant 144 : index
      %get3A_1023 = tpu.vector_load %arg11[%get3A_1022] {strides = array<i32>} : memref<200xf32, #tpu.memory_space<vmem>>, vector<16xf32>,
      %add3A_1024 = arith.addf %add3A_1021, %get3A_1023 : vector<16xf32>
      %get3A_1025 = arith.constant 160 : index
      %get3A_1026 = tpu.vector_load %arg11[%get3A_1025] {strides = array<i32>} : memref<200xf32, #tpu.memory_space<vmem>>, vector<16xf32>,
      %add3A_1027 = arith.addf %add3A_1024, %get3A_1026 : vector<16xf32>
      %get3A_1028 = arith.constant 176 : index
      %get3A_1029 = tpu.vector_load %arg11[%get3A_1028] {strides = array<i32>} : memref<200xf32, #tpu.memory_space<vmem>>, vector<16xf32>,
      %add3A_1030 = arith.addf %add3A_1027, %get3A_1029 : vector<16xf32>
      %get3A_1031 = arith.constant 184 : index
      %get3A_1032 = tpu.vector_load %arg11[%get3A_1031] {strides = array<i32>} : memref<200xf32, #tpu.memory_space<vmem>>, vector<16xf32>,
      %ge3A_1033 = arith.constant 8 : i32
      %ge3A_1034 = vector.broadcast %ge3A_1033 : i32 to vector<16xi32>
      %ge3A_1035 = arith.cmpi sge, %iota3A, %ge3A_1034 : vector<16xi32>
      %jit3A_1036 = arith.constant 0.000000e+00 : f32
      %broadcast_in_dim3A_1037 = vector.broadcast %jit3A_1036 : f32 to vector<16xf32>
      %select_n3A_1038 = arith.select %ge3A_1035, %get3A_1032, %broadcast_in_dim3A_1037 : vector<16xi1>, vector<16xf32>
      %add3A_1039 = arith.addf %add3A_1030, %select_n3A_1038 : vector<16xf32>
      %broadcast_in_dim3A_1040 = arith.constant true
      %broadcast_in_dim3A_1041 = vector.broadcast %broadcast_in_dim3A_1040 : i1 to vector<16xi1>
      %masked_cumsum3A_1042 = tpu.scan <sum>, %add3A_1039 masked %broadcast_in_dim3A_1041 : vector<16xf32>, vector<16xi1> -> vector<16xf32>
      %slice3A_1043 = vector.extract_strided_slice %masked_cumsum3A_1042 {offsets = [15], sizes = [1], strides = [1]} : vector<16xf32> to vector<1xf32>
      %squeeze3A_1044 = vector.extract %slice3A_1043[0] : f32 from vector<1xf32>
      %get3A_1045 = arith.constant 0 : index
      %get3A_1046 = tpu.vector_load %arg15[%get3A_1045] {strides = array<i32>} : memref<200xf32, #tpu.memory_space<vmem>>, vector<16xf32>,
      %get3A_1047 = arith.constant 16 : index
      %get3A_1048 = tpu.vector_load %arg15[%get3A_1047] {strides = array<i32>} : memref<200xf32, #tpu.memory_space<vmem>>, vector<16xf32>,
      %add3A_1049 = arith.addf %get3A_1046, %get3A_1048 : vector<16xf32>
      %get3A_1050 = arith.constant 32 : index
      %get3A_1051 = tpu.vector_load %arg15[%get3A_1050] {strides = array<i32>} : memref<200xf32, #tpu.memory_space<vmem>>, vector<16xf32>,
      %add3A_1052 = arith.addf %add3A_1049, %get3A_1051 : vector<16xf32>
      %get3A_1053 = arith.constant 48 : index
      %get3A_1054 = tpu.vector_load %arg15[%get3A_1053] {strides = array<i32>} : memref<200xf32, #tpu.memory_space<vmem>>, vector<16xf32>,
      %add3A_1055 = arith.addf %add3A_1052, %get3A_1054 : vector<16xf32>
      %get3A_1056 = arith.constant 64 : index
      %get3A_1057 = tpu.vector_load %arg15[%get3A_1056] {strides = array<i32>} : memref<200xf32, #tpu.memory_space<vmem>>, vector<16xf32>,
      %add3A_1058 = arith.addf %add3A_1055, %get3A_1057 : vector<16xf32>
      %get3A_1059 = arith.constant 80 : index
      %get3A_1060 = tpu.vector_load %arg15[%get3A_1059] {strides = array<i32>} : memref<200xf32, #tpu.memory_space<vmem>>, vector<16xf32>,
      %add3A_1061 = arith.addf %add3A_1058, %get3A_1060 : vector<16xf32>
      %get3A_1062 = arith.constant 96 : index
      %get3A_1063 = tpu.vector_load %arg15[%get3A_1062] {strides = array<i32>} : memref<200xf32, #tpu.memory_space<vmem>>, vector<16xf32>,
      %add3A_1064 = arith.addf %add3A_1061, %get3A_1063 : vector<16xf32>
      %get3A_1065 = arith.constant 112 : index
      %get3A_1066 = tpu.vector_load %arg15[%get3A_1065] {strides = array<i32>} : memref<200xf32, #tpu.memory_space<vmem>>, vector<16xf32>,
      %add3A_1067 = arith.addf %add3A_1064, %get3A_1066 : vector<16xf32>
      %get3A_1068 = arith.constant 128 : index
      %get3A_1069 = tpu.vector_load %arg15[%get3A_1068] {strides = array<i32>} : memref<200xf32, #tpu.memory_space<vmem>>, vector<16xf32>,
      %add3A_1070 = arith.addf %add3A_1067, %get3A_1069 : vector<16xf32>
      %get3A_1071 = arith.constant 144 : index
      %get3A_1072 = tpu.vector_load %arg15[%get3A_1071] {strides = array<i32>} : memref<200xf32, #tpu.memory_space<vmem>>, vector<16xf32>,
      %add3A_1073 = arith.addf %add3A_1070, %get3A_1072 : vector<16xf32>
      %get3A_1074 = arith.constant 160 : index
      %get3A_1075 = tpu.vector_load %arg15[%get3A_1074] {strides = array<i32>} : memref<200xf32, #tpu.memory_space<vmem>>, vector<16xf32>,
      %add3A_1076 = arith.addf %add3A_1073, %get3A_1075 : vector<16xf32>
      %get3A_1077 = arith.constant 176 : index
      %get3A_1078 = tpu.vector_load %arg15[%get3A_1077] {strides = array<i32>} : memref<200xf32, #tpu.memory_space<vmem>>, vector<16xf32>,
      %add3A_1079 = arith.addf %add3A_1076, %get3A_1078 : vector<16xf32>
      %get3A_1080 = arith.constant 184 : index
      %get3A_1081 = tpu.vector_load %arg15[%get3A_1080] {strides = array<i32>} : memref<200xf32, #tpu.memory_space<vmem>>, vector<16xf32>,
      %ge3A_1082 = arith.constant 8 : i32
      %ge3A_1083 = vector.broadcast %ge3A_1082 : i32 to vector<16xi32>
      %ge3A_1084 = arith.cmpi sge, %iota3A, %ge3A_1083 : vector<16xi32>
      %jit3A_1085 = arith.constant 0.000000e+00 : f32
      %broadcast_in_dim3A_1086 = vector.broadcast %jit3A_1085 : f32 to vector<16xf32>
      %select_n3A_1087 = arith.select %ge3A_1084, %get3A_1081, %broadcast_in_dim3A_1086 : vector<16xi1>, vector<16xf32>
      %add3A_1088 = arith.addf %add3A_1079, %select_n3A_1087 : vector<16xf32>
      %broadcast_in_dim3A_1089 = arith.constant true
      %broadcast_in_dim3A_1090 = vector.broadcast %broadcast_in_dim3A_1089 : i1 to vector<16xi1>
      %masked_cumsum3A_1091 = tpu.scan <sum>, %add3A_1088 masked %broadcast_in_dim3A_1090 : vector<16xf32>, vector<16xi1> -> vector<16xf32>
      %slice3A_1092 = vector.extract_strided_slice %masked_cumsum3A_1091 {offsets = [15], sizes = [1], strides = [1]} : vector<16xf32> to vector<1xf32>
      %squeeze3A_1093 = vector.extract %slice3A_1092[0] : f32 from vector<1xf32>
      %add3A_1094 = arith.constant 4 : i32
      %add3A_1095 = arith.addi %add3A_987, %add3A_1094 : i32
      %lt3A_1096 = arith.constant 128 : i32
      %lt3A_1097 = arith.cmpi slt, %add3A_1095, %lt3A_1096 : i32
      %convert_element_type3A_1098 = arith.extui %lt3A_1097 : i1 to i32
      %cond3A_1099 = arith.constant 0 : i32
      %cond3A_1100 = arith.cmpi ne, %convert_element_type3A_1098, %cond3A_1099 : i32
      scf.if %cond3A_1100 {
        %mul3A_2579 = arith.constant 200 : i32
        %mul3A_2580 = arith.muli %add3A_1095, %mul3A_2579 : i32
        %dma_start3A_2581 = tpu.memref_slice %arg8[%mul3A_2580] : memref<25600xi32, #tpu.memory_space<vmem>> -> memref<200xi32, #tpu.memory_space<vmem>>
        %dma_start3A_2582 = arith.constant 0 : i32
        %dma_start3A_2583 = tpu.memref_slice %arg4[%dma_start3A_2582] : memref<1000000xf32, #tpu.memory_space<hbm>> -> memref<1000000xf32, #tpu.memory_space<hbm>>
        tpu.enqueue_indirect_dma source(%dma_start3A_2583 : memref<1000000xf32, #tpu.memory_space<hbm>>) target(%arg11 : memref<200xf32, #tpu.memory_space<vmem>>) offsets(%dma_start3A_2581 : memref<200xi32, #tpu.memory_space<vmem>>) semaphore(%arg22 : memref<!tpu.dma_semaphore, #tpu.memory_space<semaphore_mem>>)
        %dma_start3A_2584 = tpu.memref_slice %arg8[%mul3A_2580] : memref<25600xi32, #tpu.memory_space<vmem>> -> memref<200xi32, #tpu.memory_space<vmem>>
        %dma_start3A_2585 = arith.constant 0 : i32
        %dma_start3A_2586 = tpu.memref_slice %arg5[%dma_start3A_2585] : memref<1000000xf32, #tpu.memory_space<hbm>> -> memref<1000000xf32, #tpu.memory_space<hbm>>
        tpu.enqueue_indirect_dma source(%dma_start3A_2586 : memref<1000000xf32, #tpu.memory_space<hbm>>) target(%arg15 : memref<200xf32, #tpu.memory_space<vmem>>) offsets(%dma_start3A_2584 : memref<200xi32, #tpu.memory_space<vmem>>) semaphore(%arg26 : memref<!tpu.dma_semaphore, #tpu.memory_space<semaphore_mem>>)
      } else {
      }
      %slice3A_1101 = vector.extract_strided_slice %get3A_49 {offsets = [6], sizes = [1], strides = [1]} : vector<16xf32> to vector<1xf32>
      %squeeze3A_1102 = vector.extract %slice3A_1101[0] : f32 from vector<1xf32>
      %broadcast_in_dim3A_1103 = vector.broadcast %squeeze3A_1102 : f32 to vector<16xf32>
      %eq3A_1104 = arith.constant 0 : i32
      %eq3A_1105 = vector.broadcast %eq3A_1104 : i32 to vector<16xi32>
      %eq3A_1106 = arith.cmpi eq, %iota3A, %eq3A_1105 : vector<16xi32>
      %eq3A_1107 = arith.constant 1 : i32
      %eq3A_1108 = vector.broadcast %eq3A_1107 : i32 to vector<16xi32>
      %eq3A_1109 = arith.cmpi eq, %iota3A, %eq3A_1108 : vector<16xi32>
      %jit3A_1110 = arith.constant 0.000000e+00 : f32
      %broadcast_in_dim3A_1111 = vector.broadcast %squeeze3A_1093 : f32 to vector<16xf32>
      %broadcast_in_dim3A_1112 = vector.broadcast %jit3A_1110 : f32 to vector<16xf32>
      %select_n3A_1113 = arith.select %eq3A_1109, %broadcast_in_dim3A_1111, %broadcast_in_dim3A_1112 : vector<16xi1>, vector<16xf32>
      %broadcast_in_dim3A_1114 = vector.broadcast %squeeze3A_1044 : f32 to vector<16xf32>
      %select_n3A_1115 = arith.select %eq3A_1106, %broadcast_in_dim3A_1114, %select_n3A_1113 : vector<16xi1>, vector<16xf32>
      %mul3A_1116 = arith.mulf %select_n3A_1115, %broadcast_in_dim3A_1103 : vector<16xf32>
      %add3A_1117 = arith.addf %mul3A_1116, %get3A_5 : vector<16xf32>
      %neg3A_1118 = arith.constant 0.000000e+00 : f32
      %neg3A_1119 = vector.broadcast %neg3A_1118 : f32 to vector<16xf32>
      %neg3A_1120 = arith.subf %neg3A_1119, %add3A_1117 : vector<16xf32>
      %exp3A_1121 = math.exp %neg3A_1120 : vector<16xf32>
      %add3A_1122 = arith.constant 1.000000e+00 : f32
      %add3A_1123 = vector.broadcast %add3A_1122 : f32 to vector<16xf32>
      %add3A_1124 = arith.addf %add3A_1123, %exp3A_1121 : vector<16xf32>
      %div3A_1125 = arith.constant 1.000000e+00 : f32
      %div3A_1126 = vector.broadcast %div3A_1125 : f32 to vector<16xf32>
      %div3A_1127 = arith.divf %div3A_1126, %add3A_1124 : vector<16xf32>
      %eq3A_1128 = arith.constant 12 : i32
      %eq3A_1129 = vector.broadcast %eq3A_1128 : i32 to vector<16xi32>
      %eq3A_1130 = arith.cmpi eq, %iota3A, %eq3A_1129 : vector<16xi32>
      %slice3A_1131 = vector.extract_strided_slice %div3A_1127 {offsets = [0], sizes = [1], strides = [1]} : vector<16xf32> to vector<1xf32>
      %squeeze3A_1132 = vector.extract %slice3A_1131[0] : f32 from vector<1xf32>
      %eq3A_1133 = arith.constant 13 : i32
      %eq3A_1134 = vector.broadcast %eq3A_1133 : i32 to vector<16xi32>
      %eq3A_1135 = arith.cmpi eq, %iota3A, %eq3A_1134 : vector<16xi32>
      %slice3A_1136 = vector.extract_strided_slice %div3A_1127 {offsets = [1], sizes = [1], strides = [1]} : vector<16xf32> to vector<1xf32>
      %squeeze3A_1137 = vector.extract %slice3A_1136[0] : f32 from vector<1xf32>
      %broadcast_in_dim3A_1138 = vector.broadcast %squeeze3A_1137 : f32 to vector<16xf32>
      %select_n3A_1139 = arith.select %eq3A_1135, %broadcast_in_dim3A_1138, %select_n3A_983 : vector<16xi1>, vector<16xf32>
      %broadcast_in_dim3A_1140 = vector.broadcast %squeeze3A_1132 : f32 to vector<16xf32>
      %select_n3A_1141 = arith.select %eq3A_1130, %broadcast_in_dim3A_1140, %select_n3A_1139 : vector<16xi1>, vector<16xf32>
      %mul3A_1142 = arith.constant 16 : i32
      %mul3A_1143 = arith.muli %scan3A_45, %mul3A_1142 : i32
      %add3A_1144 = arith.constant 7 : i32
      %add3A_1145 = arith.addi %mul3A_1143, %add3A_1144 : i32
      %mul3A_1146 = arith.constant 200 : i32
      %mul3A_1147 = arith.muli %add3A_1145, %mul3A_1146 : i32
      %dma_wait3A_1148 = tpu.memref_slice %arg8[%mul3A_1147] : memref<25600xi32, #tpu.memory_space<vmem>> -> memref<200xi32, #tpu.memory_space<vmem>>
      %dma_wait3A_1149 = arith.constant 0 : i32
      %dma_wait3A_1150 = tpu.memref_slice %arg4[%dma_wait3A_1149] : memref<1000000xf32, #tpu.memory_space<hbm>> -> memref<1000000xf32, #tpu.memory_space<hbm>>
      tpu.wait_indirect_dma semaphore(%arg23 : memref<!tpu.dma_semaphore, #tpu.memory_space<semaphore_mem>>) src(%dma_wait3A_1150 : memref<1000000xf32, #tpu.memory_space<hbm>>) dst(%arg12 : memref<200xf32, #tpu.memory_space<vmem>>)
      %dma_wait3A_1151 = tpu.memref_slice %arg8[%mul3A_1147] : memref<25600xi32, #tpu.memory_space<vmem>> -> memref<200xi32, #tpu.memory_space<vmem>>
      %dma_wait3A_1152 = arith.constant 0 : i32
      %dma_wait3A_1153 = tpu.memref_slice %arg5[%dma_wait3A_1152] : memref<1000000xf32, #tpu.memory_space<hbm>> -> memref<1000000xf32, #tpu.memory_space<hbm>>
      tpu.wait_indirect_dma semaphore(%arg27 : memref<!tpu.dma_semaphore, #tpu.memory_space<semaphore_mem>>) src(%dma_wait3A_1153 : memref<1000000xf32, #tpu.memory_space<hbm>>) dst(%arg16 : memref<200xf32, #tpu.memory_space<vmem>>)
      %get3A_1154 = arith.constant 0 : index
      %get3A_1155 = tpu.vector_load %arg12[%get3A_1154] {strides = array<i32>} : memref<200xf32, #tpu.memory_space<vmem>>, vector<16xf32>,
      %get3A_1156 = arith.constant 16 : index
      %get3A_1157 = tpu.vector_load %arg12[%get3A_1156] {strides = array<i32>} : memref<200xf32, #tpu.memory_space<vmem>>, vector<16xf32>,
      %add3A_1158 = arith.addf %get3A_1155, %get3A_1157 : vector<16xf32>
      %get3A_1159 = arith.constant 32 : index
      %get3A_1160 = tpu.vector_load %arg12[%get3A_1159] {strides = array<i32>} : memref<200xf32, #tpu.memory_space<vmem>>, vector<16xf32>,
      %add3A_1161 = arith.addf %add3A_1158, %get3A_1160 : vector<16xf32>
      %get3A_1162 = arith.constant 48 : index
      %get3A_1163 = tpu.vector_load %arg12[%get3A_1162] {strides = array<i32>} : memref<200xf32, #tpu.memory_space<vmem>>, vector<16xf32>,
      %add3A_1164 = arith.addf %add3A_1161, %get3A_1163 : vector<16xf32>
      %get3A_1165 = arith.constant 64 : index
      %get3A_1166 = tpu.vector_load %arg12[%get3A_1165] {strides = array<i32>} : memref<200xf32, #tpu.memory_space<vmem>>, vector<16xf32>,
      %add3A_1167 = arith.addf %add3A_1164, %get3A_1166 : vector<16xf32>
      %get3A_1168 = arith.constant 80 : index
      %get3A_1169 = tpu.vector_load %arg12[%get3A_1168] {strides = array<i32>} : memref<200xf32, #tpu.memory_space<vmem>>, vector<16xf32>,
      %add3A_1170 = arith.addf %add3A_1167, %get3A_1169 : vector<16xf32>
      %get3A_1171 = arith.constant 96 : index
      %get3A_1172 = tpu.vector_load %arg12[%get3A_1171] {strides = array<i32>} : memref<200xf32, #tpu.memory_space<vmem>>, vector<16xf32>,
      %add3A_1173 = arith.addf %add3A_1170, %get3A_1172 : vector<16xf32>
      %get3A_1174 = arith.constant 112 : index
      %get3A_1175 = tpu.vector_load %arg12[%get3A_1174] {strides = array<i32>} : memref<200xf32, #tpu.memory_space<vmem>>, vector<16xf32>,
      %add3A_1176 = arith.addf %add3A_1173, %get3A_1175 : vector<16xf32>
      %get3A_1177 = arith.constant 128 : index
      %get3A_1178 = tpu.vector_load %arg12[%get3A_1177] {strides = array<i32>} : memref<200xf32, #tpu.memory_space<vmem>>, vector<16xf32>,
      %add3A_1179 = arith.addf %add3A_1176, %get3A_1178 : vector<16xf32>
      %get3A_1180 = arith.constant 144 : index
      %get3A_1181 = tpu.vector_load %arg12[%get3A_1180] {strides = array<i32>} : memref<200xf32, #tpu.memory_space<vmem>>, vector<16xf32>,
      %add3A_1182 = arith.addf %add3A_1179, %get3A_1181 : vector<16xf32>
      %get3A_1183 = arith.constant 160 : index
      %get3A_1184 = tpu.vector_load %arg12[%get3A_1183] {strides = array<i32>} : memref<200xf32, #tpu.memory_space<vmem>>, vector<16xf32>,
      %add3A_1185 = arith.addf %add3A_1182, %get3A_1184 : vector<16xf32>
      %get3A_1186 = arith.constant 176 : index
      %get3A_1187 = tpu.vector_load %arg12[%get3A_1186] {strides = array<i32>} : memref<200xf32, #tpu.memory_space<vmem>>, vector<16xf32>,
      %add3A_1188 = arith.addf %add3A_1185, %get3A_1187 : vector<16xf32>
      %get3A_1189 = arith.constant 184 : index
      %get3A_1190 = tpu.vector_load %arg12[%get3A_1189] {strides = array<i32>} : memref<200xf32, #tpu.memory_space<vmem>>, vector<16xf32>,
      %ge3A_1191 = arith.constant 8 : i32
      %ge3A_1192 = vector.broadcast %ge3A_1191 : i32 to vector<16xi32>
      %ge3A_1193 = arith.cmpi sge, %iota3A, %ge3A_1192 : vector<16xi32>
      %jit3A_1194 = arith.constant 0.000000e+00 : f32
      %broadcast_in_dim3A_1195 = vector.broadcast %jit3A_1194 : f32 to vector<16xf32>
      %select_n3A_1196 = arith.select %ge3A_1193, %get3A_1190, %broadcast_in_dim3A_1195 : vector<16xi1>, vector<16xf32>
      %add3A_1197 = arith.addf %add3A_1188, %select_n3A_1196 : vector<16xf32>
      %broadcast_in_dim3A_1198 = arith.constant true
      %broadcast_in_dim3A_1199 = vector.broadcast %broadcast_in_dim3A_1198 : i1 to vector<16xi1>
      %masked_cumsum3A_1200 = tpu.scan <sum>, %add3A_1197 masked %broadcast_in_dim3A_1199 : vector<16xf32>, vector<16xi1> -> vector<16xf32>
      %slice3A_1201 = vector.extract_strided_slice %masked_cumsum3A_1200 {offsets = [15], sizes = [1], strides = [1]} : vector<16xf32> to vector<1xf32>
      %squeeze3A_1202 = vector.extract %slice3A_1201[0] : f32 from vector<1xf32>
      %get3A_1203 = arith.constant 0 : index
      %get3A_1204 = tpu.vector_load %arg16[%get3A_1203] {strides = array<i32>} : memref<200xf32, #tpu.memory_space<vmem>>, vector<16xf32>,
      %get3A_1205 = arith.constant 16 : index
      %get3A_1206 = tpu.vector_load %arg16[%get3A_1205] {strides = array<i32>} : memref<200xf32, #tpu.memory_space<vmem>>, vector<16xf32>,
      %add3A_1207 = arith.addf %get3A_1204, %get3A_1206 : vector<16xf32>
      %get3A_1208 = arith.constant 32 : index
      %get3A_1209 = tpu.vector_load %arg16[%get3A_1208] {strides = array<i32>} : memref<200xf32, #tpu.memory_space<vmem>>, vector<16xf32>,
      %add3A_1210 = arith.addf %add3A_1207, %get3A_1209 : vector<16xf32>
      %get3A_1211 = arith.constant 48 : index
      %get3A_1212 = tpu.vector_load %arg16[%get3A_1211] {strides = array<i32>} : memref<200xf32, #tpu.memory_space<vmem>>, vector<16xf32>,
      %add3A_1213 = arith.addf %add3A_1210, %get3A_1212 : vector<16xf32>
      %get3A_1214 = arith.constant 64 : index
      %get3A_1215 = tpu.vector_load %arg16[%get3A_1214] {strides = array<i32>} : memref<200xf32, #tpu.memory_space<vmem>>, vector<16xf32>,
      %add3A_1216 = arith.addf %add3A_1213, %get3A_1215 : vector<16xf32>
      %get3A_1217 = arith.constant 80 : index
      %get3A_1218 = tpu.vector_load %arg16[%get3A_1217] {strides = array<i32>} : memref<200xf32, #tpu.memory_space<vmem>>, vector<16xf32>,
      %add3A_1219 = arith.addf %add3A_1216, %get3A_1218 : vector<16xf32>
      %get3A_1220 = arith.constant 96 : index
      %get3A_1221 = tpu.vector_load %arg16[%get3A_1220] {strides = array<i32>} : memref<200xf32, #tpu.memory_space<vmem>>, vector<16xf32>,
      %add3A_1222 = arith.addf %add3A_1219, %get3A_1221 : vector<16xf32>
      %get3A_1223 = arith.constant 112 : index
      %get3A_1224 = tpu.vector_load %arg16[%get3A_1223] {strides = array<i32>} : memref<200xf32, #tpu.memory_space<vmem>>, vector<16xf32>,
      %add3A_1225 = arith.addf %add3A_1222, %get3A_1224 : vector<16xf32>
      %get3A_1226 = arith.constant 128 : index
      %get3A_1227 = tpu.vector_load %arg16[%get3A_1226] {strides = array<i32>} : memref<200xf32, #tpu.memory_space<vmem>>, vector<16xf32>,
      %add3A_1228 = arith.addf %add3A_1225, %get3A_1227 : vector<16xf32>
      %get3A_1229 = arith.constant 144 : index
      %get3A_1230 = tpu.vector_load %arg16[%get3A_1229] {strides = array<i32>} : memref<200xf32, #tpu.memory_space<vmem>>, vector<16xf32>,
      %add3A_1231 = arith.addf %add3A_1228, %get3A_1230 : vector<16xf32>
      %get3A_1232 = arith.constant 160 : index
      %get3A_1233 = tpu.vector_load %arg16[%get3A_1232] {strides = array<i32>} : memref<200xf32, #tpu.memory_space<vmem>>, vector<16xf32>,
      %add3A_1234 = arith.addf %add3A_1231, %get3A_1233 : vector<16xf32>
      %get3A_1235 = arith.constant 176 : index
      %get3A_1236 = tpu.vector_load %arg16[%get3A_1235] {strides = array<i32>} : memref<200xf32, #tpu.memory_space<vmem>>, vector<16xf32>,
      %add3A_1237 = arith.addf %add3A_1234, %get3A_1236 : vector<16xf32>
      %get3A_1238 = arith.constant 184 : index
      %get3A_1239 = tpu.vector_load %arg16[%get3A_1238] {strides = array<i32>} : memref<200xf32, #tpu.memory_space<vmem>>, vector<16xf32>,
      %ge3A_1240 = arith.constant 8 : i32
      %ge3A_1241 = vector.broadcast %ge3A_1240 : i32 to vector<16xi32>
      %ge3A_1242 = arith.cmpi sge, %iota3A, %ge3A_1241 : vector<16xi32>
      %jit3A_1243 = arith.constant 0.000000e+00 : f32
      %broadcast_in_dim3A_1244 = vector.broadcast %jit3A_1243 : f32 to vector<16xf32>
      %select_n3A_1245 = arith.select %ge3A_1242, %get3A_1239, %broadcast_in_dim3A_1244 : vector<16xi1>, vector<16xf32>
      %add3A_1246 = arith.addf %add3A_1237, %select_n3A_1245 : vector<16xf32>
      %broadcast_in_dim3A_1247 = arith.constant true
      %broadcast_in_dim3A_1248 = vector.broadcast %broadcast_in_dim3A_1247 : i1 to vector<16xi1>
      %masked_cumsum3A_1249 = tpu.scan <sum>, %add3A_1246 masked %broadcast_in_dim3A_1248 : vector<16xf32>, vector<16xi1> -> vector<16xf32>
      %slice3A_1250 = vector.extract_strided_slice %masked_cumsum3A_1249 {offsets = [15], sizes = [1], strides = [1]} : vector<16xf32> to vector<1xf32>
      %squeeze3A_1251 = vector.extract %slice3A_1250[0] : f32 from vector<1xf32>
      %add3A_1252 = arith.constant 4 : i32
      %add3A_1253 = arith.addi %add3A_1145, %add3A_1252 : i32
      %lt3A_1254 = arith.constant 128 : i32
      %lt3A_1255 = arith.cmpi slt, %add3A_1253, %lt3A_1254 : i32
      %convert_element_type3A_1256 = arith.extui %lt3A_1255 : i1 to i32
      %cond3A_1257 = arith.constant 0 : i32
      %cond3A_1258 = arith.cmpi ne, %convert_element_type3A_1256, %cond3A_1257 : i32
      scf.if %cond3A_1258 {
        %mul3A_2579 = arith.constant 200 : i32
        %mul3A_2580 = arith.muli %add3A_1253, %mul3A_2579 : i32
        %dma_start3A_2581 = tpu.memref_slice %arg8[%mul3A_2580] : memref<25600xi32, #tpu.memory_space<vmem>> -> memref<200xi32, #tpu.memory_space<vmem>>
        %dma_start3A_2582 = arith.constant 0 : i32
        %dma_start3A_2583 = tpu.memref_slice %arg4[%dma_start3A_2582] : memref<1000000xf32, #tpu.memory_space<hbm>> -> memref<1000000xf32, #tpu.memory_space<hbm>>
        tpu.enqueue_indirect_dma source(%dma_start3A_2583 : memref<1000000xf32, #tpu.memory_space<hbm>>) target(%arg12 : memref<200xf32, #tpu.memory_space<vmem>>) offsets(%dma_start3A_2581 : memref<200xi32, #tpu.memory_space<vmem>>) semaphore(%arg23 : memref<!tpu.dma_semaphore, #tpu.memory_space<semaphore_mem>>)
        %dma_start3A_2584 = tpu.memref_slice %arg8[%mul3A_2580] : memref<25600xi32, #tpu.memory_space<vmem>> -> memref<200xi32, #tpu.memory_space<vmem>>
        %dma_start3A_2585 = arith.constant 0 : i32
        %dma_start3A_2586 = tpu.memref_slice %arg5[%dma_start3A_2585] : memref<1000000xf32, #tpu.memory_space<hbm>> -> memref<1000000xf32, #tpu.memory_space<hbm>>
        tpu.enqueue_indirect_dma source(%dma_start3A_2586 : memref<1000000xf32, #tpu.memory_space<hbm>>) target(%arg16 : memref<200xf32, #tpu.memory_space<vmem>>) offsets(%dma_start3A_2584 : memref<200xi32, #tpu.memory_space<vmem>>) semaphore(%arg27 : memref<!tpu.dma_semaphore, #tpu.memory_space<semaphore_mem>>)
      } else {
      }
      %slice3A_1259 = vector.extract_strided_slice %get3A_49 {offsets = [7], sizes = [1], strides = [1]} : vector<16xf32> to vector<1xf32>
      %squeeze3A_1260 = vector.extract %slice3A_1259[0] : f32 from vector<1xf32>
      %broadcast_in_dim3A_1261 = vector.broadcast %squeeze3A_1260 : f32 to vector<16xf32>
      %eq3A_1262 = arith.constant 0 : i32
      %eq3A_1263 = vector.broadcast %eq3A_1262 : i32 to vector<16xi32>
      %eq3A_1264 = arith.cmpi eq, %iota3A, %eq3A_1263 : vector<16xi32>
      %eq3A_1265 = arith.constant 1 : i32
      %eq3A_1266 = vector.broadcast %eq3A_1265 : i32 to vector<16xi32>
      %eq3A_1267 = arith.cmpi eq, %iota3A, %eq3A_1266 : vector<16xi32>
      %jit3A_1268 = arith.constant 0.000000e+00 : f32
      %broadcast_in_dim3A_1269 = vector.broadcast %squeeze3A_1251 : f32 to vector<16xf32>
      %broadcast_in_dim3A_1270 = vector.broadcast %jit3A_1268 : f32 to vector<16xf32>
      %select_n3A_1271 = arith.select %eq3A_1267, %broadcast_in_dim3A_1269, %broadcast_in_dim3A_1270 : vector<16xi1>, vector<16xf32>
      %broadcast_in_dim3A_1272 = vector.broadcast %squeeze3A_1202 : f32 to vector<16xf32>
      %select_n3A_1273 = arith.select %eq3A_1264, %broadcast_in_dim3A_1272, %select_n3A_1271 : vector<16xi1>, vector<16xf32>
      %mul3A_1274 = arith.mulf %select_n3A_1273, %broadcast_in_dim3A_1261 : vector<16xf32>
      %add3A_1275 = arith.addf %mul3A_1274, %get3A_5 : vector<16xf32>
      %neg3A_1276 = arith.constant 0.000000e+00 : f32
      %neg3A_1277 = vector.broadcast %neg3A_1276 : f32 to vector<16xf32>
      %neg3A_1278 = arith.subf %neg3A_1277, %add3A_1275 : vector<16xf32>
      %exp3A_1279 = math.exp %neg3A_1278 : vector<16xf32>
      %add3A_1280 = arith.constant 1.000000e+00 : f32
      %add3A_1281 = vector.broadcast %add3A_1280 : f32 to vector<16xf32>
      %add3A_1282 = arith.addf %add3A_1281, %exp3A_1279 : vector<16xf32>
      %div3A_1283 = arith.constant 1.000000e+00 : f32
      %div3A_1284 = vector.broadcast %div3A_1283 : f32 to vector<16xf32>
      %div3A_1285 = arith.divf %div3A_1284, %add3A_1282 : vector<16xf32>
      %eq3A_1286 = arith.constant 14 : i32
      %eq3A_1287 = vector.broadcast %eq3A_1286 : i32 to vector<16xi32>
      %eq3A_1288 = arith.cmpi eq, %iota3A, %eq3A_1287 : vector<16xi32>
      %slice3A_1289 = vector.extract_strided_slice %div3A_1285 {offsets = [0], sizes = [1], strides = [1]} : vector<16xf32> to vector<1xf32>
      %squeeze3A_1290 = vector.extract %slice3A_1289[0] : f32 from vector<1xf32>
      %eq3A_1291 = arith.constant 15 : i32
      %eq3A_1292 = vector.broadcast %eq3A_1291 : i32 to vector<16xi32>
      %eq3A_1293 = arith.cmpi eq, %iota3A, %eq3A_1292 : vector<16xi32>
      %slice3A_1294 = vector.extract_strided_slice %div3A_1285 {offsets = [1], sizes = [1], strides = [1]} : vector<16xf32> to vector<1xf32>
      %squeeze3A_1295 = vector.extract %slice3A_1294[0] : f32 from vector<1xf32>
      %broadcast_in_dim3A_1296 = vector.broadcast %squeeze3A_1295 : f32 to vector<16xf32>
      %select_n3A_1297 = arith.select %eq3A_1293, %broadcast_in_dim3A_1296, %select_n3A_1141 : vector<16xi1>, vector<16xf32>
      %broadcast_in_dim3A_1298 = vector.broadcast %squeeze3A_1290 : f32 to vector<16xf32>
      %select_n3A_1299 = arith.select %eq3A_1288, %broadcast_in_dim3A_1298, %select_n3A_1297 : vector<16xi1>, vector<16xf32>
      %mul3A_1300 = arith.constant 2 : i32
      %mul3A_1301 = arith.muli %scan3A_45, %mul3A_1300 : i32
      %mul3A_1302 = arith.constant 16 : i32
      %mul3A_1303 = arith.muli %mul3A_1301, %mul3A_1302 : i32
      %add3A_1304 = arith.constant 0 : i32
      %add3A_1305 = arith.addi %mul3A_1303, %add3A_1304 : i32
      %swap3A = arith.index_cast %add3A_1305 : i32 to index
      %swap3A_1306 = tpu.vector_load %arg19[%swap3A] {strides = array<i32>} : memref<256xf32, #tpu.memory_space<vmem>>, vector<16xf32>,
      tpu.vector_store %arg19[%swap3A], %select_n3A_1299 {strides = array<i32>} : memref<256xf32, #tpu.memory_space<vmem>>, vector<16xf32>,
      %mul3A_1307 = arith.constant 16 : i32
      %mul3A_1308 = arith.muli %scan3A_45, %mul3A_1307 : i32
      %add3A_1309 = arith.constant 8 : i32
      %add3A_1310 = arith.addi %mul3A_1308, %add3A_1309 : i32
      %mul3A_1311 = arith.constant 200 : i32
      %mul3A_1312 = arith.muli %add3A_1310, %mul3A_1311 : i32
      %dma_wait3A_1313 = tpu.memref_slice %arg8[%mul3A_1312] : memref<25600xi32, #tpu.memory_space<vmem>> -> memref<200xi32, #tpu.memory_space<vmem>>
      %dma_wait3A_1314 = arith.constant 0 : i32
      %dma_wait3A_1315 = tpu.memref_slice %arg4[%dma_wait3A_1314] : memref<1000000xf32, #tpu.memory_space<hbm>> -> memref<1000000xf32, #tpu.memory_space<hbm>>
      tpu.wait_indirect_dma semaphore(%arg20 : memref<!tpu.dma_semaphore, #tpu.memory_space<semaphore_mem>>) src(%dma_wait3A_1315 : memref<1000000xf32, #tpu.memory_space<hbm>>) dst(%arg9 : memref<200xf32, #tpu.memory_space<vmem>>)
      %dma_wait3A_1316 = tpu.memref_slice %arg8[%mul3A_1312] : memref<25600xi32, #tpu.memory_space<vmem>> -> memref<200xi32, #tpu.memory_space<vmem>>
      %dma_wait3A_1317 = arith.constant 0 : i32
      %dma_wait3A_1318 = tpu.memref_slice %arg5[%dma_wait3A_1317] : memref<1000000xf32, #tpu.memory_space<hbm>> -> memref<1000000xf32, #tpu.memory_space<hbm>>
      tpu.wait_indirect_dma semaphore(%arg24 : memref<!tpu.dma_semaphore, #tpu.memory_space<semaphore_mem>>) src(%dma_wait3A_1318 : memref<1000000xf32, #tpu.memory_space<hbm>>) dst(%arg13 : memref<200xf32, #tpu.memory_space<vmem>>)
      %get3A_1319 = arith.constant 0 : index
      %get3A_1320 = tpu.vector_load %arg9[%get3A_1319] {strides = array<i32>} : memref<200xf32, #tpu.memory_space<vmem>>, vector<16xf32>,
      %get3A_1321 = arith.constant 16 : index
      %get3A_1322 = tpu.vector_load %arg9[%get3A_1321] {strides = array<i32>} : memref<200xf32, #tpu.memory_space<vmem>>, vector<16xf32>,
      %add3A_1323 = arith.addf %get3A_1320, %get3A_1322 : vector<16xf32>
      %get3A_1324 = arith.constant 32 : index
      %get3A_1325 = tpu.vector_load %arg9[%get3A_1324] {strides = array<i32>} : memref<200xf32, #tpu.memory_space<vmem>>, vector<16xf32>,
      %add3A_1326 = arith.addf %add3A_1323, %get3A_1325 : vector<16xf32>
      %get3A_1327 = arith.constant 48 : index
      %get3A_1328 = tpu.vector_load %arg9[%get3A_1327] {strides = array<i32>} : memref<200xf32, #tpu.memory_space<vmem>>, vector<16xf32>,
      %add3A_1329 = arith.addf %add3A_1326, %get3A_1328 : vector<16xf32>
      %get3A_1330 = arith.constant 64 : index
      %get3A_1331 = tpu.vector_load %arg9[%get3A_1330] {strides = array<i32>} : memref<200xf32, #tpu.memory_space<vmem>>, vector<16xf32>,
      %add3A_1332 = arith.addf %add3A_1329, %get3A_1331 : vector<16xf32>
      %get3A_1333 = arith.constant 80 : index
      %get3A_1334 = tpu.vector_load %arg9[%get3A_1333] {strides = array<i32>} : memref<200xf32, #tpu.memory_space<vmem>>, vector<16xf32>,
      %add3A_1335 = arith.addf %add3A_1332, %get3A_1334 : vector<16xf32>
      %get3A_1336 = arith.constant 96 : index
      %get3A_1337 = tpu.vector_load %arg9[%get3A_1336] {strides = array<i32>} : memref<200xf32, #tpu.memory_space<vmem>>, vector<16xf32>,
      %add3A_1338 = arith.addf %add3A_1335, %get3A_1337 : vector<16xf32>
      %get3A_1339 = arith.constant 112 : index
      %get3A_1340 = tpu.vector_load %arg9[%get3A_1339] {strides = array<i32>} : memref<200xf32, #tpu.memory_space<vmem>>, vector<16xf32>,
      %add3A_1341 = arith.addf %add3A_1338, %get3A_1340 : vector<16xf32>
      %get3A_1342 = arith.constant 128 : index
      %get3A_1343 = tpu.vector_load %arg9[%get3A_1342] {strides = array<i32>} : memref<200xf32, #tpu.memory_space<vmem>>, vector<16xf32>,
      %add3A_1344 = arith.addf %add3A_1341, %get3A_1343 : vector<16xf32>
      %get3A_1345 = arith.constant 144 : index
      %get3A_1346 = tpu.vector_load %arg9[%get3A_1345] {strides = array<i32>} : memref<200xf32, #tpu.memory_space<vmem>>, vector<16xf32>,
      %add3A_1347 = arith.addf %add3A_1344, %get3A_1346 : vector<16xf32>
      %get3A_1348 = arith.constant 160 : index
      %get3A_1349 = tpu.vector_load %arg9[%get3A_1348] {strides = array<i32>} : memref<200xf32, #tpu.memory_space<vmem>>, vector<16xf32>,
      %add3A_1350 = arith.addf %add3A_1347, %get3A_1349 : vector<16xf32>
      %get3A_1351 = arith.constant 176 : index
      %get3A_1352 = tpu.vector_load %arg9[%get3A_1351] {strides = array<i32>} : memref<200xf32, #tpu.memory_space<vmem>>, vector<16xf32>,
      %add3A_1353 = arith.addf %add3A_1350, %get3A_1352 : vector<16xf32>
      %get3A_1354 = arith.constant 184 : index
      %get3A_1355 = tpu.vector_load %arg9[%get3A_1354] {strides = array<i32>} : memref<200xf32, #tpu.memory_space<vmem>>, vector<16xf32>,
      %ge3A_1356 = arith.constant 8 : i32
      %ge3A_1357 = vector.broadcast %ge3A_1356 : i32 to vector<16xi32>
      %ge3A_1358 = arith.cmpi sge, %iota3A, %ge3A_1357 : vector<16xi32>
      %jit3A_1359 = arith.constant 0.000000e+00 : f32
      %broadcast_in_dim3A_1360 = vector.broadcast %jit3A_1359 : f32 to vector<16xf32>
      %select_n3A_1361 = arith.select %ge3A_1358, %get3A_1355, %broadcast_in_dim3A_1360 : vector<16xi1>, vector<16xf32>
      %add3A_1362 = arith.addf %add3A_1353, %select_n3A_1361 : vector<16xf32>
      %broadcast_in_dim3A_1363 = arith.constant true
      %broadcast_in_dim3A_1364 = vector.broadcast %broadcast_in_dim3A_1363 : i1 to vector<16xi1>
      %masked_cumsum3A_1365 = tpu.scan <sum>, %add3A_1362 masked %broadcast_in_dim3A_1364 : vector<16xf32>, vector<16xi1> -> vector<16xf32>
      %slice3A_1366 = vector.extract_strided_slice %masked_cumsum3A_1365 {offsets = [15], sizes = [1], strides = [1]} : vector<16xf32> to vector<1xf32>
      %squeeze3A_1367 = vector.extract %slice3A_1366[0] : f32 from vector<1xf32>
      %get3A_1368 = arith.constant 0 : index
      %get3A_1369 = tpu.vector_load %arg13[%get3A_1368] {strides = array<i32>} : memref<200xf32, #tpu.memory_space<vmem>>, vector<16xf32>,
      %get3A_1370 = arith.constant 16 : index
      %get3A_1371 = tpu.vector_load %arg13[%get3A_1370] {strides = array<i32>} : memref<200xf32, #tpu.memory_space<vmem>>, vector<16xf32>,
      %add3A_1372 = arith.addf %get3A_1369, %get3A_1371 : vector<16xf32>
      %get3A_1373 = arith.constant 32 : index
      %get3A_1374 = tpu.vector_load %arg13[%get3A_1373] {strides = array<i32>} : memref<200xf32, #tpu.memory_space<vmem>>, vector<16xf32>,
      %add3A_1375 = arith.addf %add3A_1372, %get3A_1374 : vector<16xf32>
      %get3A_1376 = arith.constant 48 : index
      %get3A_1377 = tpu.vector_load %arg13[%get3A_1376] {strides = array<i32>} : memref<200xf32, #tpu.memory_space<vmem>>, vector<16xf32>,
      %add3A_1378 = arith.addf %add3A_1375, %get3A_1377 : vector<16xf32>
      %get3A_1379 = arith.constant 64 : index
      %get3A_1380 = tpu.vector_load %arg13[%get3A_1379] {strides = array<i32>} : memref<200xf32, #tpu.memory_space<vmem>>, vector<16xf32>,
      %add3A_1381 = arith.addf %add3A_1378, %get3A_1380 : vector<16xf32>
      %get3A_1382 = arith.constant 80 : index
      %get3A_1383 = tpu.vector_load %arg13[%get3A_1382] {strides = array<i32>} : memref<200xf32, #tpu.memory_space<vmem>>, vector<16xf32>,
      %add3A_1384 = arith.addf %add3A_1381, %get3A_1383 : vector<16xf32>
      %get3A_1385 = arith.constant 96 : index
      %get3A_1386 = tpu.vector_load %arg13[%get3A_1385] {strides = array<i32>} : memref<200xf32, #tpu.memory_space<vmem>>, vector<16xf32>,
      %add3A_1387 = arith.addf %add3A_1384, %get3A_1386 : vector<16xf32>
      %get3A_1388 = arith.constant 112 : index
      %get3A_1389 = tpu.vector_load %arg13[%get3A_1388] {strides = array<i32>} : memref<200xf32, #tpu.memory_space<vmem>>, vector<16xf32>,
      %add3A_1390 = arith.addf %add3A_1387, %get3A_1389 : vector<16xf32>
      %get3A_1391 = arith.constant 128 : index
      %get3A_1392 = tpu.vector_load %arg13[%get3A_1391] {strides = array<i32>} : memref<200xf32, #tpu.memory_space<vmem>>, vector<16xf32>,
      %add3A_1393 = arith.addf %add3A_1390, %get3A_1392 : vector<16xf32>
      %get3A_1394 = arith.constant 144 : index
      %get3A_1395 = tpu.vector_load %arg13[%get3A_1394] {strides = array<i32>} : memref<200xf32, #tpu.memory_space<vmem>>, vector<16xf32>,
      %add3A_1396 = arith.addf %add3A_1393, %get3A_1395 : vector<16xf32>
      %get3A_1397 = arith.constant 160 : index
      %get3A_1398 = tpu.vector_load %arg13[%get3A_1397] {strides = array<i32>} : memref<200xf32, #tpu.memory_space<vmem>>, vector<16xf32>,
      %add3A_1399 = arith.addf %add3A_1396, %get3A_1398 : vector<16xf32>
      %get3A_1400 = arith.constant 176 : index
      %get3A_1401 = tpu.vector_load %arg13[%get3A_1400] {strides = array<i32>} : memref<200xf32, #tpu.memory_space<vmem>>, vector<16xf32>,
      %add3A_1402 = arith.addf %add3A_1399, %get3A_1401 : vector<16xf32>
      %get3A_1403 = arith.constant 184 : index
      %get3A_1404 = tpu.vector_load %arg13[%get3A_1403] {strides = array<i32>} : memref<200xf32, #tpu.memory_space<vmem>>, vector<16xf32>,
      %ge3A_1405 = arith.constant 8 : i32
      %ge3A_1406 = vector.broadcast %ge3A_1405 : i32 to vector<16xi32>
      %ge3A_1407 = arith.cmpi sge, %iota3A, %ge3A_1406 : vector<16xi32>
      %jit3A_1408 = arith.constant 0.000000e+00 : f32
      %broadcast_in_dim3A_1409 = vector.broadcast %jit3A_1408 : f32 to vector<16xf32>
      %select_n3A_1410 = arith.select %ge3A_1407, %get3A_1404, %broadcast_in_dim3A_1409 : vector<16xi1>, vector<16xf32>
      %add3A_1411 = arith.addf %add3A_1402, %select_n3A_1410 : vector<16xf32>
      %broadcast_in_dim3A_1412 = arith.constant true
      %broadcast_in_dim3A_1413 = vector.broadcast %broadcast_in_dim3A_1412 : i1 to vector<16xi1>
      %masked_cumsum3A_1414 = tpu.scan <sum>, %add3A_1411 masked %broadcast_in_dim3A_1413 : vector<16xf32>, vector<16xi1> -> vector<16xf32>
      %slice3A_1415 = vector.extract_strided_slice %masked_cumsum3A_1414 {offsets = [15], sizes = [1], strides = [1]} : vector<16xf32> to vector<1xf32>
      %squeeze3A_1416 = vector.extract %slice3A_1415[0] : f32 from vector<1xf32>
      %add3A_1417 = arith.constant 4 : i32
      %add3A_1418 = arith.addi %add3A_1310, %add3A_1417 : i32
      %lt3A_1419 = arith.constant 128 : i32
      %lt3A_1420 = arith.cmpi slt, %add3A_1418, %lt3A_1419 : i32
      %convert_element_type3A_1421 = arith.extui %lt3A_1420 : i1 to i32
      %cond3A_1422 = arith.constant 0 : i32
      %cond3A_1423 = arith.cmpi ne, %convert_element_type3A_1421, %cond3A_1422 : i32
      scf.if %cond3A_1423 {
        %mul3A_2579 = arith.constant 200 : i32
        %mul3A_2580 = arith.muli %add3A_1418, %mul3A_2579 : i32
        %dma_start3A_2581 = tpu.memref_slice %arg8[%mul3A_2580] : memref<25600xi32, #tpu.memory_space<vmem>> -> memref<200xi32, #tpu.memory_space<vmem>>
        %dma_start3A_2582 = arith.constant 0 : i32
        %dma_start3A_2583 = tpu.memref_slice %arg4[%dma_start3A_2582] : memref<1000000xf32, #tpu.memory_space<hbm>> -> memref<1000000xf32, #tpu.memory_space<hbm>>
        tpu.enqueue_indirect_dma source(%dma_start3A_2583 : memref<1000000xf32, #tpu.memory_space<hbm>>) target(%arg9 : memref<200xf32, #tpu.memory_space<vmem>>) offsets(%dma_start3A_2581 : memref<200xi32, #tpu.memory_space<vmem>>) semaphore(%arg20 : memref<!tpu.dma_semaphore, #tpu.memory_space<semaphore_mem>>)
        %dma_start3A_2584 = tpu.memref_slice %arg8[%mul3A_2580] : memref<25600xi32, #tpu.memory_space<vmem>> -> memref<200xi32, #tpu.memory_space<vmem>>
        %dma_start3A_2585 = arith.constant 0 : i32
        %dma_start3A_2586 = tpu.memref_slice %arg5[%dma_start3A_2585] : memref<1000000xf32, #tpu.memory_space<hbm>> -> memref<1000000xf32, #tpu.memory_space<hbm>>
        tpu.enqueue_indirect_dma source(%dma_start3A_2586 : memref<1000000xf32, #tpu.memory_space<hbm>>) target(%arg13 : memref<200xf32, #tpu.memory_space<vmem>>) offsets(%dma_start3A_2584 : memref<200xi32, #tpu.memory_space<vmem>>) semaphore(%arg24 : memref<!tpu.dma_semaphore, #tpu.memory_space<semaphore_mem>>)
      } else {
      }
      %slice3A_1424 = vector.extract_strided_slice %get3A_49 {offsets = [8], sizes = [1], strides = [1]} : vector<16xf32> to vector<1xf32>
      %squeeze3A_1425 = vector.extract %slice3A_1424[0] : f32 from vector<1xf32>
      %broadcast_in_dim3A_1426 = vector.broadcast %squeeze3A_1425 : f32 to vector<16xf32>
      %eq3A_1427 = arith.constant 0 : i32
      %eq3A_1428 = vector.broadcast %eq3A_1427 : i32 to vector<16xi32>
      %eq3A_1429 = arith.cmpi eq, %iota3A, %eq3A_1428 : vector<16xi32>
      %eq3A_1430 = arith.constant 1 : i32
      %eq3A_1431 = vector.broadcast %eq3A_1430 : i32 to vector<16xi32>
      %eq3A_1432 = arith.cmpi eq, %iota3A, %eq3A_1431 : vector<16xi32>
      %jit3A_1433 = arith.constant 0.000000e+00 : f32
      %broadcast_in_dim3A_1434 = vector.broadcast %squeeze3A_1416 : f32 to vector<16xf32>
      %broadcast_in_dim3A_1435 = vector.broadcast %jit3A_1433 : f32 to vector<16xf32>
      %select_n3A_1436 = arith.select %eq3A_1432, %broadcast_in_dim3A_1434, %broadcast_in_dim3A_1435 : vector<16xi1>, vector<16xf32>
      %broadcast_in_dim3A_1437 = vector.broadcast %squeeze3A_1367 : f32 to vector<16xf32>
      %select_n3A_1438 = arith.select %eq3A_1429, %broadcast_in_dim3A_1437, %select_n3A_1436 : vector<16xi1>, vector<16xf32>
      %mul3A_1439 = arith.mulf %select_n3A_1438, %broadcast_in_dim3A_1426 : vector<16xf32>
      %add3A_1440 = arith.addf %mul3A_1439, %get3A_5 : vector<16xf32>
      %neg3A_1441 = arith.constant 0.000000e+00 : f32
      %neg3A_1442 = vector.broadcast %neg3A_1441 : f32 to vector<16xf32>
      %neg3A_1443 = arith.subf %neg3A_1442, %add3A_1440 : vector<16xf32>
      %exp3A_1444 = math.exp %neg3A_1443 : vector<16xf32>
      %add3A_1445 = arith.constant 1.000000e+00 : f32
      %add3A_1446 = vector.broadcast %add3A_1445 : f32 to vector<16xf32>
      %add3A_1447 = arith.addf %add3A_1446, %exp3A_1444 : vector<16xf32>
      %div3A_1448 = arith.constant 1.000000e+00 : f32
      %div3A_1449 = vector.broadcast %div3A_1448 : f32 to vector<16xf32>
      %div3A_1450 = arith.divf %div3A_1449, %add3A_1447 : vector<16xf32>
      %eq3A_1451 = arith.constant 0 : i32
      %eq3A_1452 = vector.broadcast %eq3A_1451 : i32 to vector<16xi32>
      %eq3A_1453 = arith.cmpi eq, %iota3A, %eq3A_1452 : vector<16xi32>
      %slice3A_1454 = vector.extract_strided_slice %div3A_1450 {offsets = [0], sizes = [1], strides = [1]} : vector<16xf32> to vector<1xf32>
      %squeeze3A_1455 = vector.extract %slice3A_1454[0] : f32 from vector<1xf32>
      %eq3A_1456 = arith.constant 1 : i32
      %eq3A_1457 = vector.broadcast %eq3A_1456 : i32 to vector<16xi32>
      %eq3A_1458 = arith.cmpi eq, %iota3A, %eq3A_1457 : vector<16xi32>
      %slice3A_1459 = vector.extract_strided_slice %div3A_1450 {offsets = [1], sizes = [1], strides = [1]} : vector<16xf32> to vector<1xf32>
      %squeeze3A_1460 = vector.extract %slice3A_1459[0] : f32 from vector<1xf32>
      %broadcast_in_dim3A_1461 = vector.broadcast %squeeze3A_1460 : f32 to vector<16xf32>
      %select_n3A_1462 = arith.select %eq3A_1458, %broadcast_in_dim3A_1461, %broadcast_in_dim3A_6 : vector<16xi1>, vector<16xf32>
      %broadcast_in_dim3A_1463 = vector.broadcast %squeeze3A_1455 : f32 to vector<16xf32>
      %select_n3A_1464 = arith.select %eq3A_1453, %broadcast_in_dim3A_1463, %select_n3A_1462 : vector<16xi1>, vector<16xf32>
      %mul3A_1465 = arith.constant 16 : i32
      %mul3A_1466 = arith.muli %scan3A_45, %mul3A_1465 : i32
      %add3A_1467 = arith.constant 9 : i32
      %add3A_1468 = arith.addi %mul3A_1466, %add3A_1467 : i32
      %mul3A_1469 = arith.constant 200 : i32
      %mul3A_1470 = arith.muli %add3A_1468, %mul3A_1469 : i32
      %dma_wait3A_1471 = tpu.memref_slice %arg8[%mul3A_1470] : memref<25600xi32, #tpu.memory_space<vmem>> -> memref<200xi32, #tpu.memory_space<vmem>>
      %dma_wait3A_1472 = arith.constant 0 : i32
      %dma_wait3A_1473 = tpu.memref_slice %arg4[%dma_wait3A_1472] : memref<1000000xf32, #tpu.memory_space<hbm>> -> memref<1000000xf32, #tpu.memory_space<hbm>>
      tpu.wait_indirect_dma semaphore(%arg21 : memref<!tpu.dma_semaphore, #tpu.memory_space<semaphore_mem>>) src(%dma_wait3A_1473 : memref<1000000xf32, #tpu.memory_space<hbm>>) dst(%arg10 : memref<200xf32, #tpu.memory_space<vmem>>)
      %dma_wait3A_1474 = tpu.memref_slice %arg8[%mul3A_1470] : memref<25600xi32, #tpu.memory_space<vmem>> -> memref<200xi32, #tpu.memory_space<vmem>>
      %dma_wait3A_1475 = arith.constant 0 : i32
      %dma_wait3A_1476 = tpu.memref_slice %arg5[%dma_wait3A_1475] : memref<1000000xf32, #tpu.memory_space<hbm>> -> memref<1000000xf32, #tpu.memory_space<hbm>>
      tpu.wait_indirect_dma semaphore(%arg25 : memref<!tpu.dma_semaphore, #tpu.memory_space<semaphore_mem>>) src(%dma_wait3A_1476 : memref<1000000xf32, #tpu.memory_space<hbm>>) dst(%arg14 : memref<200xf32, #tpu.memory_space<vmem>>)
      %get3A_1477 = arith.constant 0 : index
      %get3A_1478 = tpu.vector_load %arg10[%get3A_1477] {strides = array<i32>} : memref<200xf32, #tpu.memory_space<vmem>>, vector<16xf32>,
      %get3A_1479 = arith.constant 16 : index
      %get3A_1480 = tpu.vector_load %arg10[%get3A_1479] {strides = array<i32>} : memref<200xf32, #tpu.memory_space<vmem>>, vector<16xf32>,
      %add3A_1481 = arith.addf %get3A_1478, %get3A_1480 : vector<16xf32>
      %get3A_1482 = arith.constant 32 : index
      %get3A_1483 = tpu.vector_load %arg10[%get3A_1482] {strides = array<i32>} : memref<200xf32, #tpu.memory_space<vmem>>, vector<16xf32>,
      %add3A_1484 = arith.addf %add3A_1481, %get3A_1483 : vector<16xf32>
      %get3A_1485 = arith.constant 48 : index
      %get3A_1486 = tpu.vector_load %arg10[%get3A_1485] {strides = array<i32>} : memref<200xf32, #tpu.memory_space<vmem>>, vector<16xf32>,
      %add3A_1487 = arith.addf %add3A_1484, %get3A_1486 : vector<16xf32>
      %get3A_1488 = arith.constant 64 : index
      %get3A_1489 = tpu.vector_load %arg10[%get3A_1488] {strides = array<i32>} : memref<200xf32, #tpu.memory_space<vmem>>, vector<16xf32>,
      %add3A_1490 = arith.addf %add3A_1487, %get3A_1489 : vector<16xf32>
      %get3A_1491 = arith.constant 80 : index
      %get3A_1492 = tpu.vector_load %arg10[%get3A_1491] {strides = array<i32>} : memref<200xf32, #tpu.memory_space<vmem>>, vector<16xf32>,
      %add3A_1493 = arith.addf %add3A_1490, %get3A_1492 : vector<16xf32>
      %get3A_1494 = arith.constant 96 : index
      %get3A_1495 = tpu.vector_load %arg10[%get3A_1494] {strides = array<i32>} : memref<200xf32, #tpu.memory_space<vmem>>, vector<16xf32>,
      %add3A_1496 = arith.addf %add3A_1493, %get3A_1495 : vector<16xf32>
      %get3A_1497 = arith.constant 112 : index
      %get3A_1498 = tpu.vector_load %arg10[%get3A_1497] {strides = array<i32>} : memref<200xf32, #tpu.memory_space<vmem>>, vector<16xf32>,
      %add3A_1499 = arith.addf %add3A_1496, %get3A_1498 : vector<16xf32>
      %get3A_1500 = arith.constant 128 : index
      %get3A_1501 = tpu.vector_load %arg10[%get3A_1500] {strides = array<i32>} : memref<200xf32, #tpu.memory_space<vmem>>, vector<16xf32>,
      %add3A_1502 = arith.addf %add3A_1499, %get3A_1501 : vector<16xf32>
      %get3A_1503 = arith.constant 144 : index
      %get3A_1504 = tpu.vector_load %arg10[%get3A_1503] {strides = array<i32>} : memref<200xf32, #tpu.memory_space<vmem>>, vector<16xf32>,
      %add3A_1505 = arith.addf %add3A_1502, %get3A_1504 : vector<16xf32>
      %get3A_1506 = arith.constant 160 : index
      %get3A_1507 = tpu.vector_load %arg10[%get3A_1506] {strides = array<i32>} : memref<200xf32, #tpu.memory_space<vmem>>, vector<16xf32>,
      %add3A_1508 = arith.addf %add3A_1505, %get3A_1507 : vector<16xf32>
      %get3A_1509 = arith.constant 176 : index
      %get3A_1510 = tpu.vector_load %arg10[%get3A_1509] {strides = array<i32>} : memref<200xf32, #tpu.memory_space<vmem>>, vector<16xf32>,
      %add3A_1511 = arith.addf %add3A_1508, %get3A_1510 : vector<16xf32>
      %get3A_1512 = arith.constant 184 : index
      %get3A_1513 = tpu.vector_load %arg10[%get3A_1512] {strides = array<i32>} : memref<200xf32, #tpu.memory_space<vmem>>, vector<16xf32>,
      %ge3A_1514 = arith.constant 8 : i32
      %ge3A_1515 = vector.broadcast %ge3A_1514 : i32 to vector<16xi32>
      %ge3A_1516 = arith.cmpi sge, %iota3A, %ge3A_1515 : vector<16xi32>
      %jit3A_1517 = arith.constant 0.000000e+00 : f32
      %broadcast_in_dim3A_1518 = vector.broadcast %jit3A_1517 : f32 to vector<16xf32>
      %select_n3A_1519 = arith.select %ge3A_1516, %get3A_1513, %broadcast_in_dim3A_1518 : vector<16xi1>, vector<16xf32>
      %add3A_1520 = arith.addf %add3A_1511, %select_n3A_1519 : vector<16xf32>
      %broadcast_in_dim3A_1521 = arith.constant true
      %broadcast_in_dim3A_1522 = vector.broadcast %broadcast_in_dim3A_1521 : i1 to vector<16xi1>
      %masked_cumsum3A_1523 = tpu.scan <sum>, %add3A_1520 masked %broadcast_in_dim3A_1522 : vector<16xf32>, vector<16xi1> -> vector<16xf32>
      %slice3A_1524 = vector.extract_strided_slice %masked_cumsum3A_1523 {offsets = [15], sizes = [1], strides = [1]} : vector<16xf32> to vector<1xf32>
      %squeeze3A_1525 = vector.extract %slice3A_1524[0] : f32 from vector<1xf32>
      %get3A_1526 = arith.constant 0 : index
      %get3A_1527 = tpu.vector_load %arg14[%get3A_1526] {strides = array<i32>} : memref<200xf32, #tpu.memory_space<vmem>>, vector<16xf32>,
      %get3A_1528 = arith.constant 16 : index
      %get3A_1529 = tpu.vector_load %arg14[%get3A_1528] {strides = array<i32>} : memref<200xf32, #tpu.memory_space<vmem>>, vector<16xf32>,
      %add3A_1530 = arith.addf %get3A_1527, %get3A_1529 : vector<16xf32>
      %get3A_1531 = arith.constant 32 : index
      %get3A_1532 = tpu.vector_load %arg14[%get3A_1531] {strides = array<i32>} : memref<200xf32, #tpu.memory_space<vmem>>, vector<16xf32>,
      %add3A_1533 = arith.addf %add3A_1530, %get3A_1532 : vector<16xf32>
      %get3A_1534 = arith.constant 48 : index
      %get3A_1535 = tpu.vector_load %arg14[%get3A_1534] {strides = array<i32>} : memref<200xf32, #tpu.memory_space<vmem>>, vector<16xf32>,
      %add3A_1536 = arith.addf %add3A_1533, %get3A_1535 : vector<16xf32>
      %get3A_1537 = arith.constant 64 : index
      %get3A_1538 = tpu.vector_load %arg14[%get3A_1537] {strides = array<i32>} : memref<200xf32, #tpu.memory_space<vmem>>, vector<16xf32>,
      %add3A_1539 = arith.addf %add3A_1536, %get3A_1538 : vector<16xf32>
      %get3A_1540 = arith.constant 80 : index
      %get3A_1541 = tpu.vector_load %arg14[%get3A_1540] {strides = array<i32>} : memref<200xf32, #tpu.memory_space<vmem>>, vector<16xf32>,
      %add3A_1542 = arith.addf %add3A_1539, %get3A_1541 : vector<16xf32>
      %get3A_1543 = arith.constant 96 : index
      %get3A_1544 = tpu.vector_load %arg14[%get3A_1543] {strides = array<i32>} : memref<200xf32, #tpu.memory_space<vmem>>, vector<16xf32>,
      %add3A_1545 = arith.addf %add3A_1542, %get3A_1544 : vector<16xf32>
      %get3A_1546 = arith.constant 112 : index
      %get3A_1547 = tpu.vector_load %arg14[%get3A_1546] {strides = array<i32>} : memref<200xf32, #tpu.memory_space<vmem>>, vector<16xf32>,
      %add3A_1548 = arith.addf %add3A_1545, %get3A_1547 : vector<16xf32>
      %get3A_1549 = arith.constant 128 : index
      %get3A_1550 = tpu.vector_load %arg14[%get3A_1549] {strides = array<i32>} : memref<200xf32, #tpu.memory_space<vmem>>, vector<16xf32>,
      %add3A_1551 = arith.addf %add3A_1548, %get3A_1550 : vector<16xf32>
      %get3A_1552 = arith.constant 144 : index
      %get3A_1553 = tpu.vector_load %arg14[%get3A_1552] {strides = array<i32>} : memref<200xf32, #tpu.memory_space<vmem>>, vector<16xf32>,
      %add3A_1554 = arith.addf %add3A_1551, %get3A_1553 : vector<16xf32>
      %get3A_1555 = arith.constant 160 : index
      %get3A_1556 = tpu.vector_load %arg14[%get3A_1555] {strides = array<i32>} : memref<200xf32, #tpu.memory_space<vmem>>, vector<16xf32>,
      %add3A_1557 = arith.addf %add3A_1554, %get3A_1556 : vector<16xf32>
      %get3A_1558 = arith.constant 176 : index
      %get3A_1559 = tpu.vector_load %arg14[%get3A_1558] {strides = array<i32>} : memref<200xf32, #tpu.memory_space<vmem>>, vector<16xf32>,
      %add3A_1560 = arith.addf %add3A_1557, %get3A_1559 : vector<16xf32>
      %get3A_1561 = arith.constant 184 : index
      %get3A_1562 = tpu.vector_load %arg14[%get3A_1561] {strides = array<i32>} : memref<200xf32, #tpu.memory_space<vmem>>, vector<16xf32>,
      %ge3A_1563 = arith.constant 8 : i32
      %ge3A_1564 = vector.broadcast %ge3A_1563 : i32 to vector<16xi32>
      %ge3A_1565 = arith.cmpi sge, %iota3A, %ge3A_1564 : vector<16xi32>
      %jit3A_1566 = arith.constant 0.000000e+00 : f32
      %broadcast_in_dim3A_1567 = vector.broadcast %jit3A_1566 : f32 to vector<16xf32>
      %select_n3A_1568 = arith.select %ge3A_1565, %get3A_1562, %broadcast_in_dim3A_1567 : vector<16xi1>, vector<16xf32>
      %add3A_1569 = arith.addf %add3A_1560, %select_n3A_1568 : vector<16xf32>
      %broadcast_in_dim3A_1570 = arith.constant true
      %broadcast_in_dim3A_1571 = vector.broadcast %broadcast_in_dim3A_1570 : i1 to vector<16xi1>
      %masked_cumsum3A_1572 = tpu.scan <sum>, %add3A_1569 masked %broadcast_in_dim3A_1571 : vector<16xf32>, vector<16xi1> -> vector<16xf32>
      %slice3A_1573 = vector.extract_strided_slice %masked_cumsum3A_1572 {offsets = [15], sizes = [1], strides = [1]} : vector<16xf32> to vector<1xf32>
      %squeeze3A_1574 = vector.extract %slice3A_1573[0] : f32 from vector<1xf32>
      %add3A_1575 = arith.constant 4 : i32
      %add3A_1576 = arith.addi %add3A_1468, %add3A_1575 : i32
      %lt3A_1577 = arith.constant 128 : i32
      %lt3A_1578 = arith.cmpi slt, %add3A_1576, %lt3A_1577 : i32
      %convert_element_type3A_1579 = arith.extui %lt3A_1578 : i1 to i32
      %cond3A_1580 = arith.constant 0 : i32
      %cond3A_1581 = arith.cmpi ne, %convert_element_type3A_1579, %cond3A_1580 : i32
      scf.if %cond3A_1581 {
        %mul3A_2579 = arith.constant 200 : i32
        %mul3A_2580 = arith.muli %add3A_1576, %mul3A_2579 : i32
        %dma_start3A_2581 = tpu.memref_slice %arg8[%mul3A_2580] : memref<25600xi32, #tpu.memory_space<vmem>> -> memref<200xi32, #tpu.memory_space<vmem>>
        %dma_start3A_2582 = arith.constant 0 : i32
        %dma_start3A_2583 = tpu.memref_slice %arg4[%dma_start3A_2582] : memref<1000000xf32, #tpu.memory_space<hbm>> -> memref<1000000xf32, #tpu.memory_space<hbm>>
        tpu.enqueue_indirect_dma source(%dma_start3A_2583 : memref<1000000xf32, #tpu.memory_space<hbm>>) target(%arg10 : memref<200xf32, #tpu.memory_space<vmem>>) offsets(%dma_start3A_2581 : memref<200xi32, #tpu.memory_space<vmem>>) semaphore(%arg21 : memref<!tpu.dma_semaphore, #tpu.memory_space<semaphore_mem>>)
        %dma_start3A_2584 = tpu.memref_slice %arg8[%mul3A_2580] : memref<25600xi32, #tpu.memory_space<vmem>> -> memref<200xi32, #tpu.memory_space<vmem>>
        %dma_start3A_2585 = arith.constant 0 : i32
        %dma_start3A_2586 = tpu.memref_slice %arg5[%dma_start3A_2585] : memref<1000000xf32, #tpu.memory_space<hbm>> -> memref<1000000xf32, #tpu.memory_space<hbm>>
        tpu.enqueue_indirect_dma source(%dma_start3A_2586 : memref<1000000xf32, #tpu.memory_space<hbm>>) target(%arg14 : memref<200xf32, #tpu.memory_space<vmem>>) offsets(%dma_start3A_2584 : memref<200xi32, #tpu.memory_space<vmem>>) semaphore(%arg25 : memref<!tpu.dma_semaphore, #tpu.memory_space<semaphore_mem>>)
      } else {
      }
      %slice3A_1582 = vector.extract_strided_slice %get3A_49 {offsets = [9], sizes = [1], strides = [1]} : vector<16xf32> to vector<1xf32>
      %squeeze3A_1583 = vector.extract %slice3A_1582[0] : f32 from vector<1xf32>
      %broadcast_in_dim3A_1584 = vector.broadcast %squeeze3A_1583 : f32 to vector<16xf32>
      %eq3A_1585 = arith.constant 0 : i32
      %eq3A_1586 = vector.broadcast %eq3A_1585 : i32 to vector<16xi32>
      %eq3A_1587 = arith.cmpi eq, %iota3A, %eq3A_1586 : vector<16xi32>
      %eq3A_1588 = arith.constant 1 : i32
      %eq3A_1589 = vector.broadcast %eq3A_1588 : i32 to vector<16xi32>
      %eq3A_1590 = arith.cmpi eq, %iota3A, %eq3A_1589 : vector<16xi32>
      %jit3A_1591 = arith.constant 0.000000e+00 : f32
      %broadcast_in_dim3A_1592 = vector.broadcast %squeeze3A_1574 : f32 to vector<16xf32>
      %broadcast_in_dim3A_1593 = vector.broadcast %jit3A_1591 : f32 to vector<16xf32>
      %select_n3A_1594 = arith.select %eq3A_1590, %broadcast_in_dim3A_1592, %broadcast_in_dim3A_1593 : vector<16xi1>, vector<16xf32>
      %broadcast_in_dim3A_1595 = vector.broadcast %squeeze3A_1525 : f32 to vector<16xf32>
      %select_n3A_1596 = arith.select %eq3A_1587, %broadcast_in_dim3A_1595, %select_n3A_1594 : vector<16xi1>, vector<16xf32>
      %mul3A_1597 = arith.mulf %select_n3A_1596, %broadcast_in_dim3A_1584 : vector<16xf32>
      %add3A_1598 = arith.addf %mul3A_1597, %get3A_5 : vector<16xf32>
      %neg3A_1599 = arith.constant 0.000000e+00 : f32
      %neg3A_1600 = vector.broadcast %neg3A_1599 : f32 to vector<16xf32>
      %neg3A_1601 = arith.subf %neg3A_1600, %add3A_1598 : vector<16xf32>
      %exp3A_1602 = math.exp %neg3A_1601 : vector<16xf32>
      %add3A_1603 = arith.constant 1.000000e+00 : f32
      %add3A_1604 = vector.broadcast %add3A_1603 : f32 to vector<16xf32>
      %add3A_1605 = arith.addf %add3A_1604, %exp3A_1602 : vector<16xf32>
      %div3A_1606 = arith.constant 1.000000e+00 : f32
      %div3A_1607 = vector.broadcast %div3A_1606 : f32 to vector<16xf32>
      %div3A_1608 = arith.divf %div3A_1607, %add3A_1605 : vector<16xf32>
      %eq3A_1609 = arith.constant 2 : i32
      %eq3A_1610 = vector.broadcast %eq3A_1609 : i32 to vector<16xi32>
      %eq3A_1611 = arith.cmpi eq, %iota3A, %eq3A_1610 : vector<16xi32>
      %slice3A_1612 = vector.extract_strided_slice %div3A_1608 {offsets = [0], sizes = [1], strides = [1]} : vector<16xf32> to vector<1xf32>
      %squeeze3A_1613 = vector.extract %slice3A_1612[0] : f32 from vector<1xf32>
      %eq3A_1614 = arith.constant 3 : i32
      %eq3A_1615 = vector.broadcast %eq3A_1614 : i32 to vector<16xi32>
      %eq3A_1616 = arith.cmpi eq, %iota3A, %eq3A_1615 : vector<16xi32>
      %slice3A_1617 = vector.extract_strided_slice %div3A_1608 {offsets = [1], sizes = [1], strides = [1]} : vector<16xf32> to vector<1xf32>
      %squeeze3A_1618 = vector.extract %slice3A_1617[0] : f32 from vector<1xf32>
      %broadcast_in_dim3A_1619 = vector.broadcast %squeeze3A_1618 : f32 to vector<16xf32>
      %select_n3A_1620 = arith.select %eq3A_1616, %broadcast_in_dim3A_1619, %select_n3A_1464 : vector<16xi1>, vector<16xf32>
      %broadcast_in_dim3A_1621 = vector.broadcast %squeeze3A_1613 : f32 to vector<16xf32>
      %select_n3A_1622 = arith.select %eq3A_1611, %broadcast_in_dim3A_1621, %select_n3A_1620 : vector<16xi1>, vector<16xf32>
      %mul3A_1623 = arith.constant 16 : i32
      %mul3A_1624 = arith.muli %scan3A_45, %mul3A_1623 : i32
      %add3A_1625 = arith.constant 10 : i32
      %add3A_1626 = arith.addi %mul3A_1624, %add3A_1625 : i32
      %mul3A_1627 = arith.constant 200 : i32
      %mul3A_1628 = arith.muli %add3A_1626, %mul3A_1627 : i32
      %dma_wait3A_1629 = tpu.memref_slice %arg8[%mul3A_1628] : memref<25600xi32, #tpu.memory_space<vmem>> -> memref<200xi32, #tpu.memory_space<vmem>>
      %dma_wait3A_1630 = arith.constant 0 : i32
      %dma_wait3A_1631 = tpu.memref_slice %arg4[%dma_wait3A_1630] : memref<1000000xf32, #tpu.memory_space<hbm>> -> memref<1000000xf32, #tpu.memory_space<hbm>>
      tpu.wait_indirect_dma semaphore(%arg22 : memref<!tpu.dma_semaphore, #tpu.memory_space<semaphore_mem>>) src(%dma_wait3A_1631 : memref<1000000xf32, #tpu.memory_space<hbm>>) dst(%arg11 : memref<200xf32, #tpu.memory_space<vmem>>)
      %dma_wait3A_1632 = tpu.memref_slice %arg8[%mul3A_1628] : memref<25600xi32, #tpu.memory_space<vmem>> -> memref<200xi32, #tpu.memory_space<vmem>>
      %dma_wait3A_1633 = arith.constant 0 : i32
      %dma_wait3A_1634 = tpu.memref_slice %arg5[%dma_wait3A_1633] : memref<1000000xf32, #tpu.memory_space<hbm>> -> memref<1000000xf32, #tpu.memory_space<hbm>>
      tpu.wait_indirect_dma semaphore(%arg26 : memref<!tpu.dma_semaphore, #tpu.memory_space<semaphore_mem>>) src(%dma_wait3A_1634 : memref<1000000xf32, #tpu.memory_space<hbm>>) dst(%arg15 : memref<200xf32, #tpu.memory_space<vmem>>)
      %get3A_1635 = arith.constant 0 : index
      %get3A_1636 = tpu.vector_load %arg11[%get3A_1635] {strides = array<i32>} : memref<200xf32, #tpu.memory_space<vmem>>, vector<16xf32>,
      %get3A_1637 = arith.constant 16 : index
      %get3A_1638 = tpu.vector_load %arg11[%get3A_1637] {strides = array<i32>} : memref<200xf32, #tpu.memory_space<vmem>>, vector<16xf32>,
      %add3A_1639 = arith.addf %get3A_1636, %get3A_1638 : vector<16xf32>
      %get3A_1640 = arith.constant 32 : index
      %get3A_1641 = tpu.vector_load %arg11[%get3A_1640] {strides = array<i32>} : memref<200xf32, #tpu.memory_space<vmem>>, vector<16xf32>,
      %add3A_1642 = arith.addf %add3A_1639, %get3A_1641 : vector<16xf32>
      %get3A_1643 = arith.constant 48 : index
      %get3A_1644 = tpu.vector_load %arg11[%get3A_1643] {strides = array<i32>} : memref<200xf32, #tpu.memory_space<vmem>>, vector<16xf32>,
      %add3A_1645 = arith.addf %add3A_1642, %get3A_1644 : vector<16xf32>
      %get3A_1646 = arith.constant 64 : index
      %get3A_1647 = tpu.vector_load %arg11[%get3A_1646] {strides = array<i32>} : memref<200xf32, #tpu.memory_space<vmem>>, vector<16xf32>,
      %add3A_1648 = arith.addf %add3A_1645, %get3A_1647 : vector<16xf32>
      %get3A_1649 = arith.constant 80 : index
      %get3A_1650 = tpu.vector_load %arg11[%get3A_1649] {strides = array<i32>} : memref<200xf32, #tpu.memory_space<vmem>>, vector<16xf32>,
      %add3A_1651 = arith.addf %add3A_1648, %get3A_1650 : vector<16xf32>
      %get3A_1652 = arith.constant 96 : index
      %get3A_1653 = tpu.vector_load %arg11[%get3A_1652] {strides = array<i32>} : memref<200xf32, #tpu.memory_space<vmem>>, vector<16xf32>,
      %add3A_1654 = arith.addf %add3A_1651, %get3A_1653 : vector<16xf32>
      %get3A_1655 = arith.constant 112 : index
      %get3A_1656 = tpu.vector_load %arg11[%get3A_1655] {strides = array<i32>} : memref<200xf32, #tpu.memory_space<vmem>>, vector<16xf32>,
      %add3A_1657 = arith.addf %add3A_1654, %get3A_1656 : vector<16xf32>
      %get3A_1658 = arith.constant 128 : index
      %get3A_1659 = tpu.vector_load %arg11[%get3A_1658] {strides = array<i32>} : memref<200xf32, #tpu.memory_space<vmem>>, vector<16xf32>,
      %add3A_1660 = arith.addf %add3A_1657, %get3A_1659 : vector<16xf32>
      %get3A_1661 = arith.constant 144 : index
      %get3A_1662 = tpu.vector_load %arg11[%get3A_1661] {strides = array<i32>} : memref<200xf32, #tpu.memory_space<vmem>>, vector<16xf32>,
      %add3A_1663 = arith.addf %add3A_1660, %get3A_1662 : vector<16xf32>
      %get3A_1664 = arith.constant 160 : index
      %get3A_1665 = tpu.vector_load %arg11[%get3A_1664] {strides = array<i32>} : memref<200xf32, #tpu.memory_space<vmem>>, vector<16xf32>,
      %add3A_1666 = arith.addf %add3A_1663, %get3A_1665 : vector<16xf32>
      %get3A_1667 = arith.constant 176 : index
      %get3A_1668 = tpu.vector_load %arg11[%get3A_1667] {strides = array<i32>} : memref<200xf32, #tpu.memory_space<vmem>>, vector<16xf32>,
      %add3A_1669 = arith.addf %add3A_1666, %get3A_1668 : vector<16xf32>
      %get3A_1670 = arith.constant 184 : index
      %get3A_1671 = tpu.vector_load %arg11[%get3A_1670] {strides = array<i32>} : memref<200xf32, #tpu.memory_space<vmem>>, vector<16xf32>,
      %ge3A_1672 = arith.constant 8 : i32
      %ge3A_1673 = vector.broadcast %ge3A_1672 : i32 to vector<16xi32>
      %ge3A_1674 = arith.cmpi sge, %iota3A, %ge3A_1673 : vector<16xi32>
      %jit3A_1675 = arith.constant 0.000000e+00 : f32
      %broadcast_in_dim3A_1676 = vector.broadcast %jit3A_1675 : f32 to vector<16xf32>
      %select_n3A_1677 = arith.select %ge3A_1674, %get3A_1671, %broadcast_in_dim3A_1676 : vector<16xi1>, vector<16xf32>
      %add3A_1678 = arith.addf %add3A_1669, %select_n3A_1677 : vector<16xf32>
      %broadcast_in_dim3A_1679 = arith.constant true
      %broadcast_in_dim3A_1680 = vector.broadcast %broadcast_in_dim3A_1679 : i1 to vector<16xi1>
      %masked_cumsum3A_1681 = tpu.scan <sum>, %add3A_1678 masked %broadcast_in_dim3A_1680 : vector<16xf32>, vector<16xi1> -> vector<16xf32>
      %slice3A_1682 = vector.extract_strided_slice %masked_cumsum3A_1681 {offsets = [15], sizes = [1], strides = [1]} : vector<16xf32> to vector<1xf32>
      %squeeze3A_1683 = vector.extract %slice3A_1682[0] : f32 from vector<1xf32>
      %get3A_1684 = arith.constant 0 : index
      %get3A_1685 = tpu.vector_load %arg15[%get3A_1684] {strides = array<i32>} : memref<200xf32, #tpu.memory_space<vmem>>, vector<16xf32>,
      %get3A_1686 = arith.constant 16 : index
      %get3A_1687 = tpu.vector_load %arg15[%get3A_1686] {strides = array<i32>} : memref<200xf32, #tpu.memory_space<vmem>>, vector<16xf32>,
      %add3A_1688 = arith.addf %get3A_1685, %get3A_1687 : vector<16xf32>
      %get3A_1689 = arith.constant 32 : index
      %get3A_1690 = tpu.vector_load %arg15[%get3A_1689] {strides = array<i32>} : memref<200xf32, #tpu.memory_space<vmem>>, vector<16xf32>,
      %add3A_1691 = arith.addf %add3A_1688, %get3A_1690 : vector<16xf32>
      %get3A_1692 = arith.constant 48 : index
      %get3A_1693 = tpu.vector_load %arg15[%get3A_1692] {strides = array<i32>} : memref<200xf32, #tpu.memory_space<vmem>>, vector<16xf32>,
      %add3A_1694 = arith.addf %add3A_1691, %get3A_1693 : vector<16xf32>
      %get3A_1695 = arith.constant 64 : index
      %get3A_1696 = tpu.vector_load %arg15[%get3A_1695] {strides = array<i32>} : memref<200xf32, #tpu.memory_space<vmem>>, vector<16xf32>,
      %add3A_1697 = arith.addf %add3A_1694, %get3A_1696 : vector<16xf32>
      %get3A_1698 = arith.constant 80 : index
      %get3A_1699 = tpu.vector_load %arg15[%get3A_1698] {strides = array<i32>} : memref<200xf32, #tpu.memory_space<vmem>>, vector<16xf32>,
      %add3A_1700 = arith.addf %add3A_1697, %get3A_1699 : vector<16xf32>
      %get3A_1701 = arith.constant 96 : index
      %get3A_1702 = tpu.vector_load %arg15[%get3A_1701] {strides = array<i32>} : memref<200xf32, #tpu.memory_space<vmem>>, vector<16xf32>,
      %add3A_1703 = arith.addf %add3A_1700, %get3A_1702 : vector<16xf32>
      %get3A_1704 = arith.constant 112 : index
      %get3A_1705 = tpu.vector_load %arg15[%get3A_1704] {strides = array<i32>} : memref<200xf32, #tpu.memory_space<vmem>>, vector<16xf32>,
      %add3A_1706 = arith.addf %add3A_1703, %get3A_1705 : vector<16xf32>
      %get3A_1707 = arith.constant 128 : index
      %get3A_1708 = tpu.vector_load %arg15[%get3A_1707] {strides = array<i32>} : memref<200xf32, #tpu.memory_space<vmem>>, vector<16xf32>,
      %add3A_1709 = arith.addf %add3A_1706, %get3A_1708 : vector<16xf32>
      %get3A_1710 = arith.constant 144 : index
      %get3A_1711 = tpu.vector_load %arg15[%get3A_1710] {strides = array<i32>} : memref<200xf32, #tpu.memory_space<vmem>>, vector<16xf32>,
      %add3A_1712 = arith.addf %add3A_1709, %get3A_1711 : vector<16xf32>
      %get3A_1713 = arith.constant 160 : index
      %get3A_1714 = tpu.vector_load %arg15[%get3A_1713] {strides = array<i32>} : memref<200xf32, #tpu.memory_space<vmem>>, vector<16xf32>,
      %add3A_1715 = arith.addf %add3A_1712, %get3A_1714 : vector<16xf32>
      %get3A_1716 = arith.constant 176 : index
      %get3A_1717 = tpu.vector_load %arg15[%get3A_1716] {strides = array<i32>} : memref<200xf32, #tpu.memory_space<vmem>>, vector<16xf32>,
      %add3A_1718 = arith.addf %add3A_1715, %get3A_1717 : vector<16xf32>
      %get3A_1719 = arith.constant 184 : index
      %get3A_1720 = tpu.vector_load %arg15[%get3A_1719] {strides = array<i32>} : memref<200xf32, #tpu.memory_space<vmem>>, vector<16xf32>,
      %ge3A_1721 = arith.constant 8 : i32
      %ge3A_1722 = vector.broadcast %ge3A_1721 : i32 to vector<16xi32>
      %ge3A_1723 = arith.cmpi sge, %iota3A, %ge3A_1722 : vector<16xi32>
      %jit3A_1724 = arith.constant 0.000000e+00 : f32
      %broadcast_in_dim3A_1725 = vector.broadcast %jit3A_1724 : f32 to vector<16xf32>
      %select_n3A_1726 = arith.select %ge3A_1723, %get3A_1720, %broadcast_in_dim3A_1725 : vector<16xi1>, vector<16xf32>
      %add3A_1727 = arith.addf %add3A_1718, %select_n3A_1726 : vector<16xf32>
      %broadcast_in_dim3A_1728 = arith.constant true
      %broadcast_in_dim3A_1729 = vector.broadcast %broadcast_in_dim3A_1728 : i1 to vector<16xi1>
      %masked_cumsum3A_1730 = tpu.scan <sum>, %add3A_1727 masked %broadcast_in_dim3A_1729 : vector<16xf32>, vector<16xi1> -> vector<16xf32>
      %slice3A_1731 = vector.extract_strided_slice %masked_cumsum3A_1730 {offsets = [15], sizes = [1], strides = [1]} : vector<16xf32> to vector<1xf32>
      %squeeze3A_1732 = vector.extract %slice3A_1731[0] : f32 from vector<1xf32>
      %add3A_1733 = arith.constant 4 : i32
      %add3A_1734 = arith.addi %add3A_1626, %add3A_1733 : i32
      %lt3A_1735 = arith.constant 128 : i32
      %lt3A_1736 = arith.cmpi slt, %add3A_1734, %lt3A_1735 : i32
      %convert_element_type3A_1737 = arith.extui %lt3A_1736 : i1 to i32
      %cond3A_1738 = arith.constant 0 : i32
      %cond3A_1739 = arith.cmpi ne, %convert_element_type3A_1737, %cond3A_1738 : i32
      scf.if %cond3A_1739 {
        %mul3A_2579 = arith.constant 200 : i32
        %mul3A_2580 = arith.muli %add3A_1734, %mul3A_2579 : i32
        %dma_start3A_2581 = tpu.memref_slice %arg8[%mul3A_2580] : memref<25600xi32, #tpu.memory_space<vmem>> -> memref<200xi32, #tpu.memory_space<vmem>>
        %dma_start3A_2582 = arith.constant 0 : i32
        %dma_start3A_2583 = tpu.memref_slice %arg4[%dma_start3A_2582] : memref<1000000xf32, #tpu.memory_space<hbm>> -> memref<1000000xf32, #tpu.memory_space<hbm>>
        tpu.enqueue_indirect_dma source(%dma_start3A_2583 : memref<1000000xf32, #tpu.memory_space<hbm>>) target(%arg11 : memref<200xf32, #tpu.memory_space<vmem>>) offsets(%dma_start3A_2581 : memref<200xi32, #tpu.memory_space<vmem>>) semaphore(%arg22 : memref<!tpu.dma_semaphore, #tpu.memory_space<semaphore_mem>>)
        %dma_start3A_2584 = tpu.memref_slice %arg8[%mul3A_2580] : memref<25600xi32, #tpu.memory_space<vmem>> -> memref<200xi32, #tpu.memory_space<vmem>>
        %dma_start3A_2585 = arith.constant 0 : i32
        %dma_start3A_2586 = tpu.memref_slice %arg5[%dma_start3A_2585] : memref<1000000xf32, #tpu.memory_space<hbm>> -> memref<1000000xf32, #tpu.memory_space<hbm>>
        tpu.enqueue_indirect_dma source(%dma_start3A_2586 : memref<1000000xf32, #tpu.memory_space<hbm>>) target(%arg15 : memref<200xf32, #tpu.memory_space<vmem>>) offsets(%dma_start3A_2584 : memref<200xi32, #tpu.memory_space<vmem>>) semaphore(%arg26 : memref<!tpu.dma_semaphore, #tpu.memory_space<semaphore_mem>>)
      } else {
      }
      %slice3A_1740 = vector.extract_strided_slice %get3A_49 {offsets = [10], sizes = [1], strides = [1]} : vector<16xf32> to vector<1xf32>
      %squeeze3A_1741 = vector.extract %slice3A_1740[0] : f32 from vector<1xf32>
      %broadcast_in_dim3A_1742 = vector.broadcast %squeeze3A_1741 : f32 to vector<16xf32>
      %eq3A_1743 = arith.constant 0 : i32
      %eq3A_1744 = vector.broadcast %eq3A_1743 : i32 to vector<16xi32>
      %eq3A_1745 = arith.cmpi eq, %iota3A, %eq3A_1744 : vector<16xi32>
      %eq3A_1746 = arith.constant 1 : i32
      %eq3A_1747 = vector.broadcast %eq3A_1746 : i32 to vector<16xi32>
      %eq3A_1748 = arith.cmpi eq, %iota3A, %eq3A_1747 : vector<16xi32>
      %jit3A_1749 = arith.constant 0.000000e+00 : f32
      %broadcast_in_dim3A_1750 = vector.broadcast %squeeze3A_1732 : f32 to vector<16xf32>
      %broadcast_in_dim3A_1751 = vector.broadcast %jit3A_1749 : f32 to vector<16xf32>
      %select_n3A_1752 = arith.select %eq3A_1748, %broadcast_in_dim3A_1750, %broadcast_in_dim3A_1751 : vector<16xi1>, vector<16xf32>
      %broadcast_in_dim3A_1753 = vector.broadcast %squeeze3A_1683 : f32 to vector<16xf32>
      %select_n3A_1754 = arith.select %eq3A_1745, %broadcast_in_dim3A_1753, %select_n3A_1752 : vector<16xi1>, vector<16xf32>
      %mul3A_1755 = arith.mulf %select_n3A_1754, %broadcast_in_dim3A_1742 : vector<16xf32>
      %add3A_1756 = arith.addf %mul3A_1755, %get3A_5 : vector<16xf32>
      %neg3A_1757 = arith.constant 0.000000e+00 : f32
      %neg3A_1758 = vector.broadcast %neg3A_1757 : f32 to vector<16xf32>
      %neg3A_1759 = arith.subf %neg3A_1758, %add3A_1756 : vector<16xf32>
      %exp3A_1760 = math.exp %neg3A_1759 : vector<16xf32>
      %add3A_1761 = arith.constant 1.000000e+00 : f32
      %add3A_1762 = vector.broadcast %add3A_1761 : f32 to vector<16xf32>
      %add3A_1763 = arith.addf %add3A_1762, %exp3A_1760 : vector<16xf32>
      %div3A_1764 = arith.constant 1.000000e+00 : f32
      %div3A_1765 = vector.broadcast %div3A_1764 : f32 to vector<16xf32>
      %div3A_1766 = arith.divf %div3A_1765, %add3A_1763 : vector<16xf32>
      %eq3A_1767 = arith.constant 4 : i32
      %eq3A_1768 = vector.broadcast %eq3A_1767 : i32 to vector<16xi32>
      %eq3A_1769 = arith.cmpi eq, %iota3A, %eq3A_1768 : vector<16xi32>
      %slice3A_1770 = vector.extract_strided_slice %div3A_1766 {offsets = [0], sizes = [1], strides = [1]} : vector<16xf32> to vector<1xf32>
      %squeeze3A_1771 = vector.extract %slice3A_1770[0] : f32 from vector<1xf32>
      %eq3A_1772 = arith.constant 5 : i32
      %eq3A_1773 = vector.broadcast %eq3A_1772 : i32 to vector<16xi32>
      %eq3A_1774 = arith.cmpi eq, %iota3A, %eq3A_1773 : vector<16xi32>
      %slice3A_1775 = vector.extract_strided_slice %div3A_1766 {offsets = [1], sizes = [1], strides = [1]} : vector<16xf32> to vector<1xf32>
      %squeeze3A_1776 = vector.extract %slice3A_1775[0] : f32 from vector<1xf32>
      %broadcast_in_dim3A_1777 = vector.broadcast %squeeze3A_1776 : f32 to vector<16xf32>
      %select_n3A_1778 = arith.select %eq3A_1774, %broadcast_in_dim3A_1777, %select_n3A_1622 : vector<16xi1>, vector<16xf32>
      %broadcast_in_dim3A_1779 = vector.broadcast %squeeze3A_1771 : f32 to vector<16xf32>
      %select_n3A_1780 = arith.select %eq3A_1769, %broadcast_in_dim3A_1779, %select_n3A_1778 : vector<16xi1>, vector<16xf32>
      %mul3A_1781 = arith.constant 16 : i32
      %mul3A_1782 = arith.muli %scan3A_45, %mul3A_1781 : i32
      %add3A_1783 = arith.constant 11 : i32
      %add3A_1784 = arith.addi %mul3A_1782, %add3A_1783 : i32
      %mul3A_1785 = arith.constant 200 : i32
      %mul3A_1786 = arith.muli %add3A_1784, %mul3A_1785 : i32
      %dma_wait3A_1787 = tpu.memref_slice %arg8[%mul3A_1786] : memref<25600xi32, #tpu.memory_space<vmem>> -> memref<200xi32, #tpu.memory_space<vmem>>
      %dma_wait3A_1788 = arith.constant 0 : i32
      %dma_wait3A_1789 = tpu.memref_slice %arg4[%dma_wait3A_1788] : memref<1000000xf32, #tpu.memory_space<hbm>> -> memref<1000000xf32, #tpu.memory_space<hbm>>
      tpu.wait_indirect_dma semaphore(%arg23 : memref<!tpu.dma_semaphore, #tpu.memory_space<semaphore_mem>>) src(%dma_wait3A_1789 : memref<1000000xf32, #tpu.memory_space<hbm>>) dst(%arg12 : memref<200xf32, #tpu.memory_space<vmem>>)
      %dma_wait3A_1790 = tpu.memref_slice %arg8[%mul3A_1786] : memref<25600xi32, #tpu.memory_space<vmem>> -> memref<200xi32, #tpu.memory_space<vmem>>
      %dma_wait3A_1791 = arith.constant 0 : i32
      %dma_wait3A_1792 = tpu.memref_slice %arg5[%dma_wait3A_1791] : memref<1000000xf32, #tpu.memory_space<hbm>> -> memref<1000000xf32, #tpu.memory_space<hbm>>
      tpu.wait_indirect_dma semaphore(%arg27 : memref<!tpu.dma_semaphore, #tpu.memory_space<semaphore_mem>>) src(%dma_wait3A_1792 : memref<1000000xf32, #tpu.memory_space<hbm>>) dst(%arg16 : memref<200xf32, #tpu.memory_space<vmem>>)
      %get3A_1793 = arith.constant 0 : index
      %get3A_1794 = tpu.vector_load %arg12[%get3A_1793] {strides = array<i32>} : memref<200xf32, #tpu.memory_space<vmem>>, vector<16xf32>,
      %get3A_1795 = arith.constant 16 : index
      %get3A_1796 = tpu.vector_load %arg12[%get3A_1795] {strides = array<i32>} : memref<200xf32, #tpu.memory_space<vmem>>, vector<16xf32>,
      %add3A_1797 = arith.addf %get3A_1794, %get3A_1796 : vector<16xf32>
      %get3A_1798 = arith.constant 32 : index
      %get3A_1799 = tpu.vector_load %arg12[%get3A_1798] {strides = array<i32>} : memref<200xf32, #tpu.memory_space<vmem>>, vector<16xf32>,
      %add3A_1800 = arith.addf %add3A_1797, %get3A_1799 : vector<16xf32>
      %get3A_1801 = arith.constant 48 : index
      %get3A_1802 = tpu.vector_load %arg12[%get3A_1801] {strides = array<i32>} : memref<200xf32, #tpu.memory_space<vmem>>, vector<16xf32>,
      %add3A_1803 = arith.addf %add3A_1800, %get3A_1802 : vector<16xf32>
      %get3A_1804 = arith.constant 64 : index
      %get3A_1805 = tpu.vector_load %arg12[%get3A_1804] {strides = array<i32>} : memref<200xf32, #tpu.memory_space<vmem>>, vector<16xf32>,
      %add3A_1806 = arith.addf %add3A_1803, %get3A_1805 : vector<16xf32>
      %get3A_1807 = arith.constant 80 : index
      %get3A_1808 = tpu.vector_load %arg12[%get3A_1807] {strides = array<i32>} : memref<200xf32, #tpu.memory_space<vmem>>, vector<16xf32>,
      %add3A_1809 = arith.addf %add3A_1806, %get3A_1808 : vector<16xf32>
      %get3A_1810 = arith.constant 96 : index
      %get3A_1811 = tpu.vector_load %arg12[%get3A_1810] {strides = array<i32>} : memref<200xf32, #tpu.memory_space<vmem>>, vector<16xf32>,
      %add3A_1812 = arith.addf %add3A_1809, %get3A_1811 : vector<16xf32>
      %get3A_1813 = arith.constant 112 : index
      %get3A_1814 = tpu.vector_load %arg12[%get3A_1813] {strides = array<i32>} : memref<200xf32, #tpu.memory_space<vmem>>, vector<16xf32>,
      %add3A_1815 = arith.addf %add3A_1812, %get3A_1814 : vector<16xf32>
      %get3A_1816 = arith.constant 128 : index
      %get3A_1817 = tpu.vector_load %arg12[%get3A_1816] {strides = array<i32>} : memref<200xf32, #tpu.memory_space<vmem>>, vector<16xf32>,
      %add3A_1818 = arith.addf %add3A_1815, %get3A_1817 : vector<16xf32>
      %get3A_1819 = arith.constant 144 : index
      %get3A_1820 = tpu.vector_load %arg12[%get3A_1819] {strides = array<i32>} : memref<200xf32, #tpu.memory_space<vmem>>, vector<16xf32>,
      %add3A_1821 = arith.addf %add3A_1818, %get3A_1820 : vector<16xf32>
      %get3A_1822 = arith.constant 160 : index
      %get3A_1823 = tpu.vector_load %arg12[%get3A_1822] {strides = array<i32>} : memref<200xf32, #tpu.memory_space<vmem>>, vector<16xf32>,
      %add3A_1824 = arith.addf %add3A_1821, %get3A_1823 : vector<16xf32>
      %get3A_1825 = arith.constant 176 : index
      %get3A_1826 = tpu.vector_load %arg12[%get3A_1825] {strides = array<i32>} : memref<200xf32, #tpu.memory_space<vmem>>, vector<16xf32>,
      %add3A_1827 = arith.addf %add3A_1824, %get3A_1826 : vector<16xf32>
      %get3A_1828 = arith.constant 184 : index
      %get3A_1829 = tpu.vector_load %arg12[%get3A_1828] {strides = array<i32>} : memref<200xf32, #tpu.memory_space<vmem>>, vector<16xf32>,
      %ge3A_1830 = arith.constant 8 : i32
      %ge3A_1831 = vector.broadcast %ge3A_1830 : i32 to vector<16xi32>
      %ge3A_1832 = arith.cmpi sge, %iota3A, %ge3A_1831 : vector<16xi32>
      %jit3A_1833 = arith.constant 0.000000e+00 : f32
      %broadcast_in_dim3A_1834 = vector.broadcast %jit3A_1833 : f32 to vector<16xf32>
      %select_n3A_1835 = arith.select %ge3A_1832, %get3A_1829, %broadcast_in_dim3A_1834 : vector<16xi1>, vector<16xf32>
      %add3A_1836 = arith.addf %add3A_1827, %select_n3A_1835 : vector<16xf32>
      %broadcast_in_dim3A_1837 = arith.constant true
      %broadcast_in_dim3A_1838 = vector.broadcast %broadcast_in_dim3A_1837 : i1 to vector<16xi1>
      %masked_cumsum3A_1839 = tpu.scan <sum>, %add3A_1836 masked %broadcast_in_dim3A_1838 : vector<16xf32>, vector<16xi1> -> vector<16xf32>
      %slice3A_1840 = vector.extract_strided_slice %masked_cumsum3A_1839 {offsets = [15], sizes = [1], strides = [1]} : vector<16xf32> to vector<1xf32>
      %squeeze3A_1841 = vector.extract %slice3A_1840[0] : f32 from vector<1xf32>
      %get3A_1842 = arith.constant 0 : index
      %get3A_1843 = tpu.vector_load %arg16[%get3A_1842] {strides = array<i32>} : memref<200xf32, #tpu.memory_space<vmem>>, vector<16xf32>,
      %get3A_1844 = arith.constant 16 : index
      %get3A_1845 = tpu.vector_load %arg16[%get3A_1844] {strides = array<i32>} : memref<200xf32, #tpu.memory_space<vmem>>, vector<16xf32>,
      %add3A_1846 = arith.addf %get3A_1843, %get3A_1845 : vector<16xf32>
      %get3A_1847 = arith.constant 32 : index
      %get3A_1848 = tpu.vector_load %arg16[%get3A_1847] {strides = array<i32>} : memref<200xf32, #tpu.memory_space<vmem>>, vector<16xf32>,
      %add3A_1849 = arith.addf %add3A_1846, %get3A_1848 : vector<16xf32>
      %get3A_1850 = arith.constant 48 : index
      %get3A_1851 = tpu.vector_load %arg16[%get3A_1850] {strides = array<i32>} : memref<200xf32, #tpu.memory_space<vmem>>, vector<16xf32>,
      %add3A_1852 = arith.addf %add3A_1849, %get3A_1851 : vector<16xf32>
      %get3A_1853 = arith.constant 64 : index
      %get3A_1854 = tpu.vector_load %arg16[%get3A_1853] {strides = array<i32>} : memref<200xf32, #tpu.memory_space<vmem>>, vector<16xf32>,
      %add3A_1855 = arith.addf %add3A_1852, %get3A_1854 : vector<16xf32>
      %get3A_1856 = arith.constant 80 : index
      %get3A_1857 = tpu.vector_load %arg16[%get3A_1856] {strides = array<i32>} : memref<200xf32, #tpu.memory_space<vmem>>, vector<16xf32>,
      %add3A_1858 = arith.addf %add3A_1855, %get3A_1857 : vector<16xf32>
      %get3A_1859 = arith.constant 96 : index
      %get3A_1860 = tpu.vector_load %arg16[%get3A_1859] {strides = array<i32>} : memref<200xf32, #tpu.memory_space<vmem>>, vector<16xf32>,
      %add3A_1861 = arith.addf %add3A_1858, %get3A_1860 : vector<16xf32>
      %get3A_1862 = arith.constant 112 : index
      %get3A_1863 = tpu.vector_load %arg16[%get3A_1862] {strides = array<i32>} : memref<200xf32, #tpu.memory_space<vmem>>, vector<16xf32>,
      %add3A_1864 = arith.addf %add3A_1861, %get3A_1863 : vector<16xf32>
      %get3A_1865 = arith.constant 128 : index
      %get3A_1866 = tpu.vector_load %arg16[%get3A_1865] {strides = array<i32>} : memref<200xf32, #tpu.memory_space<vmem>>, vector<16xf32>,
      %add3A_1867 = arith.addf %add3A_1864, %get3A_1866 : vector<16xf32>
      %get3A_1868 = arith.constant 144 : index
      %get3A_1869 = tpu.vector_load %arg16[%get3A_1868] {strides = array<i32>} : memref<200xf32, #tpu.memory_space<vmem>>, vector<16xf32>,
      %add3A_1870 = arith.addf %add3A_1867, %get3A_1869 : vector<16xf32>
      %get3A_1871 = arith.constant 160 : index
      %get3A_1872 = tpu.vector_load %arg16[%get3A_1871] {strides = array<i32>} : memref<200xf32, #tpu.memory_space<vmem>>, vector<16xf32>,
      %add3A_1873 = arith.addf %add3A_1870, %get3A_1872 : vector<16xf32>
      %get3A_1874 = arith.constant 176 : index
      %get3A_1875 = tpu.vector_load %arg16[%get3A_1874] {strides = array<i32>} : memref<200xf32, #tpu.memory_space<vmem>>, vector<16xf32>,
      %add3A_1876 = arith.addf %add3A_1873, %get3A_1875 : vector<16xf32>
      %get3A_1877 = arith.constant 184 : index
      %get3A_1878 = tpu.vector_load %arg16[%get3A_1877] {strides = array<i32>} : memref<200xf32, #tpu.memory_space<vmem>>, vector<16xf32>,
      %ge3A_1879 = arith.constant 8 : i32
      %ge3A_1880 = vector.broadcast %ge3A_1879 : i32 to vector<16xi32>
      %ge3A_1881 = arith.cmpi sge, %iota3A, %ge3A_1880 : vector<16xi32>
      %jit3A_1882 = arith.constant 0.000000e+00 : f32
      %broadcast_in_dim3A_1883 = vector.broadcast %jit3A_1882 : f32 to vector<16xf32>
      %select_n3A_1884 = arith.select %ge3A_1881, %get3A_1878, %broadcast_in_dim3A_1883 : vector<16xi1>, vector<16xf32>
      %add3A_1885 = arith.addf %add3A_1876, %select_n3A_1884 : vector<16xf32>
      %broadcast_in_dim3A_1886 = arith.constant true
      %broadcast_in_dim3A_1887 = vector.broadcast %broadcast_in_dim3A_1886 : i1 to vector<16xi1>
      %masked_cumsum3A_1888 = tpu.scan <sum>, %add3A_1885 masked %broadcast_in_dim3A_1887 : vector<16xf32>, vector<16xi1> -> vector<16xf32>
      %slice3A_1889 = vector.extract_strided_slice %masked_cumsum3A_1888 {offsets = [15], sizes = [1], strides = [1]} : vector<16xf32> to vector<1xf32>
      %squeeze3A_1890 = vector.extract %slice3A_1889[0] : f32 from vector<1xf32>
      %add3A_1891 = arith.constant 4 : i32
      %add3A_1892 = arith.addi %add3A_1784, %add3A_1891 : i32
      %lt3A_1893 = arith.constant 128 : i32
      %lt3A_1894 = arith.cmpi slt, %add3A_1892, %lt3A_1893 : i32
      %convert_element_type3A_1895 = arith.extui %lt3A_1894 : i1 to i32
      %cond3A_1896 = arith.constant 0 : i32
      %cond3A_1897 = arith.cmpi ne, %convert_element_type3A_1895, %cond3A_1896 : i32
      scf.if %cond3A_1897 {
        %mul3A_2579 = arith.constant 200 : i32
        %mul3A_2580 = arith.muli %add3A_1892, %mul3A_2579 : i32
        %dma_start3A_2581 = tpu.memref_slice %arg8[%mul3A_2580] : memref<25600xi32, #tpu.memory_space<vmem>> -> memref<200xi32, #tpu.memory_space<vmem>>
        %dma_start3A_2582 = arith.constant 0 : i32
        %dma_start3A_2583 = tpu.memref_slice %arg4[%dma_start3A_2582] : memref<1000000xf32, #tpu.memory_space<hbm>> -> memref<1000000xf32, #tpu.memory_space<hbm>>
        tpu.enqueue_indirect_dma source(%dma_start3A_2583 : memref<1000000xf32, #tpu.memory_space<hbm>>) target(%arg12 : memref<200xf32, #tpu.memory_space<vmem>>) offsets(%dma_start3A_2581 : memref<200xi32, #tpu.memory_space<vmem>>) semaphore(%arg23 : memref<!tpu.dma_semaphore, #tpu.memory_space<semaphore_mem>>)
        %dma_start3A_2584 = tpu.memref_slice %arg8[%mul3A_2580] : memref<25600xi32, #tpu.memory_space<vmem>> -> memref<200xi32, #tpu.memory_space<vmem>>
        %dma_start3A_2585 = arith.constant 0 : i32
        %dma_start3A_2586 = tpu.memref_slice %arg5[%dma_start3A_2585] : memref<1000000xf32, #tpu.memory_space<hbm>> -> memref<1000000xf32, #tpu.memory_space<hbm>>
        tpu.enqueue_indirect_dma source(%dma_start3A_2586 : memref<1000000xf32, #tpu.memory_space<hbm>>) target(%arg16 : memref<200xf32, #tpu.memory_space<vmem>>) offsets(%dma_start3A_2584 : memref<200xi32, #tpu.memory_space<vmem>>) semaphore(%arg27 : memref<!tpu.dma_semaphore, #tpu.memory_space<semaphore_mem>>)
      } else {
      }
      %slice3A_1898 = vector.extract_strided_slice %get3A_49 {offsets = [11], sizes = [1], strides = [1]} : vector<16xf32> to vector<1xf32>
      %squeeze3A_1899 = vector.extract %slice3A_1898[0] : f32 from vector<1xf32>
      %broadcast_in_dim3A_1900 = vector.broadcast %squeeze3A_1899 : f32 to vector<16xf32>
      %eq3A_1901 = arith.constant 0 : i32
      %eq3A_1902 = vector.broadcast %eq3A_1901 : i32 to vector<16xi32>
      %eq3A_1903 = arith.cmpi eq, %iota3A, %eq3A_1902 : vector<16xi32>
      %eq3A_1904 = arith.constant 1 : i32
      %eq3A_1905 = vector.broadcast %eq3A_1904 : i32 to vector<16xi32>
      %eq3A_1906 = arith.cmpi eq, %iota3A, %eq3A_1905 : vector<16xi32>
      %jit3A_1907 = arith.constant 0.000000e+00 : f32
      %broadcast_in_dim3A_1908 = vector.broadcast %squeeze3A_1890 : f32 to vector<16xf32>
      %broadcast_in_dim3A_1909 = vector.broadcast %jit3A_1907 : f32 to vector<16xf32>
      %select_n3A_1910 = arith.select %eq3A_1906, %broadcast_in_dim3A_1908, %broadcast_in_dim3A_1909 : vector<16xi1>, vector<16xf32>
      %broadcast_in_dim3A_1911 = vector.broadcast %squeeze3A_1841 : f32 to vector<16xf32>
      %select_n3A_1912 = arith.select %eq3A_1903, %broadcast_in_dim3A_1911, %select_n3A_1910 : vector<16xi1>, vector<16xf32>
      %mul3A_1913 = arith.mulf %select_n3A_1912, %broadcast_in_dim3A_1900 : vector<16xf32>
      %add3A_1914 = arith.addf %mul3A_1913, %get3A_5 : vector<16xf32>
      %neg3A_1915 = arith.constant 0.000000e+00 : f32
      %neg3A_1916 = vector.broadcast %neg3A_1915 : f32 to vector<16xf32>
      %neg3A_1917 = arith.subf %neg3A_1916, %add3A_1914 : vector<16xf32>
      %exp3A_1918 = math.exp %neg3A_1917 : vector<16xf32>
      %add3A_1919 = arith.constant 1.000000e+00 : f32
      %add3A_1920 = vector.broadcast %add3A_1919 : f32 to vector<16xf32>
      %add3A_1921 = arith.addf %add3A_1920, %exp3A_1918 : vector<16xf32>
      %div3A_1922 = arith.constant 1.000000e+00 : f32
      %div3A_1923 = vector.broadcast %div3A_1922 : f32 to vector<16xf32>
      %div3A_1924 = arith.divf %div3A_1923, %add3A_1921 : vector<16xf32>
      %eq3A_1925 = arith.constant 6 : i32
      %eq3A_1926 = vector.broadcast %eq3A_1925 : i32 to vector<16xi32>
      %eq3A_1927 = arith.cmpi eq, %iota3A, %eq3A_1926 : vector<16xi32>
      %slice3A_1928 = vector.extract_strided_slice %div3A_1924 {offsets = [0], sizes = [1], strides = [1]} : vector<16xf32> to vector<1xf32>
      %squeeze3A_1929 = vector.extract %slice3A_1928[0] : f32 from vector<1xf32>
      %eq3A_1930 = arith.constant 7 : i32
      %eq3A_1931 = vector.broadcast %eq3A_1930 : i32 to vector<16xi32>
      %eq3A_1932 = arith.cmpi eq, %iota3A, %eq3A_1931 : vector<16xi32>
      %slice3A_1933 = vector.extract_strided_slice %div3A_1924 {offsets = [1], sizes = [1], strides = [1]} : vector<16xf32> to vector<1xf32>
      %squeeze3A_1934 = vector.extract %slice3A_1933[0] : f32 from vector<1xf32>
      %broadcast_in_dim3A_1935 = vector.broadcast %squeeze3A_1934 : f32 to vector<16xf32>
      %select_n3A_1936 = arith.select %eq3A_1932, %broadcast_in_dim3A_1935, %select_n3A_1780 : vector<16xi1>, vector<16xf32>
      %broadcast_in_dim3A_1937 = vector.broadcast %squeeze3A_1929 : f32 to vector<16xf32>
      %select_n3A_1938 = arith.select %eq3A_1927, %broadcast_in_dim3A_1937, %select_n3A_1936 : vector<16xi1>, vector<16xf32>
      %mul3A_1939 = arith.constant 16 : i32
      %mul3A_1940 = arith.muli %scan3A_45, %mul3A_1939 : i32
      %add3A_1941 = arith.constant 12 : i32
      %add3A_1942 = arith.addi %mul3A_1940, %add3A_1941 : i32
      %mul3A_1943 = arith.constant 200 : i32
      %mul3A_1944 = arith.muli %add3A_1942, %mul3A_1943 : i32
      %dma_wait3A_1945 = tpu.memref_slice %arg8[%mul3A_1944] : memref<25600xi32, #tpu.memory_space<vmem>> -> memref<200xi32, #tpu.memory_space<vmem>>
      %dma_wait3A_1946 = arith.constant 0 : i32
      %dma_wait3A_1947 = tpu.memref_slice %arg4[%dma_wait3A_1946] : memref<1000000xf32, #tpu.memory_space<hbm>> -> memref<1000000xf32, #tpu.memory_space<hbm>>
      tpu.wait_indirect_dma semaphore(%arg20 : memref<!tpu.dma_semaphore, #tpu.memory_space<semaphore_mem>>) src(%dma_wait3A_1947 : memref<1000000xf32, #tpu.memory_space<hbm>>) dst(%arg9 : memref<200xf32, #tpu.memory_space<vmem>>)
      %dma_wait3A_1948 = tpu.memref_slice %arg8[%mul3A_1944] : memref<25600xi32, #tpu.memory_space<vmem>> -> memref<200xi32, #tpu.memory_space<vmem>>
      %dma_wait3A_1949 = arith.constant 0 : i32
      %dma_wait3A_1950 = tpu.memref_slice %arg5[%dma_wait3A_1949] : memref<1000000xf32, #tpu.memory_space<hbm>> -> memref<1000000xf32, #tpu.memory_space<hbm>>
      tpu.wait_indirect_dma semaphore(%arg24 : memref<!tpu.dma_semaphore, #tpu.memory_space<semaphore_mem>>) src(%dma_wait3A_1950 : memref<1000000xf32, #tpu.memory_space<hbm>>) dst(%arg13 : memref<200xf32, #tpu.memory_space<vmem>>)
      %get3A_1951 = arith.constant 0 : index
      %get3A_1952 = tpu.vector_load %arg9[%get3A_1951] {strides = array<i32>} : memref<200xf32, #tpu.memory_space<vmem>>, vector<16xf32>,
      %get3A_1953 = arith.constant 16 : index
      %get3A_1954 = tpu.vector_load %arg9[%get3A_1953] {strides = array<i32>} : memref<200xf32, #tpu.memory_space<vmem>>, vector<16xf32>,
      %add3A_1955 = arith.addf %get3A_1952, %get3A_1954 : vector<16xf32>
      %get3A_1956 = arith.constant 32 : index
      %get3A_1957 = tpu.vector_load %arg9[%get3A_1956] {strides = array<i32>} : memref<200xf32, #tpu.memory_space<vmem>>, vector<16xf32>,
      %add3A_1958 = arith.addf %add3A_1955, %get3A_1957 : vector<16xf32>
      %get3A_1959 = arith.constant 48 : index
      %get3A_1960 = tpu.vector_load %arg9[%get3A_1959] {strides = array<i32>} : memref<200xf32, #tpu.memory_space<vmem>>, vector<16xf32>,
      %add3A_1961 = arith.addf %add3A_1958, %get3A_1960 : vector<16xf32>
      %get3A_1962 = arith.constant 64 : index
      %get3A_1963 = tpu.vector_load %arg9[%get3A_1962] {strides = array<i32>} : memref<200xf32, #tpu.memory_space<vmem>>, vector<16xf32>,
      %add3A_1964 = arith.addf %add3A_1961, %get3A_1963 : vector<16xf32>
      %get3A_1965 = arith.constant 80 : index
      %get3A_1966 = tpu.vector_load %arg9[%get3A_1965] {strides = array<i32>} : memref<200xf32, #tpu.memory_space<vmem>>, vector<16xf32>,
      %add3A_1967 = arith.addf %add3A_1964, %get3A_1966 : vector<16xf32>
      %get3A_1968 = arith.constant 96 : index
      %get3A_1969 = tpu.vector_load %arg9[%get3A_1968] {strides = array<i32>} : memref<200xf32, #tpu.memory_space<vmem>>, vector<16xf32>,
      %add3A_1970 = arith.addf %add3A_1967, %get3A_1969 : vector<16xf32>
      %get3A_1971 = arith.constant 112 : index
      %get3A_1972 = tpu.vector_load %arg9[%get3A_1971] {strides = array<i32>} : memref<200xf32, #tpu.memory_space<vmem>>, vector<16xf32>,
      %add3A_1973 = arith.addf %add3A_1970, %get3A_1972 : vector<16xf32>
      %get3A_1974 = arith.constant 128 : index
      %get3A_1975 = tpu.vector_load %arg9[%get3A_1974] {strides = array<i32>} : memref<200xf32, #tpu.memory_space<vmem>>, vector<16xf32>,
      %add3A_1976 = arith.addf %add3A_1973, %get3A_1975 : vector<16xf32>
      %get3A_1977 = arith.constant 144 : index
      %get3A_1978 = tpu.vector_load %arg9[%get3A_1977] {strides = array<i32>} : memref<200xf32, #tpu.memory_space<vmem>>, vector<16xf32>,
      %add3A_1979 = arith.addf %add3A_1976, %get3A_1978 : vector<16xf32>
      %get3A_1980 = arith.constant 160 : index
      %get3A_1981 = tpu.vector_load %arg9[%get3A_1980] {strides = array<i32>} : memref<200xf32, #tpu.memory_space<vmem>>, vector<16xf32>,
      %add3A_1982 = arith.addf %add3A_1979, %get3A_1981 : vector<16xf32>
      %get3A_1983 = arith.constant 176 : index
      %get3A_1984 = tpu.vector_load %arg9[%get3A_1983] {strides = array<i32>} : memref<200xf32, #tpu.memory_space<vmem>>, vector<16xf32>,
      %add3A_1985 = arith.addf %add3A_1982, %get3A_1984 : vector<16xf32>
      %get3A_1986 = arith.constant 184 : index
      %get3A_1987 = tpu.vector_load %arg9[%get3A_1986] {strides = array<i32>} : memref<200xf32, #tpu.memory_space<vmem>>, vector<16xf32>,
      %ge3A_1988 = arith.constant 8 : i32
      %ge3A_1989 = vector.broadcast %ge3A_1988 : i32 to vector<16xi32>
      %ge3A_1990 = arith.cmpi sge, %iota3A, %ge3A_1989 : vector<16xi32>
      %jit3A_1991 = arith.constant 0.000000e+00 : f32
      %broadcast_in_dim3A_1992 = vector.broadcast %jit3A_1991 : f32 to vector<16xf32>
      %select_n3A_1993 = arith.select %ge3A_1990, %get3A_1987, %broadcast_in_dim3A_1992 : vector<16xi1>, vector<16xf32>
      %add3A_1994 = arith.addf %add3A_1985, %select_n3A_1993 : vector<16xf32>
      %broadcast_in_dim3A_1995 = arith.constant true
      %broadcast_in_dim3A_1996 = vector.broadcast %broadcast_in_dim3A_1995 : i1 to vector<16xi1>
      %masked_cumsum3A_1997 = tpu.scan <sum>, %add3A_1994 masked %broadcast_in_dim3A_1996 : vector<16xf32>, vector<16xi1> -> vector<16xf32>
      %slice3A_1998 = vector.extract_strided_slice %masked_cumsum3A_1997 {offsets = [15], sizes = [1], strides = [1]} : vector<16xf32> to vector<1xf32>
      %squeeze3A_1999 = vector.extract %slice3A_1998[0] : f32 from vector<1xf32>
      %get3A_2000 = arith.constant 0 : index
      %get3A_2001 = tpu.vector_load %arg13[%get3A_2000] {strides = array<i32>} : memref<200xf32, #tpu.memory_space<vmem>>, vector<16xf32>,
      %get3A_2002 = arith.constant 16 : index
      %get3A_2003 = tpu.vector_load %arg13[%get3A_2002] {strides = array<i32>} : memref<200xf32, #tpu.memory_space<vmem>>, vector<16xf32>,
      %add3A_2004 = arith.addf %get3A_2001, %get3A_2003 : vector<16xf32>
      %get3A_2005 = arith.constant 32 : index
      %get3A_2006 = tpu.vector_load %arg13[%get3A_2005] {strides = array<i32>} : memref<200xf32, #tpu.memory_space<vmem>>, vector<16xf32>,
      %add3A_2007 = arith.addf %add3A_2004, %get3A_2006 : vector<16xf32>
      %get3A_2008 = arith.constant 48 : index
      %get3A_2009 = tpu.vector_load %arg13[%get3A_2008] {strides = array<i32>} : memref<200xf32, #tpu.memory_space<vmem>>, vector<16xf32>,
      %add3A_2010 = arith.addf %add3A_2007, %get3A_2009 : vector<16xf32>
      %get3A_2011 = arith.constant 64 : index
      %get3A_2012 = tpu.vector_load %arg13[%get3A_2011] {strides = array<i32>} : memref<200xf32, #tpu.memory_space<vmem>>, vector<16xf32>,
      %add3A_2013 = arith.addf %add3A_2010, %get3A_2012 : vector<16xf32>
      %get3A_2014 = arith.constant 80 : index
      %get3A_2015 = tpu.vector_load %arg13[%get3A_2014] {strides = array<i32>} : memref<200xf32, #tpu.memory_space<vmem>>, vector<16xf32>,
      %add3A_2016 = arith.addf %add3A_2013, %get3A_2015 : vector<16xf32>
      %get3A_2017 = arith.constant 96 : index
      %get3A_2018 = tpu.vector_load %arg13[%get3A_2017] {strides = array<i32>} : memref<200xf32, #tpu.memory_space<vmem>>, vector<16xf32>,
      %add3A_2019 = arith.addf %add3A_2016, %get3A_2018 : vector<16xf32>
      %get3A_2020 = arith.constant 112 : index
      %get3A_2021 = tpu.vector_load %arg13[%get3A_2020] {strides = array<i32>} : memref<200xf32, #tpu.memory_space<vmem>>, vector<16xf32>,
      %add3A_2022 = arith.addf %add3A_2019, %get3A_2021 : vector<16xf32>
      %get3A_2023 = arith.constant 128 : index
      %get3A_2024 = tpu.vector_load %arg13[%get3A_2023] {strides = array<i32>} : memref<200xf32, #tpu.memory_space<vmem>>, vector<16xf32>,
      %add3A_2025 = arith.addf %add3A_2022, %get3A_2024 : vector<16xf32>
      %get3A_2026 = arith.constant 144 : index
      %get3A_2027 = tpu.vector_load %arg13[%get3A_2026] {strides = array<i32>} : memref<200xf32, #tpu.memory_space<vmem>>, vector<16xf32>,
      %add3A_2028 = arith.addf %add3A_2025, %get3A_2027 : vector<16xf32>
      %get3A_2029 = arith.constant 160 : index
      %get3A_2030 = tpu.vector_load %arg13[%get3A_2029] {strides = array<i32>} : memref<200xf32, #tpu.memory_space<vmem>>, vector<16xf32>,
      %add3A_2031 = arith.addf %add3A_2028, %get3A_2030 : vector<16xf32>
      %get3A_2032 = arith.constant 176 : index
      %get3A_2033 = tpu.vector_load %arg13[%get3A_2032] {strides = array<i32>} : memref<200xf32, #tpu.memory_space<vmem>>, vector<16xf32>,
      %add3A_2034 = arith.addf %add3A_2031, %get3A_2033 : vector<16xf32>
      %get3A_2035 = arith.constant 184 : index
      %get3A_2036 = tpu.vector_load %arg13[%get3A_2035] {strides = array<i32>} : memref<200xf32, #tpu.memory_space<vmem>>, vector<16xf32>,
      %ge3A_2037 = arith.constant 8 : i32
      %ge3A_2038 = vector.broadcast %ge3A_2037 : i32 to vector<16xi32>
      %ge3A_2039 = arith.cmpi sge, %iota3A, %ge3A_2038 : vector<16xi32>
      %jit3A_2040 = arith.constant 0.000000e+00 : f32
      %broadcast_in_dim3A_2041 = vector.broadcast %jit3A_2040 : f32 to vector<16xf32>
      %select_n3A_2042 = arith.select %ge3A_2039, %get3A_2036, %broadcast_in_dim3A_2041 : vector<16xi1>, vector<16xf32>
      %add3A_2043 = arith.addf %add3A_2034, %select_n3A_2042 : vector<16xf32>
      %broadcast_in_dim3A_2044 = arith.constant true
      %broadcast_in_dim3A_2045 = vector.broadcast %broadcast_in_dim3A_2044 : i1 to vector<16xi1>
      %masked_cumsum3A_2046 = tpu.scan <sum>, %add3A_2043 masked %broadcast_in_dim3A_2045 : vector<16xf32>, vector<16xi1> -> vector<16xf32>
      %slice3A_2047 = vector.extract_strided_slice %masked_cumsum3A_2046 {offsets = [15], sizes = [1], strides = [1]} : vector<16xf32> to vector<1xf32>
      %squeeze3A_2048 = vector.extract %slice3A_2047[0] : f32 from vector<1xf32>
      %add3A_2049 = arith.constant 4 : i32
      %add3A_2050 = arith.addi %add3A_1942, %add3A_2049 : i32
      %lt3A_2051 = arith.constant 128 : i32
      %lt3A_2052 = arith.cmpi slt, %add3A_2050, %lt3A_2051 : i32
      %convert_element_type3A_2053 = arith.extui %lt3A_2052 : i1 to i32
      %cond3A_2054 = arith.constant 0 : i32
      %cond3A_2055 = arith.cmpi ne, %convert_element_type3A_2053, %cond3A_2054 : i32
      scf.if %cond3A_2055 {
        %mul3A_2579 = arith.constant 200 : i32
        %mul3A_2580 = arith.muli %add3A_2050, %mul3A_2579 : i32
        %dma_start3A_2581 = tpu.memref_slice %arg8[%mul3A_2580] : memref<25600xi32, #tpu.memory_space<vmem>> -> memref<200xi32, #tpu.memory_space<vmem>>
        %dma_start3A_2582 = arith.constant 0 : i32
        %dma_start3A_2583 = tpu.memref_slice %arg4[%dma_start3A_2582] : memref<1000000xf32, #tpu.memory_space<hbm>> -> memref<1000000xf32, #tpu.memory_space<hbm>>
        tpu.enqueue_indirect_dma source(%dma_start3A_2583 : memref<1000000xf32, #tpu.memory_space<hbm>>) target(%arg9 : memref<200xf32, #tpu.memory_space<vmem>>) offsets(%dma_start3A_2581 : memref<200xi32, #tpu.memory_space<vmem>>) semaphore(%arg20 : memref<!tpu.dma_semaphore, #tpu.memory_space<semaphore_mem>>)
        %dma_start3A_2584 = tpu.memref_slice %arg8[%mul3A_2580] : memref<25600xi32, #tpu.memory_space<vmem>> -> memref<200xi32, #tpu.memory_space<vmem>>
        %dma_start3A_2585 = arith.constant 0 : i32
        %dma_start3A_2586 = tpu.memref_slice %arg5[%dma_start3A_2585] : memref<1000000xf32, #tpu.memory_space<hbm>> -> memref<1000000xf32, #tpu.memory_space<hbm>>
        tpu.enqueue_indirect_dma source(%dma_start3A_2586 : memref<1000000xf32, #tpu.memory_space<hbm>>) target(%arg13 : memref<200xf32, #tpu.memory_space<vmem>>) offsets(%dma_start3A_2584 : memref<200xi32, #tpu.memory_space<vmem>>) semaphore(%arg24 : memref<!tpu.dma_semaphore, #tpu.memory_space<semaphore_mem>>)
      } else {
      }
      %slice3A_2056 = vector.extract_strided_slice %get3A_49 {offsets = [12], sizes = [1], strides = [1]} : vector<16xf32> to vector<1xf32>
      %squeeze3A_2057 = vector.extract %slice3A_2056[0] : f32 from vector<1xf32>
      %broadcast_in_dim3A_2058 = vector.broadcast %squeeze3A_2057 : f32 to vector<16xf32>
      %eq3A_2059 = arith.constant 0 : i32
      %eq3A_2060 = vector.broadcast %eq3A_2059 : i32 to vector<16xi32>
      %eq3A_2061 = arith.cmpi eq, %iota3A, %eq3A_2060 : vector<16xi32>
      %eq3A_2062 = arith.constant 1 : i32
      %eq3A_2063 = vector.broadcast %eq3A_2062 : i32 to vector<16xi32>
      %eq3A_2064 = arith.cmpi eq, %iota3A, %eq3A_2063 : vector<16xi32>
      %jit3A_2065 = arith.constant 0.000000e+00 : f32
      %broadcast_in_dim3A_2066 = vector.broadcast %squeeze3A_2048 : f32 to vector<16xf32>
      %broadcast_in_dim3A_2067 = vector.broadcast %jit3A_2065 : f32 to vector<16xf32>
      %select_n3A_2068 = arith.select %eq3A_2064, %broadcast_in_dim3A_2066, %broadcast_in_dim3A_2067 : vector<16xi1>, vector<16xf32>
      %broadcast_in_dim3A_2069 = vector.broadcast %squeeze3A_1999 : f32 to vector<16xf32>
      %select_n3A_2070 = arith.select %eq3A_2061, %broadcast_in_dim3A_2069, %select_n3A_2068 : vector<16xi1>, vector<16xf32>
      %mul3A_2071 = arith.mulf %select_n3A_2070, %broadcast_in_dim3A_2058 : vector<16xf32>
      %add3A_2072 = arith.addf %mul3A_2071, %get3A_5 : vector<16xf32>
      %neg3A_2073 = arith.constant 0.000000e+00 : f32
      %neg3A_2074 = vector.broadcast %neg3A_2073 : f32 to vector<16xf32>
      %neg3A_2075 = arith.subf %neg3A_2074, %add3A_2072 : vector<16xf32>
      %exp3A_2076 = math.exp %neg3A_2075 : vector<16xf32>
      %add3A_2077 = arith.constant 1.000000e+00 : f32
      %add3A_2078 = vector.broadcast %add3A_2077 : f32 to vector<16xf32>
      %add3A_2079 = arith.addf %add3A_2078, %exp3A_2076 : vector<16xf32>
      %div3A_2080 = arith.constant 1.000000e+00 : f32
      %div3A_2081 = vector.broadcast %div3A_2080 : f32 to vector<16xf32>
      %div3A_2082 = arith.divf %div3A_2081, %add3A_2079 : vector<16xf32>
      %eq3A_2083 = arith.constant 8 : i32
      %eq3A_2084 = vector.broadcast %eq3A_2083 : i32 to vector<16xi32>
      %eq3A_2085 = arith.cmpi eq, %iota3A, %eq3A_2084 : vector<16xi32>
      %slice3A_2086 = vector.extract_strided_slice %div3A_2082 {offsets = [0], sizes = [1], strides = [1]} : vector<16xf32> to vector<1xf32>
      %squeeze3A_2087 = vector.extract %slice3A_2086[0] : f32 from vector<1xf32>
      %eq3A_2088 = arith.constant 9 : i32
      %eq3A_2089 = vector.broadcast %eq3A_2088 : i32 to vector<16xi32>
      %eq3A_2090 = arith.cmpi eq, %iota3A, %eq3A_2089 : vector<16xi32>
      %slice3A_2091 = vector.extract_strided_slice %div3A_2082 {offsets = [1], sizes = [1], strides = [1]} : vector<16xf32> to vector<1xf32>
      %squeeze3A_2092 = vector.extract %slice3A_2091[0] : f32 from vector<1xf32>
      %broadcast_in_dim3A_2093 = vector.broadcast %squeeze3A_2092 : f32 to vector<16xf32>
      %select_n3A_2094 = arith.select %eq3A_2090, %broadcast_in_dim3A_2093, %select_n3A_1938 : vector<16xi1>, vector<16xf32>
      %broadcast_in_dim3A_2095 = vector.broadcast %squeeze3A_2087 : f32 to vector<16xf32>
      %select_n3A_2096 = arith.select %eq3A_2085, %broadcast_in_dim3A_2095, %select_n3A_2094 : vector<16xi1>, vector<16xf32>
      %mul3A_2097 = arith.constant 16 : i32
      %mul3A_2098 = arith.muli %scan3A_45, %mul3A_2097 : i32
      %add3A_2099 = arith.constant 13 : i32
      %add3A_2100 = arith.addi %mul3A_2098, %add3A_2099 : i32
      %mul3A_2101 = arith.constant 200 : i32
      %mul3A_2102 = arith.muli %add3A_2100, %mul3A_2101 : i32
      %dma_wait3A_2103 = tpu.memref_slice %arg8[%mul3A_2102] : memref<25600xi32, #tpu.memory_space<vmem>> -> memref<200xi32, #tpu.memory_space<vmem>>
      %dma_wait3A_2104 = arith.constant 0 : i32
      %dma_wait3A_2105 = tpu.memref_slice %arg4[%dma_wait3A_2104] : memref<1000000xf32, #tpu.memory_space<hbm>> -> memref<1000000xf32, #tpu.memory_space<hbm>>
      tpu.wait_indirect_dma semaphore(%arg21 : memref<!tpu.dma_semaphore, #tpu.memory_space<semaphore_mem>>) src(%dma_wait3A_2105 : memref<1000000xf32, #tpu.memory_space<hbm>>) dst(%arg10 : memref<200xf32, #tpu.memory_space<vmem>>)
      %dma_wait3A_2106 = tpu.memref_slice %arg8[%mul3A_2102] : memref<25600xi32, #tpu.memory_space<vmem>> -> memref<200xi32, #tpu.memory_space<vmem>>
      %dma_wait3A_2107 = arith.constant 0 : i32
      %dma_wait3A_2108 = tpu.memref_slice %arg5[%dma_wait3A_2107] : memref<1000000xf32, #tpu.memory_space<hbm>> -> memref<1000000xf32, #tpu.memory_space<hbm>>
      tpu.wait_indirect_dma semaphore(%arg25 : memref<!tpu.dma_semaphore, #tpu.memory_space<semaphore_mem>>) src(%dma_wait3A_2108 : memref<1000000xf32, #tpu.memory_space<hbm>>) dst(%arg14 : memref<200xf32, #tpu.memory_space<vmem>>)
      %get3A_2109 = arith.constant 0 : index
      %get3A_2110 = tpu.vector_load %arg10[%get3A_2109] {strides = array<i32>} : memref<200xf32, #tpu.memory_space<vmem>>, vector<16xf32>,
      %get3A_2111 = arith.constant 16 : index
      %get3A_2112 = tpu.vector_load %arg10[%get3A_2111] {strides = array<i32>} : memref<200xf32, #tpu.memory_space<vmem>>, vector<16xf32>,
      %add3A_2113 = arith.addf %get3A_2110, %get3A_2112 : vector<16xf32>
      %get3A_2114 = arith.constant 32 : index
      %get3A_2115 = tpu.vector_load %arg10[%get3A_2114] {strides = array<i32>} : memref<200xf32, #tpu.memory_space<vmem>>, vector<16xf32>,
      %add3A_2116 = arith.addf %add3A_2113, %get3A_2115 : vector<16xf32>
      %get3A_2117 = arith.constant 48 : index
      %get3A_2118 = tpu.vector_load %arg10[%get3A_2117] {strides = array<i32>} : memref<200xf32, #tpu.memory_space<vmem>>, vector<16xf32>,
      %add3A_2119 = arith.addf %add3A_2116, %get3A_2118 : vector<16xf32>
      %get3A_2120 = arith.constant 64 : index
      %get3A_2121 = tpu.vector_load %arg10[%get3A_2120] {strides = array<i32>} : memref<200xf32, #tpu.memory_space<vmem>>, vector<16xf32>,
      %add3A_2122 = arith.addf %add3A_2119, %get3A_2121 : vector<16xf32>
      %get3A_2123 = arith.constant 80 : index
      %get3A_2124 = tpu.vector_load %arg10[%get3A_2123] {strides = array<i32>} : memref<200xf32, #tpu.memory_space<vmem>>, vector<16xf32>,
      %add3A_2125 = arith.addf %add3A_2122, %get3A_2124 : vector<16xf32>
      %get3A_2126 = arith.constant 96 : index
      %get3A_2127 = tpu.vector_load %arg10[%get3A_2126] {strides = array<i32>} : memref<200xf32, #tpu.memory_space<vmem>>, vector<16xf32>,
      %add3A_2128 = arith.addf %add3A_2125, %get3A_2127 : vector<16xf32>
      %get3A_2129 = arith.constant 112 : index
      %get3A_2130 = tpu.vector_load %arg10[%get3A_2129] {strides = array<i32>} : memref<200xf32, #tpu.memory_space<vmem>>, vector<16xf32>,
      %add3A_2131 = arith.addf %add3A_2128, %get3A_2130 : vector<16xf32>
      %get3A_2132 = arith.constant 128 : index
      %get3A_2133 = tpu.vector_load %arg10[%get3A_2132] {strides = array<i32>} : memref<200xf32, #tpu.memory_space<vmem>>, vector<16xf32>,
      %add3A_2134 = arith.addf %add3A_2131, %get3A_2133 : vector<16xf32>
      %get3A_2135 = arith.constant 144 : index
      %get3A_2136 = tpu.vector_load %arg10[%get3A_2135] {strides = array<i32>} : memref<200xf32, #tpu.memory_space<vmem>>, vector<16xf32>,
      %add3A_2137 = arith.addf %add3A_2134, %get3A_2136 : vector<16xf32>
      %get3A_2138 = arith.constant 160 : index
      %get3A_2139 = tpu.vector_load %arg10[%get3A_2138] {strides = array<i32>} : memref<200xf32, #tpu.memory_space<vmem>>, vector<16xf32>,
      %add3A_2140 = arith.addf %add3A_2137, %get3A_2139 : vector<16xf32>
      %get3A_2141 = arith.constant 176 : index
      %get3A_2142 = tpu.vector_load %arg10[%get3A_2141] {strides = array<i32>} : memref<200xf32, #tpu.memory_space<vmem>>, vector<16xf32>,
      %add3A_2143 = arith.addf %add3A_2140, %get3A_2142 : vector<16xf32>
      %get3A_2144 = arith.constant 184 : index
      %get3A_2145 = tpu.vector_load %arg10[%get3A_2144] {strides = array<i32>} : memref<200xf32, #tpu.memory_space<vmem>>, vector<16xf32>,
      %ge3A_2146 = arith.constant 8 : i32
      %ge3A_2147 = vector.broadcast %ge3A_2146 : i32 to vector<16xi32>
      %ge3A_2148 = arith.cmpi sge, %iota3A, %ge3A_2147 : vector<16xi32>
      %jit3A_2149 = arith.constant 0.000000e+00 : f32
      %broadcast_in_dim3A_2150 = vector.broadcast %jit3A_2149 : f32 to vector<16xf32>
      %select_n3A_2151 = arith.select %ge3A_2148, %get3A_2145, %broadcast_in_dim3A_2150 : vector<16xi1>, vector<16xf32>
      %add3A_2152 = arith.addf %add3A_2143, %select_n3A_2151 : vector<16xf32>
      %broadcast_in_dim3A_2153 = arith.constant true
      %broadcast_in_dim3A_2154 = vector.broadcast %broadcast_in_dim3A_2153 : i1 to vector<16xi1>
      %masked_cumsum3A_2155 = tpu.scan <sum>, %add3A_2152 masked %broadcast_in_dim3A_2154 : vector<16xf32>, vector<16xi1> -> vector<16xf32>
      %slice3A_2156 = vector.extract_strided_slice %masked_cumsum3A_2155 {offsets = [15], sizes = [1], strides = [1]} : vector<16xf32> to vector<1xf32>
      %squeeze3A_2157 = vector.extract %slice3A_2156[0] : f32 from vector<1xf32>
      %get3A_2158 = arith.constant 0 : index
      %get3A_2159 = tpu.vector_load %arg14[%get3A_2158] {strides = array<i32>} : memref<200xf32, #tpu.memory_space<vmem>>, vector<16xf32>,
      %get3A_2160 = arith.constant 16 : index
      %get3A_2161 = tpu.vector_load %arg14[%get3A_2160] {strides = array<i32>} : memref<200xf32, #tpu.memory_space<vmem>>, vector<16xf32>,
      %add3A_2162 = arith.addf %get3A_2159, %get3A_2161 : vector<16xf32>
      %get3A_2163 = arith.constant 32 : index
      %get3A_2164 = tpu.vector_load %arg14[%get3A_2163] {strides = array<i32>} : memref<200xf32, #tpu.memory_space<vmem>>, vector<16xf32>,
      %add3A_2165 = arith.addf %add3A_2162, %get3A_2164 : vector<16xf32>
      %get3A_2166 = arith.constant 48 : index
      %get3A_2167 = tpu.vector_load %arg14[%get3A_2166] {strides = array<i32>} : memref<200xf32, #tpu.memory_space<vmem>>, vector<16xf32>,
      %add3A_2168 = arith.addf %add3A_2165, %get3A_2167 : vector<16xf32>
      %get3A_2169 = arith.constant 64 : index
      %get3A_2170 = tpu.vector_load %arg14[%get3A_2169] {strides = array<i32>} : memref<200xf32, #tpu.memory_space<vmem>>, vector<16xf32>,
      %add3A_2171 = arith.addf %add3A_2168, %get3A_2170 : vector<16xf32>
      %get3A_2172 = arith.constant 80 : index
      %get3A_2173 = tpu.vector_load %arg14[%get3A_2172] {strides = array<i32>} : memref<200xf32, #tpu.memory_space<vmem>>, vector<16xf32>,
      %add3A_2174 = arith.addf %add3A_2171, %get3A_2173 : vector<16xf32>
      %get3A_2175 = arith.constant 96 : index
      %get3A_2176 = tpu.vector_load %arg14[%get3A_2175] {strides = array<i32>} : memref<200xf32, #tpu.memory_space<vmem>>, vector<16xf32>,
      %add3A_2177 = arith.addf %add3A_2174, %get3A_2176 : vector<16xf32>
      %get3A_2178 = arith.constant 112 : index
      %get3A_2179 = tpu.vector_load %arg14[%get3A_2178] {strides = array<i32>} : memref<200xf32, #tpu.memory_space<vmem>>, vector<16xf32>,
      %add3A_2180 = arith.addf %add3A_2177, %get3A_2179 : vector<16xf32>
      %get3A_2181 = arith.constant 128 : index
      %get3A_2182 = tpu.vector_load %arg14[%get3A_2181] {strides = array<i32>} : memref<200xf32, #tpu.memory_space<vmem>>, vector<16xf32>,
      %add3A_2183 = arith.addf %add3A_2180, %get3A_2182 : vector<16xf32>
      %get3A_2184 = arith.constant 144 : index
      %get3A_2185 = tpu.vector_load %arg14[%get3A_2184] {strides = array<i32>} : memref<200xf32, #tpu.memory_space<vmem>>, vector<16xf32>,
      %add3A_2186 = arith.addf %add3A_2183, %get3A_2185 : vector<16xf32>
      %get3A_2187 = arith.constant 160 : index
      %get3A_2188 = tpu.vector_load %arg14[%get3A_2187] {strides = array<i32>} : memref<200xf32, #tpu.memory_space<vmem>>, vector<16xf32>,
      %add3A_2189 = arith.addf %add3A_2186, %get3A_2188 : vector<16xf32>
      %get3A_2190 = arith.constant 176 : index
      %get3A_2191 = tpu.vector_load %arg14[%get3A_2190] {strides = array<i32>} : memref<200xf32, #tpu.memory_space<vmem>>, vector<16xf32>,
      %add3A_2192 = arith.addf %add3A_2189, %get3A_2191 : vector<16xf32>
      %get3A_2193 = arith.constant 184 : index
      %get3A_2194 = tpu.vector_load %arg14[%get3A_2193] {strides = array<i32>} : memref<200xf32, #tpu.memory_space<vmem>>, vector<16xf32>,
      %ge3A_2195 = arith.constant 8 : i32
      %ge3A_2196 = vector.broadcast %ge3A_2195 : i32 to vector<16xi32>
      %ge3A_2197 = arith.cmpi sge, %iota3A, %ge3A_2196 : vector<16xi32>
      %jit3A_2198 = arith.constant 0.000000e+00 : f32
      %broadcast_in_dim3A_2199 = vector.broadcast %jit3A_2198 : f32 to vector<16xf32>
      %select_n3A_2200 = arith.select %ge3A_2197, %get3A_2194, %broadcast_in_dim3A_2199 : vector<16xi1>, vector<16xf32>
      %add3A_2201 = arith.addf %add3A_2192, %select_n3A_2200 : vector<16xf32>
      %broadcast_in_dim3A_2202 = arith.constant true
      %broadcast_in_dim3A_2203 = vector.broadcast %broadcast_in_dim3A_2202 : i1 to vector<16xi1>
      %masked_cumsum3A_2204 = tpu.scan <sum>, %add3A_2201 masked %broadcast_in_dim3A_2203 : vector<16xf32>, vector<16xi1> -> vector<16xf32>
      %slice3A_2205 = vector.extract_strided_slice %masked_cumsum3A_2204 {offsets = [15], sizes = [1], strides = [1]} : vector<16xf32> to vector<1xf32>
      %squeeze3A_2206 = vector.extract %slice3A_2205[0] : f32 from vector<1xf32>
      %add3A_2207 = arith.constant 4 : i32
      %add3A_2208 = arith.addi %add3A_2100, %add3A_2207 : i32
      %lt3A_2209 = arith.constant 128 : i32
      %lt3A_2210 = arith.cmpi slt, %add3A_2208, %lt3A_2209 : i32
      %convert_element_type3A_2211 = arith.extui %lt3A_2210 : i1 to i32
      %cond3A_2212 = arith.constant 0 : i32
      %cond3A_2213 = arith.cmpi ne, %convert_element_type3A_2211, %cond3A_2212 : i32
      scf.if %cond3A_2213 {
        %mul3A_2579 = arith.constant 200 : i32
        %mul3A_2580 = arith.muli %add3A_2208, %mul3A_2579 : i32
        %dma_start3A_2581 = tpu.memref_slice %arg8[%mul3A_2580] : memref<25600xi32, #tpu.memory_space<vmem>> -> memref<200xi32, #tpu.memory_space<vmem>>
        %dma_start3A_2582 = arith.constant 0 : i32
        %dma_start3A_2583 = tpu.memref_slice %arg4[%dma_start3A_2582] : memref<1000000xf32, #tpu.memory_space<hbm>> -> memref<1000000xf32, #tpu.memory_space<hbm>>
        tpu.enqueue_indirect_dma source(%dma_start3A_2583 : memref<1000000xf32, #tpu.memory_space<hbm>>) target(%arg10 : memref<200xf32, #tpu.memory_space<vmem>>) offsets(%dma_start3A_2581 : memref<200xi32, #tpu.memory_space<vmem>>) semaphore(%arg21 : memref<!tpu.dma_semaphore, #tpu.memory_space<semaphore_mem>>)
        %dma_start3A_2584 = tpu.memref_slice %arg8[%mul3A_2580] : memref<25600xi32, #tpu.memory_space<vmem>> -> memref<200xi32, #tpu.memory_space<vmem>>
        %dma_start3A_2585 = arith.constant 0 : i32
        %dma_start3A_2586 = tpu.memref_slice %arg5[%dma_start3A_2585] : memref<1000000xf32, #tpu.memory_space<hbm>> -> memref<1000000xf32, #tpu.memory_space<hbm>>
        tpu.enqueue_indirect_dma source(%dma_start3A_2586 : memref<1000000xf32, #tpu.memory_space<hbm>>) target(%arg14 : memref<200xf32, #tpu.memory_space<vmem>>) offsets(%dma_start3A_2584 : memref<200xi32, #tpu.memory_space<vmem>>) semaphore(%arg25 : memref<!tpu.dma_semaphore, #tpu.memory_space<semaphore_mem>>)
      } else {
      }
      %slice3A_2214 = vector.extract_strided_slice %get3A_49 {offsets = [13], sizes = [1], strides = [1]} : vector<16xf32> to vector<1xf32>
      %squeeze3A_2215 = vector.extract %slice3A_2214[0] : f32 from vector<1xf32>
      %broadcast_in_dim3A_2216 = vector.broadcast %squeeze3A_2215 : f32 to vector<16xf32>
      %eq3A_2217 = arith.constant 0 : i32
      %eq3A_2218 = vector.broadcast %eq3A_2217 : i32 to vector<16xi32>
      %eq3A_2219 = arith.cmpi eq, %iota3A, %eq3A_2218 : vector<16xi32>
      %eq3A_2220 = arith.constant 1 : i32
      %eq3A_2221 = vector.broadcast %eq3A_2220 : i32 to vector<16xi32>
      %eq3A_2222 = arith.cmpi eq, %iota3A, %eq3A_2221 : vector<16xi32>
      %jit3A_2223 = arith.constant 0.000000e+00 : f32
      %broadcast_in_dim3A_2224 = vector.broadcast %squeeze3A_2206 : f32 to vector<16xf32>
      %broadcast_in_dim3A_2225 = vector.broadcast %jit3A_2223 : f32 to vector<16xf32>
      %select_n3A_2226 = arith.select %eq3A_2222, %broadcast_in_dim3A_2224, %broadcast_in_dim3A_2225 : vector<16xi1>, vector<16xf32>
      %broadcast_in_dim3A_2227 = vector.broadcast %squeeze3A_2157 : f32 to vector<16xf32>
      %select_n3A_2228 = arith.select %eq3A_2219, %broadcast_in_dim3A_2227, %select_n3A_2226 : vector<16xi1>, vector<16xf32>
      %mul3A_2229 = arith.mulf %select_n3A_2228, %broadcast_in_dim3A_2216 : vector<16xf32>
      %add3A_2230 = arith.addf %mul3A_2229, %get3A_5 : vector<16xf32>
      %neg3A_2231 = arith.constant 0.000000e+00 : f32
      %neg3A_2232 = vector.broadcast %neg3A_2231 : f32 to vector<16xf32>
      %neg3A_2233 = arith.subf %neg3A_2232, %add3A_2230 : vector<16xf32>
      %exp3A_2234 = math.exp %neg3A_2233 : vector<16xf32>
      %add3A_2235 = arith.constant 1.000000e+00 : f32
      %add3A_2236 = vector.broadcast %add3A_2235 : f32 to vector<16xf32>
      %add3A_2237 = arith.addf %add3A_2236, %exp3A_2234 : vector<16xf32>
      %div3A_2238 = arith.constant 1.000000e+00 : f32
      %div3A_2239 = vector.broadcast %div3A_2238 : f32 to vector<16xf32>
      %div3A_2240 = arith.divf %div3A_2239, %add3A_2237 : vector<16xf32>
      %eq3A_2241 = arith.constant 10 : i32
      %eq3A_2242 = vector.broadcast %eq3A_2241 : i32 to vector<16xi32>
      %eq3A_2243 = arith.cmpi eq, %iota3A, %eq3A_2242 : vector<16xi32>
      %slice3A_2244 = vector.extract_strided_slice %div3A_2240 {offsets = [0], sizes = [1], strides = [1]} : vector<16xf32> to vector<1xf32>
      %squeeze3A_2245 = vector.extract %slice3A_2244[0] : f32 from vector<1xf32>
      %eq3A_2246 = arith.constant 11 : i32
      %eq3A_2247 = vector.broadcast %eq3A_2246 : i32 to vector<16xi32>
      %eq3A_2248 = arith.cmpi eq, %iota3A, %eq3A_2247 : vector<16xi32>
      %slice3A_2249 = vector.extract_strided_slice %div3A_2240 {offsets = [1], sizes = [1], strides = [1]} : vector<16xf32> to vector<1xf32>
      %squeeze3A_2250 = vector.extract %slice3A_2249[0] : f32 from vector<1xf32>
      %broadcast_in_dim3A_2251 = vector.broadcast %squeeze3A_2250 : f32 to vector<16xf32>
      %select_n3A_2252 = arith.select %eq3A_2248, %broadcast_in_dim3A_2251, %select_n3A_2096 : vector<16xi1>, vector<16xf32>
      %broadcast_in_dim3A_2253 = vector.broadcast %squeeze3A_2245 : f32 to vector<16xf32>
      %select_n3A_2254 = arith.select %eq3A_2243, %broadcast_in_dim3A_2253, %select_n3A_2252 : vector<16xi1>, vector<16xf32>
      %mul3A_2255 = arith.constant 16 : i32
      %mul3A_2256 = arith.muli %scan3A_45, %mul3A_2255 : i32
      %add3A_2257 = arith.constant 14 : i32
      %add3A_2258 = arith.addi %mul3A_2256, %add3A_2257 : i32
      %mul3A_2259 = arith.constant 200 : i32
      %mul3A_2260 = arith.muli %add3A_2258, %mul3A_2259 : i32
      %dma_wait3A_2261 = tpu.memref_slice %arg8[%mul3A_2260] : memref<25600xi32, #tpu.memory_space<vmem>> -> memref<200xi32, #tpu.memory_space<vmem>>
      %dma_wait3A_2262 = arith.constant 0 : i32
      %dma_wait3A_2263 = tpu.memref_slice %arg4[%dma_wait3A_2262] : memref<1000000xf32, #tpu.memory_space<hbm>> -> memref<1000000xf32, #tpu.memory_space<hbm>>
      tpu.wait_indirect_dma semaphore(%arg22 : memref<!tpu.dma_semaphore, #tpu.memory_space<semaphore_mem>>) src(%dma_wait3A_2263 : memref<1000000xf32, #tpu.memory_space<hbm>>) dst(%arg11 : memref<200xf32, #tpu.memory_space<vmem>>)
      %dma_wait3A_2264 = tpu.memref_slice %arg8[%mul3A_2260] : memref<25600xi32, #tpu.memory_space<vmem>> -> memref<200xi32, #tpu.memory_space<vmem>>
      %dma_wait3A_2265 = arith.constant 0 : i32
      %dma_wait3A_2266 = tpu.memref_slice %arg5[%dma_wait3A_2265] : memref<1000000xf32, #tpu.memory_space<hbm>> -> memref<1000000xf32, #tpu.memory_space<hbm>>
      tpu.wait_indirect_dma semaphore(%arg26 : memref<!tpu.dma_semaphore, #tpu.memory_space<semaphore_mem>>) src(%dma_wait3A_2266 : memref<1000000xf32, #tpu.memory_space<hbm>>) dst(%arg15 : memref<200xf32, #tpu.memory_space<vmem>>)
      %get3A_2267 = arith.constant 0 : index
      %get3A_2268 = tpu.vector_load %arg11[%get3A_2267] {strides = array<i32>} : memref<200xf32, #tpu.memory_space<vmem>>, vector<16xf32>,
      %get3A_2269 = arith.constant 16 : index
      %get3A_2270 = tpu.vector_load %arg11[%get3A_2269] {strides = array<i32>} : memref<200xf32, #tpu.memory_space<vmem>>, vector<16xf32>,
      %add3A_2271 = arith.addf %get3A_2268, %get3A_2270 : vector<16xf32>
      %get3A_2272 = arith.constant 32 : index
      %get3A_2273 = tpu.vector_load %arg11[%get3A_2272] {strides = array<i32>} : memref<200xf32, #tpu.memory_space<vmem>>, vector<16xf32>,
      %add3A_2274 = arith.addf %add3A_2271, %get3A_2273 : vector<16xf32>
      %get3A_2275 = arith.constant 48 : index
      %get3A_2276 = tpu.vector_load %arg11[%get3A_2275] {strides = array<i32>} : memref<200xf32, #tpu.memory_space<vmem>>, vector<16xf32>,
      %add3A_2277 = arith.addf %add3A_2274, %get3A_2276 : vector<16xf32>
      %get3A_2278 = arith.constant 64 : index
      %get3A_2279 = tpu.vector_load %arg11[%get3A_2278] {strides = array<i32>} : memref<200xf32, #tpu.memory_space<vmem>>, vector<16xf32>,
      %add3A_2280 = arith.addf %add3A_2277, %get3A_2279 : vector<16xf32>
      %get3A_2281 = arith.constant 80 : index
      %get3A_2282 = tpu.vector_load %arg11[%get3A_2281] {strides = array<i32>} : memref<200xf32, #tpu.memory_space<vmem>>, vector<16xf32>,
      %add3A_2283 = arith.addf %add3A_2280, %get3A_2282 : vector<16xf32>
      %get3A_2284 = arith.constant 96 : index
      %get3A_2285 = tpu.vector_load %arg11[%get3A_2284] {strides = array<i32>} : memref<200xf32, #tpu.memory_space<vmem>>, vector<16xf32>,
      %add3A_2286 = arith.addf %add3A_2283, %get3A_2285 : vector<16xf32>
      %get3A_2287 = arith.constant 112 : index
      %get3A_2288 = tpu.vector_load %arg11[%get3A_2287] {strides = array<i32>} : memref<200xf32, #tpu.memory_space<vmem>>, vector<16xf32>,
      %add3A_2289 = arith.addf %add3A_2286, %get3A_2288 : vector<16xf32>
      %get3A_2290 = arith.constant 128 : index
      %get3A_2291 = tpu.vector_load %arg11[%get3A_2290] {strides = array<i32>} : memref<200xf32, #tpu.memory_space<vmem>>, vector<16xf32>,
      %add3A_2292 = arith.addf %add3A_2289, %get3A_2291 : vector<16xf32>
      %get3A_2293 = arith.constant 144 : index
      %get3A_2294 = tpu.vector_load %arg11[%get3A_2293] {strides = array<i32>} : memref<200xf32, #tpu.memory_space<vmem>>, vector<16xf32>,
      %add3A_2295 = arith.addf %add3A_2292, %get3A_2294 : vector<16xf32>
      %get3A_2296 = arith.constant 160 : index
      %get3A_2297 = tpu.vector_load %arg11[%get3A_2296] {strides = array<i32>} : memref<200xf32, #tpu.memory_space<vmem>>, vector<16xf32>,
      %add3A_2298 = arith.addf %add3A_2295, %get3A_2297 : vector<16xf32>
      %get3A_2299 = arith.constant 176 : index
      %get3A_2300 = tpu.vector_load %arg11[%get3A_2299] {strides = array<i32>} : memref<200xf32, #tpu.memory_space<vmem>>, vector<16xf32>,
      %add3A_2301 = arith.addf %add3A_2298, %get3A_2300 : vector<16xf32>
      %get3A_2302 = arith.constant 184 : index
      %get3A_2303 = tpu.vector_load %arg11[%get3A_2302] {strides = array<i32>} : memref<200xf32, #tpu.memory_space<vmem>>, vector<16xf32>,
      %ge3A_2304 = arith.constant 8 : i32
      %ge3A_2305 = vector.broadcast %ge3A_2304 : i32 to vector<16xi32>
      %ge3A_2306 = arith.cmpi sge, %iota3A, %ge3A_2305 : vector<16xi32>
      %jit3A_2307 = arith.constant 0.000000e+00 : f32
      %broadcast_in_dim3A_2308 = vector.broadcast %jit3A_2307 : f32 to vector<16xf32>
      %select_n3A_2309 = arith.select %ge3A_2306, %get3A_2303, %broadcast_in_dim3A_2308 : vector<16xi1>, vector<16xf32>
      %add3A_2310 = arith.addf %add3A_2301, %select_n3A_2309 : vector<16xf32>
      %broadcast_in_dim3A_2311 = arith.constant true
      %broadcast_in_dim3A_2312 = vector.broadcast %broadcast_in_dim3A_2311 : i1 to vector<16xi1>
      %masked_cumsum3A_2313 = tpu.scan <sum>, %add3A_2310 masked %broadcast_in_dim3A_2312 : vector<16xf32>, vector<16xi1> -> vector<16xf32>
      %slice3A_2314 = vector.extract_strided_slice %masked_cumsum3A_2313 {offsets = [15], sizes = [1], strides = [1]} : vector<16xf32> to vector<1xf32>
      %squeeze3A_2315 = vector.extract %slice3A_2314[0] : f32 from vector<1xf32>
      %get3A_2316 = arith.constant 0 : index
      %get3A_2317 = tpu.vector_load %arg15[%get3A_2316] {strides = array<i32>} : memref<200xf32, #tpu.memory_space<vmem>>, vector<16xf32>,
      %get3A_2318 = arith.constant 16 : index
      %get3A_2319 = tpu.vector_load %arg15[%get3A_2318] {strides = array<i32>} : memref<200xf32, #tpu.memory_space<vmem>>, vector<16xf32>,
      %add3A_2320 = arith.addf %get3A_2317, %get3A_2319 : vector<16xf32>
      %get3A_2321 = arith.constant 32 : index
      %get3A_2322 = tpu.vector_load %arg15[%get3A_2321] {strides = array<i32>} : memref<200xf32, #tpu.memory_space<vmem>>, vector<16xf32>,
      %add3A_2323 = arith.addf %add3A_2320, %get3A_2322 : vector<16xf32>
      %get3A_2324 = arith.constant 48 : index
      %get3A_2325 = tpu.vector_load %arg15[%get3A_2324] {strides = array<i32>} : memref<200xf32, #tpu.memory_space<vmem>>, vector<16xf32>,
      %add3A_2326 = arith.addf %add3A_2323, %get3A_2325 : vector<16xf32>
      %get3A_2327 = arith.constant 64 : index
      %get3A_2328 = tpu.vector_load %arg15[%get3A_2327] {strides = array<i32>} : memref<200xf32, #tpu.memory_space<vmem>>, vector<16xf32>,
      %add3A_2329 = arith.addf %add3A_2326, %get3A_2328 : vector<16xf32>
      %get3A_2330 = arith.constant 80 : index
      %get3A_2331 = tpu.vector_load %arg15[%get3A_2330] {strides = array<i32>} : memref<200xf32, #tpu.memory_space<vmem>>, vector<16xf32>,
      %add3A_2332 = arith.addf %add3A_2329, %get3A_2331 : vector<16xf32>
      %get3A_2333 = arith.constant 96 : index
      %get3A_2334 = tpu.vector_load %arg15[%get3A_2333] {strides = array<i32>} : memref<200xf32, #tpu.memory_space<vmem>>, vector<16xf32>,
      %add3A_2335 = arith.addf %add3A_2332, %get3A_2334 : vector<16xf32>
      %get3A_2336 = arith.constant 112 : index
      %get3A_2337 = tpu.vector_load %arg15[%get3A_2336] {strides = array<i32>} : memref<200xf32, #tpu.memory_space<vmem>>, vector<16xf32>,
      %add3A_2338 = arith.addf %add3A_2335, %get3A_2337 : vector<16xf32>
      %get3A_2339 = arith.constant 128 : index
      %get3A_2340 = tpu.vector_load %arg15[%get3A_2339] {strides = array<i32>} : memref<200xf32, #tpu.memory_space<vmem>>, vector<16xf32>,
      %add3A_2341 = arith.addf %add3A_2338, %get3A_2340 : vector<16xf32>
      %get3A_2342 = arith.constant 144 : index
      %get3A_2343 = tpu.vector_load %arg15[%get3A_2342] {strides = array<i32>} : memref<200xf32, #tpu.memory_space<vmem>>, vector<16xf32>,
      %add3A_2344 = arith.addf %add3A_2341, %get3A_2343 : vector<16xf32>
      %get3A_2345 = arith.constant 160 : index
      %get3A_2346 = tpu.vector_load %arg15[%get3A_2345] {strides = array<i32>} : memref<200xf32, #tpu.memory_space<vmem>>, vector<16xf32>,
      %add3A_2347 = arith.addf %add3A_2344, %get3A_2346 : vector<16xf32>
      %get3A_2348 = arith.constant 176 : index
      %get3A_2349 = tpu.vector_load %arg15[%get3A_2348] {strides = array<i32>} : memref<200xf32, #tpu.memory_space<vmem>>, vector<16xf32>,
      %add3A_2350 = arith.addf %add3A_2347, %get3A_2349 : vector<16xf32>
      %get3A_2351 = arith.constant 184 : index
      %get3A_2352 = tpu.vector_load %arg15[%get3A_2351] {strides = array<i32>} : memref<200xf32, #tpu.memory_space<vmem>>, vector<16xf32>,
      %ge3A_2353 = arith.constant 8 : i32
      %ge3A_2354 = vector.broadcast %ge3A_2353 : i32 to vector<16xi32>
      %ge3A_2355 = arith.cmpi sge, %iota3A, %ge3A_2354 : vector<16xi32>
      %jit3A_2356 = arith.constant 0.000000e+00 : f32
      %broadcast_in_dim3A_2357 = vector.broadcast %jit3A_2356 : f32 to vector<16xf32>
      %select_n3A_2358 = arith.select %ge3A_2355, %get3A_2352, %broadcast_in_dim3A_2357 : vector<16xi1>, vector<16xf32>
      %add3A_2359 = arith.addf %add3A_2350, %select_n3A_2358 : vector<16xf32>
      %broadcast_in_dim3A_2360 = arith.constant true
      %broadcast_in_dim3A_2361 = vector.broadcast %broadcast_in_dim3A_2360 : i1 to vector<16xi1>
      %masked_cumsum3A_2362 = tpu.scan <sum>, %add3A_2359 masked %broadcast_in_dim3A_2361 : vector<16xf32>, vector<16xi1> -> vector<16xf32>
      %slice3A_2363 = vector.extract_strided_slice %masked_cumsum3A_2362 {offsets = [15], sizes = [1], strides = [1]} : vector<16xf32> to vector<1xf32>
      %squeeze3A_2364 = vector.extract %slice3A_2363[0] : f32 from vector<1xf32>
      %add3A_2365 = arith.constant 4 : i32
      %add3A_2366 = arith.addi %add3A_2258, %add3A_2365 : i32
      %lt3A_2367 = arith.constant 128 : i32
      %lt3A_2368 = arith.cmpi slt, %add3A_2366, %lt3A_2367 : i32
      %convert_element_type3A_2369 = arith.extui %lt3A_2368 : i1 to i32
      %cond3A_2370 = arith.constant 0 : i32
      %cond3A_2371 = arith.cmpi ne, %convert_element_type3A_2369, %cond3A_2370 : i32
      scf.if %cond3A_2371 {
        %mul3A_2579 = arith.constant 200 : i32
        %mul3A_2580 = arith.muli %add3A_2366, %mul3A_2579 : i32
        %dma_start3A_2581 = tpu.memref_slice %arg8[%mul3A_2580] : memref<25600xi32, #tpu.memory_space<vmem>> -> memref<200xi32, #tpu.memory_space<vmem>>
        %dma_start3A_2582 = arith.constant 0 : i32
        %dma_start3A_2583 = tpu.memref_slice %arg4[%dma_start3A_2582] : memref<1000000xf32, #tpu.memory_space<hbm>> -> memref<1000000xf32, #tpu.memory_space<hbm>>
        tpu.enqueue_indirect_dma source(%dma_start3A_2583 : memref<1000000xf32, #tpu.memory_space<hbm>>) target(%arg11 : memref<200xf32, #tpu.memory_space<vmem>>) offsets(%dma_start3A_2581 : memref<200xi32, #tpu.memory_space<vmem>>) semaphore(%arg22 : memref<!tpu.dma_semaphore, #tpu.memory_space<semaphore_mem>>)
        %dma_start3A_2584 = tpu.memref_slice %arg8[%mul3A_2580] : memref<25600xi32, #tpu.memory_space<vmem>> -> memref<200xi32, #tpu.memory_space<vmem>>
        %dma_start3A_2585 = arith.constant 0 : i32
        %dma_start3A_2586 = tpu.memref_slice %arg5[%dma_start3A_2585] : memref<1000000xf32, #tpu.memory_space<hbm>> -> memref<1000000xf32, #tpu.memory_space<hbm>>
        tpu.enqueue_indirect_dma source(%dma_start3A_2586 : memref<1000000xf32, #tpu.memory_space<hbm>>) target(%arg15 : memref<200xf32, #tpu.memory_space<vmem>>) offsets(%dma_start3A_2584 : memref<200xi32, #tpu.memory_space<vmem>>) semaphore(%arg26 : memref<!tpu.dma_semaphore, #tpu.memory_space<semaphore_mem>>)
      } else {
      }
      %slice3A_2372 = vector.extract_strided_slice %get3A_49 {offsets = [14], sizes = [1], strides = [1]} : vector<16xf32> to vector<1xf32>
      %squeeze3A_2373 = vector.extract %slice3A_2372[0] : f32 from vector<1xf32>
      %broadcast_in_dim3A_2374 = vector.broadcast %squeeze3A_2373 : f32 to vector<16xf32>
      %eq3A_2375 = arith.constant 0 : i32
      %eq3A_2376 = vector.broadcast %eq3A_2375 : i32 to vector<16xi32>
      %eq3A_2377 = arith.cmpi eq, %iota3A, %eq3A_2376 : vector<16xi32>
      %eq3A_2378 = arith.constant 1 : i32
      %eq3A_2379 = vector.broadcast %eq3A_2378 : i32 to vector<16xi32>
      %eq3A_2380 = arith.cmpi eq, %iota3A, %eq3A_2379 : vector<16xi32>
      %jit3A_2381 = arith.constant 0.000000e+00 : f32
      %broadcast_in_dim3A_2382 = vector.broadcast %squeeze3A_2364 : f32 to vector<16xf32>
      %broadcast_in_dim3A_2383 = vector.broadcast %jit3A_2381 : f32 to vector<16xf32>
      %select_n3A_2384 = arith.select %eq3A_2380, %broadcast_in_dim3A_2382, %broadcast_in_dim3A_2383 : vector<16xi1>, vector<16xf32>
      %broadcast_in_dim3A_2385 = vector.broadcast %squeeze3A_2315 : f32 to vector<16xf32>
      %select_n3A_2386 = arith.select %eq3A_2377, %broadcast_in_dim3A_2385, %select_n3A_2384 : vector<16xi1>, vector<16xf32>
      %mul3A_2387 = arith.mulf %select_n3A_2386, %broadcast_in_dim3A_2374 : vector<16xf32>
      %add3A_2388 = arith.addf %mul3A_2387, %get3A_5 : vector<16xf32>
      %neg3A_2389 = arith.constant 0.000000e+00 : f32
      %neg3A_2390 = vector.broadcast %neg3A_2389 : f32 to vector<16xf32>
      %neg3A_2391 = arith.subf %neg3A_2390, %add3A_2388 : vector<16xf32>
      %exp3A_2392 = math.exp %neg3A_2391 : vector<16xf32>
      %add3A_2393 = arith.constant 1.000000e+00 : f32
      %add3A_2394 = vector.broadcast %add3A_2393 : f32 to vector<16xf32>
      %add3A_2395 = arith.addf %add3A_2394, %exp3A_2392 : vector<16xf32>
      %div3A_2396 = arith.constant 1.000000e+00 : f32
      %div3A_2397 = vector.broadcast %div3A_2396 : f32 to vector<16xf32>
      %div3A_2398 = arith.divf %div3A_2397, %add3A_2395 : vector<16xf32>
      %eq3A_2399 = arith.constant 12 : i32
      %eq3A_2400 = vector.broadcast %eq3A_2399 : i32 to vector<16xi32>
      %eq3A_2401 = arith.cmpi eq, %iota3A, %eq3A_2400 : vector<16xi32>
      %slice3A_2402 = vector.extract_strided_slice %div3A_2398 {offsets = [0], sizes = [1], strides = [1]} : vector<16xf32> to vector<1xf32>
      %squeeze3A_2403 = vector.extract %slice3A_2402[0] : f32 from vector<1xf32>
      %eq3A_2404 = arith.constant 13 : i32
      %eq3A_2405 = vector.broadcast %eq3A_2404 : i32 to vector<16xi32>
      %eq3A_2406 = arith.cmpi eq, %iota3A, %eq3A_2405 : vector<16xi32>
      %slice3A_2407 = vector.extract_strided_slice %div3A_2398 {offsets = [1], sizes = [1], strides = [1]} : vector<16xf32> to vector<1xf32>
      %squeeze3A_2408 = vector.extract %slice3A_2407[0] : f32 from vector<1xf32>
      %broadcast_in_dim3A_2409 = vector.broadcast %squeeze3A_2408 : f32 to vector<16xf32>
      %select_n3A_2410 = arith.select %eq3A_2406, %broadcast_in_dim3A_2409, %select_n3A_2254 : vector<16xi1>, vector<16xf32>
      %broadcast_in_dim3A_2411 = vector.broadcast %squeeze3A_2403 : f32 to vector<16xf32>
      %select_n3A_2412 = arith.select %eq3A_2401, %broadcast_in_dim3A_2411, %select_n3A_2410 : vector<16xi1>, vector<16xf32>
      %mul3A_2413 = arith.constant 16 : i32
      %mul3A_2414 = arith.muli %scan3A_45, %mul3A_2413 : i32
      %add3A_2415 = arith.constant 15 : i32
      %add3A_2416 = arith.addi %mul3A_2414, %add3A_2415 : i32
      %mul3A_2417 = arith.constant 200 : i32
      %mul3A_2418 = arith.muli %add3A_2416, %mul3A_2417 : i32
      %dma_wait3A_2419 = tpu.memref_slice %arg8[%mul3A_2418] : memref<25600xi32, #tpu.memory_space<vmem>> -> memref<200xi32, #tpu.memory_space<vmem>>
      %dma_wait3A_2420 = arith.constant 0 : i32
      %dma_wait3A_2421 = tpu.memref_slice %arg4[%dma_wait3A_2420] : memref<1000000xf32, #tpu.memory_space<hbm>> -> memref<1000000xf32, #tpu.memory_space<hbm>>
      tpu.wait_indirect_dma semaphore(%arg23 : memref<!tpu.dma_semaphore, #tpu.memory_space<semaphore_mem>>) src(%dma_wait3A_2421 : memref<1000000xf32, #tpu.memory_space<hbm>>) dst(%arg12 : memref<200xf32, #tpu.memory_space<vmem>>)
      %dma_wait3A_2422 = tpu.memref_slice %arg8[%mul3A_2418] : memref<25600xi32, #tpu.memory_space<vmem>> -> memref<200xi32, #tpu.memory_space<vmem>>
      %dma_wait3A_2423 = arith.constant 0 : i32
      %dma_wait3A_2424 = tpu.memref_slice %arg5[%dma_wait3A_2423] : memref<1000000xf32, #tpu.memory_space<hbm>> -> memref<1000000xf32, #tpu.memory_space<hbm>>
      tpu.wait_indirect_dma semaphore(%arg27 : memref<!tpu.dma_semaphore, #tpu.memory_space<semaphore_mem>>) src(%dma_wait3A_2424 : memref<1000000xf32, #tpu.memory_space<hbm>>) dst(%arg16 : memref<200xf32, #tpu.memory_space<vmem>>)
      %get3A_2425 = arith.constant 0 : index
      %get3A_2426 = tpu.vector_load %arg12[%get3A_2425] {strides = array<i32>} : memref<200xf32, #tpu.memory_space<vmem>>, vector<16xf32>,
      %get3A_2427 = arith.constant 16 : index
      %get3A_2428 = tpu.vector_load %arg12[%get3A_2427] {strides = array<i32>} : memref<200xf32, #tpu.memory_space<vmem>>, vector<16xf32>,
      %add3A_2429 = arith.addf %get3A_2426, %get3A_2428 : vector<16xf32>
      %get3A_2430 = arith.constant 32 : index
      %get3A_2431 = tpu.vector_load %arg12[%get3A_2430] {strides = array<i32>} : memref<200xf32, #tpu.memory_space<vmem>>, vector<16xf32>,
      %add3A_2432 = arith.addf %add3A_2429, %get3A_2431 : vector<16xf32>
      %get3A_2433 = arith.constant 48 : index
      %get3A_2434 = tpu.vector_load %arg12[%get3A_2433] {strides = array<i32>} : memref<200xf32, #tpu.memory_space<vmem>>, vector<16xf32>,
      %add3A_2435 = arith.addf %add3A_2432, %get3A_2434 : vector<16xf32>
      %get3A_2436 = arith.constant 64 : index
      %get3A_2437 = tpu.vector_load %arg12[%get3A_2436] {strides = array<i32>} : memref<200xf32, #tpu.memory_space<vmem>>, vector<16xf32>,
      %add3A_2438 = arith.addf %add3A_2435, %get3A_2437 : vector<16xf32>
      %get3A_2439 = arith.constant 80 : index
      %get3A_2440 = tpu.vector_load %arg12[%get3A_2439] {strides = array<i32>} : memref<200xf32, #tpu.memory_space<vmem>>, vector<16xf32>,
      %add3A_2441 = arith.addf %add3A_2438, %get3A_2440 : vector<16xf32>
      %get3A_2442 = arith.constant 96 : index
      %get3A_2443 = tpu.vector_load %arg12[%get3A_2442] {strides = array<i32>} : memref<200xf32, #tpu.memory_space<vmem>>, vector<16xf32>,
      %add3A_2444 = arith.addf %add3A_2441, %get3A_2443 : vector<16xf32>
      %get3A_2445 = arith.constant 112 : index
      %get3A_2446 = tpu.vector_load %arg12[%get3A_2445] {strides = array<i32>} : memref<200xf32, #tpu.memory_space<vmem>>, vector<16xf32>,
      %add3A_2447 = arith.addf %add3A_2444, %get3A_2446 : vector<16xf32>
      %get3A_2448 = arith.constant 128 : index
      %get3A_2449 = tpu.vector_load %arg12[%get3A_2448] {strides = array<i32>} : memref<200xf32, #tpu.memory_space<vmem>>, vector<16xf32>,
      %add3A_2450 = arith.addf %add3A_2447, %get3A_2449 : vector<16xf32>
      %get3A_2451 = arith.constant 144 : index
      %get3A_2452 = tpu.vector_load %arg12[%get3A_2451] {strides = array<i32>} : memref<200xf32, #tpu.memory_space<vmem>>, vector<16xf32>,
      %add3A_2453 = arith.addf %add3A_2450, %get3A_2452 : vector<16xf32>
      %get3A_2454 = arith.constant 160 : index
      %get3A_2455 = tpu.vector_load %arg12[%get3A_2454] {strides = array<i32>} : memref<200xf32, #tpu.memory_space<vmem>>, vector<16xf32>,
      %add3A_2456 = arith.addf %add3A_2453, %get3A_2455 : vector<16xf32>
      %get3A_2457 = arith.constant 176 : index
      %get3A_2458 = tpu.vector_load %arg12[%get3A_2457] {strides = array<i32>} : memref<200xf32, #tpu.memory_space<vmem>>, vector<16xf32>,
      %add3A_2459 = arith.addf %add3A_2456, %get3A_2458 : vector<16xf32>
      %get3A_2460 = arith.constant 184 : index
      %get3A_2461 = tpu.vector_load %arg12[%get3A_2460] {strides = array<i32>} : memref<200xf32, #tpu.memory_space<vmem>>, vector<16xf32>,
      %ge3A_2462 = arith.constant 8 : i32
      %ge3A_2463 = vector.broadcast %ge3A_2462 : i32 to vector<16xi32>
      %ge3A_2464 = arith.cmpi sge, %iota3A, %ge3A_2463 : vector<16xi32>
      %jit3A_2465 = arith.constant 0.000000e+00 : f32
      %broadcast_in_dim3A_2466 = vector.broadcast %jit3A_2465 : f32 to vector<16xf32>
      %select_n3A_2467 = arith.select %ge3A_2464, %get3A_2461, %broadcast_in_dim3A_2466 : vector<16xi1>, vector<16xf32>
      %add3A_2468 = arith.addf %add3A_2459, %select_n3A_2467 : vector<16xf32>
      %broadcast_in_dim3A_2469 = arith.constant true
      %broadcast_in_dim3A_2470 = vector.broadcast %broadcast_in_dim3A_2469 : i1 to vector<16xi1>
      %masked_cumsum3A_2471 = tpu.scan <sum>, %add3A_2468 masked %broadcast_in_dim3A_2470 : vector<16xf32>, vector<16xi1> -> vector<16xf32>
      %slice3A_2472 = vector.extract_strided_slice %masked_cumsum3A_2471 {offsets = [15], sizes = [1], strides = [1]} : vector<16xf32> to vector<1xf32>
      %squeeze3A_2473 = vector.extract %slice3A_2472[0] : f32 from vector<1xf32>
      %get3A_2474 = arith.constant 0 : index
      %get3A_2475 = tpu.vector_load %arg16[%get3A_2474] {strides = array<i32>} : memref<200xf32, #tpu.memory_space<vmem>>, vector<16xf32>,
      %get3A_2476 = arith.constant 16 : index
      %get3A_2477 = tpu.vector_load %arg16[%get3A_2476] {strides = array<i32>} : memref<200xf32, #tpu.memory_space<vmem>>, vector<16xf32>,
      %add3A_2478 = arith.addf %get3A_2475, %get3A_2477 : vector<16xf32>
      %get3A_2479 = arith.constant 32 : index
      %get3A_2480 = tpu.vector_load %arg16[%get3A_2479] {strides = array<i32>} : memref<200xf32, #tpu.memory_space<vmem>>, vector<16xf32>,
      %add3A_2481 = arith.addf %add3A_2478, %get3A_2480 : vector<16xf32>
      %get3A_2482 = arith.constant 48 : index
      %get3A_2483 = tpu.vector_load %arg16[%get3A_2482] {strides = array<i32>} : memref<200xf32, #tpu.memory_space<vmem>>, vector<16xf32>,
      %add3A_2484 = arith.addf %add3A_2481, %get3A_2483 : vector<16xf32>
      %get3A_2485 = arith.constant 64 : index
      %get3A_2486 = tpu.vector_load %arg16[%get3A_2485] {strides = array<i32>} : memref<200xf32, #tpu.memory_space<vmem>>, vector<16xf32>,
      %add3A_2487 = arith.addf %add3A_2484, %get3A_2486 : vector<16xf32>
      %get3A_2488 = arith.constant 80 : index
      %get3A_2489 = tpu.vector_load %arg16[%get3A_2488] {strides = array<i32>} : memref<200xf32, #tpu.memory_space<vmem>>, vector<16xf32>,
      %add3A_2490 = arith.addf %add3A_2487, %get3A_2489 : vector<16xf32>
      %get3A_2491 = arith.constant 96 : index
      %get3A_2492 = tpu.vector_load %arg16[%get3A_2491] {strides = array<i32>} : memref<200xf32, #tpu.memory_space<vmem>>, vector<16xf32>,
      %add3A_2493 = arith.addf %add3A_2490, %get3A_2492 : vector<16xf32>
      %get3A_2494 = arith.constant 112 : index
      %get3A_2495 = tpu.vector_load %arg16[%get3A_2494] {strides = array<i32>} : memref<200xf32, #tpu.memory_space<vmem>>, vector<16xf32>,
      %add3A_2496 = arith.addf %add3A_2493, %get3A_2495 : vector<16xf32>
      %get3A_2497 = arith.constant 128 : index
      %get3A_2498 = tpu.vector_load %arg16[%get3A_2497] {strides = array<i32>} : memref<200xf32, #tpu.memory_space<vmem>>, vector<16xf32>,
      %add3A_2499 = arith.addf %add3A_2496, %get3A_2498 : vector<16xf32>
      %get3A_2500 = arith.constant 144 : index
      %get3A_2501 = tpu.vector_load %arg16[%get3A_2500] {strides = array<i32>} : memref<200xf32, #tpu.memory_space<vmem>>, vector<16xf32>,
      %add3A_2502 = arith.addf %add3A_2499, %get3A_2501 : vector<16xf32>
      %get3A_2503 = arith.constant 160 : index
      %get3A_2504 = tpu.vector_load %arg16[%get3A_2503] {strides = array<i32>} : memref<200xf32, #tpu.memory_space<vmem>>, vector<16xf32>,
      %add3A_2505 = arith.addf %add3A_2502, %get3A_2504 : vector<16xf32>
      %get3A_2506 = arith.constant 176 : index
      %get3A_2507 = tpu.vector_load %arg16[%get3A_2506] {strides = array<i32>} : memref<200xf32, #tpu.memory_space<vmem>>, vector<16xf32>,
      %add3A_2508 = arith.addf %add3A_2505, %get3A_2507 : vector<16xf32>
      %get3A_2509 = arith.constant 184 : index
      %get3A_2510 = tpu.vector_load %arg16[%get3A_2509] {strides = array<i32>} : memref<200xf32, #tpu.memory_space<vmem>>, vector<16xf32>,
      %ge3A_2511 = arith.constant 8 : i32
      %ge3A_2512 = vector.broadcast %ge3A_2511 : i32 to vector<16xi32>
      %ge3A_2513 = arith.cmpi sge, %iota3A, %ge3A_2512 : vector<16xi32>
      %jit3A_2514 = arith.constant 0.000000e+00 : f32
      %broadcast_in_dim3A_2515 = vector.broadcast %jit3A_2514 : f32 to vector<16xf32>
      %select_n3A_2516 = arith.select %ge3A_2513, %get3A_2510, %broadcast_in_dim3A_2515 : vector<16xi1>, vector<16xf32>
      %add3A_2517 = arith.addf %add3A_2508, %select_n3A_2516 : vector<16xf32>
      %broadcast_in_dim3A_2518 = arith.constant true
      %broadcast_in_dim3A_2519 = vector.broadcast %broadcast_in_dim3A_2518 : i1 to vector<16xi1>
      %masked_cumsum3A_2520 = tpu.scan <sum>, %add3A_2517 masked %broadcast_in_dim3A_2519 : vector<16xf32>, vector<16xi1> -> vector<16xf32>
      %slice3A_2521 = vector.extract_strided_slice %masked_cumsum3A_2520 {offsets = [15], sizes = [1], strides = [1]} : vector<16xf32> to vector<1xf32>
      %squeeze3A_2522 = vector.extract %slice3A_2521[0] : f32 from vector<1xf32>
      %add3A_2523 = arith.constant 4 : i32
      %add3A_2524 = arith.addi %add3A_2416, %add3A_2523 : i32
      %lt3A_2525 = arith.constant 128 : i32
      %lt3A_2526 = arith.cmpi slt, %add3A_2524, %lt3A_2525 : i32
      %convert_element_type3A_2527 = arith.extui %lt3A_2526 : i1 to i32
      %cond3A_2528 = arith.constant 0 : i32
      %cond3A_2529 = arith.cmpi ne, %convert_element_type3A_2527, %cond3A_2528 : i32
      scf.if %cond3A_2529 {
        %mul3A_2579 = arith.constant 200 : i32
        %mul3A_2580 = arith.muli %add3A_2524, %mul3A_2579 : i32
        %dma_start3A_2581 = tpu.memref_slice %arg8[%mul3A_2580] : memref<25600xi32, #tpu.memory_space<vmem>> -> memref<200xi32, #tpu.memory_space<vmem>>
        %dma_start3A_2582 = arith.constant 0 : i32
        %dma_start3A_2583 = tpu.memref_slice %arg4[%dma_start3A_2582] : memref<1000000xf32, #tpu.memory_space<hbm>> -> memref<1000000xf32, #tpu.memory_space<hbm>>
        tpu.enqueue_indirect_dma source(%dma_start3A_2583 : memref<1000000xf32, #tpu.memory_space<hbm>>) target(%arg12 : memref<200xf32, #tpu.memory_space<vmem>>) offsets(%dma_start3A_2581 : memref<200xi32, #tpu.memory_space<vmem>>) semaphore(%arg23 : memref<!tpu.dma_semaphore, #tpu.memory_space<semaphore_mem>>)
        %dma_start3A_2584 = tpu.memref_slice %arg8[%mul3A_2580] : memref<25600xi32, #tpu.memory_space<vmem>> -> memref<200xi32, #tpu.memory_space<vmem>>
        %dma_start3A_2585 = arith.constant 0 : i32
        %dma_start3A_2586 = tpu.memref_slice %arg5[%dma_start3A_2585] : memref<1000000xf32, #tpu.memory_space<hbm>> -> memref<1000000xf32, #tpu.memory_space<hbm>>
        tpu.enqueue_indirect_dma source(%dma_start3A_2586 : memref<1000000xf32, #tpu.memory_space<hbm>>) target(%arg16 : memref<200xf32, #tpu.memory_space<vmem>>) offsets(%dma_start3A_2584 : memref<200xi32, #tpu.memory_space<vmem>>) semaphore(%arg27 : memref<!tpu.dma_semaphore, #tpu.memory_space<semaphore_mem>>)
      } else {
      }
      %slice3A_2530 = vector.extract_strided_slice %get3A_49 {offsets = [15], sizes = [1], strides = [1]} : vector<16xf32> to vector<1xf32>
      %squeeze3A_2531 = vector.extract %slice3A_2530[0] : f32 from vector<1xf32>
      %broadcast_in_dim3A_2532 = vector.broadcast %squeeze3A_2531 : f32 to vector<16xf32>
      %eq3A_2533 = arith.constant 0 : i32
      %eq3A_2534 = vector.broadcast %eq3A_2533 : i32 to vector<16xi32>
      %eq3A_2535 = arith.cmpi eq, %iota3A, %eq3A_2534 : vector<16xi32>
      %eq3A_2536 = arith.constant 1 : i32
      %eq3A_2537 = vector.broadcast %eq3A_2536 : i32 to vector<16xi32>
      %eq3A_2538 = arith.cmpi eq, %iota3A, %eq3A_2537 : vector<16xi32>
      %jit3A_2539 = arith.constant 0.000000e+00 : f32
      %broadcast_in_dim3A_2540 = vector.broadcast %squeeze3A_2522 : f32 to vector<16xf32>
      %broadcast_in_dim3A_2541 = vector.broadcast %jit3A_2539 : f32 to vector<16xf32>
      %select_n3A_2542 = arith.select %eq3A_2538, %broadcast_in_dim3A_2540, %broadcast_in_dim3A_2541 : vector<16xi1>, vector<16xf32>
      %broadcast_in_dim3A_2543 = vector.broadcast %squeeze3A_2473 : f32 to vector<16xf32>
      %select_n3A_2544 = arith.select %eq3A_2535, %broadcast_in_dim3A_2543, %select_n3A_2542 : vector<16xi1>, vector<16xf32>
      %mul3A_2545 = arith.mulf %select_n3A_2544, %broadcast_in_dim3A_2532 : vector<16xf32>
      %add3A_2546 = arith.addf %mul3A_2545, %get3A_5 : vector<16xf32>
      %neg3A_2547 = arith.constant 0.000000e+00 : f32
      %neg3A_2548 = vector.broadcast %neg3A_2547 : f32 to vector<16xf32>
      %neg3A_2549 = arith.subf %neg3A_2548, %add3A_2546 : vector<16xf32>
      %exp3A_2550 = math.exp %neg3A_2549 : vector<16xf32>
      %add3A_2551 = arith.constant 1.000000e+00 : f32
      %add3A_2552 = vector.broadcast %add3A_2551 : f32 to vector<16xf32>
      %add3A_2553 = arith.addf %add3A_2552, %exp3A_2550 : vector<16xf32>
      %div3A_2554 = arith.constant 1.000000e+00 : f32
      %div3A_2555 = vector.broadcast %div3A_2554 : f32 to vector<16xf32>
      %div3A_2556 = arith.divf %div3A_2555, %add3A_2553 : vector<16xf32>
      %eq3A_2557 = arith.constant 14 : i32
      %eq3A_2558 = vector.broadcast %eq3A_2557 : i32 to vector<16xi32>
      %eq3A_2559 = arith.cmpi eq, %iota3A, %eq3A_2558 : vector<16xi32>
      %slice3A_2560 = vector.extract_strided_slice %div3A_2556 {offsets = [0], sizes = [1], strides = [1]} : vector<16xf32> to vector<1xf32>
      %squeeze3A_2561 = vector.extract %slice3A_2560[0] : f32 from vector<1xf32>
      %eq3A_2562 = arith.constant 15 : i32
      %eq3A_2563 = vector.broadcast %eq3A_2562 : i32 to vector<16xi32>
      %eq3A_2564 = arith.cmpi eq, %iota3A, %eq3A_2563 : vector<16xi32>
      %slice3A_2565 = vector.extract_strided_slice %div3A_2556 {offsets = [1], sizes = [1], strides = [1]} : vector<16xf32> to vector<1xf32>
      %squeeze3A_2566 = vector.extract %slice3A_2565[0] : f32 from vector<1xf32>
      %broadcast_in_dim3A_2567 = vector.broadcast %squeeze3A_2566 : f32 to vector<16xf32>
      %select_n3A_2568 = arith.select %eq3A_2564, %broadcast_in_dim3A_2567, %select_n3A_2412 : vector<16xi1>, vector<16xf32>
      %broadcast_in_dim3A_2569 = vector.broadcast %squeeze3A_2561 : f32 to vector<16xf32>
      %select_n3A_2570 = arith.select %eq3A_2559, %broadcast_in_dim3A_2569, %select_n3A_2568 : vector<16xi1>, vector<16xf32>
      %mul3A_2571 = arith.constant 2 : i32
      %mul3A_2572 = arith.muli %scan3A_45, %mul3A_2571 : i32
      %mul3A_2573 = arith.constant 16 : i32
      %mul3A_2574 = arith.muli %mul3A_2572, %mul3A_2573 : i32
      %add3A_2575 = arith.constant 16 : i32
      %add3A_2576 = arith.addi %mul3A_2574, %add3A_2575 : i32
      %swap3A_2577 = arith.index_cast %add3A_2576 : i32 to index
      %swap3A_2578 = tpu.vector_load %arg19[%swap3A_2577] {strides = array<i32>} : memref<256xf32, #tpu.memory_space<vmem>>, vector<16xf32>,
      tpu.vector_store %arg19[%swap3A_2577], %select_n3A_2570 {strides = array<i32>} : memref<256xf32, #tpu.memory_space<vmem>>, vector<16xf32>,
    }
    %scan3A_42 = arith.constant 8 : i32
    %mul3A_43 = arith.constant 2 : i32
    %mul3A_44 = arith.muli %mul3A_2, %mul3A_43 : i32
    "tpu.region"() ({
      %run_scoped3A = tpu.sem_alloc : memref<!tpu.dma_semaphore, #tpu.memory_space<semaphore_mem>>
      %dma_start3A_45 = tpu.memref_slice %arg7[%mul3A_44] : memref<8192xf32, #tpu.memory_space<hbm>> -> memref<256xf32, #tpu.memory_space<hbm>>
      %dma_start3A_46 = tpu.memref_slice %arg7[%mul3A_44] : memref<8192xf32, #tpu.memory_space<hbm>> -> memref<256xf32, #tpu.memory_space<hbm>>
      tpu.enqueue_dma source(%arg19 : memref<256xf32, #tpu.memory_space<vmem>>) target(%dma_start3A_46 : memref<256xf32, #tpu.memory_space<hbm>>) target_semaphore(%run_scoped3A : memref<!tpu.dma_semaphore, #tpu.memory_space<semaphore_mem>>)
      %dma_wait3A = tpu.memref_slice %arg7[%mul3A_44] : memref<8192xf32, #tpu.memory_space<hbm>> -> memref<256xf32, #tpu.memory_space<hbm>>
      %dma_wait3A_47 = tpu.memref_slice %arg7[%mul3A_44] : memref<8192xf32, #tpu.memory_space<hbm>> -> memref<256xf32, #tpu.memory_space<hbm>>
      tpu.wait_dma2 semaphore(%run_scoped3A : memref<!tpu.dma_semaphore, #tpu.memory_space<semaphore_mem>>) src(%arg19 : memref<256xf32, #tpu.memory_space<vmem>>) dst(%dma_wait3A_47 : memref<256xf32, #tpu.memory_space<hbm>>)
      tpu.yield
    }) : () -> ()
    return
  }
}

module attributes {stable_mosaic.version = 14 : i64} {
  func.func @body(%arg0: i32, %arg1: memref<8x64xf32, #tpu.memory_space<vmem>>, %arg2: memref<64x32768xf32, #tpu.memory_space<vmem>>, %arg3: memref<32768xf32, #tpu.memory_space<vmem>>, %arg4: memref<32768xf32, #tpu.memory_space<vmem>>) attributes {dimension_semantics = [#tpu.dimension_semantics<arbitrary>], iteration_bounds = array<i64: 31>, scalar_prefetch = 0 : i64, scratch_operands = 0 : i64, tpu.core_type = #tpu.core_type<tc>, window_params = [{pipeline_mode = #tpu.pipeline_mode<synchronous>, transform_indices = @transform_0, window_bounds = array<i64: 8, 64>}, {transform_indices = @transform_1, window_bounds = array<i64: 64, 32768>}, {transform_indices = @transform_2, window_bounds = array<i64: 32768>}, {transform_indices = @transform_3, window_bounds = array<i64: 32768>}]} {
    %get3A = arith.constant 0 : index
    %get3A_0 = arith.constant 0 : index
    %get3A_1 = vector.load %arg1[%get3A, %get3A_0] : memref<8x64xf32, #tpu.memory_space<vmem>>, vector<8x64xf32>
    %get3A_2 = arith.constant 0 : index
    %get3A_3 = arith.constant 0 : index
    %get3A_4 = vector.load %arg2[%get3A_2, %get3A_3] : memref<64x32768xf32, #tpu.memory_space<vmem>>, vector<64x32768xf32>
    %dot_general3A = arith.constant dense<0.000000e+00> : vector<8x32768xf32>
    %dot_general3A_5 = tpu.matmul %get3A_1, %get3A_4, %dot_general3A {dimension_numbers = #tpu.dot_dimension_numbers<[1], [0], [0], [1], [0, 0, 1, 1], [], []>, transpose_lhs_hint = false} : vector<8x64xf32>, vector<64x32768xf32>, vector<8x32768xf32> -> vector<8x32768xf32>
    %slice3A = vector.extract_strided_slice %dot_general3A_5 {offsets = [0, 0], sizes = [1, 32768], strides = [1, 1]} : vector<8x32768xf32> to vector<1x32768xf32>
    %squeeze3A = vector.shape_cast %slice3A : vector<1x32768xf32> to vector<32768xf32>
    %swap3A = arith.constant 0 : index
    %swap3A_6 = vector.load %arg3[%swap3A] : memref<32768xf32, #tpu.memory_space<vmem>>, vector<32768xf32>
    tpu.vector_store %arg3[%swap3A], %squeeze3A {strides = array<i32>} : memref<32768xf32, #tpu.memory_space<vmem>>, vector<32768xf32>,
    %slice3A_7 = vector.extract_strided_slice %dot_general3A_5 {offsets = [1, 0], sizes = [1, 32768], strides = [1, 1]} : vector<8x32768xf32> to vector<1x32768xf32>
    %squeeze3A_8 = vector.shape_cast %slice3A_7 : vector<1x32768xf32> to vector<32768xf32>
    %swap3A_9 = arith.constant 0 : index
    %swap3A_10 = vector.load %arg4[%swap3A_9] : memref<32768xf32, #tpu.memory_space<vmem>>, vector<32768xf32>
    tpu.vector_store %arg4[%swap3A_9], %squeeze3A_8 {strides = array<i32>} : memref<32768xf32, #tpu.memory_space<vmem>>, vector<32768xf32>,
    return
  }
  func.func @transform_0(%arg0: i32) -> (i32, i32) {
    %c0_i32 = arith.constant 0 : i32
    %c0_i32_0 = arith.constant 0 : i32
    %c0_i32_1 = arith.constant 0 : i32
    return %c0_i32, %c0_i32_0 : i32, i32
  }
  func.func @transform_1(%arg0: i32) -> (i32, i32) {
    %c0_i32 = arith.constant 0 : i32
    %c0_i32_0 = arith.constant 0 : i32
    return %c0_i32, %arg0 : i32, i32
  }
  func.func @transform_2(%arg0: i32) -> i32 {
    %c0_i32 = arith.constant 0 : i32
    return %arg0 : i32
  }
  func.func @transform_3(%arg0: i32) -> i32 {
    %c0_i32 = arith.constant 0 : i32
    return %arg0 : i32
  }
}

</mosaic_0001>

<sc_bundles>
// kernel: kernel.5.cloned.1.call-start
scs
__scs_entry_jumppad:
0x0: {  	(pc) =	sbr.rel $0x88, $3  }
0x1: {  	(tag) =	ssettag $0x0;
	lr =	simm.s32 $0x1  }
0x2: {  	[smem:$0x3F9C] =	sst lr;
	_ =	strace $0xD0000000  }
0x3: {  	_ = 	snop  }
0x4: {  	_ = 	snop  }
0x5: {  	_ = 	snop  }
0x6: {  	_ = 	snop  }
0x7: {  	_ = 	snop  }
__scs_overlays_trampoline_lowered:
0x8: {  	[smem:$0x3FAB] =	sst s0  }
0x9: {  	[smem:$0x3FAC] =	sst s1  }
0xa: {  	[smem:$0x3FAD] =	sst s2  }
0xb: {  	[smem:$0x3FAE] =	sst s3  }
0xc: {  	[smem:$0x3FAF] =	sst s4  }
0xd: {  	[smem:$0x3FB0] =	sst s5  }
0xe: {  	[smem:$0x3FB1] =	sst s6  }
0xf: {  	[smem:$0x3FB2] =	sst s7  }
0x10: {  	[smem:$0x3FB3] =	sst s8  }
0x11: {  	[smem:$0x3FB4] =	sst s9;
	s0 =	simm.s32 @!p0 $0x0  }
0x12: {  	s1 =	sld [smem:$0x3F9A];
	s0 =	simm.s32 @p0 $0x1  }
0x13: {  	[smem:$0x3FB5] =	sst s0;
	s0 =	simm.s32 @!p1 $0x0  }
0x14: {  	s2 =	sld [smem:$0x3F99];
	s0 =	simm.s32 @p1 $0x1  }
0x15: {  	[smem:$0x3FB6] =	sst s0;
	s0 =	simm.s32 @!p2 $0x0  }
0x16: {  	s3 =	sld [smem:$0x3FDB];
	s0 =	simm.s32 @p2 $0x1  }
0x17: {  	s4 =	simm.s32 $0x1BF5;
	[smem:$0x3FB8] =	sst s0  }
0x18: {  	s0 =	sld [smem:$0x3F9B];
	_ =	swait.ge [sflag:s4], $0x0  }
0x19: {  	s7 =	sld [smem:$0x3F9C]  }
0x1a: {  	s8 =	sadd.s32 $0xFFFFE003, lr  }
0x1b: {  	s9 =	sadd.s32 $0xFFFFFEF7, lr;
	s5 =	simm.s32 $0xFFFFFFFF;
	p2 =	slt.u32 s8, $0xFFFFF086  }
0x1c: {  	p1 =	slt.u32 s9, $0xF7A;
	s5 =	simm.s32 @!p2 $0x0  }
0x1d: {  	s5 =	simm.s32 @p1 $0x1;
	p0 =	seq.s32 s7, s2  }
0x1e: {  	s7 =	smul.u32 @!p0 $0xF7A, s2;
	p2 =	seq.s32 @!p0 s5, $0x0  }
0x1f: {  	s9 =	smul.u32 $0xF7A, s1;
	s8 =	simm.s32 @!p0 $0x1BF5;
	p2 =	por !p2, p0  }
0x20: {  	[sflag:s8] =	ssyncset.s32 @!p0 $0xFFFFF086;
	s6 =	sadd.s32 @!p0 s3, s7;
	s7 =	simm.s32 @!p0 $0x108  }
0x21: {  	s3 =	sadd.s32 s3, s9;
	s6 =	sadd.s32 @!p0 $0x88, s6;
	s7 =	simm.s32 @p2 $0x1082  }
0x22: {  	[simem:s7], [sflag:s8] =	dma.local @!p0 [hbm:s6], $0xF7A  }
0x23: {  	s9 =	sor.u32 $0xD0000000, s2;
	s6 =	simm.s32 $0x108;
	_ =	swait.ge @!p0 [sflag:s8], $0x0  }
0x24: {  	s3 =	sadd.s32 $0x88, s3;
	s6 =	simm.s32 @!p1 $0x1082;
	[sflag:s4] =	ssyncset.s32 $0xFFFFF086  }
0x25: {  	[simem:s6], [sflag:s4] =	dma.local [hbm:s3], $0xF7A  }
0x26: {  	[smem:$0x3F9C] =	sst s1;
	(tag) =	ssettag s2;
	_ =	strace s9  }
0x27: {  	s1 =	sld [smem:$0x3FAC]  }
0x28: {  	s2 =	sld [smem:$0x3FAD]  }
0x29: {  	s4 =	sld [smem:$0x3FAF]  }
0x2a: {  	p0 =	seq.s32 s5, $0x0;
	s5 =	sld [smem:$0x3FB0]  }
0x2b: {  	s6 =	sld [smem:$0x3FB1]  }
0x2c: {  	s7 =	sld [smem:$0x3FB2]  }
0x2d: {  	s3 =	simm.s32 $0x108;
	s8 =	sld [smem:$0x3FB3]  }
0x2e: {  	s3 =	simm.s32 @!p0 $0x1082;
	s9 =	sld [smem:$0x3FB4]  }
0x2f: {  	lr =	sadd.s32 s0, s3;
	s0 =	sld [smem:$0x3FAB]  }
0x30: {  	s3 =	sld [smem:$0x3FAE]  }
0x31: {  	[smem:$0x3FB7] =	sst s10  }
0x32: {  	s10 =	sld [smem:$0x3FB5];
	_ =	sdelay $0x3  }
0x33: {  	p0 =	seq.s32 s10, $0x1;
	s10 =	sld [smem:$0x3FB7];
	_ =	sdelay $0x3  }
0x34: {  	[smem:$0x3FB7] =	sst s10  }
0x35: {  	s10 =	sld [smem:$0x3FB6];
	_ =	sdelay $0x3  }
0x36: {  	p1 =	seq.s32 s10, $0x1;
	s10 =	sld [smem:$0x3FB7];
	_ =	sdelay $0x3  }
0x37: {  	[smem:$0x3FB7] =	sst s10  }
0x38: {  	s10 =	sld [smem:$0x3FB8]  }
0x39: {  	_ = 	snop;
	(pc) =	sbr.ind lr, $3  }
0x3a: {  	_ = 	snop  }
0x3b: {  	_ = 	snop  }
0x3c: {  	p2 =	seq.s32 s10, $0x1;
	s10 =	sld [smem:$0x3FB7]  }
0x3d: {  	_ =	shalt  }
0x3e: {  	_ =	shalt  }
0x3f: {  	_ =	shalt  }
0x40: {  	_ =	shalt  }
0x41: {  	_ =	shalt  }
0x42: {  	_ =	shalt  }
0x43: {  	_ =	shalt  }
0x44: {  	_ =	shalt  }
0x45: {  	_ =	shalt  }
0x46: {  	_ =	shalt  }
0x47: {  	_ =	shalt  }
0x48: {  	_ =	shalt  }
0x49: {  	_ =	shalt  }
0x4a: {  	_ =	shalt  }
0x4b: {  	_ =	shalt  }
0x4c: {  	_ =	shalt  }
0x4d: {  	_ =	shalt  }
0x4e: {  	_ =	shalt  }
0x4f: {  	_ =	shalt  }
0x50: {  	_ =	shalt  }
0x51: {  	_ =	shalt  }
0x52: {  	_ =	shalt  }
0x53: {  	_ =	shalt  }
0x54: {  	_ =	shalt  }
0x55: {  	_ =	shalt  }
0x56: {  	_ =	shalt  }
0x57: {  	_ =	shalt  }
0x58: {  	_ =	shalt  }
0x59: {  	_ =	shalt  }
0x5a: {  	_ =	shalt  }
0x5b: {  	_ =	shalt  }
0x5c: {  	_ =	shalt  }
0x5d: {  	_ =	shalt  }
0x5e: {  	_ =	shalt  }
0x5f: {  	_ =	shalt  }
0x60: {  	_ =	shalt  }
0x61: {  	_ =	shalt  }
0x62: {  	_ =	shalt  }
0x63: {  	_ =	shalt  }
0x64: {  	_ =	shalt  }
0x65: {  	_ =	shalt  }
0x66: {  	_ =	shalt  }
0x67: {  	_ =	shalt  }
0x68: {  	_ =	shalt  }
0x69: {  	_ =	shalt  }
0x6a: {  	_ =	shalt  }
0x6b: {  	_ =	shalt  }
0x6c: {  	_ =	shalt  }
0x6d: {  	_ =	shalt  }
0x6e: {  	_ =	shalt  }
0x6f: {  	_ =	shalt  }
0x70: {  	_ =	shalt  }
0x71: {  	_ =	shalt  }
0x72: {  	_ =	shalt  }
0x73: {  	_ =	shalt  }
0x74: {  	_ =	shalt  }
0x75: {  	_ =	shalt  }
0x76: {  	_ =	shalt  }
0x77: {  	_ =	shalt  }
0x78: {  	_ =	shalt  }
0x79: {  	_ =	shalt  }
0x7a: {  	_ =	shalt  }
0x7b: {  	_ =	shalt  }
0x7c: {  	_ =	shalt  }
0x7d: {  	_ =	shalt  }
0x7e: {  	_ =	shalt  }
0x7f: {  	_ =	shalt  }
0x80: {  	_ =	shalt  }
0x81: {  	_ =	shalt  }
0x82: {  	_ =	shalt  }
0x83: {  	_ =	shalt  }
0x84: {  	_ =	shalt  }
0x85: {  	_ =	shalt  }
0x86: {  	_ =	shalt  }
0x87: {  	_ =	shalt  }
.Lfunc_end0:
.L_simem_size_0:
called_computation_lowered:
.L_overlay_start_0:
0x88: {  	s2 =	sld [smem:$0x3FD9]  }
0x89: {  	s3 =	sld [smem:$0x3FFE];
	_ =	sdelay $0x1  }
0x8a: {  	s1 =	srdreg.scid  }
0x8b: {  	s0 =	sand.u32 $0x1, s1  }
0x8c: {  	s17 =	sshll.u32 s0, $0xA;
	s2 =	sadd.s32 s3, s2  }
0x8d: {  	s2 =	sadd.s32 s2, s17  }
0x8e: {  	[smem:$0x3FC3] =	sst s2  }
0x8f: {  	_ = 	snop  }
0x90: {  	s2 =	sld [smem:$0x3FC8];
	(tm) =	ssettm $0x1  }
0x91: {  	s18 =	sld [smem:$0x3FFB];
	_ =	sdelay $0x3  }
0x92: {  	_ =	strace s18  }
0x93: {  	s3 =	sld [smem:$0x3FFC];
	_ =	sdelay $0x3  }
0x94: {  	_ =	strace s3  }
0x95: {  	s3 =	sld [smem:$0x3FFD];
	_ =	sdelay $0x3  }
0x96: {  	_ =	strace s3  }
0x97: {  	_ =	strace $0x8FFFFFFF  }
0x98: {  	s19 =	sld [smem:$0x3FDB];
	_ =	sdelay $0x1  }
0x99: {  	s4 =	simm.s32 $_scs_section_size  }
0x9a: {  	s5 =	simm.s32 $_size__tile_overlayer_lowered;
	s6 =	simm.s32 $_tile_overlayer_lowered  }
0x9b: {  	s22 =	simm.s32 $0x1BFF;
	s21 =	sshll.u32 s6, $0x1;
	s3 =	sadd.s32 s4, s19  }
0x9c: {  	s7 =	simm.s32 $0x0;
	s20 =	sshll.u32 s5, $0x1;
	s5 =	sadd.s32 s21, s3  }
0x9d: {  	[timem:s7], [sflag:s22] =	dma.local [hbm:s5], s20  }
0x9e: {  	_ =	swait.ge [sflag:s22], s20  }
0x9f: {  	s4 =	ssub.s32 $0x0, s20;
	[sflag:s22] =	ssyncset.done $0x0  }
0xa0: {  	[sflag:s22] =	ssyncadd.s32 s4;
	_ =	sdelay $0x1  }
0xa1: {  	s23 =	simm.s32 $0x1B8B  }
0xa2: {  	_ =	swait.ge [sflag:s23], $0x1  }
0xa3: {  	[sflag:s23] =	ssyncset.done $0x0  }
0xa4: {  	s25 =	simm.s32 $0x1B8E;
	s24 =	sld [smem:$0x3FFE];
	[sflag:s23] =	ssyncadd.s32 $0xFFFFFFFF  }
0xa5: {  	s26 =	simm.s32 $execute0_lowered;
	[smem:$0x3FD2] =	sst s25  }
0xa6: {  	s5 =	sshll.u32 s26, $0x1;
	_ =	strace $0x80000046;
	[dreg:$0x1] =	wrdreg $0xFFFFFFFF  }
0xa7: {  	s28 =	simm.s32 $_size_execute0_lowered;
	s3 =	sadd.s32 s3, s5;
	[dreg:$0x0] =	wrdreg $0x0  }
0xa8: {  	s5 =	sshll.u32 s28, $0x1;
	[dreg:$0x2] =	wrdreg s3  }
0xa9: {  	[dreg:$0x3] =	wrdreg s5  }
0xaa: {  	[dreg:$0x4] =	wrdreg $0xC0  }
0xab: {  	_ =	task [dreg:s7], $0x5FFFF  }
0xac: {  	[dreg:$0x1] =	wrdreg $0xFFFFFFFF  }
0xad: {  	[dreg:$0x0] =	wrdreg $0x60  }
0xae: {  	[dreg:$0x2] =	wrdreg s24  }
0xaf: {  	[dreg:$0x3] =	wrdreg s2  }
0xb0: {  	[dreg:$0x4] =	wrdreg $0x9  }
0xb1: {  	_ =	task.clear_ibuf [dreg:s7], $0x5FFFF;
	_ =	strace $0x90000046  }
0xb2: {  	s29 =	simm.s32 $0x9;
	_ =	strace $0x80000048  }
0xb3: {  	_ =	swait.ge [sflag:s29], $0x1  }
0xb4: {  	[sflag:s29] =	ssyncadd.s32 $0xFFFFFFFF  }
0xb5: {  	_ =	strace $0x90000048  }
0xb6: {  	_ =	sfence  }
0xb7: {  	s30 =	sld [smem:$0x0];
	_ =	sdelay $0x2  }
0xb8: {  	s31 =	sshll.u32 s1, $0xD;
	s1 =	sshrl.u32 s1, $0x2  }
0xb9: {  	s3 =	sand.u32 $0x4000, s31;
	s1 =	sadd.s32 s1, s30  }
0xba: {  	s0 =	sor.u32 s3, s0;
	s1 =	sshll.u32 s1, $0x11  }
0xbb: {  	s0 =	sor.u32 s1, s0  }
0xbc: {  	s0 =	sadd.s32 $0x8F2B, s0  }
0xbd: {  	[sflag:s0] =	ssyncadd.remote.s32 $0x1  }
0xbe: {  	_ =	sfence.sel $0xFFFF  }
0xbf: {  	[dreg:$0x0] =	wrdreg $0xFFFFFFFF;
	(pc) =	sbr.abs _section_cstart, $3  }
0xc0: {  	[dreg:$0x1] =	wrdreg $0xFFFFFFFF  }
0xc1: {  	_ =	task.clear_ibuf [dreg:s7], $0x2FFFF;
	_ =	strace $0x9FFFFFFF  }
0xc2: {  	(tm) =	ssettm $0x7FFFFFFF  }
0xc3: {  	_ =	shalt  }
tec
execute0_lowered:
.L_overlay_start_1:
0x0: {  	(tag) =	ssettag $0x1  }
0x1: {  	s3 =	rddreg [dreg:$0x0]  }
0x2: {  	s1 =	srdreg.scid;
	s0 =	stileid.u32  }
0x3: {  	s4 =	rddreg [dreg:$0x1];
	s2 =	simm.s32 $0x0;
	s10 =	simm.s32 $0x1  }
0x4: {  	s11 =	simm.s32 $0xC800;
	s12 =	simm.s32 $0x6400;
	s13 =	simm.s32 $0xC880  }
0x5: {  	s5 =	sand.u32 $0x1, s1;
	s6 =	sshll.u32 s0, $0x1;
	s1 =	rddreg [dreg:$0x2]  }
0x6: {  	v0 =	vlaneseq.u32;
	s14 =	simm.s32 $0x0;
	[smem:$0x7FF] =	sst s2;
	s6 =	sor.u32 s5, s6  }
0x7: {  	v0 =	vmul.u32 $0xC8, v0;
	s5 =	ssub.s32 $0x2, s5;
	s7 =	smul.u32 $0xC80, s6;
	s6 =	sshll.u32 s6, $0x4  }
0x8: {  	_ =	strace $0x80000047;
	s8 =	sshrl.u32 s5, $0x1;
	s9 =	sadd.s32 s6, s3  }
0x9: {  	v1 =	vadd.s32 $0xC80, v0;
	s8 =	ssub.s32 s5, s8;
	s4 =	sadd.s32 s4, s6;
	s7 =	sadd.s32 s7, s3  }
0xa: {  	v2 =	vadd.s32 $0x1900, v0;
	v3 =	vadd.s32 $0x2580, v0;
	v4 =	vadd.s32 $0x3200, v0;
	s3 =	sadd.s32 $0x1600, s9;
	s6 =	sadd.s32 $0x33600, s9;
	s9 =	simm.s32 $0x1000  }
0xb: {  	v5 =	vadd.s32 $0x3E80, v0;
	v6 =	vadd.s32 $0x4B00, v0;
	v7 =	vadd.s32 $0x5780, v0;
	s5 =	sadd.s32 $0x1A600, s7;
	s7 =	smax.u32 s8, $0x1;
	s8 =	simm.s32 $0x80  }
.LBB2_1:
0xc: {  	[tilespmem:s2], [sflag:$0x1] =	stream.strided.gather [hbm4b:s3+s8], $0x6400, s9, s8, $0x38;
	[tilespmem:$0xC900] =	vst v63  }
0xd: {  	_ =	swait.ge [sflag:s10], $0x6400  }
0xe: {  	[sflag:s10] =	ssyncset.done $0x0  }
0xf: {  	[sflag:s10] =	ssyncadd.s32 $0xFFFF9C00  }
0x10: {  	[tilespmem:s11], [sflag:$0x1] =	stream.linear.gather [hbm4b:s4+s2], $0x80, $0x38;
	[tilespmem:$0xC900] =	vst v63  }
0x11: {  	_ =	swait.ge [sflag:s10], $0x80  }
0x12: {  	[sflag:s10] =	ssyncset.done $0x0  }
0x13: {  	s15 =	simm.s32 $0x40;
	[sflag:s10] =	ssyncadd.s32 $0xFFFFFF80  }
0x14: {  	v9 =	vadd.s32 s2, v0;
	s17 =	simm.s32 $0x1;
	s16 =	simm.s32 $0x0;
	v8 =	vld [tilespmem:s15+$0xFFFFFFC0]  }
.LBB2_2:
0x15: {  	p0 =	sne.s32 s17, $0xC7;
	_ =	sdelay $0x3  }
0x16: {  	[tilespmem:v9+s12+$0x0] =	vst.idx.msk $0xffff, v8  }
0x17: {  	v9 =	vadd.s32 s16, v1;
	v8 =	vld [tilespmem:s15+$0xFFFFFFD0];
	_ =	sdelay $0x4  }
0x18: {  	[tilespmem:v9+s12+$0x0] =	vst.idx.msk $0xffff, v8  }
0x19: {  	v9 =	vadd.s32 s16, v2;
	v8 =	vld [tilespmem:s15+$0xFFFFFFE0];
	_ =	sdelay $0x4  }
0x1a: {  	[tilespmem:v9+s12+$0x0] =	vst.idx.msk $0xffff, v8  }
0x1b: {  	v9 =	vadd.s32 s16, v3;
	v8 =	vld [tilespmem:s15+$0xFFFFFFF0];
	_ =	sdelay $0x4  }
0x1c: {  	[tilespmem:v9+s12+$0x0] =	vst.idx.msk $0xffff, v8  }
0x1d: {  	v9 =	vadd.s32 s16, v4;
	v8 =	vld [tilespmem:s15+$0x0];
	_ =	sdelay $0x4  }
0x1e: {  	[tilespmem:v9+s12+$0x0] =	vst.idx.msk $0xffff, v8  }
0x1f: {  	v9 =	vadd.s32 s16, v5;
	v8 =	vld [tilespmem:s15+$0x10];
	_ =	sdelay $0x4  }
0x20: {  	[tilespmem:v9+s12+$0x0] =	vst.idx.msk $0xffff, v8  }
0x21: {  	v9 =	vadd.s32 s16, v6;
	v8 =	vld [tilespmem:s15+$0x20];
	_ =	sdelay $0x4  }
0x22: {  	[tilespmem:v9+s12+$0x0] =	vst.idx.msk $0xffff, v8  }
0x23: {  	v9 =	vadd.s32 s16, v7;
	s16 =	smov.u32 s17;
	v8 =	vld [tilespmem:s15+$0x30];
	_ =	sdelay $0x1  }
.Ltmp0:
0x24: {  	(pc) =	sbr.rel @p0 .LBB2_2-.Ltmp0, $3  }
0x25: {  	_ =	sdelay $0x1  }
0x26: {  	s15 =	sadd.s32 $0x80, s15;
	[tilespmem:v9+s12+$0x0] =	vst.idx.msk $0xffff, v8  }
0x27: {  	s17 =	sadd.s32 $0x1, s17;
	v9 =	vadd.s32 s16, v0;
	v8 =	vld [tilespmem:s15+$0xFFFFFFC0]  }
0x28: {  	_ =	sdelay $0x3  }
0x29: {  	[tilespmem:v9+s12+$0x0] =	vst.idx.msk $0xffff, v8  }
0x2a: {  	v50 =	vadd.s32 s16, v1;
	v8 =	vld [tilespmem:s15+$0xFFFFFFD0];
	_ =	sdelay $0x4  }
0x2b: {  	[tilespmem:v50+s12+$0x0] =	vst.idx.msk $0xffff, v8  }
0x2c: {  	v51 =	vadd.s32 s16, v2;
	v8 =	vld [tilespmem:s15+$0xFFFFFFE0];
	_ =	sdelay $0x4  }
0x2d: {  	[tilespmem:v51+s12+$0x0] =	vst.idx.msk $0xffff, v8  }
0x2e: {  	v52 =	vadd.s32 s16, v3;
	v8 =	vld [tilespmem:s15+$0xFFFFFFF0];
	_ =	sdelay $0x4  }
0x2f: {  	[tilespmem:v52+s12+$0x0] =	vst.idx.msk $0xffff, v8  }
0x30: {  	v53 =	vadd.s32 s16, v4;
	v8 =	vld [tilespmem:s15+$0x0];
	_ =	sdelay $0x4  }
0x31: {  	[tilespmem:v53+s12+$0x0] =	vst.idx.msk $0xffff, v8  }
0x32: {  	v54 =	vadd.s32 s16, v5;
	v8 =	vld [tilespmem:s15+$0x10];
	_ =	sdelay $0x4  }
0x33: {  	[tilespmem:v54+s12+$0x0] =	vst.idx.msk $0xffff, v8  }
0x34: {  	v55 =	vadd.s32 s16, v6;
	v8 =	vld [tilespmem:s15+$0x20];
	_ =	sdelay $0x4  }
0x35: {  	[tilespmem:v55+s12+$0x0] =	vst.idx.msk $0xffff, v8  }
0x36: {  	v56 =	vadd.s32 s16, v7;
	v8 =	vld [tilespmem:s15+$0x30];
	_ =	sdelay $0x4  }
0x37: {  	[tilespmem:v56+s12+$0x0] =	vst.idx.msk $0xffff, v8  }
0x38: {  	v8 =	vld [tilespmem:$0xC800]  }
0x39: {  	v9 =	vld [tilespmem:$0xC810]  }
0x3a: {  	v10 =	vld [tilespmem:$0xC820]  }
0x3b: {  	v11 =	vld [tilespmem:$0xC830]  }
0x3c: {  	v12 =	vld [tilespmem:$0xC840]  }
0x3d: {  	v13 =	vld [tilespmem:$0xC850];
	v8 =	vcvt.s32.f32 v8  }
0x3e: {  	v14 =	vld [tilespmem:$0xC860];
	v9 =	vcvt.s32.f32 v9  }
0x3f: {  	v57 =	vld [tilespmem:$0xC870];
	(erf) = vrcp.f32 v8;
	v8 =	vcvt.s32.f32 v10  }
0x40: {  	v58 =	vcvt.s32.f32 v11;
	(erf) = vrcp.f32 v9  }
0x41: {  	(erf) = vrcp.f32 v8;
	v8 =	vcvt.s32.f32 v12  }
0x42: {  	v59 =	vcvt.s32.f32 v13;
	(erf) = vrcp.f32 v58  }
0x43: {  	(erf) = vrcp.f32 v8;
	v8 =	vcvt.s32.f32 v14  }
0x44: {  	v60 =	vcvt.s32.f32 v57;
	(erf) = vrcp.f32 v59  }
0x45: {  	(erf) = vrcp.f32 v8  }
0x46: {  	(erf) = vrcp.f32 v60;
	_ =	sdelay $0x1  }
0x47: {  	v8 =	vpop (erf)  }
0x48: {  	v61 =	vpop (erf);
	[tilespmem:$0xC880] =	vst v8  }
0x49: {  	v8 =	vpop (erf);
	[tilespmem:$0xC890] =	vst v61  }
0x4a: {  	v62 =	vpop (erf);
	[tilespmem:$0xC8A0] =	vst v8  }
0x4b: {  	v8 =	vpop (erf);
	[tilespmem:$0xC8B0] =	vst v62  }
0x4c: {  	v63 =	vpop (erf);
	[tilespmem:$0xC8C0] =	vst v8  }
0x4d: {  	v8 =	vpop (erf);
	[tilespmem:$0xC8D0] =	vst v63  }
0x4e: {  	[tilespmem:$0xC8E0] =	vst v8;
	v8 =	vpop (erf)  }
0x4f: {  	[tilespmem:$0xC8F0] =	vst v8  }
0x50: {  	[hbm4b:s5+s2] =	stream.linear.scatter [tilespmem:s12], [sflag:$0x1], $0x6400, $0x38;
	[tilespmem:$0xC900] =	vst v63  }
0x51: {  	s14 =	sadd.s32 $0x1, s14;
	_ =	swait.ge [sflag:s10], $0x6400  }
0x52: {  	p0 =	sne.s32 s14, s7;
	[sflag:s10] =	ssyncset.done $0x0  }
.Ltmp1:
0x53: {  	[sflag:s10] =	ssyncadd.s32 $0xFFFF9C00;
	(pc) =	sbr.rel @p0 .LBB2_1-.Ltmp1, $4  }
0x54: {  	[hbm4b:s6+s2] =	stream.linear.scatter [tilespmem:s13], [sflag:$0x1], $0x80, $0x38;
	[tilespmem:$0xC900] =	vst v63  }
0x55: {  	_ =	swait.ge [sflag:s10], $0x80  }
0x56: {  	[sflag:s10] =	ssyncset.done $0x0  }
0x57: {  	[sflag:s10] =	ssyncadd.s32 $0xFFFFFF80  }
0x58: {  	_ =	sfence.sel $0x180000  }
0x59: {  	[bflag:$0x0] =	sbarrier.arrive $0xFFFF  }
0x5a: {  	p0 =	sne.s32 s0, $0x0;
	_ =	strace $0x90000047  }
0x5b: {  	s0 =	sadd.s32 @!p0 $0x100000, s1;
	[bflag:$0x2] =	sbarrier.arrive $0xFFFF  }
0x5c: {  	[sflag:s0] =	ssyncadd.tile.s32 @!p0 $0x1;
	_ =	shalt  }
.Lfunc_end2:
_tile_overlayer_lowered:
.L_overlay_start_2:
0x5d: {  	(tag) =	ssettag $0x2  }
0x5e: {  	s0 =	rddreg [dreg:$0x0];
	s2 =	stileid.u32  }
0x5f: {  	s1 =	rddreg [dreg:$0x1];
	p0 =	sne.s32 s2, $0x0  }
0x60: {  	s3 =	rddreg [dreg:$0x2];
	[bflag:$0x3] =	sbarrier.arrive $0xFFFF;
	s2 =	simm.s32 @!p0 $0x1C01  }
0x61: {  	[timem:s3], [sflag:s2] =	dma.local @!p0 [hbm:s0], s1  }
0x62: {  	s0 =	simm.s32 @!p0 $0x1  }
0x63: {  	_ =	swait.ge @!p0 [sflag:s0], s1  }
0x64: {  	s1 =	ssub.s32 @!p0 $0x0, s1;
	[sflag:s0] =	ssyncset.done @!p0 $0x0  }
0x65: {  	[sflag:s0] =	ssyncadd.s32 @!p0 s1  }
0x66: {  	[bflag:$0x3] =	sbarrier.arrive $0xFFFF  }
0x67: {  	_ =	shalt  }

// kernel: kernel.8.cloned.1.call-start
scs
__scs_entry_jumppad:
0x0: {  	(pc) =	sbr.rel $0x88, $3  }
0x1: {  	(tag) =	ssettag $0x0;
	lr =	simm.s32 $0x1  }
0x2: {  	[smem:$0x3F9C] =	sst lr;
	_ =	strace $0xD0000000  }
0x3: {  	_ = 	snop  }
0x4: {  	_ = 	snop  }
0x5: {  	_ = 	snop  }
0x6: {  	_ = 	snop  }
0x7: {  	_ = 	snop  }
__scs_overlays_trampoline_lowered:
0x8: {  	[smem:$0x3FAB] =	sst s0  }
0x9: {  	[smem:$0x3FAC] =	sst s1  }
0xa: {  	[smem:$0x3FAD] =	sst s2  }
0xb: {  	[smem:$0x3FAE] =	sst s3  }
0xc: {  	[smem:$0x3FAF] =	sst s4  }
0xd: {  	[smem:$0x3FB0] =	sst s5  }
0xe: {  	[smem:$0x3FB1] =	sst s6  }
0xf: {  	[smem:$0x3FB2] =	sst s7  }
0x10: {  	[smem:$0x3FB3] =	sst s8  }
0x11: {  	[smem:$0x3FB4] =	sst s9;
	s0 =	simm.s32 @!p0 $0x0  }
0x12: {  	s1 =	sld [smem:$0x3F9A];
	s0 =	simm.s32 @p0 $0x1  }
0x13: {  	[smem:$0x3FB5] =	sst s0;
	s0 =	simm.s32 @!p1 $0x0  }
0x14: {  	s2 =	sld [smem:$0x3F99];
	s0 =	simm.s32 @p1 $0x1  }
0x15: {  	[smem:$0x3FB6] =	sst s0;
	s0 =	simm.s32 @!p2 $0x0  }
0x16: {  	s3 =	sld [smem:$0x3FDB];
	s0 =	simm.s32 @p2 $0x1  }
0x17: {  	s4 =	simm.s32 $0x1BF5;
	[smem:$0x3FB8] =	sst s0  }
0x18: {  	s0 =	sld [smem:$0x3F9B];
	_ =	swait.ge [sflag:s4], $0x0  }
0x19: {  	s7 =	sld [smem:$0x3F9C]  }
0x1a: {  	s8 =	sadd.s32 $0xFFFFE003, lr  }
0x1b: {  	s9 =	sadd.s32 $0xFFFFFEF7, lr;
	s5 =	simm.s32 $0xFFFFFFFF;
	p2 =	slt.u32 s8, $0xFFFFF086  }
0x1c: {  	p1 =	slt.u32 s9, $0xF7A;
	s5 =	simm.s32 @!p2 $0x0  }
0x1d: {  	s5 =	simm.s32 @p1 $0x1;
	p0 =	seq.s32 s7, s2  }
0x1e: {  	s7 =	smul.u32 @!p0 $0xF7A, s2;
	p2 =	seq.s32 @!p0 s5, $0x0  }
0x1f: {  	s9 =	smul.u32 $0xF7A, s1;
	s8 =	simm.s32 @!p0 $0x1BF5;
	p2 =	por !p2, p0  }
0x20: {  	[sflag:s8] =	ssyncset.s32 @!p0 $0xFFFFF086;
	s6 =	sadd.s32 @!p0 s3, s7;
	s7 =	simm.s32 @!p0 $0x108  }
0x21: {  	s3 =	sadd.s32 s3, s9;
	s6 =	sadd.s32 @!p0 $0x88, s6;
	s7 =	simm.s32 @p2 $0x1082  }
0x22: {  	[simem:s7], [sflag:s8] =	dma.local @!p0 [hbm:s6], $0xF7A  }
0x23: {  	s9 =	sor.u32 $0xD0000000, s2;
	s6 =	simm.s32 $0x108;
	_ =	swait.ge @!p0 [sflag:s8], $0x0  }
0x24: {  	s3 =	sadd.s32 $0x88, s3;
	s6 =	simm.s32 @!p1 $0x1082;
	[sflag:s4] =	ssyncset.s32 $0xFFFFF086  }
0x25: {  	[simem:s6], [sflag:s4] =	dma.local [hbm:s3], $0xF7A  }
0x26: {  	[smem:$0x3F9C] =	sst s1;
	(tag) =	ssettag s2;
	_ =	strace s9  }
0x27: {  	s1 =	sld [smem:$0x3FAC]  }
0x28: {  	s2 =	sld [smem:$0x3FAD]  }
0x29: {  	s4 =	sld [smem:$0x3FAF]  }
0x2a: {  	p0 =	seq.s32 s5, $0x0;
	s5 =	sld [smem:$0x3FB0]  }
0x2b: {  	s6 =	sld [smem:$0x3FB1]  }
0x2c: {  	s7 =	sld [smem:$0x3FB2]  }
0x2d: {  	s3 =	simm.s32 $0x108;
	s8 =	sld [smem:$0x3FB3]  }
0x2e: {  	s3 =	simm.s32 @!p0 $0x1082;
	s9 =	sld [smem:$0x3FB4]  }
0x2f: {  	lr =	sadd.s32 s0, s3;
	s0 =	sld [smem:$0x3FAB]  }
0x30: {  	s3 =	sld [smem:$0x3FAE]  }
0x31: {  	[smem:$0x3FB7] =	sst s10  }
0x32: {  	s10 =	sld [smem:$0x3FB5];
	_ =	sdelay $0x3  }
0x33: {  	p0 =	seq.s32 s10, $0x1;
	s10 =	sld [smem:$0x3FB7];
	_ =	sdelay $0x3  }
0x34: {  	[smem:$0x3FB7] =	sst s10  }
0x35: {  	s10 =	sld [smem:$0x3FB6];
	_ =	sdelay $0x3  }
0x36: {  	p1 =	seq.s32 s10, $0x1;
	s10 =	sld [smem:$0x3FB7];
	_ =	sdelay $0x3  }
0x37: {  	[smem:$0x3FB7] =	sst s10  }
0x38: {  	s10 =	sld [smem:$0x3FB8]  }
0x39: {  	_ = 	snop;
	(pc) =	sbr.ind lr, $3  }
0x3a: {  	_ = 	snop  }
0x3b: {  	_ = 	snop  }
0x3c: {  	p2 =	seq.s32 s10, $0x1;
	s10 =	sld [smem:$0x3FB7]  }
0x3d: {  	_ =	shalt  }
0x3e: {  	_ =	shalt  }
0x3f: {  	_ =	shalt  }
0x40: {  	_ =	shalt  }
0x41: {  	_ =	shalt  }
0x42: {  	_ =	shalt  }
0x43: {  	_ =	shalt  }
0x44: {  	_ =	shalt  }
0x45: {  	_ =	shalt  }
0x46: {  	_ =	shalt  }
0x47: {  	_ =	shalt  }
0x48: {  	_ =	shalt  }
0x49: {  	_ =	shalt  }
0x4a: {  	_ =	shalt  }
0x4b: {  	_ =	shalt  }
0x4c: {  	_ =	shalt  }
0x4d: {  	_ =	shalt  }
0x4e: {  	_ =	shalt  }
0x4f: {  	_ =	shalt  }
0x50: {  	_ =	shalt  }
0x51: {  	_ =	shalt  }
0x52: {  	_ =	shalt  }
0x53: {  	_ =	shalt  }
0x54: {  	_ =	shalt  }
0x55: {  	_ =	shalt  }
0x56: {  	_ =	shalt  }
0x57: {  	_ =	shalt  }
0x58: {  	_ =	shalt  }
0x59: {  	_ =	shalt  }
0x5a: {  	_ =	shalt  }
0x5b: {  	_ =	shalt  }
0x5c: {  	_ =	shalt  }
0x5d: {  	_ =	shalt  }
0x5e: {  	_ =	shalt  }
0x5f: {  	_ =	shalt  }
0x60: {  	_ =	shalt  }
0x61: {  	_ =	shalt  }
0x62: {  	_ =	shalt  }
0x63: {  	_ =	shalt  }
0x64: {  	_ =	shalt  }
0x65: {  	_ =	shalt  }
0x66: {  	_ =	shalt  }
0x67: {  	_ =	shalt  }
0x68: {  	_ =	shalt  }
0x69: {  	_ =	shalt  }
0x6a: {  	_ =	shalt  }
0x6b: {  	_ =	shalt  }
0x6c: {  	_ =	shalt  }
0x6d: {  	_ =	shalt  }
0x6e: {  	_ =	shalt  }
0x6f: {  	_ =	shalt  }
0x70: {  	_ =	shalt  }
0x71: {  	_ =	shalt  }
0x72: {  	_ =	shalt  }
0x73: {  	_ =	shalt  }
0x74: {  	_ =	shalt  }
0x75: {  	_ =	shalt  }
0x76: {  	_ =	shalt  }
0x77: {  	_ =	shalt  }
0x78: {  	_ =	shalt  }
0x79: {  	_ =	shalt  }
0x7a: {  	_ =	shalt  }
0x7b: {  	_ =	shalt  }
0x7c: {  	_ =	shalt  }
0x7d: {  	_ =	shalt  }
0x7e: {  	_ =	shalt  }
0x7f: {  	_ =	shalt  }
0x80: {  	_ =	shalt  }
0x81: {  	_ =	shalt  }
0x82: {  	_ =	shalt  }
0x83: {  	_ =	shalt  }
0x84: {  	_ =	shalt  }
0x85: {  	_ =	shalt  }
0x86: {  	_ =	shalt  }
0x87: {  	_ =	shalt  }
.Lfunc_end0:
.L_simem_size_0:
called_computation.1_lowered:
.L_overlay_start_0:
0x88: {  	s2 =	sld [smem:$0x3FD9]  }
0x89: {  	s3 =	sld [smem:$0x3FFE];
	_ =	sdelay $0x1  }
0x8a: {  	s1 =	srdreg.scid  }
0x8b: {  	s0 =	sand.u32 $0x1, s1  }
0x8c: {  	s17 =	sshll.u32 s0, $0xA;
	s2 =	sadd.s32 s3, s2  }
0x8d: {  	s2 =	sadd.s32 s2, s17  }
0x8e: {  	[smem:$0x3FC3] =	sst s2  }
0x8f: {  	_ = 	snop  }
0x90: {  	s2 =	sld [smem:$0x3FD0];
	(tm) =	ssettm $0x1  }
0x91: {  	s18 =	sld [smem:$0x3FFB];
	_ =	sdelay $0x3  }
0x92: {  	_ =	strace s18  }
0x93: {  	s3 =	sld [smem:$0x3FFC];
	_ =	sdelay $0x3  }
0x94: {  	_ =	strace s3  }
0x95: {  	s3 =	sld [smem:$0x3FFD];
	_ =	sdelay $0x3  }
0x96: {  	_ =	strace s3  }
0x97: {  	_ =	strace $0x8FFFFFFF  }
0x98: {  	s19 =	sld [smem:$0x3FDB];
	_ =	sdelay $0x1  }
0x99: {  	s4 =	simm.s32 $_scs_section_size  }
0x9a: {  	s5 =	simm.s32 $_size__tile_overlayer_lowered;
	s6 =	simm.s32 $_tile_overlayer_lowered  }
0x9b: {  	s22 =	simm.s32 $0x1BFF;
	s21 =	sshll.u32 s6, $0x1;
	s3 =	sadd.s32 s4, s19  }
0x9c: {  	s7 =	simm.s32 $0x0;
	s20 =	sshll.u32 s5, $0x1;
	s5 =	sadd.s32 s21, s3  }
0x9d: {  	[timem:s7], [sflag:s22] =	dma.local [hbm:s5], s20  }
0x9e: {  	_ =	swait.ge [sflag:s22], s20  }
0x9f: {  	s4 =	ssub.s32 $0x0, s20;
	[sflag:s22] =	ssyncset.done $0x0  }
0xa0: {  	[sflag:s22] =	ssyncadd.s32 s4;
	_ =	sdelay $0x1  }
0xa1: {  	s23 =	simm.s32 $0x1B8B  }
0xa2: {  	_ =	swait.ge [sflag:s23], $0x1  }
0xa3: {  	[sflag:s23] =	ssyncset.done $0x0  }
0xa4: {  	s25 =	simm.s32 $0x1B8E;
	s24 =	sld [smem:$0x3FFE];
	[sflag:s23] =	ssyncadd.s32 $0xFFFFFFFF  }
0xa5: {  	s26 =	simm.s32 $execute0_lowered;
	[smem:$0x3FD2] =	sst s25  }
0xa6: {  	s5 =	sshll.u32 s26, $0x1;
	_ =	strace $0x80000049;
	[dreg:$0x1] =	wrdreg $0xFFFFFFFF  }
0xa7: {  	s28 =	simm.s32 $_size_execute0_lowered;
	s3 =	sadd.s32 s3, s5;
	[dreg:$0x0] =	wrdreg $0x0  }
0xa8: {  	s5 =	sshll.u32 s28, $0x1;
	[dreg:$0x2] =	wrdreg s3  }
0xa9: {  	[dreg:$0x3] =	wrdreg s5  }
0xaa: {  	[dreg:$0x4] =	wrdreg $0xC0  }
0xab: {  	_ =	task [dreg:s7], $0x5FFFF  }
0xac: {  	[dreg:$0x1] =	wrdreg $0xFFFFFFFF  }
0xad: {  	[dreg:$0x0] =	wrdreg $0x60  }
0xae: {  	[dreg:$0x2] =	wrdreg s24  }
0xaf: {  	[dreg:$0x3] =	wrdreg s2  }
0xb0: {  	[dreg:$0x4] =	wrdreg $0x9  }
0xb1: {  	_ =	task.clear_ibuf [dreg:s7], $0x5FFFF;
	_ =	strace $0x90000049  }
0xb2: {  	s29 =	simm.s32 $0x9;
	_ =	strace $0x8000004B  }
0xb3: {  	_ =	swait.ge [sflag:s29], $0x1  }
0xb4: {  	[sflag:s29] =	ssyncadd.s32 $0xFFFFFFFF  }
0xb5: {  	_ =	strace $0x9000004B  }
0xb6: {  	_ =	sfence  }
0xb7: {  	s30 =	sld [smem:$0x0];
	_ =	sdelay $0x2  }
0xb8: {  	s31 =	sshll.u32 s1, $0xD;
	s1 =	sshrl.u32 s1, $0x2  }
0xb9: {  	s3 =	sand.u32 $0x4000, s31;
	s1 =	sadd.s32 s1, s30  }
0xba: {  	s0 =	sor.u32 s3, s0;
	s1 =	sshll.u32 s1, $0x11  }
0xbb: {  	s0 =	sor.u32 s1, s0  }
0xbc: {  	s0 =	sadd.s32 $0x8F2B, s0  }
0xbd: {  	[sflag:s0] =	ssyncadd.remote.s32 $0x1  }
0xbe: {  	_ =	sfence.sel $0xFFFF  }
0xbf: {  	[dreg:$0x0] =	wrdreg $0xFFFFFFFF;
	(pc) =	sbr.abs _section_cstart, $3  }
0xc0: {  	[dreg:$0x1] =	wrdreg $0xFFFFFFFF  }
0xc1: {  	_ =	task.clear_ibuf [dreg:s7], $0x2FFFF;
	_ =	strace $0x9FFFFFFF  }
0xc2: {  	(tm) =	ssettm $0x7FFFFFFF  }
0xc3: {  	_ =	shalt  }
tec
execute0_lowered:
.L_overlay_start_1:
0x0: {  	(tag) =	ssettag $0x1  }
0x1: {  	s0 =	rddreg [dreg:$0x0];
	s1 =	srdreg.scid  }
0x2: {  	s2 =	stileid.u32;
	s5 =	rddreg [dreg:$0x1]  }
0x3: {  	s10 =	simm.s32 $0x9;
	s12 =	simm.s32 $0xC8;
	s13 =	simm.s32 $0x6400  }
0x4: {  	s14 =	simm.s32 $0x6720;
	s15 =	simm.s32 $0x64C8;
	s16 =	simm.s32 $0x67E8  }
0x5: {  	s18 =	simm.s32 $0x6590;
	s19 =	simm.s32 $0x68B0;
	s20 =	simm.s32 $0x258  }
0x6: {  	s21 =	simm.s32 $0x6658;
	s22 =	simm.s32 $0x6978;
	s28 =	simm.s32 $0x3  }
0x7: {  	vm0 =	vmmov $0xff;
	s29 =	simm.s32 $0x7;
	s30 =	simm.s32 $0x4;
	s31 =	simm.s32 $0x8  }
0x8: {  	vm1 =	vcmask $0x704;
	vm2 =	vcmask $0x3F04;
	vm3 =	vcmask $0xF0C;
	s1 =	sand.u32 $0x1, s1;
	s3 =	sshll.u32 s2, $0x1;
	s2 =	simm.s32 $0x0  }
0x9: {  	vm4 =	vcmask $0x700;
	vm6 =	vcmask $0x1714;
	vm7 =	vcmask $0xF00;
	s6 =	sor.u32 s1, s3;
	[smem:$0x7FF] =	sst s2;
	s1 =	ssub.s32 $0x2, s1  }
0xa: {  	vm5 =	vmmov $0xf;
	vm8 =	vcmask $0x1F1C;
	vm9 =	vcmask $0x1700;
	s3 =	smul.u32 $0xC80, s6;
	_ =	strace $0x8000004A;
	s4 =	sshll.u32 s6, $0x4  }
0xb: {  	v0 =	vimm.s32 $0x0;
	vm13 =	vcmask $0x3734;
	vm12 =	vcmask $0x2F00;
	s9 =	sshrl.u32 s1, $0x1;
	s24 =	sshll.u32 s6, $0x5;
	s8 =	sadd.s32 s4, s0  }
0xc: {  	v63 =	vimm.s32 $0x0;
	vm4 =	vmor vm4, vm3;
	vm6 =	vmor vm7, vm6;
	s4 =	sadd.s32 $0x52400, s0;
	s23 =	ssub.s32 s1, s9;
	s1 =	sadd.s32 s5, s24  }
0xd: {  	vm8 =	vmor vm9, vm8;
	vm3 =	vcmask $0x2724;
	vm9 =	vcmask $0x1F00;
	s24 =	simm.s32 $0x5;
	s7 =	sadd.s32 s3, s0;
	s3 =	sadd.s32 $0x33A00, s0  }
0xe: {  	vm7 =	vmmov $0x3f;
	vm10 =	vmor vm9, vm3;
	vm3 =	vmmov $0x3ff;
	s0 =	sadd.s32 $0x33800, s0;
	s26 =	sadd.s32 $0x33600, s8;
	[dreg:$0x6] =	wrdreg s1  }
0xf: {  	vm15 =	vmor vm12, vm13;
	vm12 =	vmmov $0xfff;
	v0 =	vsel vm3, $0xFFFFFFFF, v0;
	s9 =	smax.u32 s23, $0x1;
	s23 =	simm.s32 $0x1;
	[dreg:$0x3] =	wrdreg s0  }
0x10: {  	vm9 =	vcmask $0x2700;
	vm3 =	vcmask $0x2F2C;
	[tilespmem:$0x1FFE0] =	vst v0;
	v0 =	vsel vm15, $0xFFFFFFFF, v63;
	s25 =	sadd.s32 $0x1A600, s7;
	[dreg:$0x5] =	wrdreg s26;
	s26 =	simm.s32 $0x6  }
0x11: {  	vm13 =	vmmov $0x3fff;
	vm14 =	vmor vm9, vm3;
	vm3 =	vcmask $0x373C;
	[tilespmem:$0x1FFF0] =	vst v0;
	s0 =	simm.s32 $0x0;
	[dreg:$0x4] =	wrdreg s25;
	s25 =	simm.s32 $0x2  }
.LBB2_1:
0x12: {  	s1 =	rddreg [dreg:$0x4]  }
0x13: {  	[tilespmem:s2], [sflag:$0x9] =	stream.linear.gather [hbm4b:s1+s2], $0x6400, $0x38;
	[tilespmem:$0x6BD0] =	vst v63  }
0x14: {  	_ =	swait.ge [sflag:s10], $0x6400  }
0x15: {  	[sflag:s10] =	ssyncset.done $0x0  }
0x16: {  	s11 =	simm.s32 $0x6A40;
	s7 =	rddreg [dreg:$0x5];
	[sflag:s10] =	ssyncadd.s32 $0xFFFF9C00  }
0x17: {  	[tilespmem:s11], [sflag:$0x9] =	stream.linear.gather [hbm4b:s7+s2], $0x80, $0x38;
	[tilespmem:$0x6BD0] =	vst v63  }
0x18: {  	_ =	swait.ge [sflag:s10], $0x80  }
0x19: {  	[sflag:s10] =	ssyncset.done $0x0  }
0x1a: {  	s5 =	simm.s32 $0x6AC0;
	s8 =	rddreg [dreg:$0x3];
	[sflag:s10] =	ssyncadd.s32 $0xFFFFFF80  }
0x1b: {  	[tilespmem:s5], [sflag:$0x9] =	stream.linear.gather [hbm4b:s8+s2], $0x10, $0x38;
	[tilespmem:$0x6BD0] =	vst v63  }
0x1c: {  	_ =	swait.ge [sflag:s10], $0x10  }
0x1d: {  	[sflag:s10] =	ssyncset.done $0x0  }
0x1e: {  	[sflag:s10] =	ssyncadd.s32 $0xFFFFFFF0  }
0x1f: {  	v0 =	vld [tilespmem:$0x6AC0];
	[tilespmem:s13], [sflag:$0x1] =	stream.indirect.gather [hbm4b:s3+s12], $0x1, s2, s12, $0xb8  }
0x20: {  	_ = 	snop  }
0x21: {  	[tilespmem:s14], [sflag:$0x5] =	stream.indirect.gather [hbm4b:s4+s12], $0x1, s2, s12, $0xb8;
	[tilespmem:$0x6BD0] =	vst v63  }
0x22: {  	_ = 	snop  }
0x23: {  	[tilespmem:s15], [sflag:$0x2] =	stream.indirect.gather [hbm4b:s3+s12], $0x1, s12, s12, $0xb8;
	[tilespmem:$0x6BD0] =	vst v63  }
0x24: {  	_ = 	snop  }
0x25: {  	[tilespmem:s16], [sflag:$0x6] =	stream.indirect.gather [hbm4b:s4+s12], $0x1, s12, s12, $0xb8;
	[tilespmem:$0x6BD0] =	vst v63  }
0x26: {  	s17 =	simm.s32 $0x190  }
0x27: {  	[tilespmem:s18], [sflag:$0x3] =	stream.indirect.gather [hbm4b:s3+s12], $0x1, s17, s12, $0xb8;
	[tilespmem:$0x6BD0] =	vst v63  }
0x28: {  	vm15 =	vmmov vm14;
	vm14 =	vmmov vm10;
	v1 =	vld [tilespmem:$0x1FFF0]  }
0x29: {  	vm10 =	vmmov vm8;
	vm8 =	vmmov vm7;
	vm7 =	vmmov vm6;
	[tilespmem:s19], [sflag:$0x7] =	stream.indirect.gather [hbm4b:s4+s12], $0x1, s17, s12, $0xb8;
	[tilespmem:$0x6BD0] =	vst v63  }
0x2a: {  	vm6 =	vmmov vm5;
	vm5 =	vmmov vm4;
	vm4 =	vmmov vm3  }
0x2b: {  	vm3 =	vmmov vm4;
	vm4 =	vmmov vm5;
	vm5 =	vmmov vm6;
	[tilespmem:s21], [sflag:$0x4] =	stream.indirect.gather [hbm4b:s3+s12], $0x1, s20, s12, $0xb8;
	[tilespmem:$0x6BD0] =	vst v63  }
0x2c: {  	s1 =	simm.s32 $0x6AE0;
	vm6 =	vmmov vm7;
	vm7 =	vmmov vm8;
	vm8 =	vmmov vm10;
	s5 =	simm.s32 $0x0  }
0x2d: {  	vm10 =	vmmov vm14;
	vm14 =	vmmov vm15;
	vm15 =	vnez.u8 v1;
	[tilespmem:s22], [sflag:$0x8] =	stream.indirect.gather [hbm4b:s4+s12], $0x1, s20, s12, $0xb8;
	[tilespmem:$0x6BD0] =	vst v63  }
.LBB2_2:
0x2e: {  	v1 =	vld [tilespmem:s11+$0x0];
	_ =	swait.ge [sflag:s23], $0xC8  }
0x2f: {  	[sflag:s23] =	ssyncset.done $0x0  }
0x30: {  	[sflag:s23] =	ssyncadd.s32 $0xFFFFFF38  }
0x31: {  	_ =	swait.ge [sflag:s24], $0xC8  }
0x32: {  	[sflag:s24] =	ssyncset.done $0x0  }
0x33: {  	[sflag:s24] =	ssyncadd.s32 $0xFFFFFF38  }
0x34: {  	v2 =	vld [tilespmem:$0x6400]  }
0x35: {  	v3 =	vld [tilespmem:$0x6410]  }
0x36: {  	v4 =	vld [tilespmem:$0x6420]  }
0x37: {  	v5 =	vld [tilespmem:$0x6720]  }
0x38: {  	v6 =	vld [tilespmem:$0x6730]  }
0x39: {  	v7 =	vld [tilespmem:$0x6430]  }
0x3a: {  	v8 =	vld [tilespmem:$0x6740]  }
0x3b: {  	v9 =	vld [tilespmem:$0x6440]  }
0x3c: {  	v2 =	vadd.f32 v3, v2;
	v3 =	vld [tilespmem:$0x6750]  }
0x3d: {  	v10 =	vld [tilespmem:$0x6450];
	v5 =	vadd.f32 v6, v5  }
0x3e: {  	v49 =	vld [tilespmem:$0x6760];
	v2 =	vadd.f32 v4, v2  }
0x3f: {  	v50 =	vld [tilespmem:$0x6460];
	v5 =	vadd.f32 v8, v5  }
0x40: {  	v51 =	vld [tilespmem:$0x6770];
	v2 =	vadd.f32 v7, v2  }
0x41: {  	v52 =	vld [tilespmem:$0x6470];
	v3 =	vadd.f32 v3, v5  }
0x42: {  	v53 =	vld [tilespmem:$0x6780];
	v2 =	vadd.f32 v9, v2  }
0x43: {  	v54 =	vld [tilespmem:$0x6480];
	v3 =	vadd.f32 v49, v3  }
0x44: {  	v55 =	vld [tilespmem:$0x6790];
	v2 =	vadd.f32 v10, v2  }
0x45: {  	v56 =	vld [tilespmem:$0x6490];
	v3 =	vadd.f32 v51, v3  }
0x46: {  	v57 =	vld [tilespmem:$0x67A0];
	v2 =	vadd.f32 v50, v2  }
0x47: {  	v58 =	vld [tilespmem:$0x64A0];
	v3 =	vadd.f32 v53, v3  }
0x48: {  	v59 =	vld [tilespmem:$0x67B0];
	v2 =	vadd.f32 v52, v2  }
0x49: {  	v60 =	vld [tilespmem:$0x64B0];
	v3 =	vadd.f32 v55, v3  }
0x4a: {  	v61 =	vld [tilespmem:$0x67C0];
	v2 =	vadd.f32 v54, v2  }
0x4b: {  	v62 =	vld [tilespmem:$0x64B8];
	v3 =	vadd.f32 v57, v3  }
0x4c: {  	v63 =	vld [tilespmem:$0x67D0];
	v2 =	vadd.f32 v56, v2  }
0x4d: {  	v10 =	vld [tilespmem:$0x67D8];
	v3 =	vadd.f32 v59, v3  }
0x4e: {  	v2 =	vadd.f32 v58, v2  }
0x4f: {  	v3 =	vadd.f32 v61, v3  }
0x50: {  	v2 =	vadd.f32 v60, v2  }
0x51: {  	v11 =	vsel vm0, $0x0, v62;
	v3 =	vadd.f32 v63, v3  }
0x52: {  	v12 =	vsel vm0, $0x0, v10;
	v2 =	vadd.f32 v11, v2  }
0x53: {  	v3 =	vadd.f32 v12, v3  }
0x54: {  	(xrf2) =	vadd.scan.msk.f32 $0xffff, v2  }
0x55: {  	(xrf2) =	vadd.scan.msk.f32 $0xffff, v3;
	_ =	sdelay $0x8  }
0x56: {  	v2, _, _ =	vpop (xrf2)  }
0x57: {  	v3, _, _ =	vpop (xrf2)  }
0x58: {  	v3 =	vbroadcast v3, $0xF  }
0x59: {  	v2 =	vbroadcast v2, $0xF  }
0x5a: {  	v13 =	vbroadcast v1, $0x0;
	v3 =	vnsel vm1, $0x0, v3  }
0x5b: {  	v2 =	vsel vm2, v3, v2  }
0x5c: {  	v2 =	vmul.f32 v2, v13;
	_ =	sdelay $0x1  }
0x5d: {  	v2 =	vadd.f32 v2, v0;
	_ =	sdelay $0x1  }
0x5e: {  	v2 =	vsub.f32 $0.0e+00, v2;
	_ =	sdelay $0x1  }
0x5f: {  	v2 =	vmul.f32 $1.442695020e+00, v2;
	_ =	sdelay $0x1  }
0x60: {  	(erf) = vpow2.f32 v2;
	_ =	sdelay $0x8  }
0x61: {  	v2 =	vpop (erf)  }
0x62: {  	v2 =	vadd.f32 $1.000000000e+00, v2;
	_ =	sdelay $0x1  }
0x63: {  	(erf) = vrcp.f32 v2;
	_ =	sdelay $0x4  }
0x64: {  	s17 =	sshra.s32 s5, $0x2  }
0x65: {  	s6 =	sadd.s32 $0x320, s17  }
0x66: {  	[tilespmem:s13], [sflag:$0x1] =	stream.indirect.gather [hbm4b:s3+s12], $0x1, s6, s12, $0xb8;
	[tilespmem:$0x6BD0] =	vst v63  }
0x67: {  	_ = 	snop  }
0x68: {  	[tilespmem:s14], [sflag:$0x5] =	stream.indirect.gather [hbm4b:s4+s12], $0x1, s6, s12, $0xb8;
	v2 =	vpop (erf);
	[tilespmem:$0x6BD0] =	vst v63  }
0x69: {  	_ =	swait.ge [sflag:s25], $0xC8  }
0x6a: {  	[sflag:s25] =	ssyncset.done $0x0  }
0x6b: {  	[sflag:s25] =	ssyncadd.s32 $0xFFFFFF38  }
0x6c: {  	_ =	swait.ge [sflag:s26], $0xC8  }
0x6d: {  	[sflag:s26] =	ssyncset.done $0x0  }
0x6e: {  	[sflag:s26] =	ssyncadd.s32 $0xFFFFFF38  }
0x6f: {  	v3 =	vld [tilespmem:$0x64C8]  }
0x70: {  	v14 =	vld [tilespmem:$0x64D8]  }
0x71: {  	v15 =	vld [tilespmem:$0x64E8]  }
0x72: {  	v16 =	vld [tilespmem:$0x67E8]  }
0x73: {  	v17 =	vld [tilespmem:$0x67F8]  }
0x74: {  	v18 =	vld [tilespmem:$0x64F8]  }
0x75: {  	v19 =	vld [tilespmem:$0x6808]  }
0x76: {  	v20 =	vld [tilespmem:$0x6508]  }
0x77: {  	v21 =	vld [tilespmem:$0x6818];
	v3 =	vadd.f32 v14, v3  }
0x78: {  	v11 =	vld [tilespmem:$0x6518];
	v6 =	vadd.f32 v17, v16  }
0x79: {  	v22 =	vld [tilespmem:$0x6828];
	v3 =	vadd.f32 v15, v3  }
0x7a: {  	v23 =	vld [tilespmem:$0x6528];
	v6 =	vadd.f32 v19, v6  }
0x7b: {  	v24 =	vld [tilespmem:$0x6838];
	v3 =	vadd.f32 v18, v3  }
0x7c: {  	v25 =	vld [tilespmem:$0x6538];
	v4 =	vadd.f32 v21, v6  }
0x7d: {  	v26 =	vld [tilespmem:$0x6848];
	v3 =	vadd.f32 v20, v3  }
0x7e: {  	v27 =	vld [tilespmem:$0x6548];
	v4 =	vadd.f32 v22, v4  }
0x7f: {  	v28 =	vld [tilespmem:$0x6858];
	v3 =	vadd.f32 v11, v3  }
0x80: {  	v29 =	vld [tilespmem:$0x6558];
	v4 =	vadd.f32 v24, v4  }
0x81: {  	v30 =	vld [tilespmem:$0x6868];
	v3 =	vadd.f32 v23, v3  }
0x82: {  	v31 =	vld [tilespmem:$0x6568];
	v4 =	vadd.f32 v26, v4  }
0x83: {  	v32 =	vld [tilespmem:$0x6878];
	v3 =	vadd.f32 v25, v3  }
0x84: {  	v33 =	vld [tilespmem:$0x6578];
	v4 =	vadd.f32 v28, v4  }
0x85: {  	v34 =	vld [tilespmem:$0x6888];
	v3 =	vadd.f32 v27, v3  }
0x86: {  	v35 =	vld [tilespmem:$0x6580];
	v4 =	vadd.f32 v30, v4  }
0x87: {  	v36 =	vld [tilespmem:$0x6898];
	v3 =	vadd.f32 v29, v3  }
0x88: {  	v37 =	vld [tilespmem:$0x68A0];
	v4 =	vadd.f32 v32, v4  }
0x89: {  	v3 =	vadd.f32 v31, v3  }
0x8a: {  	v4 =	vadd.f32 v34, v4  }
0x8b: {  	v3 =	vadd.f32 v33, v3  }
0x8c: {  	v38 =	vsel vm0, $0x0, v35;
	v4 =	vadd.f32 v36, v4  }
0x8d: {  	v39 =	vsel vm0, $0x0, v37;
	v3 =	vadd.f32 v38, v3  }
0x8e: {  	v4 =	vadd.f32 v39, v4  }
0x8f: {  	(xrf2) =	vadd.scan.msk.f32 $0xffff, v3  }
0x90: {  	(xrf2) =	vadd.scan.msk.f32 $0xffff, v4;
	_ =	sdelay $0x8  }
0x91: {  	v3, _, _ =	vpop (xrf2)  }
0x92: {  	v4, _, _ =	vpop (xrf2)  }
0x93: {  	v4 =	vbroadcast v4, $0xF  }
0x94: {  	v3 =	vbroadcast v3, $0xF  }
0x95: {  	v40 =	vbroadcast v1, $0x1;
	v4 =	vnsel vm1, $0x0, v4  }
0x96: {  	v3 =	vsel vm2, v4, v3  }
0x97: {  	v3 =	vmul.f32 v3, v40;
	_ =	sdelay $0x1  }
0x98: {  	v3 =	vadd.f32 v3, v0;
	_ =	sdelay $0x1  }
0x99: {  	v3 =	vsub.f32 $0.0e+00, v3;
	_ =	sdelay $0x1  }
0x9a: {  	v3 =	vmul.f32 $1.442695020e+00, v3;
	_ =	sdelay $0x1  }
0x9b: {  	(erf) = vpow2.f32 v3;
	_ =	sdelay $0x8  }
0x9c: {  	v3 =	vpop (erf)  }
0x9d: {  	v3 =	vadd.f32 $1.000000000e+00, v3;
	_ =	sdelay $0x1  }
0x9e: {  	(erf) = vrcp.f32 v3;
	_ =	sdelay $0x5  }
0x9f: {  	s7 =	sadd.s32 $0x3E8, s17  }
0xa0: {  	[tilespmem:s15], [sflag:$0x2] =	stream.indirect.gather [hbm4b:s3+s12], $0x1, s7, s12, $0xb8;
	[tilespmem:$0x6BD0] =	vst v63  }
0xa1: {  	_ = 	snop  }
0xa2: {  	[tilespmem:s16], [sflag:$0x6] =	stream.indirect.gather [hbm4b:s4+s12], $0x1, s7, s12, $0xb8;
	v3 =	vpop (erf);
	[tilespmem:$0x6BD0] =	vst v63  }
0xa3: {  	_ =	swait.ge [sflag:s28], $0xC8  }
0xa4: {  	[sflag:s28] =	ssyncset.done $0x0  }
0xa5: {  	[sflag:s28] =	ssyncadd.s32 $0xFFFFFF38  }
0xa6: {  	_ =	swait.ge [sflag:s29], $0xC8  }
0xa7: {  	[sflag:s29] =	ssyncset.done $0x0  }
0xa8: {  	[sflag:s29] =	ssyncadd.s32 $0xFFFFFF38  }
0xa9: {  	v41 =	vld [tilespmem:$0x6590]  }
0xaa: {  	v42 =	vld [tilespmem:$0x65A0]  }
0xab: {  	v43 =	vld [tilespmem:$0x65B0]  }
0xac: {  	v44 =	vld [tilespmem:$0x68B0]  }
0xad: {  	v45 =	vld [tilespmem:$0x68C0]  }
0xae: {  	v46 =	vld [tilespmem:$0x65C0]  }
0xaf: {  	v47 =	vld [tilespmem:$0x68D0]  }
0xb0: {  	v48 =	vld [tilespmem:$0x65D0]  }
0xb1: {  	v49 =	vld [tilespmem:$0x68E0];
	v4 =	vadd.f32 v42, v41  }
0xb2: {  	v12 =	vld [tilespmem:$0x65E0];
	v7 =	vadd.f32 v45, v44  }
0xb3: {  	v50 =	vld [tilespmem:$0x68F0];
	v4 =	vadd.f32 v43, v4  }
0xb4: {  	v51 =	vld [tilespmem:$0x65F0];
	v7 =	vadd.f32 v47, v7  }
0xb5: {  	v52 =	vld [tilespmem:$0x6900];
	v4 =	vadd.f32 v46, v4  }
0xb6: {  	v53 =	vld [tilespmem:$0x6600];
	v5 =	vadd.f32 v49, v7  }
0xb7: {  	v54 =	vld [tilespmem:$0x6910];
	v4 =	vadd.f32 v48, v4  }
0xb8: {  	v55 =	vld [tilespmem:$0x6610];
	v5 =	vadd.f32 v50, v5  }
0xb9: {  	v56 =	vld [tilespmem:$0x6920];
	v4 =	vadd.f32 v12, v4  }
0xba: {  	v57 =	vld [tilespmem:$0x6620];
	v5 =	vadd.f32 v52, v5  }
0xbb: {  	v58 =	vld [tilespmem:$0x6930];
	v4 =	vadd.f32 v51, v4  }
0xbc: {  	v59 =	vld [tilespmem:$0x6630];
	v5 =	vadd.f32 v54, v5  }
0xbd: {  	v60 =	vld [tilespmem:$0x6940];
	v4 =	vadd.f32 v53, v4  }
0xbe: {  	v61 =	vld [tilespmem:$0x6640];
	v5 =	vadd.f32 v56, v5  }
0xbf: {  	v62 =	vld [tilespmem:$0x6950];
	v4 =	vadd.f32 v55, v4  }
0xc0: {  	v63 =	vld [tilespmem:$0x6648];
	v5 =	vadd.f32 v58, v5  }
0xc1: {  	v12 =	vld [tilespmem:$0x6960];
	v4 =	vadd.f32 v57, v4  }
0xc2: {  	v13 =	vld [tilespmem:$0x6968];
	v5 =	vadd.f32 v60, v5  }
0xc3: {  	v4 =	vadd.f32 v59, v4  }
0xc4: {  	v5 =	vadd.f32 v62, v5  }
0xc5: {  	v4 =	vadd.f32 v61, v4  }
0xc6: {  	v14 =	vsel vm0, $0x0, v63;
	v5 =	vadd.f32 v12, v5  }
0xc7: {  	v15 =	vsel vm0, $0x0, v13;
	v4 =	vadd.f32 v14, v4  }
0xc8: {  	v5 =	vadd.f32 v15, v5  }
0xc9: {  	(xrf2) =	vadd.scan.msk.f32 $0xffff, v4  }
0xca: {  	(xrf2) =	vadd.scan.msk.f32 $0xffff, v5;
	_ =	sdelay $0x8  }
0xcb: {  	v4, _, _ =	vpop (xrf2)  }
0xcc: {  	v5, _, _ =	vpop (xrf2)  }
0xcd: {  	v5 =	vbroadcast v5, $0xF  }
0xce: {  	v4 =	vbroadcast v4, $0xF  }
0xcf: {  	v16 =	vbroadcast v1, $0x2;
	v5 =	vnsel vm1, $0x0, v5  }
0xd0: {  	v4 =	vsel vm2, v5, v4  }
0xd1: {  	v4 =	vmul.f32 v4, v16;
	_ =	sdelay $0x1  }
0xd2: {  	v4 =	vadd.f32 v4, v0;
	_ =	sdelay $0x1  }
0xd3: {  	v4 =	vsub.f32 $0.0e+00, v4;
	_ =	sdelay $0x1  }
0xd4: {  	v4 =	vmul.f32 $1.442695020e+00, v4;
	_ =	sdelay $0x1  }
0xd5: {  	(erf) = vpow2.f32 v4;
	_ =	sdelay $0x8  }
0xd6: {  	v4 =	vpop (erf)  }
0xd7: {  	v4 =	vadd.f32 $1.000000000e+00, v4;
	_ =	sdelay $0x1  }
0xd8: {  	(erf) = vrcp.f32 v4;
	_ =	sdelay $0x5  }
0xd9: {  	s8 =	sadd.s32 $0x4B0, s17  }
0xda: {  	[tilespmem:s18], [sflag:$0x3] =	stream.indirect.gather [hbm4b:s3+s12], $0x1, s8, s12, $0xb8;
	[tilespmem:$0x6BD0] =	vst v63  }
0xdb: {  	_ = 	snop  }
0xdc: {  	[tilespmem:s19], [sflag:$0x7] =	stream.indirect.gather [hbm4b:s4+s12], $0x1, s8, s12, $0xb8;
	v4 =	vpop (erf);
	[tilespmem:$0x6BD0] =	vst v63  }
0xdd: {  	_ =	swait.ge [sflag:s30], $0xC8  }
0xde: {  	[sflag:s30] =	ssyncset.done $0x0  }
0xdf: {  	[sflag:s30] =	ssyncadd.s32 $0xFFFFFF38  }
0xe0: {  	_ =	swait.ge [sflag:s31], $0xC8  }
0xe1: {  	[sflag:s31] =	ssyncset.done $0x0  }
0xe2: {  	[sflag:s31] =	ssyncadd.s32 $0xFFFFFF38  }
0xe3: {  	v17 =	vld [tilespmem:$0x6658]  }
0xe4: {  	v18 =	vld [tilespmem:$0x6668];
	_ =	sdelay $0x1  }
0xe5: {  	v19 =	vld [tilespmem:$0x6678];
	_ =	sdelay $0x1  }
0xe6: {  	v20 =	vld [tilespmem:$0x6688]  }
0xe7: {  	v5 =	vadd.f32 v18, v17  }
0xe8: {  	v21 =	vld [tilespmem:$0x6698]  }
0xe9: {  	v5 =	vadd.f32 v19, v5  }
0xea: {  	v22 =	vld [tilespmem:$0x66A8]  }
0xeb: {  	v5 =	vadd.f32 v20, v5  }
0xec: {  	v23 =	vld [tilespmem:$0x66B8]  }
0xed: {  	v5 =	vadd.f32 v21, v5  }
0xee: {  	v24 =	vld [tilespmem:$0x66C8]  }
0xef: {  	v5 =	vadd.f32 v22, v5  }
0xf0: {  	v25 =	vld [tilespmem:$0x66D8]  }
0xf1: {  	v5 =	vadd.f32 v23, v5  }
0xf2: {  	v26 =	vld [tilespmem:$0x66E8]  }
0xf3: {  	v5 =	vadd.f32 v24, v5  }
0xf4: {  	v27 =	vld [tilespmem:$0x66F8]  }
0xf5: {  	v5 =	vadd.f32 v25, v5  }
0xf6: {  	v28 =	vld [tilespmem:$0x6708]  }
0xf7: {  	v29 =	vld [tilespmem:$0x6710];
	v5 =	vadd.f32 v26, v5;
	_ =	sdelay $0x1  }
0xf8: {  	v5 =	vadd.f32 v27, v5;
	_ =	sdelay $0x1  }
0xf9: {  	v5 =	vadd.f32 v28, v5  }
0xfa: {  	v30 =	vsel vm0, $0x0, v29  }
0xfb: {  	v5 =	vadd.f32 v30, v5;
	_ =	sdelay $0x1  }
0xfc: {  	(xrf2) =	vadd.scan.msk.f32 $0xffff, v5;
	_ =	sdelay $0x3  }
0xfd: {  	v31 =	vld [tilespmem:$0x6978]  }
0xfe: {  	v32 =	vld [tilespmem:$0x6988];
	_ =	sdelay $0x1  }
0xff: {  	v33 =	vld [tilespmem:$0x6998];
	_ =	sdelay $0x1  }
0x100: {  	v35 =	vld [tilespmem:$0x69A8]  }
0x101: {  	v5 =	vadd.f32 v32, v31;
	v34, _, _ =	vpop (xrf2)  }
0x102: {  	v36 =	vld [tilespmem:$0x69B8]  }
0x103: {  	v5 =	vadd.f32 v33, v5  }
0x104: {  	v37 =	vld [tilespmem:$0x69C8]  }
0x105: {  	v5 =	vadd.f32 v35, v5  }
0x106: {  	v38 =	vld [tilespmem:$0x69D8]  }
0x107: {  	v5 =	vadd.f32 v36, v5  }
0x108: {  	v39 =	vld [tilespmem:$0x69E8]  }
0x109: {  	v5 =	vadd.f32 v37, v5  }
0x10a: {  	v40 =	vld [tilespmem:$0x69F8]  }
0x10b: {  	v5 =	vadd.f32 v38, v5  }
0x10c: {  	v41 =	vld [tilespmem:$0x6A08]  }
0x10d: {  	v5 =	vadd.f32 v39, v5  }
0x10e: {  	v42 =	vld [tilespmem:$0x6A18]  }
0x10f: {  	v5 =	vadd.f32 v40, v5  }
0x110: {  	v43 =	vld [tilespmem:$0x6A28]  }
0x111: {  	v44 =	vld [tilespmem:$0x6A30];
	v5 =	vadd.f32 v41, v5;
	_ =	sdelay $0x1  }
0x112: {  	v5 =	vadd.f32 v42, v5;
	_ =	sdelay $0x1  }
0x113: {  	v5 =	vadd.f32 v43, v5  }
0x114: {  	v45 =	vsel vm0, $0x0, v44  }
0x115: {  	v5 =	vadd.f32 v45, v5;
	_ =	sdelay $0x1  }
0x116: {  	(xrf2) =	vadd.scan.msk.f32 $0xffff, v5;
	_ =	sdelay $0x9  }
0x117: {  	v5, _, _ =	vpop (xrf2)  }
0x118: {  	v5 =	vbroadcast v5, $0xF  }
0x119: {  	v46 =	vbroadcast v34, $0xF  }
0x11a: {  	v47 =	vbroadcast v1, $0x3;
	v5 =	vnsel vm1, $0x0, v5  }
0x11b: {  	v5 =	vsel vm2, v5, v46  }
0x11c: {  	v5 =	vmul.f32 v5, v47;
	_ =	sdelay $0x1  }
0x11d: {  	v5 =	vadd.f32 v5, v0;
	_ =	sdelay $0x1  }
0x11e: {  	v5 =	vsub.f32 $0.0e+00, v5;
	_ =	sdelay $0x1  }
0x11f: {  	v5 =	vmul.f32 $1.442695020e+00, v5;
	_ =	sdelay $0x1  }
0x120: {  	(erf) = vpow2.f32 v5;
	_ =	sdelay $0x8  }
0x121: {  	v5 =	vpop (erf)  }
0x122: {  	v5 =	vadd.f32 $1.000000000e+00, v5;
	_ =	sdelay $0x1  }
0x123: {  	(erf) = vrcp.f32 v5;
	_ =	sdelay $0x5  }
0x124: {  	s7 =	sadd.s32 $0x578, s17  }
0x125: {  	[tilespmem:s21], [sflag:$0x4] =	stream.indirect.gather [hbm4b:s3+s12], $0x1, s7, s12, $0xb8;
	[tilespmem:$0x6BD0] =	vst v63  }
0x126: {  	_ = 	snop  }
0x127: {  	[tilespmem:s22], [sflag:$0x8] =	stream.indirect.gather [hbm4b:s4+s12], $0x1, s7, s12, $0xb8;
	v5 =	vpop (erf);
	[tilespmem:$0x6BD0] =	vst v63  }
0x128: {  	_ =	swait.ge [sflag:s23], $0xC8  }
0x129: {  	[sflag:s23] =	ssyncset.done $0x0  }
0x12a: {  	[sflag:s23] =	ssyncadd.s32 $0xFFFFFF38  }
0x12b: {  	_ =	swait.ge [sflag:s24], $0xC8  }
0x12c: {  	[sflag:s24] =	ssyncset.done $0x0  }
0x12d: {  	[sflag:s24] =	ssyncadd.s32 $0xFFFFFF38  }
0x12e: {  	v48 =	vld [tilespmem:$0x6400]  }
0x12f: {  	v49 =	vld [tilespmem:$0x6410]  }
0x130: {  	v50 =	vld [tilespmem:$0x6420]  }
0x131: {  	v51 =	vld [tilespmem:$0x6720]  }
0x132: {  	v52 =	vld [tilespmem:$0x6730]  }
0x133: {  	v53 =	vld [tilespmem:$0x6430]  }
0x134: {  	v54 =	vld [tilespmem:$0x6740]  }
0x135: {  	v13 =	vld [tilespmem:$0x6440]  }
0x136: {  	v55 =	vld [tilespmem:$0x6750];
	v6 =	vadd.f32 v49, v48  }
0x137: {  	v14 =	vld [tilespmem:$0x6450];
	v9 =	vadd.f32 v52, v51  }
0x138: {  	v56 =	vld [tilespmem:$0x6760];
	v6 =	vadd.f32 v50, v6  }
0x139: {  	v57 =	vld [tilespmem:$0x6460];
	v9 =	vadd.f32 v54, v9  }
0x13a: {  	v58 =	vld [tilespmem:$0x6770];
	v6 =	vadd.f32 v53, v6  }
0x13b: {  	v59 =	vld [tilespmem:$0x6470];
	v7 =	vadd.f32 v55, v9  }
0x13c: {  	v60 =	vld [tilespmem:$0x6780];
	v6 =	vadd.f32 v13, v6  }
0x13d: {  	v61 =	vld [tilespmem:$0x6480];
	v7 =	vadd.f32 v56, v7  }
0x13e: {  	v62 =	vld [tilespmem:$0x6790];
	v6 =	vadd.f32 v14, v6  }
0x13f: {  	v63 =	vld [tilespmem:$0x6490];
	v7 =	vadd.f32 v58, v7  }
0x140: {  	v16 =	vld [tilespmem:$0x67A0];
	v6 =	vadd.f32 v57, v6  }
0x141: {  	v17 =	vld [tilespmem:$0x64A0];
	v7 =	vadd.f32 v60, v7  }
0x142: {  	v18 =	vld [tilespmem:$0x67B0];
	v6 =	vadd.f32 v59, v6  }
0x143: {  	v19 =	vld [tilespmem:$0x64B0];
	v7 =	vadd.f32 v62, v7  }
0x144: {  	v20 =	vld [tilespmem:$0x67C0];
	v6 =	vadd.f32 v61, v6  }
0x145: {  	v21 =	vld [tilespmem:$0x64B8];
	v7 =	vadd.f32 v16, v7  }
0x146: {  	v22 =	vld [tilespmem:$0x67D0];
	v6 =	vadd.f32 v63, v6  }
0x147: {  	v23 =	vld [tilespmem:$0x67D8];
	v7 =	vadd.f32 v18, v7  }
0x148: {  	v6 =	vadd.f32 v17, v6  }
0x149: {  	v7 =	vadd.f32 v20, v7  }
0x14a: {  	v6 =	vadd.f32 v19, v6  }
0x14b: {  	v24 =	vsel vm0, $0x0, v21;
	v7 =	vadd.f32 v22, v7  }
0x14c: {  	v25 =	vsel vm0, $0x0, v23;
	v6 =	vadd.f32 v24, v6  }
0x14d: {  	v7 =	vadd.f32 v25, v7  }
0x14e: {  	(xrf2) =	vadd.scan.msk.f32 $0xffff, v6  }
0x14f: {  	(xrf2) =	vadd.scan.msk.f32 $0xffff, v7;
	_ =	sdelay $0x8  }
0x150: {  	v6, _, _ =	vpop (xrf2)  }
0x151: {  	v7, _, _ =	vpop (xrf2)  }
0x152: {  	v7 =	vbroadcast v7, $0xF  }
0x153: {  	v6 =	vbroadcast v6, $0xF  }
0x154: {  	v26 =	vbroadcast v1, $0x4;
	v7 =	vnsel vm1, $0x0, v7  }
0x155: {  	v6 =	vsel vm2, v7, v6  }
0x156: {  	v6 =	vmul.f32 v6, v26;
	_ =	sdelay $0x1  }
0x157: {  	v6 =	vadd.f32 v6, v0;
	_ =	sdelay $0x1  }
0x158: {  	v6 =	vsub.f32 $0.0e+00, v6;
	_ =	sdelay $0x1  }
0x159: {  	v6 =	vmul.f32 $1.442695020e+00, v6;
	_ =	sdelay $0x1  }
0x15a: {  	(erf) = vpow2.f32 v6;
	_ =	sdelay $0x8  }
0x15b: {  	v6 =	vpop (erf)  }
0x15c: {  	v6 =	vadd.f32 $1.000000000e+00, v6;
	_ =	sdelay $0x1  }
0x15d: {  	(erf) = vrcp.f32 v6;
	_ =	sdelay $0x5  }
0x15e: {  	s8 =	sadd.s32 $0x640, s17  }
0x15f: {  	[tilespmem:s13], [sflag:$0x1] =	stream.indirect.gather [hbm4b:s3+s12], $0x1, s8, s12, $0xb8;
	[tilespmem:$0x6BD0] =	vst v63  }
0x160: {  	_ = 	snop  }
0x161: {  	[tilespmem:s14], [sflag:$0x5] =	stream.indirect.gather [hbm4b:s4+s12], $0x1, s8, s12, $0xb8;
	v6 =	vpop (erf);
	[tilespmem:$0x6BD0] =	vst v63  }
0x162: {  	_ =	swait.ge [sflag:s25], $0xC8  }
0x163: {  	[sflag:s25] =	ssyncset.done $0x0  }
0x164: {  	[sflag:s25] =	ssyncadd.s32 $0xFFFFFF38  }
0x165: {  	_ =	swait.ge [sflag:s26], $0xC8  }
0x166: {  	[sflag:s26] =	ssyncset.done $0x0  }
0x167: {  	[sflag:s26] =	ssyncadd.s32 $0xFFFFFF38  }
0x168: {  	v27 =	vld [tilespmem:$0x64C8]  }
0x169: {  	v28 =	vld [tilespmem:$0x64D8]  }
0x16a: {  	v29 =	vld [tilespmem:$0x64E8]  }
0x16b: {  	v30 =	vld [tilespmem:$0x67E8]  }
0x16c: {  	v31 =	vld [tilespmem:$0x67F8]  }
0x16d: {  	v32 =	vld [tilespmem:$0x64F8]  }
0x16e: {  	v33 =	vld [tilespmem:$0x6808]  }
0x16f: {  	v34 =	vld [tilespmem:$0x6508]  }
0x170: {  	v35 =	vld [tilespmem:$0x6818];
	v7 =	vadd.f32 v28, v27  }
0x171: {  	v15 =	vld [tilespmem:$0x6518];
	v10 =	vadd.f32 v31, v30  }
0x172: {  	v36 =	vld [tilespmem:$0x6828];
	v7 =	vadd.f32 v29, v7  }
0x173: {  	v37 =	vld [tilespmem:$0x6528];
	v10 =	vadd.f32 v33, v10  }
0x174: {  	v38 =	vld [tilespmem:$0x6838];
	v7 =	vadd.f32 v32, v7  }
0x175: {  	v39 =	vld [tilespmem:$0x6538];
	v8 =	vadd.f32 v35, v10  }
0x176: {  	v40 =	vld [tilespmem:$0x6848];
	v7 =	vadd.f32 v34, v7  }
0x177: {  	v41 =	vld [tilespmem:$0x6548];
	v8 =	vadd.f32 v36, v8  }
0x178: {  	v42 =	vld [tilespmem:$0x6858];
	v7 =	vadd.f32 v15, v7  }
0x179: {  	v43 =	vld [tilespmem:$0x6558];
	v8 =	vadd.f32 v38, v8  }
0x17a: {  	v44 =	vld [tilespmem:$0x6868];
	v7 =	vadd.f32 v37, v7  }
0x17b: {  	v45 =	vld [tilespmem:$0x6568];
	v8 =	vadd.f32 v40, v8  }
0x17c: {  	v46 =	vld [tilespmem:$0x6878];
	v7 =	vadd.f32 v39, v7  }
0x17d: {  	v47 =	vld [tilespmem:$0x6578];
	v8 =	vadd.f32 v42, v8  }
0x17e: {  	v48 =	vld [tilespmem:$0x6888];
	v7 =	vadd.f32 v41, v7  }
0x17f: {  	v49 =	vld [tilespmem:$0x6580];
	v8 =	vadd.f32 v44, v8  }
0x180: {  	v50 =	vld [tilespmem:$0x6898];
	v7 =	vadd.f32 v43, v7  }
0x181: {  	v51 =	vld [tilespmem:$0x68A0];
	v8 =	vadd.f32 v46, v8  }
0x182: {  	v7 =	vadd.f32 v45, v7  }
0x183: {  	v8 =	vadd.f32 v48, v8  }
0x184: {  	v7 =	vadd.f32 v47, v7  }
0x185: {  	v52 =	vsel vm0, $0x0, v49;
	v8 =	vadd.f32 v50, v8  }
0x186: {  	v53 =	vsel vm0, $0x0, v51;
	v7 =	vadd.f32 v52, v7  }
0x187: {  	v8 =	vadd.f32 v53, v8  }
0x188: {  	(xrf2) =	vadd.scan.msk.f32 $0xffff, v7  }
0x189: {  	(xrf2) =	vadd.scan.msk.f32 $0xffff, v8;
	_ =	sdelay $0x8  }
0x18a: {  	v7, _, _ =	vpop (xrf2)  }
0x18b: {  	v8, _, _ =	vpop (xrf2)  }
0x18c: {  	v8 =	vbroadcast v8, $0xF  }
0x18d: {  	v7 =	vbroadcast v7, $0xF  }
0x18e: {  	v54 =	vbroadcast v1, $0x5;
	v8 =	vnsel vm1, $0x0, v8  }
0x18f: {  	v7 =	vsel vm2, v8, v7  }
0x190: {  	v7 =	vmul.f32 v7, v54;
	_ =	sdelay $0x1  }
0x191: {  	v7 =	vadd.f32 v7, v0;
	_ =	sdelay $0x1  }
0x192: {  	v7 =	vsub.f32 $0.0e+00, v7;
	_ =	sdelay $0x1  }
0x193: {  	v7 =	vmul.f32 $1.442695020e+00, v7;
	_ =	sdelay $0x1  }
0x194: {  	(erf) = vpow2.f32 v7;
	_ =	sdelay $0x8  }
0x195: {  	v7 =	vpop (erf)  }
0x196: {  	v7 =	vadd.f32 $1.000000000e+00, v7;
	_ =	sdelay $0x1  }
0x197: {  	(erf) = vrcp.f32 v7;
	_ =	sdelay $0x5  }
0x198: {  	s7 =	sadd.s32 $0x708, s17  }
0x199: {  	[tilespmem:s15], [sflag:$0x2] =	stream.indirect.gather [hbm4b:s3+s12], $0x1, s7, s12, $0xb8;
	[tilespmem:$0x6BD0] =	vst v63  }
0x19a: {  	_ = 	snop  }
0x19b: {  	[tilespmem:s16], [sflag:$0x6] =	stream.indirect.gather [hbm4b:s4+s12], $0x1, s7, s12, $0xb8;
	v7 =	vpop (erf);
	[tilespmem:$0x6BD0] =	vst v63  }
0x19c: {  	_ =	swait.ge [sflag:s28], $0xC8  }
0x19d: {  	[sflag:s28] =	ssyncset.done $0x0  }
0x19e: {  	[sflag:s28] =	ssyncadd.s32 $0xFFFFFF38  }
0x19f: {  	_ =	swait.ge [sflag:s29], $0xC8  }
0x1a0: {  	[sflag:s29] =	ssyncset.done $0x0  }
0x1a1: {  	[sflag:s29] =	ssyncadd.s32 $0xFFFFFF38  }
0x1a2: {  	v55 =	vld [tilespmem:$0x6590]  }
0x1a3: {  	v56 =	vld [tilespmem:$0x65A0]  }
0x1a4: {  	v57 =	vld [tilespmem:$0x65B0]  }
0x1a5: {  	v58 =	vld [tilespmem:$0x68B0]  }
0x1a6: {  	v59 =	vld [tilespmem:$0x68C0]  }
0x1a7: {  	v60 =	vld [tilespmem:$0x65C0]  }
0x1a8: {  	v61 =	vld [tilespmem:$0x68D0]  }
0x1a9: {  	v62 =	vld [tilespmem:$0x65D0]  }
0x1aa: {  	v63 =	vld [tilespmem:$0x68E0];
	v8 =	vadd.f32 v56, v55  }
0x1ab: {  	v16 =	vld [tilespmem:$0x65E0];
	v11 =	vadd.f32 v59, v58  }
0x1ac: {  	v19 =	vld [tilespmem:$0x68F0];
	v8 =	vadd.f32 v57, v8  }
0x1ad: {  	v20 =	vld [tilespmem:$0x65F0];
	v11 =	vadd.f32 v61, v11  }
0x1ae: {  	v21 =	vld [tilespmem:$0x6900];
	v8 =	vadd.f32 v60, v8  }
0x1af: {  	v22 =	vld [tilespmem:$0x6600];
	v9 =	vadd.f32 v63, v11  }
0x1b0: {  	v23 =	vld [tilespmem:$0x6910];
	v8 =	vadd.f32 v62, v8  }
0x1b1: {  	v24 =	vld [tilespmem:$0x6610];
	v9 =	vadd.f32 v19, v9  }
0x1b2: {  	v25 =	vld [tilespmem:$0x6920];
	v8 =	vadd.f32 v16, v8  }
0x1b3: {  	v26 =	vld [tilespmem:$0x6620];
	v9 =	vadd.f32 v21, v9  }
0x1b4: {  	v27 =	vld [tilespmem:$0x6930];
	v8 =	vadd.f32 v20, v8  }
0x1b5: {  	v28 =	vld [tilespmem:$0x6630];
	v9 =	vadd.f32 v23, v9  }
0x1b6: {  	v29 =	vld [tilespmem:$0x6940];
	v8 =	vadd.f32 v22, v8  }
0x1b7: {  	v30 =	vld [tilespmem:$0x6640];
	v9 =	vadd.f32 v25, v9  }
0x1b8: {  	v31 =	vld [tilespmem:$0x6950];
	v8 =	vadd.f32 v24, v8  }
0x1b9: {  	v32 =	vld [tilespmem:$0x6648];
	v9 =	vadd.f32 v27, v9  }
0x1ba: {  	v33 =	vld [tilespmem:$0x6960];
	v8 =	vadd.f32 v26, v8  }
0x1bb: {  	v34 =	vld [tilespmem:$0x6968];
	v9 =	vadd.f32 v29, v9  }
0x1bc: {  	v8 =	vadd.f32 v28, v8  }
0x1bd: {  	v9 =	vadd.f32 v31, v9  }
0x1be: {  	v8 =	vadd.f32 v30, v8  }
0x1bf: {  	v35 =	vsel vm0, $0x0, v32;
	v9 =	vadd.f32 v33, v9  }
0x1c0: {  	v36 =	vsel vm0, $0x0, v34;
	v8 =	vadd.f32 v35, v8  }
0x1c1: {  	v9 =	vadd.f32 v36, v9  }
0x1c2: {  	(xrf2) =	vadd.scan.msk.f32 $0xffff, v8  }
0x1c3: {  	(xrf2) =	vadd.scan.msk.f32 $0xffff, v9;
	_ =	sdelay $0x8  }
0x1c4: {  	v8, _, _ =	vpop (xrf2)  }
0x1c5: {  	v9, _, _ =	vpop (xrf2)  }
0x1c6: {  	v9 =	vbroadcast v9, $0xF  }
0x1c7: {  	v8 =	vbroadcast v8, $0xF  }
0x1c8: {  	v37 =	vbroadcast v1, $0x6;
	v9 =	vnsel vm1, $0x0, v9  }
0x1c9: {  	v8 =	vsel vm2, v9, v8  }
0x1ca: {  	v8 =	vmul.f32 v8, v37;
	_ =	sdelay $0x1  }
0x1cb: {  	v8 =	vadd.f32 v8, v0;
	_ =	sdelay $0x1  }
0x1cc: {  	v8 =	vsub.f32 $0.0e+00, v8;
	_ =	sdelay $0x1  }
0x1cd: {  	v8 =	vmul.f32 $1.442695020e+00, v8;
	_ =	sdelay $0x1  }
0x1ce: {  	(erf) = vpow2.f32 v8;
	_ =	sdelay $0x8  }
0x1cf: {  	v8 =	vpop (erf)  }
0x1d0: {  	v8 =	vadd.f32 $1.000000000e+00, v8;
	_ =	sdelay $0x1  }
0x1d1: {  	(erf) = vrcp.f32 v8;
	_ =	sdelay $0x5  }
0x1d2: {  	s8 =	sadd.s32 $0x7D0, s17  }
0x1d3: {  	[tilespmem:s18], [sflag:$0x3] =	stream.indirect.gather [hbm4b:s3+s12], $0x1, s8, s12, $0xb8;
	[tilespmem:$0x6BD0] =	vst v63  }
0x1d4: {  	_ = 	snop  }
0x1d5: {  	[tilespmem:s19], [sflag:$0x7] =	stream.indirect.gather [hbm4b:s4+s12], $0x1, s8, s12, $0xb8;
	v8 =	vpop (erf);
	[tilespmem:$0x6BD0] =	vst v63  }
0x1d6: {  	_ =	swait.ge [sflag:s30], $0xC8  }
0x1d7: {  	[sflag:s30] =	ssyncset.done $0x0  }
0x1d8: {  	[sflag:s30] =	ssyncadd.s32 $0xFFFFFF38  }
0x1d9: {  	_ =	swait.ge [sflag:s31], $0xC8  }
0x1da: {  	[sflag:s31] =	ssyncset.done $0x0  }
0x1db: {  	[sflag:s31] =	ssyncadd.s32 $0xFFFFFF38  }
0x1dc: {  	v38 =	vld [tilespmem:$0x6658]  }
0x1dd: {  	v39 =	vld [tilespmem:$0x6668]  }
0x1de: {  	v40 =	vld [tilespmem:$0x6678]  }
0x1df: {  	v41 =	vld [tilespmem:$0x6978]  }
0x1e0: {  	v42 =	vld [tilespmem:$0x6988]  }
0x1e1: {  	v43 =	vld [tilespmem:$0x6688]  }
0x1e2: {  	v44 =	vld [tilespmem:$0x6998]  }
0x1e3: {  	v45 =	vld [tilespmem:$0x6698]  }
0x1e4: {  	v46 =	vld [tilespmem:$0x69A8];
	v9 =	vadd.f32 v39, v38  }
0x1e5: {  	v47 =	vld [tilespmem:$0x66A8];
	v12 =	vadd.f32 v42, v41  }
0x1e6: {  	v48 =	vld [tilespmem:$0x69B8];
	v9 =	vadd.f32 v40, v9  }
0x1e7: {  	v49 =	vld [tilespmem:$0x66B8];
	v12 =	vadd.f32 v44, v12  }
0x1e8: {  	v50 =	vld [tilespmem:$0x69C8];
	v9 =	vadd.f32 v43, v9  }
0x1e9: {  	v51 =	vld [tilespmem:$0x66C8];
	v10 =	vadd.f32 v46, v12  }
0x1ea: {  	v52 =	vld [tilespmem:$0x69D8];
	v9 =	vadd.f32 v45, v9  }
0x1eb: {  	v53 =	vld [tilespmem:$0x66D8];
	v10 =	vadd.f32 v48, v10  }
0x1ec: {  	v54 =	vld [tilespmem:$0x69E8];
	v9 =	vadd.f32 v47, v9  }
0x1ed: {  	v55 =	vld [tilespmem:$0x66E8];
	v10 =	vadd.f32 v50, v10  }
0x1ee: {  	v56 =	vld [tilespmem:$0x69F8];
	v9 =	vadd.f32 v49, v9  }
0x1ef: {  	v57 =	vld [tilespmem:$0x66F8];
	v10 =	vadd.f32 v52, v10  }
0x1f0: {  	v58 =	vld [tilespmem:$0x6A08];
	v9 =	vadd.f32 v51, v9  }
0x1f1: {  	v59 =	vld [tilespmem:$0x6708];
	v10 =	vadd.f32 v54, v10  }
0x1f2: {  	v60 =	vld [tilespmem:$0x6A18];
	v9 =	vadd.f32 v53, v9  }
0x1f3: {  	v61 =	vld [tilespmem:$0x6710];
	v10 =	vadd.f32 v56, v10  }
0x1f4: {  	v62 =	vld [tilespmem:$0x6A28];
	v9 =	vadd.f32 v55, v9  }
0x1f5: {  	v63 =	vld [tilespmem:$0x6A30];
	v10 =	vadd.f32 v58, v10  }
0x1f6: {  	v9 =	vadd.f32 v57, v9  }
0x1f7: {  	v10 =	vadd.f32 v60, v10  }
0x1f8: {  	v9 =	vadd.f32 v59, v9  }
0x1f9: {  	v16 =	vsel vm0, $0x0, v61;
	v10 =	vadd.f32 v62, v10  }
0x1fa: {  	v17 =	vsel vm0, $0x0, v63;
	v9 =	vadd.f32 v16, v9  }
0x1fb: {  	v10 =	vadd.f32 v17, v10  }
0x1fc: {  	(xrf2) =	vadd.scan.msk.f32 $0xffff, v9  }
0x1fd: {  	(xrf2) =	vadd.scan.msk.f32 $0xffff, v10;
	_ =	sdelay $0x8  }
0x1fe: {  	v9, _, _ =	vpop (xrf2)  }
0x1ff: {  	v10, _, _ =	vpop (xrf2)  }
0x200: {  	v10 =	vbroadcast v10, $0xF  }
0x201: {  	v9 =	vbroadcast v9, $0xF  }
0x202: {  	v18 =	vbroadcast v1, $0x7;
	v10 =	vnsel vm1, $0x0, v10  }
0x203: {  	v9 =	vsel vm2, v10, v9  }
0x204: {  	v9 =	vmul.f32 v9, v18;
	_ =	sdelay $0x1  }
0x205: {  	v9 =	vadd.f32 v9, v0;
	_ =	sdelay $0x1  }
0x206: {  	v9 =	vsub.f32 $0.0e+00, v9;
	_ =	sdelay $0x1  }
0x207: {  	v9 =	vmul.f32 $1.442695020e+00, v9;
	_ =	sdelay $0x1  }
0x208: {  	(erf) = vpow2.f32 v9;
	_ =	sdelay $0x8  }
0x209: {  	v9 =	vpop (erf)  }
0x20a: {  	v19 =	vbroadcast v3, $0x1;
	v9 =	vadd.f32 $1.000000000e+00, v9  }
0x20b: {  	vm9 =	vcmask $0xF0C;
	v3 =	vbroadcast v3, $0x0  }
0x20c: {  	v2 =	vsel vm9, v19, v2;
	v20 =	vbroadcast v4, $0x1;
	(erf) = vrcp.f32 v9  }
0x20d: {  	v2 =	vsel vm4, v2, v3;
	v3 =	vbroadcast v4, $0x0  }
0x20e: {  	v21 =	vbroadcast v5, $0x1;
	v2 =	vsel vm5, v2, v20;
	v24 =	vld [tilespmem:$0x1FFE0]  }
0x20f: {  	v2 =	vsel vm6, v2, v3;
	v3 =	vbroadcast v5, $0x0  }
0x210: {  	v22 =	vbroadcast v6, $0x1;
	v2 =	vsel vm7, v2, v21  }
0x211: {  	v2 =	vsel vm8, v2, v3;
	v3 =	vbroadcast v6, $0x0  }
0x212: {  	v23 =	vbroadcast v7, $0x1;
	v2 =	vsel vm0, v2, v22  }
0x213: {  	v2 =	vsel vm10, v2, v3;
	v3 =	vbroadcast v7, $0x0;
	vm11 =	vnez.u8 v24  }
0x214: {  	v25 =	vbroadcast v8, $0x1;
	v2 =	vsel vm11, v2, v23  }
0x215: {  	v2 =	vsel vm14, v2, v3;
	v3 =	vbroadcast v8, $0x0;
	v26 =	vpop (erf)  }
0x216: {  	s7 =	sadd.s32 $0x898, s17;
	v2 =	vsel vm12, v2, v25;
	v27 =	vbroadcast v26, $0x1  }
0x217: {  	[tilespmem:s21], [sflag:$0x4] =	stream.indirect.gather [hbm4b:s3+s12], $0x1, s7, s12, $0xb8;
	v2 =	vsel vm15, v2, v3;
	v3 =	vbroadcast v26, $0x0;
	[tilespmem:$0x6BD0] =	vst v63  }
0x218: {  	v2 =	vsel vm13, v2, v27  }
0x219: {  	[tilespmem:s22], [sflag:$0x8] =	stream.indirect.gather [hbm4b:s4+s12], $0x1, s7, s12, $0xb8;
	v2 =	vsel vm3, v2, v3;
	[tilespmem:$0x6BD0] =	vst v63  }
0x21a: {  	[tilespmem:s1+$0xFFFFFFF0] =	vst v2  }
0x21b: {  	_ =	swait.ge [sflag:s23], $0xC8  }
0x21c: {  	[sflag:s23] =	ssyncset.done $0x0  }
0x21d: {  	[sflag:s23] =	ssyncadd.s32 $0xFFFFFF38  }
0x21e: {  	_ =	swait.ge [sflag:s24], $0xC8  }
0x21f: {  	[sflag:s24] =	ssyncset.done $0x0  }
0x220: {  	[sflag:s24] =	ssyncadd.s32 $0xFFFFFF38  }
0x221: {  	v2 =	vld [tilespmem:$0x6400]  }
0x222: {  	v3 =	vld [tilespmem:$0x6410]  }
0x223: {  	v28 =	vld [tilespmem:$0x6420]  }
0x224: {  	v29 =	vld [tilespmem:$0x6720]  }
0x225: {  	v30 =	vld [tilespmem:$0x6730]  }
0x226: {  	v31 =	vld [tilespmem:$0x6430]  }
0x227: {  	v32 =	vld [tilespmem:$0x6740]  }
0x228: {  	v33 =	vld [tilespmem:$0x6440]  }
0x229: {  	v2 =	vadd.f32 v3, v2;
	v3 =	vld [tilespmem:$0x6750]  }
0x22a: {  	v34 =	vld [tilespmem:$0x6450];
	v5 =	vadd.f32 v30, v29  }
0x22b: {  	v35 =	vld [tilespmem:$0x6760];
	v2 =	vadd.f32 v28, v2  }
0x22c: {  	v36 =	vld [tilespmem:$0x6460];
	v5 =	vadd.f32 v32, v5  }
0x22d: {  	v37 =	vld [tilespmem:$0x6770];
	v2 =	vadd.f32 v31, v2  }
0x22e: {  	v38 =	vld [tilespmem:$0x6470];
	v3 =	vadd.f32 v3, v5  }
0x22f: {  	v39 =	vld [tilespmem:$0x6780];
	v2 =	vadd.f32 v33, v2  }
0x230: {  	v40 =	vld [tilespmem:$0x6480];
	v3 =	vadd.f32 v35, v3  }
0x231: {  	v41 =	vld [tilespmem:$0x6790];
	v2 =	vadd.f32 v34, v2  }
0x232: {  	v42 =	vld [tilespmem:$0x6490];
	v3 =	vadd.f32 v37, v3  }
0x233: {  	v43 =	vld [tilespmem:$0x67A0];
	v2 =	vadd.f32 v36, v2  }
0x234: {  	v44 =	vld [tilespmem:$0x64A0];
	v3 =	vadd.f32 v39, v3  }
0x235: {  	v45 =	vld [tilespmem:$0x67B0];
	v2 =	vadd.f32 v38, v2  }
0x236: {  	v46 =	vld [tilespmem:$0x64B0];
	v3 =	vadd.f32 v41, v3  }
0x237: {  	v47 =	vld [tilespmem:$0x67C0];
	v2 =	vadd.f32 v40, v2  }
0x238: {  	v48 =	vld [tilespmem:$0x64B8];
	v3 =	vadd.f32 v43, v3  }
0x239: {  	v49 =	vld [tilespmem:$0x67D0];
	v2 =	vadd.f32 v42, v2  }
0x23a: {  	v50 =	vld [tilespmem:$0x67D8];
	v3 =	vadd.f32 v45, v3  }
0x23b: {  	v2 =	vadd.f32 v44, v2  }
0x23c: {  	v3 =	vadd.f32 v47, v3  }
0x23d: {  	v2 =	vadd.f32 v46, v2  }
0x23e: {  	v51 =	vsel vm0, $0x0, v48;
	v3 =	vadd.f32 v49, v3  }
0x23f: {  	v52 =	vsel vm0, $0x0, v50;
	v2 =	vadd.f32 v51, v2  }
0x240: {  	v3 =	vadd.f32 v52, v3  }
0x241: {  	(xrf2) =	vadd.scan.msk.f32 $0xffff, v2  }
0x242: {  	(xrf2) =	vadd.scan.msk.f32 $0xffff, v3;
	_ =	sdelay $0x8  }
0x243: {  	v2, _, _ =	vpop (xrf2)  }
0x244: {  	v3, _, _ =	vpop (xrf2)  }
0x245: {  	v3 =	vbroadcast v3, $0xF  }
0x246: {  	v2 =	vbroadcast v2, $0xF  }
0x247: {  	v53 =	vbroadcast v1, $0x8;
	v3 =	vnsel vm1, $0x0, v3  }
0x248: {  	v2 =	vsel vm2, v3, v2  }
0x249: {  	v2 =	vmul.f32 v2, v53;
	_ =	sdelay $0x1  }
0x24a: {  	v2 =	vadd.f32 v2, v0;
	_ =	sdelay $0x1  }
0x24b: {  	v2 =	vsub.f32 $0.0e+00, v2;
	_ =	sdelay $0x1  }
0x24c: {  	v2 =	vmul.f32 $1.442695020e+00, v2;
	_ =	sdelay $0x1  }
0x24d: {  	(erf) = vpow2.f32 v2;
	_ =	sdelay $0x8  }
0x24e: {  	v2 =	vpop (erf)  }
0x24f: {  	v2 =	vadd.f32 $1.000000000e+00, v2;
	_ =	sdelay $0x1  }
0x250: {  	(erf) = vrcp.f32 v2;
	_ =	sdelay $0x5  }
0x251: {  	s8 =	sadd.s32 $0x960, s17  }
0x252: {  	[tilespmem:s13], [sflag:$0x1] =	stream.indirect.gather [hbm4b:s3+s12], $0x1, s8, s12, $0xb8;
	[tilespmem:$0x6BD0] =	vst v63  }
0x253: {  	_ = 	snop  }
0x254: {  	[tilespmem:s14], [sflag:$0x5] =	stream.indirect.gather [hbm4b:s4+s12], $0x1, s8, s12, $0xb8;
	v2 =	vpop (erf);
	[tilespmem:$0x6BD0] =	vst v63  }
0x255: {  	_ =	swait.ge [sflag:s25], $0xC8  }
0x256: {  	[sflag:s25] =	ssyncset.done $0x0  }
0x257: {  	[sflag:s25] =	ssyncadd.s32 $0xFFFFFF38  }
0x258: {  	_ =	swait.ge [sflag:s26], $0xC8  }
0x259: {  	[sflag:s26] =	ssyncset.done $0x0  }
0x25a: {  	[sflag:s26] =	ssyncadd.s32 $0xFFFFFF38  }
0x25b: {  	v3 =	vld [tilespmem:$0x64C8]  }
0x25c: {  	v54 =	vld [tilespmem:$0x64D8]  }
0x25d: {  	v55 =	vld [tilespmem:$0x64E8]  }
0x25e: {  	v56 =	vld [tilespmem:$0x67E8]  }
0x25f: {  	v57 =	vld [tilespmem:$0x67F8]  }
0x260: {  	v58 =	vld [tilespmem:$0x64F8]  }
0x261: {  	v59 =	vld [tilespmem:$0x6808]  }
0x262: {  	v60 =	vld [tilespmem:$0x6508]  }
0x263: {  	v61 =	vld [tilespmem:$0x6818];
	v3 =	vadd.f32 v54, v3  }
0x264: {  	v62 =	vld [tilespmem:$0x6518];
	v6 =	vadd.f32 v57, v56  }
0x265: {  	v63 =	vld [tilespmem:$0x6828];
	v3 =	vadd.f32 v55, v3  }
0x266: {  	v12 =	vld [tilespmem:$0x6528];
	v6 =	vadd.f32 v59, v6  }
0x267: {  	v13 =	vld [tilespmem:$0x6838];
	v3 =	vadd.f32 v58, v3  }
0x268: {  	v14 =	vld [tilespmem:$0x6538];
	v4 =	vadd.f32 v61, v6  }
0x269: {  	v15 =	vld [tilespmem:$0x6848];
	v3 =	vadd.f32 v60, v3  }
0x26a: {  	v16 =	vld [tilespmem:$0x6548];
	v4 =	vadd.f32 v63, v4  }
0x26b: {  	v17 =	vld [tilespmem:$0x6858];
	v3 =	vadd.f32 v62, v3  }
0x26c: {  	v18 =	vld [tilespmem:$0x6558];
	v4 =	vadd.f32 v13, v4  }
0x26d: {  	v19 =	vld [tilespmem:$0x6868];
	v3 =	vadd.f32 v12, v3  }
0x26e: {  	v20 =	vld [tilespmem:$0x6568];
	v4 =	vadd.f32 v15, v4  }
0x26f: {  	v21 =	vld [tilespmem:$0x6878];
	v3 =	vadd.f32 v14, v3  }
0x270: {  	v22 =	vld [tilespmem:$0x6578];
	v4 =	vadd.f32 v17, v4  }
0x271: {  	v23 =	vld [tilespmem:$0x6888];
	v3 =	vadd.f32 v16, v3  }
0x272: {  	v24 =	vld [tilespmem:$0x6580];
	v4 =	vadd.f32 v19, v4  }
0x273: {  	v25 =	vld [tilespmem:$0x6898];
	v3 =	vadd.f32 v18, v3  }
0x274: {  	v26 =	vld [tilespmem:$0x68A0];
	v4 =	vadd.f32 v21, v4  }
0x275: {  	v3 =	vadd.f32 v20, v3  }
0x276: {  	v4 =	vadd.f32 v23, v4  }
0x277: {  	v3 =	vadd.f32 v22, v3  }
0x278: {  	v27 =	vsel vm0, $0x0, v24;
	v4 =	vadd.f32 v25, v4  }
0x279: {  	v28 =	vsel vm0, $0x0, v26;
	v3 =	vadd.f32 v27, v3  }
0x27a: {  	v4 =	vadd.f32 v28, v4  }
0x27b: {  	(xrf2) =	vadd.scan.msk.f32 $0xffff, v3  }
0x27c: {  	(xrf2) =	vadd.scan.msk.f32 $0xffff, v4;
	_ =	sdelay $0x8  }
0x27d: {  	v3, _, _ =	vpop (xrf2)  }
0x27e: {  	v4, _, _ =	vpop (xrf2)  }
0x27f: {  	v4 =	vbroadcast v4, $0xF  }
0x280: {  	v3 =	vbroadcast v3, $0xF  }
0x281: {  	v29 =	vbroadcast v1, $0x9;
	v4 =	vnsel vm1, $0x0, v4  }
0x282: {  	v3 =	vsel vm2, v4, v3  }
0x283: {  	v3 =	vmul.f32 v3, v29;
	_ =	sdelay $0x1  }
0x284: {  	v3 =	vadd.f32 v3, v0;
	_ =	sdelay $0x1  }
0x285: {  	v3 =	vsub.f32 $0.0e+00, v3;
	_ =	sdelay $0x1  }
0x286: {  	v3 =	vmul.f32 $1.442695020e+00, v3;
	_ =	sdelay $0x1  }
0x287: {  	(erf) = vpow2.f32 v3;
	_ =	sdelay $0x8  }
0x288: {  	v3 =	vpop (erf)  }
0x289: {  	v3 =	vadd.f32 $1.000000000e+00, v3;
	_ =	sdelay $0x1  }
0x28a: {  	(erf) = vrcp.f32 v3;
	_ =	sdelay $0x5  }
0x28b: {  	s7 =	sadd.s32 $0xA28, s17  }
0x28c: {  	[tilespmem:s15], [sflag:$0x2] =	stream.indirect.gather [hbm4b:s3+s12], $0x1, s7, s12, $0xb8;
	[tilespmem:$0x6BD0] =	vst v63  }
0x28d: {  	_ = 	snop  }
0x28e: {  	[tilespmem:s16], [sflag:$0x6] =	stream.indirect.gather [hbm4b:s4+s12], $0x1, s7, s12, $0xb8;
	v3 =	vpop (erf);
	[tilespmem:$0x6BD0] =	vst v63  }
0x28f: {  	_ =	swait.ge [sflag:s28], $0xC8  }
0x290: {  	[sflag:s28] =	ssyncset.done $0x0  }
0x291: {  	[sflag:s28] =	ssyncadd.s32 $0xFFFFFF38  }
0x292: {  	_ =	swait.ge [sflag:s29], $0xC8  }
0x293: {  	[sflag:s29] =	ssyncset.done $0x0  }
0x294: {  	[sflag:s29] =	ssyncadd.s32 $0xFFFFFF38  }
0x295: {  	v30 =	vld [tilespmem:$0x6590]  }
0x296: {  	v31 =	vld [tilespmem:$0x65A0]  }
0x297: {  	v32 =	vld [tilespmem:$0x65B0]  }
0x298: {  	v33 =	vld [tilespmem:$0x68B0]  }
0x299: {  	v34 =	vld [tilespmem:$0x68C0]  }
0x29a: {  	v35 =	vld [tilespmem:$0x65C0]  }
0x29b: {  	v36 =	vld [tilespmem:$0x68D0]  }
0x29c: {  	v37 =	vld [tilespmem:$0x65D0]  }
0x29d: {  	v38 =	vld [tilespmem:$0x68E0];
	v4 =	vadd.f32 v31, v30  }
0x29e: {  	v39 =	vld [tilespmem:$0x65E0];
	v7 =	vadd.f32 v34, v33  }
0x29f: {  	v40 =	vld [tilespmem:$0x68F0];
	v4 =	vadd.f32 v32, v4  }
0x2a0: {  	v41 =	vld [tilespmem:$0x65F0];
	v7 =	vadd.f32 v36, v7  }
0x2a1: {  	v42 =	vld [tilespmem:$0x6900];
	v4 =	vadd.f32 v35, v4  }
0x2a2: {  	v43 =	vld [tilespmem:$0x6600];
	v5 =	vadd.f32 v38, v7  }
0x2a3: {  	v44 =	vld [tilespmem:$0x6910];
	v4 =	vadd.f32 v37, v4  }
0x2a4: {  	v45 =	vld [tilespmem:$0x6610];
	v5 =	vadd.f32 v40, v5  }
0x2a5: {  	v46 =	vld [tilespmem:$0x6920];
	v4 =	vadd.f32 v39, v4  }
0x2a6: {  	v47 =	vld [tilespmem:$0x6620];
	v5 =	vadd.f32 v42, v5  }
0x2a7: {  	v48 =	vld [tilespmem:$0x6930];
	v4 =	vadd.f32 v41, v4  }
0x2a8: {  	v49 =	vld [tilespmem:$0x6630];
	v5 =	vadd.f32 v44, v5  }
0x2a9: {  	v50 =	vld [tilespmem:$0x6940];
	v4 =	vadd.f32 v43, v4  }
0x2aa: {  	v51 =	vld [tilespmem:$0x6640];
	v5 =	vadd.f32 v46, v5  }
0x2ab: {  	v52 =	vld [tilespmem:$0x6950];
	v4 =	vadd.f32 v45, v4  }
0x2ac: {  	v53 =	vld [tilespmem:$0x6648];
	v5 =	vadd.f32 v48, v5  }
0x2ad: {  	v54 =	vld [tilespmem:$0x6960];
	v4 =	vadd.f32 v47, v4  }
0x2ae: {  	v55 =	vld [tilespmem:$0x6968];
	v5 =	vadd.f32 v50, v5  }
0x2af: {  	v4 =	vadd.f32 v49, v4  }
0x2b0: {  	v5 =	vadd.f32 v52, v5  }
0x2b1: {  	v4 =	vadd.f32 v51, v4  }
0x2b2: {  	v56 =	vsel vm0, $0x0, v53;
	v5 =	vadd.f32 v54, v5  }
0x2b3: {  	v57 =	vsel vm0, $0x0, v55;
	v4 =	vadd.f32 v56, v4  }
0x2b4: {  	v5 =	vadd.f32 v57, v5  }
0x2b5: {  	(xrf2) =	vadd.scan.msk.f32 $0xffff, v4  }
0x2b6: {  	(xrf2) =	vadd.scan.msk.f32 $0xffff, v5;
	_ =	sdelay $0x8  }
0x2b7: {  	v4, _, _ =	vpop (xrf2)  }
0x2b8: {  	v5, _, _ =	vpop (xrf2)  }
0x2b9: {  	v5 =	vbroadcast v5, $0xF  }
0x2ba: {  	v4 =	vbroadcast v4, $0xF  }
0x2bb: {  	v58 =	vbroadcast v1, $0xA;
	v5 =	vnsel vm1, $0x0, v5  }
0x2bc: {  	v4 =	vsel vm2, v5, v4  }
0x2bd: {  	v4 =	vmul.f32 v4, v58;
	_ =	sdelay $0x1  }
0x2be: {  	v4 =	vadd.f32 v4, v0;
	_ =	sdelay $0x1  }
0x2bf: {  	v4 =	vsub.f32 $0.0e+00, v4;
	_ =	sdelay $0x1  }
0x2c0: {  	v4 =	vmul.f32 $1.442695020e+00, v4;
	_ =	sdelay $0x1  }
0x2c1: {  	(erf) = vpow2.f32 v4;
	_ =	sdelay $0x8  }
0x2c2: {  	v4 =	vpop (erf)  }
0x2c3: {  	v4 =	vadd.f32 $1.000000000e+00, v4;
	_ =	sdelay $0x1  }
0x2c4: {  	(erf) = vrcp.f32 v4;
	_ =	sdelay $0x5  }
0x2c5: {  	s8 =	sadd.s32 $0xAF0, s17  }
0x2c6: {  	[tilespmem:s18], [sflag:$0x3] =	stream.indirect.gather [hbm4b:s3+s12], $0x1, s8, s12, $0xb8;
	[tilespmem:$0x6BD0] =	vst v63  }
0x2c7: {  	_ = 	snop  }
0x2c8: {  	[tilespmem:s19], [sflag:$0x7] =	stream.indirect.gather [hbm4b:s4+s12], $0x1, s8, s12, $0xb8;
	v4 =	vpop (erf);
	[tilespmem:$0x6BD0] =	vst v63  }
0x2c9: {  	_ =	swait.ge [sflag:s30], $0xC8  }
0x2ca: {  	[sflag:s30] =	ssyncset.done $0x0  }
0x2cb: {  	[sflag:s30] =	ssyncadd.s32 $0xFFFFFF38  }
0x2cc: {  	_ =	swait.ge [sflag:s31], $0xC8  }
0x2cd: {  	[sflag:s31] =	ssyncset.done $0x0  }
0x2ce: {  	[sflag:s31] =	ssyncadd.s32 $0xFFFFFF38  }
0x2cf: {  	v59 =	vld [tilespmem:$0x6658]  }
0x2d0: {  	v60 =	vld [tilespmem:$0x6668]  }
0x2d1: {  	v61 =	vld [tilespmem:$0x6678]  }
0x2d2: {  	v62 =	vld [tilespmem:$0x6978]  }
0x2d3: {  	v63 =	vld [tilespmem:$0x6988]  }
0x2d4: {  	v16 =	vld [tilespmem:$0x6688]  }
0x2d5: {  	v17 =	vld [tilespmem:$0x6998]  }
0x2d6: {  	v18 =	vld [tilespmem:$0x6698]  }
0x2d7: {  	v19 =	vld [tilespmem:$0x69A8];
	v5 =	vadd.f32 v60, v59  }
0x2d8: {  	v20 =	vld [tilespmem:$0x66A8];
	v8 =	vadd.f32 v63, v62  }
0x2d9: {  	v21 =	vld [tilespmem:$0x69B8];
	v5 =	vadd.f32 v61, v5  }
0x2da: {  	v22 =	vld [tilespmem:$0x66B8];
	v8 =	vadd.f32 v17, v8  }
0x2db: {  	v23 =	vld [tilespmem:$0x69C8];
	v5 =	vadd.f32 v16, v5  }
0x2dc: {  	v24 =	vld [tilespmem:$0x66C8];
	v6 =	vadd.f32 v19, v8  }
0x2dd: {  	v25 =	vld [tilespmem:$0x69D8];
	v5 =	vadd.f32 v18, v5  }
0x2de: {  	v26 =	vld [tilespmem:$0x66D8];
	v6 =	vadd.f32 v21, v6  }
0x2df: {  	v27 =	vld [tilespmem:$0x69E8];
	v5 =	vadd.f32 v20, v5  }
0x2e0: {  	v28 =	vld [tilespmem:$0x66E8];
	v6 =	vadd.f32 v23, v6  }
0x2e1: {  	v29 =	vld [tilespmem:$0x69F8];
	v5 =	vadd.f32 v22, v5  }
0x2e2: {  	v30 =	vld [tilespmem:$0x66F8];
	v6 =	vadd.f32 v25, v6  }
0x2e3: {  	v31 =	vld [tilespmem:$0x6A08];
	v5 =	vadd.f32 v24, v5  }
0x2e4: {  	v32 =	vld [tilespmem:$0x6708];
	v6 =	vadd.f32 v27, v6  }
0x2e5: {  	v33 =	vld [tilespmem:$0x6A18];
	v5 =	vadd.f32 v26, v5  }
0x2e6: {  	v34 =	vld [tilespmem:$0x6710];
	v6 =	vadd.f32 v29, v6  }
0x2e7: {  	v35 =	vld [tilespmem:$0x6A28];
	v5 =	vadd.f32 v28, v5  }
0x2e8: {  	v36 =	vld [tilespmem:$0x6A30];
	v6 =	vadd.f32 v31, v6  }
0x2e9: {  	v5 =	vadd.f32 v30, v5  }
0x2ea: {  	v6 =	vadd.f32 v33, v6  }
0x2eb: {  	v5 =	vadd.f32 v32, v5  }
0x2ec: {  	v37 =	vsel vm0, $0x0, v34;
	v6 =	vadd.f32 v35, v6  }
0x2ed: {  	v38 =	vsel vm0, $0x0, v36;
	v5 =	vadd.f32 v37, v5  }
0x2ee: {  	v6 =	vadd.f32 v38, v6  }
0x2ef: {  	(xrf2) =	vadd.scan.msk.f32 $0xffff, v5  }
0x2f0: {  	(xrf2) =	vadd.scan.msk.f32 $0xffff, v6;
	_ =	sdelay $0x8  }
0x2f1: {  	v5, _, _ =	vpop (xrf2)  }
0x2f2: {  	v6, _, _ =	vpop (xrf2)  }
0x2f3: {  	v6 =	vbroadcast v6, $0xF  }
0x2f4: {  	v5 =	vbroadcast v5, $0xF  }
0x2f5: {  	v39 =	vbroadcast v1, $0xB;
	v6 =	vnsel vm1, $0x0, v6  }
0x2f6: {  	v5 =	vsel vm2, v6, v5  }
0x2f7: {  	v5 =	vmul.f32 v5, v39;
	_ =	sdelay $0x1  }
0x2f8: {  	v5 =	vadd.f32 v5, v0;
	_ =	sdelay $0x1  }
0x2f9: {  	v5 =	vsub.f32 $0.0e+00, v5;
	_ =	sdelay $0x1  }
0x2fa: {  	v5 =	vmul.f32 $1.442695020e+00, v5;
	_ =	sdelay $0x1  }
0x2fb: {  	(erf) = vpow2.f32 v5;
	_ =	sdelay $0x8  }
0x2fc: {  	v5 =	vpop (erf)  }
0x2fd: {  	v5 =	vadd.f32 $1.000000000e+00, v5;
	_ =	sdelay $0x1  }
0x2fe: {  	(erf) = vrcp.f32 v5;
	_ =	sdelay $0x5  }
0x2ff: {  	s17 =	sadd.s32 $0xBB8, s17  }
0x300: {  	[tilespmem:s21], [sflag:$0x4] =	stream.indirect.gather [hbm4b:s3+s12], $0x1, s17, s12, $0xb8;
	[tilespmem:$0x6BD0] =	vst v63  }
0x301: {  	_ = 	snop  }
0x302: {  	[tilespmem:s22], [sflag:$0x8] =	stream.indirect.gather [hbm4b:s4+s12], $0x1, s17, s12, $0xb8;
	v5 =	vpop (erf);
	[tilespmem:$0x6BD0] =	vst v63  }
0x303: {  	_ =	swait.ge [sflag:s23], $0xC8  }
0x304: {  	[sflag:s23] =	ssyncset.done $0x0  }
0x305: {  	[sflag:s23] =	ssyncadd.s32 $0xFFFFFF38  }
0x306: {  	_ =	swait.ge [sflag:s24], $0xC8  }
0x307: {  	[sflag:s24] =	ssyncset.done $0x0  }
0x308: {  	[sflag:s24] =	ssyncadd.s32 $0xFFFFFF38  }
0x309: {  	v40 =	vld [tilespmem:$0x6400]  }
0x30a: {  	v41 =	vld [tilespmem:$0x6410]  }
0x30b: {  	v42 =	vld [tilespmem:$0x6420]  }
0x30c: {  	v43 =	vld [tilespmem:$0x6720]  }
0x30d: {  	v44 =	vld [tilespmem:$0x6730]  }
0x30e: {  	v45 =	vld [tilespmem:$0x6430]  }
0x30f: {  	v46 =	vld [tilespmem:$0x6740]  }
0x310: {  	v47 =	vld [tilespmem:$0x6440]  }
0x311: {  	v48 =	vld [tilespmem:$0x6750];
	v6 =	vadd.f32 v41, v40  }
0x312: {  	v49 =	vld [tilespmem:$0x6450];
	v9 =	vadd.f32 v44, v43  }
0x313: {  	v50 =	vld [tilespmem:$0x6760];
	v6 =	vadd.f32 v42, v6  }
0x314: {  	v51 =	vld [tilespmem:$0x6460];
	v9 =	vadd.f32 v46, v9  }
0x315: {  	v52 =	vld [tilespmem:$0x6770];
	v6 =	vadd.f32 v45, v6  }
0x316: {  	v53 =	vld [tilespmem:$0x6470];
	v7 =	vadd.f32 v48, v9  }
0x317: {  	v54 =	vld [tilespmem:$0x6780];
	v6 =	vadd.f32 v47, v6  }
0x318: {  	v55 =	vld [tilespmem:$0x6480];
	v7 =	vadd.f32 v50, v7  }
0x319: {  	v56 =	vld [tilespmem:$0x6790];
	v6 =	vadd.f32 v49, v6  }
0x31a: {  	v57 =	vld [tilespmem:$0x6490];
	v7 =	vadd.f32 v52, v7  }
0x31b: {  	v58 =	vld [tilespmem:$0x67A0];
	v6 =	vadd.f32 v51, v6  }
0x31c: {  	v59 =	vld [tilespmem:$0x64A0];
	v7 =	vadd.f32 v54, v7  }
0x31d: {  	v60 =	vld [tilespmem:$0x67B0];
	v6 =	vadd.f32 v53, v6  }
0x31e: {  	v61 =	vld [tilespmem:$0x64B0];
	v7 =	vadd.f32 v56, v7  }
0x31f: {  	v62 =	vld [tilespmem:$0x67C0];
	v6 =	vadd.f32 v55, v6  }
0x320: {  	v63 =	vld [tilespmem:$0x64B8];
	v7 =	vadd.f32 v58, v7  }
0x321: {  	v15 =	vld [tilespmem:$0x67D0];
	v6 =	vadd.f32 v57, v6  }
0x322: {  	v16 =	vld [tilespmem:$0x67D8];
	v7 =	vadd.f32 v60, v7  }
0x323: {  	v6 =	vadd.f32 v59, v6  }
0x324: {  	v7 =	vadd.f32 v62, v7  }
0x325: {  	v6 =	vadd.f32 v61, v6  }
0x326: {  	v17 =	vsel vm0, $0x0, v63;
	v7 =	vadd.f32 v15, v7  }
0x327: {  	v18 =	vsel vm0, $0x0, v16;
	v6 =	vadd.f32 v17, v6  }
0x328: {  	v7 =	vadd.f32 v18, v7  }
0x329: {  	(xrf2) =	vadd.scan.msk.f32 $0xffff, v6  }
0x32a: {  	(xrf2) =	vadd.scan.msk.f32 $0xffff, v7;
	_ =	sdelay $0x8  }
0x32b: {  	v6, _, _ =	vpop (xrf2)  }
0x32c: {  	v7, _, _ =	vpop (xrf2)  }
0x32d: {  	v7 =	vbroadcast v7, $0xF  }
0x32e: {  	v6 =	vbroadcast v6, $0xF  }
0x32f: {  	v19 =	vbroadcast v1, $0xC;
	v7 =	vnsel vm1, $0x0, v7  }
0x330: {  	v6 =	vsel vm2, v7, v6  }
0x331: {  	v6 =	vmul.f32 v6, v19;
	_ =	sdelay $0x1  }
0x332: {  	v6 =	vadd.f32 v6, v0;
	_ =	sdelay $0x1  }
0x333: {  	v6 =	vsub.f32 $0.0e+00, v6;
	_ =	sdelay $0x1  }
0x334: {  	v6 =	vmul.f32 $1.442695020e+00, v6;
	_ =	sdelay $0x1  }
0x335: {  	(erf) = vpow2.f32 v6;
	_ =	sdelay $0x8  }
0x336: {  	v6 =	vpop (erf)  }
0x337: {  	v6 =	vadd.f32 $1.000000000e+00, v6;
	_ =	sdelay $0x1  }
0x338: {  	(erf) = vrcp.f32 v6;
	_ =	sdelay $0x3  }
0x339: {  	p0 =	seq.s32 s5, $0x15E00  }
0x33a: {  	s6 =	sshra.s32 @!p0 s5, $0x2  }
0x33b: {  	s7 =	sadd.s32 @!p0 $0xC80, s6;
	s8 =	simm.s32 @!p0 $0x6400;
	s17 =	simm.s32 @!p0 $0xC8  }
0x33c: {  	[tilespmem:s8], [sflag:$0x1] =	stream.indirect.gather @!p0 [hbm4b:s3+s17], $0x1, s7, s17, $0xb8;
	[tilespmem:$0x6BD0] =	vst v63  }
0x33d: {  	s8 =	simm.s32 @!p0 $0x6720  }
0x33e: {  	[tilespmem:s8], [sflag:$0x5] =	stream.indirect.gather @!p0 [hbm4b:s4+s17], $0x1, s7, s17, $0xb8;
	v6 =	vpop (erf);
	[tilespmem:$0x6BD0] =	vst v63  }
0x33f: {  	_ =	swait.ge [sflag:s25], $0xC8  }
0x340: {  	[sflag:s25] =	ssyncset.done $0x0  }
0x341: {  	[sflag:s25] =	ssyncadd.s32 $0xFFFFFF38  }
0x342: {  	_ =	swait.ge [sflag:s26], $0xC8  }
0x343: {  	[sflag:s26] =	ssyncset.done $0x0  }
0x344: {  	[sflag:s26] =	ssyncadd.s32 $0xFFFFFF38  }
0x345: {  	v20 =	vld [tilespmem:$0x64C8]  }
0x346: {  	v21 =	vld [tilespmem:$0x64D8]  }
0x347: {  	v22 =	vld [tilespmem:$0x64E8]  }
0x348: {  	v23 =	vld [tilespmem:$0x67E8]  }
0x349: {  	v24 =	vld [tilespmem:$0x67F8]  }
0x34a: {  	v25 =	vld [tilespmem:$0x64F8]  }
0x34b: {  	v26 =	vld [tilespmem:$0x6808]  }
0x34c: {  	v27 =	vld [tilespmem:$0x6508]  }
0x34d: {  	v28 =	vld [tilespmem:$0x6818];
	v7 =	vadd.f32 v21, v20  }
0x34e: {  	v29 =	vld [tilespmem:$0x6518];
	v10 =	vadd.f32 v24, v23  }
0x34f: {  	v30 =	vld [tilespmem:$0x6828];
	v7 =	vadd.f32 v22, v7  }
0x350: {  	v31 =	vld [tilespmem:$0x6528];
	v10 =	vadd.f32 v26, v10  }
0x351: {  	v32 =	vld [tilespmem:$0x6838];
	v7 =	vadd.f32 v25, v7  }
0x352: {  	v33 =	vld [tilespmem:$0x6538];
	v8 =	vadd.f32 v28, v10  }
0x353: {  	v34 =	vld [tilespmem:$0x6848];
	v7 =	vadd.f32 v27, v7  }
0x354: {  	v35 =	vld [tilespmem:$0x6548];
	v8 =	vadd.f32 v30, v8  }
0x355: {  	v36 =	vld [tilespmem:$0x6858];
	v7 =	vadd.f32 v29, v7  }
0x356: {  	v37 =	vld [tilespmem:$0x6558];
	v8 =	vadd.f32 v32, v8  }
0x357: {  	v38 =	vld [tilespmem:$0x6868];
	v7 =	vadd.f32 v31, v7  }
0x358: {  	v39 =	vld [tilespmem:$0x6568];
	v8 =	vadd.f32 v34, v8  }
0x359: {  	v40 =	vld [tilespmem:$0x6878];
	v7 =	vadd.f32 v33, v7  }
0x35a: {  	v41 =	vld [tilespmem:$0x6578];
	v8 =	vadd.f32 v36, v8  }
0x35b: {  	v42 =	vld [tilespmem:$0x6888];
	v7 =	vadd.f32 v35, v7  }
0x35c: {  	v43 =	vld [tilespmem:$0x6580];
	v8 =	vadd.f32 v38, v8  }
0x35d: {  	v44 =	vld [tilespmem:$0x6898];
	v7 =	vadd.f32 v37, v7  }
0x35e: {  	v45 =	vld [tilespmem:$0x68A0];
	v8 =	vadd.f32 v40, v8  }
0x35f: {  	v7 =	vadd.f32 v39, v7  }
0x360: {  	v8 =	vadd.f32 v42, v8  }
0x361: {  	v7 =	vadd.f32 v41, v7  }
0x362: {  	v46 =	vsel vm0, $0x0, v43;
	v8 =	vadd.f32 v44, v8  }
0x363: {  	v47 =	vsel vm0, $0x0, v45;
	v7 =	vadd.f32 v46, v7  }
0x364: {  	v8 =	vadd.f32 v47, v8  }
0x365: {  	(xrf2) =	vadd.scan.msk.f32 $0xffff, v7  }
0x366: {  	(xrf2) =	vadd.scan.msk.f32 $0xffff, v8;
	_ =	sdelay $0x8  }
0x367: {  	v7, _, _ =	vpop (xrf2)  }
0x368: {  	v8, _, _ =	vpop (xrf2)  }
0x369: {  	v8 =	vbroadcast v8, $0xF  }
0x36a: {  	v7 =	vbroadcast v7, $0xF  }
0x36b: {  	v48 =	vbroadcast v1, $0xD;
	v8 =	vnsel vm1, $0x0, v8  }
0x36c: {  	v7 =	vsel vm2, v8, v7  }
0x36d: {  	v7 =	vmul.f32 v7, v48;
	_ =	sdelay $0x1  }
0x36e: {  	v7 =	vadd.f32 v7, v0;
	_ =	sdelay $0x1  }
0x36f: {  	v7 =	vsub.f32 $0.0e+00, v7;
	_ =	sdelay $0x1  }
0x370: {  	v7 =	vmul.f32 $1.442695020e+00, v7;
	_ =	sdelay $0x1  }
0x371: {  	(erf) = vpow2.f32 v7;
	_ =	sdelay $0x8  }
0x372: {  	v7 =	vpop (erf)  }
0x373: {  	v7 =	vadd.f32 $1.000000000e+00, v7;
	_ =	sdelay $0x1  }
0x374: {  	(erf) = vrcp.f32 v7;
	_ =	sdelay $0x5  }
0x375: {  	s7 =	sadd.s32 @!p0 $0xD48, s6;
	s8 =	simm.s32 @!p0 $0x64C8  }
0x376: {  	[tilespmem:s8], [sflag:$0x2] =	stream.indirect.gather @!p0 [hbm4b:s3+s17], $0x1, s7, s17, $0xb8;
	[tilespmem:$0x6BD0] =	vst v63  }
0x377: {  	s8 =	simm.s32 @!p0 $0x67E8  }
0x378: {  	[tilespmem:s8], [sflag:$0x6] =	stream.indirect.gather @!p0 [hbm4b:s4+s17], $0x1, s7, s17, $0xb8;
	v7 =	vpop (erf);
	[tilespmem:$0x6BD0] =	vst v63  }
0x379: {  	_ =	swait.ge [sflag:s28], $0xC8  }
0x37a: {  	[sflag:s28] =	ssyncset.done $0x0  }
0x37b: {  	[sflag:s28] =	ssyncadd.s32 $0xFFFFFF38  }
0x37c: {  	_ =	swait.ge [sflag:s29], $0xC8  }
0x37d: {  	[sflag:s29] =	ssyncset.done $0x0  }
0x37e: {  	[sflag:s29] =	ssyncadd.s32 $0xFFFFFF38  }
0x37f: {  	v49 =	vld [tilespmem:$0x6590]  }
0x380: {  	v50 =	vld [tilespmem:$0x65A0]  }
0x381: {  	v51 =	vld [tilespmem:$0x65B0]  }
0x382: {  	v52 =	vld [tilespmem:$0x68B0]  }
0x383: {  	v53 =	vld [tilespmem:$0x68C0]  }
0x384: {  	v54 =	vld [tilespmem:$0x65C0]  }
0x385: {  	v55 =	vld [tilespmem:$0x68D0]  }
0x386: {  	v56 =	vld [tilespmem:$0x65D0]  }
0x387: {  	v57 =	vld [tilespmem:$0x68E0];
	v8 =	vadd.f32 v50, v49  }
0x388: {  	v58 =	vld [tilespmem:$0x65E0];
	v11 =	vadd.f32 v53, v52  }
0x389: {  	v59 =	vld [tilespmem:$0x68F0];
	v8 =	vadd.f32 v51, v8  }
0x38a: {  	v60 =	vld [tilespmem:$0x65F0];
	v11 =	vadd.f32 v55, v11  }
0x38b: {  	v61 =	vld [tilespmem:$0x6900];
	v8 =	vadd.f32 v54, v8  }
0x38c: {  	v62 =	vld [tilespmem:$0x6600];
	v9 =	vadd.f32 v57, v11  }
0x38d: {  	v63 =	vld [tilespmem:$0x6910];
	v8 =	vadd.f32 v56, v8  }
0x38e: {  	v20 =	vld [tilespmem:$0x6610];
	v9 =	vadd.f32 v59, v9  }
0x38f: {  	v21 =	vld [tilespmem:$0x6920];
	v8 =	vadd.f32 v58, v8  }
0x390: {  	v22 =	vld [tilespmem:$0x6620];
	v9 =	vadd.f32 v61, v9  }
0x391: {  	v23 =	vld [tilespmem:$0x6930];
	v8 =	vadd.f32 v60, v8  }
0x392: {  	v24 =	vld [tilespmem:$0x6630];
	v9 =	vadd.f32 v63, v9  }
0x393: {  	v25 =	vld [tilespmem:$0x6940];
	v8 =	vadd.f32 v62, v8  }
0x394: {  	v26 =	vld [tilespmem:$0x6640];
	v9 =	vadd.f32 v21, v9  }
0x395: {  	v27 =	vld [tilespmem:$0x6950];
	v8 =	vadd.f32 v20, v8  }
0x396: {  	v28 =	vld [tilespmem:$0x6648];
	v9 =	vadd.f32 v23, v9  }
0x397: {  	v29 =	vld [tilespmem:$0x6960];
	v8 =	vadd.f32 v22, v8  }
0x398: {  	v30 =	vld [tilespmem:$0x6968];
	v9 =	vadd.f32 v25, v9  }
0x399: {  	v8 =	vadd.f32 v24, v8  }
0x39a: {  	v9 =	vadd.f32 v27, v9  }
0x39b: {  	v8 =	vadd.f32 v26, v8  }
0x39c: {  	v31 =	vsel vm0, $0x0, v28;
	v9 =	vadd.f32 v29, v9  }
0x39d: {  	v32 =	vsel vm0, $0x0, v30;
	v8 =	vadd.f32 v31, v8  }
0x39e: {  	v9 =	vadd.f32 v32, v9  }
0x39f: {  	(xrf2) =	vadd.scan.msk.f32 $0xffff, v8  }
0x3a0: {  	(xrf2) =	vadd.scan.msk.f32 $0xffff, v9;
	_ =	sdelay $0x8  }
0x3a1: {  	v8, _, _ =	vpop (xrf2)  }
0x3a2: {  	v9, _, _ =	vpop (xrf2)  }
0x3a3: {  	v9 =	vbroadcast v9, $0xF  }
0x3a4: {  	v8 =	vbroadcast v8, $0xF  }
0x3a5: {  	v33 =	vbroadcast v1, $0xE;
	v9 =	vnsel vm1, $0x0, v9  }
0x3a6: {  	v8 =	vsel vm2, v9, v8  }
0x3a7: {  	v8 =	vmul.f32 v8, v33;
	_ =	sdelay $0x1  }
0x3a8: {  	v8 =	vadd.f32 v8, v0;
	_ =	sdelay $0x1  }
0x3a9: {  	v8 =	vsub.f32 $0.0e+00, v8;
	_ =	sdelay $0x1  }
0x3aa: {  	v8 =	vmul.f32 $1.442695020e+00, v8;
	_ =	sdelay $0x1  }
0x3ab: {  	(erf) = vpow2.f32 v8;
	_ =	sdelay $0x8  }
0x3ac: {  	v8 =	vpop (erf)  }
0x3ad: {  	v8 =	vadd.f32 $1.000000000e+00, v8;
	_ =	sdelay $0x1  }
0x3ae: {  	(erf) = vrcp.f32 v8;
	_ =	sdelay $0x5  }
0x3af: {  	s7 =	sadd.s32 @!p0 $0xE10, s6;
	s8 =	simm.s32 @!p0 $0x6590  }
0x3b0: {  	[tilespmem:s8], [sflag:$0x3] =	stream.indirect.gather @!p0 [hbm4b:s3+s17], $0x1, s7, s17, $0xb8;
	[tilespmem:$0x6BD0] =	vst v63  }
0x3b1: {  	s8 =	simm.s32 @!p0 $0x68B0  }
0x3b2: {  	[tilespmem:s8], [sflag:$0x7] =	stream.indirect.gather @!p0 [hbm4b:s4+s17], $0x1, s7, s17, $0xb8;
	v8 =	vpop (erf);
	[tilespmem:$0x6BD0] =	vst v63  }
0x3b3: {  	_ =	swait.ge [sflag:s30], $0xC8  }
0x3b4: {  	[sflag:s30] =	ssyncset.done $0x0  }
0x3b5: {  	[sflag:s30] =	ssyncadd.s32 $0xFFFFFF38  }
0x3b6: {  	_ =	swait.ge [sflag:s31], $0xC8  }
0x3b7: {  	[sflag:s31] =	ssyncset.done $0x0  }
0x3b8: {  	[sflag:s31] =	ssyncadd.s32 $0xFFFFFF38  }
0x3b9: {  	v34 =	vld [tilespmem:$0x6658]  }
0x3ba: {  	v35 =	vld [tilespmem:$0x6668]  }
0x3bb: {  	v36 =	vld [tilespmem:$0x6678]  }
0x3bc: {  	v37 =	vld [tilespmem:$0x6978]  }
0x3bd: {  	v38 =	vld [tilespmem:$0x6988]  }
0x3be: {  	v39 =	vld [tilespmem:$0x6688]  }
0x3bf: {  	v40 =	vld [tilespmem:$0x6998]  }
0x3c0: {  	v41 =	vld [tilespmem:$0x6698]  }
0x3c1: {  	v42 =	vld [tilespmem:$0x69A8];
	v9 =	vadd.f32 v35, v34  }
0x3c2: {  	v43 =	vld [tilespmem:$0x66A8];
	v12 =	vadd.f32 v38, v37  }
0x3c3: {  	v44 =	vld [tilespmem:$0x69B8];
	v9 =	vadd.f32 v36, v9  }
0x3c4: {  	v45 =	vld [tilespmem:$0x66B8];
	v12 =	vadd.f32 v40, v12  }
0x3c5: {  	v46 =	vld [tilespmem:$0x69C8];
	v9 =	vadd.f32 v39, v9  }
0x3c6: {  	v47 =	vld [tilespmem:$0x66C8];
	v10 =	vadd.f32 v42, v12  }
0x3c7: {  	v48 =	vld [tilespmem:$0x69D8];
	v9 =	vadd.f32 v41, v9  }
0x3c8: {  	v49 =	vld [tilespmem:$0x66D8];
	v10 =	vadd.f32 v44, v10  }
0x3c9: {  	v50 =	vld [tilespmem:$0x69E8];
	v9 =	vadd.f32 v43, v9  }
0x3ca: {  	v51 =	vld [tilespmem:$0x66E8];
	v10 =	vadd.f32 v46, v10  }
0x3cb: {  	v52 =	vld [tilespmem:$0x69F8];
	v9 =	vadd.f32 v45, v9  }
0x3cc: {  	v53 =	vld [tilespmem:$0x66F8];
	v10 =	vadd.f32 v48, v10  }
0x3cd: {  	v54 =	vld [tilespmem:$0x6A08];
	v9 =	vadd.f32 v47, v9  }
0x3ce: {  	v55 =	vld [tilespmem:$0x6708];
	v10 =	vadd.f32 v50, v10  }
0x3cf: {  	v56 =	vld [tilespmem:$0x6A18];
	v9 =	vadd.f32 v49, v9  }
0x3d0: {  	v57 =	vld [tilespmem:$0x6710];
	v10 =	vadd.f32 v52, v10  }
0x3d1: {  	v58 =	vld [tilespmem:$0x6A28];
	v9 =	vadd.f32 v51, v9  }
0x3d2: {  	v59 =	vld [tilespmem:$0x6A30];
	v10 =	vadd.f32 v54, v10  }
0x3d3: {  	v9 =	vadd.f32 v53, v9  }
0x3d4: {  	v10 =	vadd.f32 v56, v10  }
0x3d5: {  	v9 =	vadd.f32 v55, v9  }
0x3d6: {  	v60 =	vsel vm0, $0x0, v57;
	v10 =	vadd.f32 v58, v10  }
0x3d7: {  	v61 =	vsel vm0, $0x0, v59;
	v9 =	vadd.f32 v60, v9  }
0x3d8: {  	v10 =	vadd.f32 v61, v10  }
0x3d9: {  	(xrf2) =	vadd.scan.msk.f32 $0xffff, v9  }
0x3da: {  	(xrf2) =	vadd.scan.msk.f32 $0xffff, v10;
	_ =	sdelay $0x8  }
0x3db: {  	v9, _, _ =	vpop (xrf2)  }
0x3dc: {  	v10, _, _ =	vpop (xrf2)  }
0x3dd: {  	v10 =	vbroadcast v10, $0xF  }
0x3de: {  	v9 =	vbroadcast v9, $0xF  }
0x3df: {  	v1 =	vbroadcast v1, $0xF;
	v10 =	vnsel vm1, $0x0, v10  }
0x3e0: {  	v9 =	vsel vm2, v10, v9  }
0x3e1: {  	v1 =	vmul.f32 v9, v1;
	_ =	sdelay $0x1  }
0x3e2: {  	v1 =	vadd.f32 v1, v0;
	_ =	sdelay $0x1  }
0x3e3: {  	v1 =	vsub.f32 $0.0e+00, v1;
	_ =	sdelay $0x1  }
0x3e4: {  	v1 =	vmul.f32 $1.442695020e+00, v1;
	_ =	sdelay $0x1  }
0x3e5: {  	(erf) = vpow2.f32 v1;
	_ =	sdelay $0x8  }
0x3e6: {  	v1 =	vpop (erf)  }
0x3e7: {  	v62 =	vbroadcast v3, $0x1;
	v1 =	vadd.f32 $1.000000000e+00, v1  }
0x3e8: {  	v3 =	vbroadcast v3, $0x0  }
0x3e9: {  	v2 =	vsel vm9, v62, v2;
	(erf) = vrcp.f32 v1;
	v1 =	vbroadcast v4, $0x1  }
0x3ea: {  	v2 =	vsel vm4, v2, v3;
	v3 =	vbroadcast v4, $0x0  }
0x3eb: {  	v1 =	vsel vm5, v2, v1;
	v2 =	vbroadcast v5, $0x1  }
0x3ec: {  	v1 =	vsel vm6, v1, v3;
	v3 =	vbroadcast v5, $0x0  }
0x3ed: {  	v1 =	vsel vm7, v1, v2;
	v2 =	vbroadcast v6, $0x1  }
0x3ee: {  	vm11 =	vcmask $0x2724;
	s6 =	sadd.s32 @!p0 $0xED8, s6;
	s7 =	simm.s32 @!p0 $0x6658;
	v1 =	vsel vm8, v1, v3;
	v3 =	vbroadcast v6, $0x0  }
0x3ef: {  	[tilespmem:s7], [sflag:$0x4] =	stream.indirect.gather @!p0 [hbm4b:s3+s17], $0x1, s6, s17, $0xb8;
	v1 =	vsel vm11, v2, v1;
	v2 =	vbroadcast v7, $0x1;
	[tilespmem:$0x6BD0] =	vst v63  }
0x3f0: {  	s5 =	sadd.s32 $0x3200, s5;
	vm9 =	vcmask $0x2F2C;
	s7 =	simm.s32 @!p0 $0x6978;
	v1 =	vsel vm10, v1, v3;
	v3 =	vbroadcast v7, $0x0  }
0x3f1: {  	[tilespmem:s7], [sflag:$0x8] =	stream.indirect.gather @!p0 [hbm4b:s4+s17], $0x1, s6, s17, $0xb8;
	v1 =	vsel vm9, v2, v1;
	v2 =	vbroadcast v8, $0x1;
	[tilespmem:$0x6BD0] =	vst v63  }
0x3f2: {  	p0 =	sne.s32 s5, $0x19000;
	vm9 =	vcmask $0x3734;
	v1 =	vsel vm14, v1, v3;
	v3 =	vbroadcast v8, $0x0;
	v63 =	vpop (erf)  }
.Ltmp0:
0x3f3: {  	v1 =	vsel vm9, v2, v1;
	v2 =	vbroadcast v63, $0x1;
	(pc) =	sbr.rel @p0 .LBB2_2-.Ltmp0, $4  }
0x3f4: {  	vm9 =	vcmask $0x3F3C;
	v1 =	vsel vm15, v1, v3;
	v3 =	vbroadcast v63, $0x0  }
0x3f5: {  	v1 =	vsel vm9, v2, v1  }
0x3f6: {  	v1 =	vsel vm3, v1, v3  }
0x3f7: {  	s11 =	sadd.s32 $0x10, s11;
	[tilespmem:s1+$0x0] =	vst v1;
	s1 =	sadd.s32 $0x20, s1  }
0x3f8: {  	s0 =	sadd.s32 $0x1, s0  }
0x3f9: {  	p0 =	sne.s32 s0, s9  }
.Ltmp1:
0x3fa: {  	s1 =	rddreg [dreg:$0x6];
	s5 =	simm.s32 $0x6AD0;
	(pc) =	sbr.rel @p0 .LBB2_1-.Ltmp1, $4  }
0x3fb: {  	[hbm4b:s1+s2] =	stream.linear.scatter [tilespmem:s5], [sflag:$0x9], $0x100, $0x38;
	[tilespmem:$0x6BD0] =	vst v63  }
0x3fc: {  	_ =	swait.ge [sflag:s10], $0x100  }
0x3fd: {  	[sflag:s10] =	ssyncset.done $0x0  }
0x3fe: {  	[sflag:s10] =	ssyncadd.s32 $0xFFFFFF00  }
0x3ff: {  	_ =	sfence.sel $0x180000  }
0x400: {  	[bflag:$0x0] =	sbarrier.arrive $0xFFFF  }
0x401: {  	_ =	strace $0x9000004A  }
0x402: {  	s0 =	stileid.u32;
	[bflag:$0x2] =	sbarrier.arrive $0xFFFF  }
0x403: {  	p0 =	sne.s32 s0, $0x0;
	s0 =	rddreg [dreg:$0x2]  }
0x404: {  	s0 =	sadd.s32 @!p0 $0x100000, s0  }
0x405: {  	[sflag:s0] =	ssyncadd.tile.s32 @!p0 $0x1;
	_ =	shalt  }
.Lfunc_end2:
_tile_overlayer_lowered:
.L_overlay_start_2:
0x406: {  	(tag) =	ssettag $0x2  }
0x407: {  	s0 =	rddreg [dreg:$0x0];
	s2 =	stileid.u32  }
0x408: {  	s1 =	rddreg [dreg:$0x1];
	p0 =	sne.s32 s2, $0x0  }
0x409: {  	s3 =	rddreg [dreg:$0x2];
	[bflag:$0x3] =	sbarrier.arrive $0xFFFF;
	s2 =	simm.s32 @!p0 $0x1C09  }
0x40a: {  	[timem:s3], [sflag:s2] =	dma.local @!p0 [hbm:s0], s1  }
0x40b: {  	s0 =	simm.s32 @!p0 $0x9  }
0x40c: {  	_ =	swait.ge @!p0 [sflag:s0], s1  }
0x40d: {  	s1 =	ssub.s32 @!p0 $0x0, s1;
	[sflag:s0] =	ssyncset.done @!p0 $0x0  }
0x40e: {  	[sflag:s0] =	ssyncadd.s32 @!p0 s1  }
0x40f: {  	[bflag:$0x3] =	sbarrier.arrive $0xFFFF  }
0x410: {  	_ =	shalt  }

</sc_bundles>
